<compile_context>
chip_gen: v7x
topology: tpu7x:2x2x1
jax: 0.10.2.dev20260603
libtpu: 0.0.44.dev20260713+nightly
codegen_flags: <defaults>
</compile_context>

<pallas_src>
import jax
import jax.numpy as jnp
from jax import lax
from jax.experimental import pallas as pl
from jax.experimental.pallas import tpu as pltpu
from jax.experimental.pallas import tpu_sc as plsc

D = 32
QW = 128
C = 128
J = 2
SJ = C // J
G16 = C // 16
NIB = 4
NC, NS = 2, 16
NW = NC * NS


def _gather_body(idx_hbm, idxq_hbm, tbl_hbm, out_hbm, idx_v, qid_v, rowsA, rowsB,
                 isem, qsem, gsem, osem):
    wid = lax.axis_index("s") * NC + lax.axis_index("c")
    n_per_w = idx_hbm.shape[0] // NW
    base0 = wid * n_per_w
    nch = n_per_w // C
    iota16 = lax.iota(jnp.int32, 16)

    def fire_idx(g, ib):
        pltpu.async_copy(
            idx_hbm.at[pl.ds(pl.multiple_of(base0 + g * C, C), C)],
            idx_v.at[ib], isem.at[ib],
        )
        pltpu.async_copy(
            idxq_hbm.at[pl.ds(pl.multiple_of(base0 + g * C, C), C)],
            qid_v.at[ib], qsem.at[ib],
        )

    def wait_idx(ib):
        pltpu.make_async_copy(
            idx_hbm.at[pl.ds(pl.multiple_of(base0, C), C)],
            idx_v.at[ib], isem.at[ib],
        ).wait()
        pltpu.make_async_copy(
            idxq_hbm.at[pl.ds(pl.multiple_of(base0, C), C)],
            qid_v.at[ib], qsem.at[ib],
        ).wait()

    def fire_gathers(ib, ra):
        for j in range(J):
            pltpu.async_copy(
                tbl_hbm.at[qid_v.at[ib, pl.ds(j * SJ, SJ)]],
                rowsA.at[ra, pl.ds(j * SJ, SJ)],
                gsem.at[ra],
            )

    def drain_gathers(ra):
        for j in range(J):
            pltpu.make_async_copy(
                tbl_hbm.at[qid_v.at[0, pl.ds(0, SJ)]],
                rowsA.at[ra, pl.ds(j * SJ, SJ)],
                gsem.at[ra],
            ).wait()

    def extract(ib, ra, rb):
        def ebody(m, carry):
            iv = idx_v[ib, pl.ds(m * 16, 16)]
            qv = lax.shift_left(jnp.bitwise_and(iv, 3), 5)
            for j in range(16):
                q = qv[j]
                r = m * 16 + j
                rowsB[rb, r, pl.ds(0, 16)] = rowsA[ra, r, pl.ds(q, 16)]
                rowsB[rb, r, pl.ds(16, 16)] = rowsA[ra, r, pl.ds(q + 16, 16)]
            return carry
        lax.fori_loop(0, G16, ebody, 0)

    def fire_store(g, rb):
        pltpu.async_copy(
            rowsB.at[rb],
            out_hbm.at[pl.ds(pl.multiple_of(base0 + g * C, C), C)],
            osem.at[rb],
        )

    def wait_store(rb):
        pltpu.make_async_copy(
            rowsB.at[rb],
            out_hbm.at[pl.ds(pl.multiple_of(base0, C), C)],
            osem.at[rb],
        ).wait()

    for g in range(2):
        fire_idx(g, g)

    def outer(i, carry):
        for u in range(4):
            g = 4 * i + u
            ib = u
            ra = u % 2
            wait_idx(ib)
            fire_gathers(ib, ra)

            @pl.when(g + 2 < nch)
            def _():
                fire_idx(g + 2, (u + 2) % 4)

            @pl.when(g >= 1)
            def _():
                drain_gathers(1 - ra)

                @pl.when(g >= 3)
                def _():
                    wait_store(1 - ra)

                extract((u + 3) % 4, 1 - ra, 1 - ra)
                fire_store(g - 1, 1 - ra)
        return carry

    lax.fori_loop(0, nch // 4, outer, 0)
    last = (nch - 1) % 2
    drain_gathers(last)
    wait_store(last)
    extract((nch - 1) % 4, last, last)
    fire_store(nch - 1, last)
    for rb in range(2):
        wait_store(rb)


def kernel(indexes, index2vec_weight):
    n = indexes.shape[0]
    assert n % (NW * C * 4) == 0
    tblq = index2vec_weight.reshape(-1, QW)
    mesh = plsc.VectorSubcoreMesh(core_axis_name="c", subcore_axis_name="s")
    f = pl.kernel(
        _gather_body,
        out_type=jax.ShapeDtypeStruct((n, D), jnp.float32),
        mesh=mesh,
        scratch_types=[
            pltpu.VMEM((NIB, C), jnp.int32),
            pltpu.VMEM((NIB, C), jnp.int32),
            pltpu.VMEM((2, C, QW), jnp.float32),
            pltpu.VMEM((2, C, D), jnp.float32),
            pltpu.SemaphoreType.DMA((NIB,)),
            pltpu.SemaphoreType.DMA((NIB,)),
            pltpu.SemaphoreType.DMA((2,)),
            pltpu.SemaphoreType.DMA((2,)),
        ],
        compiler_params=pltpu.CompilerParams(use_tc_tiling_on_sc=True, needs_layout_passes=False),
    )
    return f(indexes, indexes >> 2, tblq)

# --- scband reference (transcript-rebuilt; emitter-appended) ---
"""Pipeline reference for scband-sentence2-mat-6399501271506 (READ-ONLY COPY).

The authoritative reference and input builder live on the scoring server;
editing this copy changes nothing except your own understanding.
"""

import jax, jax.numpy as jnp
import numpy as np

VOCAB = 1000000
WORD_VEC_SIZE = 32
NUM_WORDS = 3276800


def setup_inputs(seed: int = 0) -> dict:
    key = jax.random.key(seed)
    k_idx, k_emb = jax.random.split(key)
    indexes = jax.random.randint(k_idx, (NUM_WORDS,), 0, VOCAB, dtype=jnp.int64 if jax.config.jax_enable_x64 else jnp.int32)
    indexes = indexes.astype(jnp.int32)
    # nn.init.uniform_(self.index2vec.weight, -0.25, 0.25)
    index2vec_weight = jax.random.uniform(k_emb, (VOCAB, WORD_VEC_SIZE), dtype=jnp.float32, minval=-0.25, maxval=0.25)
    return {"indexes": indexes, "index2vec_weight": index2vec_weight}


def reference(indexes, index2vec_weight):
    # Sentence2Mat.forward: word -> index (precomputed as `indexes`), then embedding lookup
    # self.index2vec(indexes) == table[indexes]
    return jnp.take(index2vec_weight, indexes, axis=0)

if __name__ == "__main__":
    import jax
    _d = setup_inputs()
    print(jax.jit(kernel)(*tuple(_d.values())))

</pallas_src>

<mosaic_0001>
#map = affine_map<(d0, d1) -> (0)>
#map1 = affine_map<(d0, d1) -> (0, 0)>
module attributes {stable_mosaic.version = 14 : i64} {
  func.func @_gather_body(%arg0: i32, %arg1: i32, %arg2: memref<3276800xi32, #tpu.memory_space<hbm>>, %arg3: memref<3276800xi32, #tpu.memory_space<hbm>>, %arg4: memref<250000x128xf32, #tpu.memory_space<hbm>>, %arg5: memref<3276800x32xf32, #tpu.memory_space<hbm>>, %arg6: memref<4x128xi32, #tpu.memory_space<vmem>>, %arg7: memref<4x128xi32, #tpu.memory_space<vmem>>, %arg8: memref<2x128x128xf32, #tpu.memory_space<vmem>>, %arg9: memref<2x128x32xf32, #tpu.memory_space<vmem>>, %arg10: memref<4x!tpu.dma_semaphore, #tpu.memory_space<semaphore_mem>>, %arg11: memref<4x!tpu.dma_semaphore, #tpu.memory_space<semaphore_mem>>, %arg12: memref<2x!tpu.dma_semaphore, #tpu.memory_space<semaphore_mem>>, %arg13: memref<2x!tpu.dma_semaphore, #tpu.memory_space<semaphore_mem>>) attributes {dimension_semantics = [#tpu.dimension_semantics<core_parallel>, #tpu.dimension_semantics<subcore_parallel>], iteration_bounds = array<i64: 2, 16>, scalar_prefetch = 0 : i64, scratch_operands = 8 : i64, tpu.core_type = #tpu.core_type<sc_vector_subcore>, window_params = [{transform_indices = #map}, {transform_indices = #map}, {transform_indices = #map1}, {transform_indices = #map1}]} {
    %mul3A = arith.constant 2 : i32
    %mul3A_0 = arith.muli %arg1, %mul3A : i32
    %add3A = arith.addi %mul3A_0, %arg0 : i32
    %mul3A_1 = arith.constant 102400 : i32
    %mul3A_2 = arith.muli %add3A, %mul3A_1 : i32
    %iota3A = tpu.iota {dimensions = array<i32: 0>} : vector<16xi32>
    %add3A_3 = arith.constant 0 : i32
    %add3A_4 = arith.addi %mul3A_2, %add3A_3 : i32
    %multiple_of3A = tpu.assume_multiple %add3A_4, 128 : i32
    %dma_start3A = arith.constant 0 : i32
    %dma_start3A_5 = arith.constant 0 : i32
    %dma_start3A_6 = arith.constant 0 : i32
    %dma_start3A_7 = tpu.memref_slice %arg6[%dma_start3A, %dma_start3A_6] : memref<4x128xi32, #tpu.memory_space<vmem>> -> memref<1x128xi32, #tpu.memory_space<vmem>>
    %dma_start3A_8 = tpu.memref_squeeze %dma_start3A_7 : memref<1x128xi32, #tpu.memory_space<vmem>> -> memref<128xi32, #tpu.memory_space<vmem>>
    %dma_start3A_9 = tpu.memref_slice %arg2[%multiple_of3A] : memref<3276800xi32, #tpu.memory_space<hbm>> -> memref<128xi32, #tpu.memory_space<hbm>>
    %dma_start3A_10 = tpu.memref_slice %arg10[%dma_start3A_5] : memref<4x!tpu.dma_semaphore, #tpu.memory_space<semaphore_mem>> -> memref<1x!tpu.dma_semaphore, #tpu.memory_space<semaphore_mem>>
    %dma_start3A_11 = tpu.memref_squeeze %dma_start3A_10 : memref<1x!tpu.dma_semaphore, #tpu.memory_space<semaphore_mem>> -> memref<!tpu.dma_semaphore, #tpu.memory_space<semaphore_mem>>
    %dma_start3A_12 = arith.constant 0 : i32
    %dma_start3A_13 = tpu.memref_slice %arg6[%dma_start3A, %dma_start3A_12] : memref<4x128xi32, #tpu.memory_space<vmem>> -> memref<1x128xi32, #tpu.memory_space<vmem>>
    %dma_start3A_14 = tpu.memref_squeeze %dma_start3A_13 : memref<1x128xi32, #tpu.memory_space<vmem>> -> memref<128xi32, #tpu.memory_space<vmem>>
    %dma_start3A_15 = tpu.memref_slice %arg2[%multiple_of3A] : memref<3276800xi32, #tpu.memory_space<hbm>> -> memref<128xi32, #tpu.memory_space<hbm>>
    tpu.enqueue_dma source(%dma_start3A_15 : memref<128xi32, #tpu.memory_space<hbm>>) target(%dma_start3A_14 : memref<128xi32, #tpu.memory_space<vmem>>) target_semaphore(%dma_start3A_11 : memref<!tpu.dma_semaphore, #tpu.memory_space<semaphore_mem>>)
    %add3A_16 = arith.constant 0 : i32
    %add3A_17 = arith.addi %mul3A_2, %add3A_16 : i32
    %multiple_of3A_18 = tpu.assume_multiple %add3A_17, 128 : i32
    %dma_start3A_19 = arith.constant 0 : i32
    %dma_start3A_20 = arith.constant 0 : i32
    %dma_start3A_21 = arith.constant 0 : i32
    %dma_start3A_22 = tpu.memref_slice %arg7[%dma_start3A_19, %dma_start3A_21] : memref<4x128xi32, #tpu.memory_space<vmem>> -> memref<1x128xi32, #tpu.memory_space<vmem>>
    %dma_start3A_23 = tpu.memref_squeeze %dma_start3A_22 : memref<1x128xi32, #tpu.memory_space<vmem>> -> memref<128xi32, #tpu.memory_space<vmem>>
    %dma_start3A_24 = tpu.memref_slice %arg3[%multiple_of3A_18] : memref<3276800xi32, #tpu.memory_space<hbm>> -> memref<128xi32, #tpu.memory_space<hbm>>
    %dma_start3A_25 = tpu.memref_slice %arg11[%dma_start3A_20] : memref<4x!tpu.dma_semaphore, #tpu.memory_space<semaphore_mem>> -> memref<1x!tpu.dma_semaphore, #tpu.memory_space<semaphore_mem>>
    %dma_start3A_26 = tpu.memref_squeeze %dma_start3A_25 : memref<1x!tpu.dma_semaphore, #tpu.memory_space<semaphore_mem>> -> memref<!tpu.dma_semaphore, #tpu.memory_space<semaphore_mem>>
    %dma_start3A_27 = arith.constant 0 : i32
    %dma_start3A_28 = tpu.memref_slice %arg7[%dma_start3A_19, %dma_start3A_27] : memref<4x128xi32, #tpu.memory_space<vmem>> -> memref<1x128xi32, #tpu.memory_space<vmem>>
    %dma_start3A_29 = tpu.memref_squeeze %dma_start3A_28 : memref<1x128xi32, #tpu.memory_space<vmem>> -> memref<128xi32, #tpu.memory_space<vmem>>
    %dma_start3A_30 = tpu.memref_slice %arg3[%multiple_of3A_18] : memref<3276800xi32, #tpu.memory_space<hbm>> -> memref<128xi32, #tpu.memory_space<hbm>>
    tpu.enqueue_dma source(%dma_start3A_30 : memref<128xi32, #tpu.memory_space<hbm>>) target(%dma_start3A_29 : memref<128xi32, #tpu.memory_space<vmem>>) target_semaphore(%dma_start3A_26 : memref<!tpu.dma_semaphore, #tpu.memory_space<semaphore_mem>>)
    %add3A_31 = arith.constant 128 : i32
    %add3A_32 = arith.addi %mul3A_2, %add3A_31 : i32
    %multiple_of3A_33 = tpu.assume_multiple %add3A_32, 128 : i32
    %dma_start3A_34 = arith.constant 1 : i32
    %dma_start3A_35 = arith.constant 1 : i32
    %dma_start3A_36 = arith.constant 0 : i32
    %dma_start3A_37 = tpu.memref_slice %arg6[%dma_start3A_34, %dma_start3A_36] : memref<4x128xi32, #tpu.memory_space<vmem>> -> memref<1x128xi32, #tpu.memory_space<vmem>>
    %dma_start3A_38 = tpu.memref_squeeze %dma_start3A_37 : memref<1x128xi32, #tpu.memory_space<vmem>> -> memref<128xi32, #tpu.memory_space<vmem>>
    %dma_start3A_39 = tpu.memref_slice %arg2[%multiple_of3A_33] : memref<3276800xi32, #tpu.memory_space<hbm>> -> memref<128xi32, #tpu.memory_space<hbm>>
    %dma_start3A_40 = tpu.memref_slice %arg10[%dma_start3A_35] : memref<4x!tpu.dma_semaphore, #tpu.memory_space<semaphore_mem>> -> memref<1x!tpu.dma_semaphore, #tpu.memory_space<semaphore_mem>>
    %dma_start3A_41 = tpu.memref_squeeze %dma_start3A_40 : memref<1x!tpu.dma_semaphore, #tpu.memory_space<semaphore_mem>> -> memref<!tpu.dma_semaphore, #tpu.memory_space<semaphore_mem>>
    %dma_start3A_42 = arith.constant 0 : i32
    %dma_start3A_43 = tpu.memref_slice %arg6[%dma_start3A_34, %dma_start3A_42] : memref<4x128xi32, #tpu.memory_space<vmem>> -> memref<1x128xi32, #tpu.memory_space<vmem>>
    %dma_start3A_44 = tpu.memref_squeeze %dma_start3A_43 : memref<1x128xi32, #tpu.memory_space<vmem>> -> memref<128xi32, #tpu.memory_space<vmem>>
    %dma_start3A_45 = tpu.memref_slice %arg2[%multiple_of3A_33] : memref<3276800xi32, #tpu.memory_space<hbm>> -> memref<128xi32, #tpu.memory_space<hbm>>
    tpu.enqueue_dma source(%dma_start3A_45 : memref<128xi32, #tpu.memory_space<hbm>>) target(%dma_start3A_44 : memref<128xi32, #tpu.memory_space<vmem>>) target_semaphore(%dma_start3A_41 : memref<!tpu.dma_semaphore, #tpu.memory_space<semaphore_mem>>)
    %add3A_46 = arith.constant 128 : i32
    %add3A_47 = arith.addi %mul3A_2, %add3A_46 : i32
    %multiple_of3A_48 = tpu.assume_multiple %add3A_47, 128 : i32
    %dma_start3A_49 = arith.constant 1 : i32
    %dma_start3A_50 = arith.constant 1 : i32
    %dma_start3A_51 = arith.constant 0 : i32
    %dma_start3A_52 = tpu.memref_slice %arg7[%dma_start3A_49, %dma_start3A_51] : memref<4x128xi32, #tpu.memory_space<vmem>> -> memref<1x128xi32, #tpu.memory_space<vmem>>
    %dma_start3A_53 = tpu.memref_squeeze %dma_start3A_52 : memref<1x128xi32, #tpu.memory_space<vmem>> -> memref<128xi32, #tpu.memory_space<vmem>>
    %dma_start3A_54 = tpu.memref_slice %arg3[%multiple_of3A_48] : memref<3276800xi32, #tpu.memory_space<hbm>> -> memref<128xi32, #tpu.memory_space<hbm>>
    %dma_start3A_55 = tpu.memref_slice %arg11[%dma_start3A_50] : memref<4x!tpu.dma_semaphore, #tpu.memory_space<semaphore_mem>> -> memref<1x!tpu.dma_semaphore, #tpu.memory_space<semaphore_mem>>
    %dma_start3A_56 = tpu.memref_squeeze %dma_start3A_55 : memref<1x!tpu.dma_semaphore, #tpu.memory_space<semaphore_mem>> -> memref<!tpu.dma_semaphore, #tpu.memory_space<semaphore_mem>>
    %dma_start3A_57 = arith.constant 0 : i32
    %dma_start3A_58 = tpu.memref_slice %arg7[%dma_start3A_49, %dma_start3A_57] : memref<4x128xi32, #tpu.memory_space<vmem>> -> memref<1x128xi32, #tpu.memory_space<vmem>>
    %dma_start3A_59 = tpu.memref_squeeze %dma_start3A_58 : memref<1x128xi32, #tpu.memory_space<vmem>> -> memref<128xi32, #tpu.memory_space<vmem>>
    %dma_start3A_60 = tpu.memref_slice %arg3[%multiple_of3A_48] : memref<3276800xi32, #tpu.memory_space<hbm>> -> memref<128xi32, #tpu.memory_space<hbm>>
    tpu.enqueue_dma source(%dma_start3A_60 : memref<128xi32, #tpu.memory_space<hbm>>) target(%dma_start3A_59 : memref<128xi32, #tpu.memory_space<vmem>>) target_semaphore(%dma_start3A_56 : memref<!tpu.dma_semaphore, #tpu.memory_space<semaphore_mem>>)
    %scan3A = arith.constant 0 : i32
    %scan3A_61 = arith.constant 0 : i32
    %scan3A_62 = arith.constant 200 : i32
    %scan3A_63 = arith.addi %scan3A_61, %scan3A_62 : i32
    %scan3A_64 = arith.constant 1 : i32
    scf.for %scan3A_171 = %scan3A_61 to %scan3A_63 step %scan3A_64  : i32 {
      %mul3A_172 = arith.constant 4 : i32
      %mul3A_173 = arith.muli %mul3A_172, %scan3A_171 : i32
      %add3A_174 = arith.constant 0 : i32
      %add3A_175 = arith.addi %mul3A_173, %add3A_174 : i32
      %multiple_of3A_176 = tpu.assume_multiple %mul3A_2, 128 : i32
      %dma_wait3A_177 = arith.constant 0 : i32
      %dma_wait3A_178 = arith.constant 0 : i32
      %dma_wait3A_179 = arith.constant 0 : i32
      %dma_wait3A_180 = tpu.memref_slice %arg6[%dma_wait3A_177, %dma_wait3A_179] : memref<4x128xi32, #tpu.memory_space<vmem>> -> memref<1x128xi32, #tpu.memory_space<vmem>>
      %dma_wait3A_181 = tpu.memref_squeeze %dma_wait3A_180 : memref<1x128xi32, #tpu.memory_space<vmem>> -> memref<128xi32, #tpu.memory_space<vmem>>
      %dma_wait3A_182 = tpu.memref_slice %arg2[%multiple_of3A_176] : memref<3276800xi32, #tpu.memory_space<hbm>> -> memref<128xi32, #tpu.memory_space<hbm>>
      %dma_wait3A_183 = tpu.memref_slice %arg10[%dma_wait3A_178] : memref<4x!tpu.dma_semaphore, #tpu.memory_space<semaphore_mem>> -> memref<1x!tpu.dma_semaphore, #tpu.memory_space<semaphore_mem>>
      %dma_wait3A_184 = tpu.memref_squeeze %dma_wait3A_183 : memref<1x!tpu.dma_semaphore, #tpu.memory_space<semaphore_mem>> -> memref<!tpu.dma_semaphore, #tpu.memory_space<semaphore_mem>>
      %dma_wait3A_185 = arith.constant 0 : i32
      %dma_wait3A_186 = tpu.memref_slice %arg6[%dma_wait3A_177, %dma_wait3A_185] : memref<4x128xi32, #tpu.memory_space<vmem>> -> memref<1x128xi32, #tpu.memory_space<vmem>>
      %dma_wait3A_187 = tpu.memref_squeeze %dma_wait3A_186 : memref<1x128xi32, #tpu.memory_space<vmem>> -> memref<128xi32, #tpu.memory_space<vmem>>
      %dma_wait3A_188 = tpu.memref_slice %arg2[%multiple_of3A_176] : memref<3276800xi32, #tpu.memory_space<hbm>> -> memref<128xi32, #tpu.memory_space<hbm>>
      tpu.wait_dma2 semaphore(%dma_wait3A_184 : memref<!tpu.dma_semaphore, #tpu.memory_space<semaphore_mem>>) src(%dma_wait3A_188 : memref<128xi32, #tpu.memory_space<hbm>>) dst(%dma_wait3A_187 : memref<128xi32, #tpu.memory_space<vmem>>)
      %multiple_of3A_189 = tpu.assume_multiple %mul3A_2, 128 : i32
      %dma_wait3A_190 = arith.constant 0 : i32
      %dma_wait3A_191 = arith.constant 0 : i32
      %dma_wait3A_192 = arith.constant 0 : i32
      %dma_wait3A_193 = tpu.memref_slice %arg7[%dma_wait3A_190, %dma_wait3A_192] : memref<4x128xi32, #tpu.memory_space<vmem>> -> memref<1x128xi32, #tpu.memory_space<vmem>>
      %dma_wait3A_194 = tpu.memref_squeeze %dma_wait3A_193 : memref<1x128xi32, #tpu.memory_space<vmem>> -> memref<128xi32, #tpu.memory_space<vmem>>
      %dma_wait3A_195 = tpu.memref_slice %arg3[%multiple_of3A_189] : memref<3276800xi32, #tpu.memory_space<hbm>> -> memref<128xi32, #tpu.memory_space<hbm>>
      %dma_wait3A_196 = tpu.memref_slice %arg11[%dma_wait3A_191] : memref<4x!tpu.dma_semaphore, #tpu.memory_space<semaphore_mem>> -> memref<1x!tpu.dma_semaphore, #tpu.memory_space<semaphore_mem>>
      %dma_wait3A_197 = tpu.memref_squeeze %dma_wait3A_196 : memref<1x!tpu.dma_semaphore, #tpu.memory_space<semaphore_mem>> -> memref<!tpu.dma_semaphore, #tpu.memory_space<semaphore_mem>>
      %dma_wait3A_198 = arith.constant 0 : i32
      %dma_wait3A_199 = tpu.memref_slice %arg7[%dma_wait3A_190, %dma_wait3A_198] : memref<4x128xi32, #tpu.memory_space<vmem>> -> memref<1x128xi32, #tpu.memory_space<vmem>>
      %dma_wait3A_200 = tpu.memref_squeeze %dma_wait3A_199 : memref<1x128xi32, #tpu.memory_space<vmem>> -> memref<128xi32, #tpu.memory_space<vmem>>
      %dma_wait3A_201 = tpu.memref_slice %arg3[%multiple_of3A_189] : memref<3276800xi32, #tpu.memory_space<hbm>> -> memref<128xi32, #tpu.memory_space<hbm>>
      tpu.wait_dma2 semaphore(%dma_wait3A_197 : memref<!tpu.dma_semaphore, #tpu.memory_space<semaphore_mem>>) src(%dma_wait3A_201 : memref<128xi32, #tpu.memory_space<hbm>>) dst(%dma_wait3A_200 : memref<128xi32, #tpu.memory_space<vmem>>)
      %dma_start3A_202 = arith.constant 0 : i32
      %dma_start3A_203 = arith.constant 0 : i32
      %dma_start3A_204 = arith.constant 0 : i32
      %dma_start3A_205 = arith.constant 0 : i32
      %dma_start3A_206 = arith.constant 0 : i32
      %dma_start3A_207 = tpu.memref_slice %arg8[%dma_start3A_203, %dma_start3A_205, %dma_start3A_206] : memref<2x128x128xf32, #tpu.memory_space<vmem>> -> memref<1x64x128xf32, #tpu.memory_space<vmem>>
      %dma_start3A_208 = tpu.memref_squeeze %dma_start3A_207 : memref<1x64x128xf32, #tpu.memory_space<vmem>> -> memref<64x128xf32, #tpu.memory_space<vmem>>
      %dma_start3A_209 = arith.constant 0 : i32
      %dma_start3A_210 = tpu.memref_slice %arg7[%dma_start3A_202, %dma_start3A_209] : memref<4x128xi32, #tpu.memory_space<vmem>> -> memref<1x64xi32, #tpu.memory_space<vmem>>
      %dma_start3A_211 = tpu.memref_squeeze %dma_start3A_210 : memref<1x64xi32, #tpu.memory_space<vmem>> -> memref<64xi32, #tpu.memory_space<vmem>>
      %dma_start3A_212 = arith.constant 0 : i32
      %dma_start3A_213 = arith.constant 0 : i32
      %dma_start3A_214 = tpu.memref_slice %arg4[%dma_start3A_212, %dma_start3A_213] : memref<250000x128xf32, #tpu.memory_space<hbm>> -> memref<250000x128xf32, #tpu.memory_space<hbm>>
      %dma_start3A_215 = tpu.memref_slice %arg12[%dma_start3A_204] : memref<2x!tpu.dma_semaphore, #tpu.memory_space<semaphore_mem>> -> memref<1x!tpu.dma_semaphore, #tpu.memory_space<semaphore_mem>>
      %dma_start3A_216 = tpu.memref_squeeze %dma_start3A_215 : memref<1x!tpu.dma_semaphore, #tpu.memory_space<semaphore_mem>> -> memref<!tpu.dma_semaphore, #tpu.memory_space<semaphore_mem>>
      tpu.enqueue_indirect_dma source(%dma_start3A_214 : memref<250000x128xf32, #tpu.memory_space<hbm>>) target(%dma_start3A_208 : memref<64x128xf32, #tpu.memory_space<vmem>>) offsets(%dma_start3A_211 : memref<64xi32, #tpu.memory_space<vmem>>) semaphore(%dma_start3A_216 : memref<!tpu.dma_semaphore, #tpu.memory_space<semaphore_mem>>)
      %dma_start3A_217 = arith.constant 0 : i32
      %dma_start3A_218 = arith.constant 0 : i32
      %dma_start3A_219 = arith.constant 0 : i32
      %dma_start3A_220 = arith.constant 64 : i32
      %dma_start3A_221 = arith.constant 0 : i32
      %dma_start3A_222 = tpu.memref_slice %arg8[%dma_start3A_218, %dma_start3A_220, %dma_start3A_221] : memref<2x128x128xf32, #tpu.memory_space<vmem>> -> memref<1x64x128xf32, #tpu.memory_space<vmem>>
      %dma_start3A_223 = tpu.memref_squeeze %dma_start3A_222 : memref<1x64x128xf32, #tpu.memory_space<vmem>> -> memref<64x128xf32, #tpu.memory_space<vmem>>
      %dma_start3A_224 = arith.constant 64 : i32
      %dma_start3A_225 = tpu.memref_slice %arg7[%dma_start3A_217, %dma_start3A_224] : memref<4x128xi32, #tpu.memory_space<vmem>> -> memref<1x64xi32, #tpu.memory_space<vmem>>
      %dma_start3A_226 = tpu.memref_squeeze %dma_start3A_225 : memref<1x64xi32, #tpu.memory_space<vmem>> -> memref<64xi32, #tpu.memory_space<vmem>>
      %dma_start3A_227 = arith.constant 0 : i32
      %dma_start3A_228 = arith.constant 0 : i32
      %dma_start3A_229 = tpu.memref_slice %arg4[%dma_start3A_227, %dma_start3A_228] : memref<250000x128xf32, #tpu.memory_space<hbm>> -> memref<250000x128xf32, #tpu.memory_space<hbm>>
      %dma_start3A_230 = tpu.memref_slice %arg12[%dma_start3A_219] : memref<2x!tpu.dma_semaphore, #tpu.memory_space<semaphore_mem>> -> memref<1x!tpu.dma_semaphore, #tpu.memory_space<semaphore_mem>>
      %dma_start3A_231 = tpu.memref_squeeze %dma_start3A_230 : memref<1x!tpu.dma_semaphore, #tpu.memory_space<semaphore_mem>> -> memref<!tpu.dma_semaphore, #tpu.memory_space<semaphore_mem>>
      tpu.enqueue_indirect_dma source(%dma_start3A_229 : memref<250000x128xf32, #tpu.memory_space<hbm>>) target(%dma_start3A_223 : memref<64x128xf32, #tpu.memory_space<vmem>>) offsets(%dma_start3A_226 : memref<64xi32, #tpu.memory_space<vmem>>) semaphore(%dma_start3A_231 : memref<!tpu.dma_semaphore, #tpu.memory_space<semaphore_mem>>)
      %add3A_232 = arith.constant 2 : i32
      %add3A_233 = arith.addi %add3A_175, %add3A_232 : i32
      %lt3A = arith.constant 800 : i32
      %lt3A_234 = arith.cmpi slt, %add3A_233, %lt3A : i32
      %convert_element_type3A = arith.extui %lt3A_234 : i1 to i32
      %cond3A = arith.constant 0 : i32
      %cond3A_235 = arith.cmpi ne, %convert_element_type3A, %cond3A : i32
      scf.if %cond3A_235 {
        %add3A_456 = arith.constant 2 : i32
        %add3A_457 = arith.addi %add3A_175, %add3A_456 : i32
        %mul3A_458 = arith.constant 128 : i32
        %mul3A_459 = arith.muli %add3A_457, %mul3A_458 : i32
        %add3A_460 = arith.addi %mul3A_2, %mul3A_459 : i32
        %multiple_of3A_461 = tpu.assume_multiple %add3A_460, 128 : i32
        %dma_start3A_462 = arith.constant 2 : i32
        %dma_start3A_463 = arith.constant 2 : i32
        %dma_start3A_464 = arith.constant 0 : i32
        %dma_start3A_465 = tpu.memref_slice %arg6[%dma_start3A_462, %dma_start3A_464] : memref<4x128xi32, #tpu.memory_space<vmem>> -> memref<1x128xi32, #tpu.memory_space<vmem>>
        %dma_start3A_466 = tpu.memref_squeeze %dma_start3A_465 : memref<1x128xi32, #tpu.memory_space<vmem>> -> memref<128xi32, #tpu.memory_space<vmem>>
        %dma_start3A_467 = tpu.memref_slice %arg2[%multiple_of3A_461] : memref<3276800xi32, #tpu.memory_space<hbm>> -> memref<128xi32, #tpu.memory_space<hbm>>
        %dma_start3A_468 = tpu.memref_slice %arg10[%dma_start3A_463] : memref<4x!tpu.dma_semaphore, #tpu.memory_space<semaphore_mem>> -> memref<1x!tpu.dma_semaphore, #tpu.memory_space<semaphore_mem>>
        %dma_start3A_469 = tpu.memref_squeeze %dma_start3A_468 : memref<1x!tpu.dma_semaphore, #tpu.memory_space<semaphore_mem>> -> memref<!tpu.dma_semaphore, #tpu.memory_space<semaphore_mem>>
        %dma_start3A_470 = arith.constant 0 : i32
        %dma_start3A_471 = tpu.memref_slice %arg6[%dma_start3A_462, %dma_start3A_470] : memref<4x128xi32, #tpu.memory_space<vmem>> -> memref<1x128xi32, #tpu.memory_space<vmem>>
        %dma_start3A_472 = tpu.memref_squeeze %dma_start3A_471 : memref<1x128xi32, #tpu.memory_space<vmem>> -> memref<128xi32, #tpu.memory_space<vmem>>
        %dma_start3A_473 = tpu.memref_slice %arg2[%multiple_of3A_461] : memref<3276800xi32, #tpu.memory_space<hbm>> -> memref<128xi32, #tpu.memory_space<hbm>>
        tpu.enqueue_dma source(%dma_start3A_473 : memref<128xi32, #tpu.memory_space<hbm>>) target(%dma_start3A_472 : memref<128xi32, #tpu.memory_space<vmem>>) target_semaphore(%dma_start3A_469 : memref<!tpu.dma_semaphore, #tpu.memory_space<semaphore_mem>>)
        %mul3A_474 = arith.constant 128 : i32
        %mul3A_475 = arith.muli %add3A_457, %mul3A_474 : i32
        %add3A_476 = arith.addi %mul3A_2, %mul3A_475 : i32
        %multiple_of3A_477 = tpu.assume_multiple %add3A_476, 128 : i32
        %dma_start3A_478 = arith.constant 2 : i32
        %dma_start3A_479 = arith.constant 2 : i32
        %dma_start3A_480 = arith.constant 0 : i32
        %dma_start3A_481 = tpu.memref_slice %arg7[%dma_start3A_478, %dma_start3A_480] : memref<4x128xi32, #tpu.memory_space<vmem>> -> memref<1x128xi32, #tpu.memory_space<vmem>>
        %dma_start3A_482 = tpu.memref_squeeze %dma_start3A_481 : memref<1x128xi32, #tpu.memory_space<vmem>> -> memref<128xi32, #tpu.memory_space<vmem>>
        %dma_start3A_483 = tpu.memref_slice %arg3[%multiple_of3A_477] : memref<3276800xi32, #tpu.memory_space<hbm>> -> memref<128xi32, #tpu.memory_space<hbm>>
        %dma_start3A_484 = tpu.memref_slice %arg11[%dma_start3A_479] : memref<4x!tpu.dma_semaphore, #tpu.memory_space<semaphore_mem>> -> memref<1x!tpu.dma_semaphore, #tpu.memory_space<semaphore_mem>>
        %dma_start3A_485 = tpu.memref_squeeze %dma_start3A_484 : memref<1x!tpu.dma_semaphore, #tpu.memory_space<semaphore_mem>> -> memref<!tpu.dma_semaphore, #tpu.memory_space<semaphore_mem>>
        %dma_start3A_486 = arith.constant 0 : i32
        %dma_start3A_487 = tpu.memref_slice %arg7[%dma_start3A_478, %dma_start3A_486] : memref<4x128xi32, #tpu.memory_space<vmem>> -> memref<1x128xi32, #tpu.memory_space<vmem>>
        %dma_start3A_488 = tpu.memref_squeeze %dma_start3A_487 : memref<1x128xi32, #tpu.memory_space<vmem>> -> memref<128xi32, #tpu.memory_space<vmem>>
        %dma_start3A_489 = tpu.memref_slice %arg3[%multiple_of3A_477] : memref<3276800xi32, #tpu.memory_space<hbm>> -> memref<128xi32, #tpu.memory_space<hbm>>
        tpu.enqueue_dma source(%dma_start3A_489 : memref<128xi32, #tpu.memory_space<hbm>>) target(%dma_start3A_488 : memref<128xi32, #tpu.memory_space<vmem>>) target_semaphore(%dma_start3A_485 : memref<!tpu.dma_semaphore, #tpu.memory_space<semaphore_mem>>)
      } else {
      }
      %ge3A = arith.constant 1 : i32
      %ge3A_236 = arith.cmpi sge, %add3A_175, %ge3A : i32
      %convert_element_type3A_237 = arith.extui %ge3A_236 : i1 to i32
      %cond3A_238 = arith.constant 0 : i32
      %cond3A_239 = arith.cmpi ne, %convert_element_type3A_237, %cond3A_238 : i32
      scf.if %cond3A_239 {
        %dma_wait3A_456 = arith.constant 0 : i32
        %dma_wait3A_457 = arith.constant 1 : i32
        %dma_wait3A_458 = arith.constant 1 : i32
        %dma_wait3A_459 = arith.constant 0 : i32
        %dma_wait3A_460 = arith.constant 0 : i32
        %dma_wait3A_461 = tpu.memref_slice %arg8[%dma_wait3A_457, %dma_wait3A_459, %dma_wait3A_460] : memref<2x128x128xf32, #tpu.memory_space<vmem>> -> memref<1x64x128xf32, #tpu.memory_space<vmem>>
        %dma_wait3A_462 = tpu.memref_squeeze %dma_wait3A_461 : memref<1x64x128xf32, #tpu.memory_space<vmem>> -> memref<64x128xf32, #tpu.memory_space<vmem>>
        %dma_wait3A_463 = arith.constant 0 : i32
        %dma_wait3A_464 = tpu.memref_slice %arg7[%dma_wait3A_456, %dma_wait3A_463] : memref<4x128xi32, #tpu.memory_space<vmem>> -> memref<1x64xi32, #tpu.memory_space<vmem>>
        %dma_wait3A_465 = tpu.memref_squeeze %dma_wait3A_464 : memref<1x64xi32, #tpu.memory_space<vmem>> -> memref<64xi32, #tpu.memory_space<vmem>>
        %dma_wait3A_466 = arith.constant 0 : i32
        %dma_wait3A_467 = arith.constant 0 : i32
        %dma_wait3A_468 = tpu.memref_slice %arg4[%dma_wait3A_466, %dma_wait3A_467] : memref<250000x128xf32, #tpu.memory_space<hbm>> -> memref<250000x128xf32, #tpu.memory_space<hbm>>
        %dma_wait3A_469 = tpu.memref_slice %arg12[%dma_wait3A_458] : memref<2x!tpu.dma_semaphore, #tpu.memory_space<semaphore_mem>> -> memref<1x!tpu.dma_semaphore, #tpu.memory_space<semaphore_mem>>
        %dma_wait3A_470 = tpu.memref_squeeze %dma_wait3A_469 : memref<1x!tpu.dma_semaphore, #tpu.memory_space<semaphore_mem>> -> memref<!tpu.dma_semaphore, #tpu.memory_space<semaphore_mem>>
        tpu.wait_indirect_dma semaphore(%dma_wait3A_470 : memref<!tpu.dma_semaphore, #tpu.memory_space<semaphore_mem>>) src(%dma_wait3A_468 : memref<250000x128xf32, #tpu.memory_space<hbm>>) dst(%dma_wait3A_462 : memref<64x128xf32, #tpu.memory_space<vmem>>)
        %dma_wait3A_471 = arith.constant 0 : i32
        %dma_wait3A_472 = arith.constant 1 : i32
        %dma_wait3A_473 = arith.constant 1 : i32
        %dma_wait3A_474 = arith.constant 64 : i32
        %dma_wait3A_475 = arith.constant 0 : i32
        %dma_wait3A_476 = tpu.memref_slice %arg8[%dma_wait3A_472, %dma_wait3A_474, %dma_wait3A_475] : memref<2x128x128xf32, #tpu.memory_space<vmem>> -> memref<1x64x128xf32, #tpu.memory_space<vmem>>
        %dma_wait3A_477 = tpu.memref_squeeze %dma_wait3A_476 : memref<1x64x128xf32, #tpu.memory_space<vmem>> -> memref<64x128xf32, #tpu.memory_space<vmem>>
        %dma_wait3A_478 = arith.constant 0 : i32
        %dma_wait3A_479 = tpu.memref_slice %arg7[%dma_wait3A_471, %dma_wait3A_478] : memref<4x128xi32, #tpu.memory_space<vmem>> -> memref<1x64xi32, #tpu.memory_space<vmem>>
        %dma_wait3A_480 = tpu.memref_squeeze %dma_wait3A_479 : memref<1x64xi32, #tpu.memory_space<vmem>> -> memref<64xi32, #tpu.memory_space<vmem>>
        %dma_wait3A_481 = arith.constant 0 : i32
        %dma_wait3A_482 = arith.constant 0 : i32
        %dma_wait3A_483 = tpu.memref_slice %arg4[%dma_wait3A_481, %dma_wait3A_482] : memref<250000x128xf32, #tpu.memory_space<hbm>> -> memref<250000x128xf32, #tpu.memory_space<hbm>>
        %dma_wait3A_484 = tpu.memref_slice %arg12[%dma_wait3A_473] : memref<2x!tpu.dma_semaphore, #tpu.memory_space<semaphore_mem>> -> memref<1x!tpu.dma_semaphore, #tpu.memory_space<semaphore_mem>>
        %dma_wait3A_485 = tpu.memref_squeeze %dma_wait3A_484 : memref<1x!tpu.dma_semaphore, #tpu.memory_space<semaphore_mem>> -> memref<!tpu.dma_semaphore, #tpu.memory_space<semaphore_mem>>
        tpu.wait_indirect_dma semaphore(%dma_wait3A_485 : memref<!tpu.dma_semaphore, #tpu.memory_space<semaphore_mem>>) src(%dma_wait3A_483 : memref<250000x128xf32, #tpu.memory_space<hbm>>) dst(%dma_wait3A_477 : memref<64x128xf32, #tpu.memory_space<vmem>>)
        %ge3A_486 = arith.constant 3 : i32
        %ge3A_487 = arith.cmpi sge, %add3A_175, %ge3A_486 : i32
        %convert_element_type3A_488 = arith.extui %ge3A_487 : i1 to i32
        %cond3A_489 = arith.constant 0 : i32
        %cond3A_490 = arith.cmpi ne, %convert_element_type3A_488, %cond3A_489 : i32
        scf.if %cond3A_490 {
          %multiple_of3A_518 = tpu.assume_multiple %mul3A_2, 128 : i32
          %dma_wait3A_519 = arith.constant 1 : i32
          %dma_wait3A_520 = arith.constant 1 : i32
          %dma_wait3A_521 = arith.constant 0 : i32
          %dma_wait3A_522 = arith.constant 0 : i32
          %dma_wait3A_523 = tpu.memref_slice %arg9[%dma_wait3A_519, %dma_wait3A_521, %dma_wait3A_522] : memref<2x128x32xf32, #tpu.memory_space<vmem>> -> memref<1x128x32xf32, #tpu.memory_space<vmem>>
          %dma_wait3A_524 = tpu.memref_squeeze %dma_wait3A_523 : memref<1x128x32xf32, #tpu.memory_space<vmem>> -> memref<128x32xf32, #tpu.memory_space<vmem>>
          %dma_wait3A_525 = arith.constant 0 : i32
          %dma_wait3A_526 = tpu.memref_slice %arg5[%multiple_of3A_518, %dma_wait3A_525] : memref<3276800x32xf32, #tpu.memory_space<hbm>> -> memref<128x32xf32, #tpu.memory_space<hbm>>
          %dma_wait3A_527 = tpu.memref_slice %arg13[%dma_wait3A_520] : memref<2x!tpu.dma_semaphore, #tpu.memory_space<semaphore_mem>> -> memref<1x!tpu.dma_semaphore, #tpu.memory_space<semaphore_mem>>
          %dma_wait3A_528 = tpu.memref_squeeze %dma_wait3A_527 : memref<1x!tpu.dma_semaphore, #tpu.memory_space<semaphore_mem>> -> memref<!tpu.dma_semaphore, #tpu.memory_space<semaphore_mem>>
          %dma_wait3A_529 = arith.constant 0 : i32
          %dma_wait3A_530 = tpu.memref_slice %arg5[%multiple_of3A_518, %dma_wait3A_529] : memref<3276800x32xf32, #tpu.memory_space<hbm>> -> memref<128x32xf32, #tpu.memory_space<hbm>>
          %dma_wait3A_531 = arith.constant 0 : i32
          %dma_wait3A_532 = arith.constant 0 : i32
          %dma_wait3A_533 = tpu.memref_slice %arg9[%dma_wait3A_519, %dma_wait3A_531, %dma_wait3A_532] : memref<2x128x32xf32, #tpu.memory_space<vmem>> -> memref<1x128x32xf32, #tpu.memory_space<vmem>>
          %dma_wait3A_534 = tpu.memref_squeeze %dma_wait3A_533 : memref<1x128x32xf32, #tpu.memory_space<vmem>> -> memref<128x32xf32, #tpu.memory_space<vmem>>
          tpu.wait_dma2 semaphore(%dma_wait3A_528 : memref<!tpu.dma_semaphore, #tpu.memory_space<semaphore_mem>>) src(%dma_wait3A_534 : memref<128x32xf32, #tpu.memory_space<vmem>>) dst(%dma_wait3A_530 : memref<128x32xf32, #tpu.memory_space<hbm>>)
        } else {
        }
        %scan3A_491 = arith.constant 0 : i32
        %scan3A_492 = arith.constant 0 : i32
        %scan3A_493 = arith.constant 8 : i32
        %scan3A_494 = arith.addi %scan3A_492, %scan3A_493 : i32
        %scan3A_495 = arith.constant 1 : i32
        scf.for %scan3A_518 = %scan3A_492 to %scan3A_494 step %scan3A_495  : i32 {
          %mul3A_519 = arith.constant 16 : i32
          %mul3A_520 = arith.muli %scan3A_518, %mul3A_519 : i32
          %get3A = arith.constant 3 : i32
          %get3A_521 = arith.index_cast %get3A : i32 to index
          %get3A_522 = arith.index_cast %mul3A_520 : i32 to index
          %get3A_523 = tpu.vector_load %arg6[%get3A_521, %get3A_522] {strides = array<i32>} : memref<4x128xi32, #tpu.memory_space<vmem>>, vector<16xi32>,
          %and3A = arith.constant 3 : i32
          %and3A_524 = vector.broadcast %and3A : i32 to vector<16xi32>
          %and3A_525 = arith.andi %get3A_523, %and3A_524 : vector<16xi32>
          %shift_left3A = arith.constant 5 : i32
          %shift_left3A_526 = vector.broadcast %shift_left3A : i32 to vector<16xi32>
          %shift_left3A_527 = arith.shli %and3A_525, %shift_left3A_526 : vector<16xi32>
          %slice3A = vector.extract_strided_slice %shift_left3A_527 {offsets = [0], sizes = [1], strides = [1]} : vector<16xi32> to vector<1xi32>
          %squeeze3A = vector.extract %slice3A[0] : i32 from vector<1xi32>
          %mul3A_528 = arith.constant 16 : i32
          %mul3A_529 = arith.muli %scan3A_518, %mul3A_528 : i32
          %add3A_530 = arith.constant 0 : i32
          %add3A_531 = arith.addi %mul3A_529, %add3A_530 : i32
          %get3A_532 = arith.constant 1 : i32
          %get3A_533 = arith.index_cast %get3A_532 : i32 to index
          %get3A_534 = arith.index_cast %add3A_531 : i32 to index
          %get3A_535 = arith.index_cast %squeeze3A : i32 to index
          %get3A_536 = tpu.vector_load %arg8[%get3A_533, %get3A_534, %get3A_535] {strides = array<i32>} : memref<2x128x128xf32, #tpu.memory_space<vmem>>, vector<16xf32>,
          %swap3A = arith.constant 1 : i32
          %swap3A_537 = arith.index_cast %swap3A : i32 to index
          %swap3A_538 = arith.index_cast %add3A_531 : i32 to index
          %swap3A_539 = arith.constant 0 : index
          %swap3A_540 = tpu.vector_load %arg9[%swap3A_537, %swap3A_538, %swap3A_539] {strides = array<i32>} : memref<2x128x32xf32, #tpu.memory_space<vmem>>, vector<16xf32>,
          tpu.vector_store %arg9[%swap3A_537, %swap3A_538, %swap3A_539], %get3A_536 {strides = array<i32>} : memref<2x128x32xf32, #tpu.memory_space<vmem>>, vector<16xf32>,
          %add3A_541 = arith.constant 16 : i32
          %add3A_542 = arith.addi %squeeze3A, %add3A_541 : i32
          %get3A_543 = arith.constant 1 : i32
          %get3A_544 = arith.index_cast %get3A_543 : i32 to index
          %get3A_545 = arith.index_cast %add3A_531 : i32 to index
          %get3A_546 = arith.index_cast %add3A_542 : i32 to index
          %get3A_547 = tpu.vector_load %arg8[%get3A_544, %get3A_545, %get3A_546] {strides = array<i32>} : memref<2x128x128xf32, #tpu.memory_space<vmem>>, vector<16xf32>,
          %swap3A_548 = arith.constant 1 : i32
          %swap3A_549 = arith.index_cast %swap3A_548 : i32 to index
          %swap3A_550 = arith.index_cast %add3A_531 : i32 to index
          %swap3A_551 = arith.constant 16 : index
          %swap3A_552 = tpu.vector_load %arg9[%swap3A_549, %swap3A_550, %swap3A_551] {strides = array<i32>} : memref<2x128x32xf32, #tpu.memory_space<vmem>>, vector<16xf32>,
          tpu.vector_store %arg9[%swap3A_549, %swap3A_550, %swap3A_551], %get3A_547 {strides = array<i32>} : memref<2x128x32xf32, #tpu.memory_space<vmem>>, vector<16xf32>,
          %slice3A_553 = vector.extract_strided_slice %shift_left3A_527 {offsets = [1], sizes = [1], strides = [1]} : vector<16xi32> to vector<1xi32>
          %squeeze3A_554 = vector.extract %slice3A_553[0] : i32 from vector<1xi32>
          %mul3A_555 = arith.constant 16 : i32
          %mul3A_556 = arith.muli %scan3A_518, %mul3A_555 : i32
          %add3A_557 = arith.constant 1 : i32
          %add3A_558 = arith.addi %mul3A_556, %add3A_557 : i32
          %get3A_559 = arith.constant 1 : i32
          %get3A_560 = arith.index_cast %get3A_559 : i32 to index
          %get3A_561 = arith.index_cast %add3A_558 : i32 to index
          %get3A_562 = arith.index_cast %squeeze3A_554 : i32 to index
          %get3A_563 = tpu.vector_load %arg8[%get3A_560, %get3A_561, %get3A_562] {strides = array<i32>} : memref<2x128x128xf32, #tpu.memory_space<vmem>>, vector<16xf32>,
          %swap3A_564 = arith.constant 1 : i32
          %swap3A_565 = arith.index_cast %swap3A_564 : i32 to index
          %swap3A_566 = arith.index_cast %add3A_558 : i32 to index
          %swap3A_567 = arith.constant 0 : index
          %swap3A_568 = tpu.vector_load %arg9[%swap3A_565, %swap3A_566, %swap3A_567] {strides = array<i32>} : memref<2x128x32xf32, #tpu.memory_space<vmem>>, vector<16xf32>,
          tpu.vector_store %arg9[%swap3A_565, %swap3A_566, %swap3A_567], %get3A_563 {strides = array<i32>} : memref<2x128x32xf32, #tpu.memory_space<vmem>>, vector<16xf32>,
          %add3A_569 = arith.constant 16 : i32
          %add3A_570 = arith.addi %squeeze3A_554, %add3A_569 : i32
          %get3A_571 = arith.constant 1 : i32
          %get3A_572 = arith.index_cast %get3A_571 : i32 to index
          %get3A_573 = arith.index_cast %add3A_558 : i32 to index
          %get3A_574 = arith.index_cast %add3A_570 : i32 to index
          %get3A_575 = tpu.vector_load %arg8[%get3A_572, %get3A_573, %get3A_574] {strides = array<i32>} : memref<2x128x128xf32, #tpu.memory_space<vmem>>, vector<16xf32>,
          %swap3A_576 = arith.constant 1 : i32
          %swap3A_577 = arith.index_cast %swap3A_576 : i32 to index
          %swap3A_578 = arith.index_cast %add3A_558 : i32 to index
          %swap3A_579 = arith.constant 16 : index
          %swap3A_580 = tpu.vector_load %arg9[%swap3A_577, %swap3A_578, %swap3A_579] {strides = array<i32>} : memref<2x128x32xf32, #tpu.memory_space<vmem>>, vector<16xf32>,
          tpu.vector_store %arg9[%swap3A_577, %swap3A_578, %swap3A_579], %get3A_575 {strides = array<i32>} : memref<2x128x32xf32, #tpu.memory_space<vmem>>, vector<16xf32>,
          %slice3A_581 = vector.extract_strided_slice %shift_left3A_527 {offsets = [2], sizes = [1], strides = [1]} : vector<16xi32> to vector<1xi32>
          %squeeze3A_582 = vector.extract %slice3A_581[0] : i32 from vector<1xi32>
          %mul3A_583 = arith.constant 16 : i32
          %mul3A_584 = arith.muli %scan3A_518, %mul3A_583 : i32
          %add3A_585 = arith.constant 2 : i32
          %add3A_586 = arith.addi %mul3A_584, %add3A_585 : i32
          %get3A_587 = arith.constant 1 : i32
          %get3A_588 = arith.index_cast %get3A_587 : i32 to index
          %get3A_589 = arith.index_cast %add3A_586 : i32 to index
          %get3A_590 = arith.index_cast %squeeze3A_582 : i32 to index
          %get3A_591 = tpu.vector_load %arg8[%get3A_588, %get3A_589, %get3A_590] {strides = array<i32>} : memref<2x128x128xf32, #tpu.memory_space<vmem>>, vector<16xf32>,
          %swap3A_592 = arith.constant 1 : i32
          %swap3A_593 = arith.index_cast %swap3A_592 : i32 to index
          %swap3A_594 = arith.index_cast %add3A_586 : i32 to index
          %swap3A_595 = arith.constant 0 : index
          %swap3A_596 = tpu.vector_load %arg9[%swap3A_593, %swap3A_594, %swap3A_595] {strides = array<i32>} : memref<2x128x32xf32, #tpu.memory_space<vmem>>, vector<16xf32>,
          tpu.vector_store %arg9[%swap3A_593, %swap3A_594, %swap3A_595], %get3A_591 {strides = array<i32>} : memref<2x128x32xf32, #tpu.memory_space<vmem>>, vector<16xf32>,
          %add3A_597 = arith.constant 16 : i32
          %add3A_598 = arith.addi %squeeze3A_582, %add3A_597 : i32
          %get3A_599 = arith.constant 1 : i32
          %get3A_600 = arith.index_cast %get3A_599 : i32 to index
          %get3A_601 = arith.index_cast %add3A_586 : i32 to index
          %get3A_602 = arith.index_cast %add3A_598 : i32 to index
          %get3A_603 = tpu.vector_load %arg8[%get3A_600, %get3A_601, %get3A_602] {strides = array<i32>} : memref<2x128x128xf32, #tpu.memory_space<vmem>>, vector<16xf32>,
          %swap3A_604 = arith.constant 1 : i32
          %swap3A_605 = arith.index_cast %swap3A_604 : i32 to index
          %swap3A_606 = arith.index_cast %add3A_586 : i32 to index
          %swap3A_607 = arith.constant 16 : index
          %swap3A_608 = tpu.vector_load %arg9[%swap3A_605, %swap3A_606, %swap3A_607] {strides = array<i32>} : memref<2x128x32xf32, #tpu.memory_space<vmem>>, vector<16xf32>,
          tpu.vector_store %arg9[%swap3A_605, %swap3A_606, %swap3A_607], %get3A_603 {strides = array<i32>} : memref<2x128x32xf32, #tpu.memory_space<vmem>>, vector<16xf32>,
          %slice3A_609 = vector.extract_strided_slice %shift_left3A_527 {offsets = [3], sizes = [1], strides = [1]} : vector<16xi32> to vector<1xi32>
          %squeeze3A_610 = vector.extract %slice3A_609[0] : i32 from vector<1xi32>
          %mul3A_611 = arith.constant 16 : i32
          %mul3A_612 = arith.muli %scan3A_518, %mul3A_611 : i32
          %add3A_613 = arith.constant 3 : i32
          %add3A_614 = arith.addi %mul3A_612, %add3A_613 : i32
          %get3A_615 = arith.constant 1 : i32
          %get3A_616 = arith.index_cast %get3A_615 : i32 to index
          %get3A_617 = arith.index_cast %add3A_614 : i32 to index
          %get3A_618 = arith.index_cast %squeeze3A_610 : i32 to index
          %get3A_619 = tpu.vector_load %arg8[%get3A_616, %get3A_617, %get3A_618] {strides = array<i32>} : memref<2x128x128xf32, #tpu.memory_space<vmem>>, vector<16xf32>,
          %swap3A_620 = arith.constant 1 : i32
          %swap3A_621 = arith.index_cast %swap3A_620 : i32 to index
          %swap3A_622 = arith.index_cast %add3A_614 : i32 to index
          %swap3A_623 = arith.constant 0 : index
          %swap3A_624 = tpu.vector_load %arg9[%swap3A_621, %swap3A_622, %swap3A_623] {strides = array<i32>} : memref<2x128x32xf32, #tpu.memory_space<vmem>>, vector<16xf32>,
          tpu.vector_store %arg9[%swap3A_621, %swap3A_622, %swap3A_623], %get3A_619 {strides = array<i32>} : memref<2x128x32xf32, #tpu.memory_space<vmem>>, vector<16xf32>,
          %add3A_625 = arith.constant 16 : i32
          %add3A_626 = arith.addi %squeeze3A_610, %add3A_625 : i32
          %get3A_627 = arith.constant 1 : i32
          %get3A_628 = arith.index_cast %get3A_627 : i32 to index
          %get3A_629 = arith.index_cast %add3A_614 : i32 to index
          %get3A_630 = arith.index_cast %add3A_626 : i32 to index
          %get3A_631 = tpu.vector_load %arg8[%get3A_628, %get3A_629, %get3A_630] {strides = array<i32>} : memref<2x128x128xf32, #tpu.memory_space<vmem>>, vector<16xf32>,
          %swap3A_632 = arith.constant 1 : i32
          %swap3A_633 = arith.index_cast %swap3A_632 : i32 to index
          %swap3A_634 = arith.index_cast %add3A_614 : i32 to index
          %swap3A_635 = arith.constant 16 : index
          %swap3A_636 = tpu.vector_load %arg9[%swap3A_633, %swap3A_634, %swap3A_635] {strides = array<i32>} : memref<2x128x32xf32, #tpu.memory_space<vmem>>, vector<16xf32>,
          tpu.vector_store %arg9[%swap3A_633, %swap3A_634, %swap3A_635], %get3A_631 {strides = array<i32>} : memref<2x128x32xf32, #tpu.memory_space<vmem>>, vector<16xf32>,
          %slice3A_637 = vector.extract_strided_slice %shift_left3A_527 {offsets = [4], sizes = [1], strides = [1]} : vector<16xi32> to vector<1xi32>
          %squeeze3A_638 = vector.extract %slice3A_637[0] : i32 from vector<1xi32>
          %mul3A_639 = arith.constant 16 : i32
          %mul3A_640 = arith.muli %scan3A_518, %mul3A_639 : i32
          %add3A_641 = arith.constant 4 : i32
          %add3A_642 = arith.addi %mul3A_640, %add3A_641 : i32
          %get3A_643 = arith.constant 1 : i32
          %get3A_644 = arith.index_cast %get3A_643 : i32 to index
          %get3A_645 = arith.index_cast %add3A_642 : i32 to index
          %get3A_646 = arith.index_cast %squeeze3A_638 : i32 to index
          %get3A_647 = tpu.vector_load %arg8[%get3A_644, %get3A_645, %get3A_646] {strides = array<i32>} : memref<2x128x128xf32, #tpu.memory_space<vmem>>, vector<16xf32>,
          %swap3A_648 = arith.constant 1 : i32
          %swap3A_649 = arith.index_cast %swap3A_648 : i32 to index
          %swap3A_650 = arith.index_cast %add3A_642 : i32 to index
          %swap3A_651 = arith.constant 0 : index
          %swap3A_652 = tpu.vector_load %arg9[%swap3A_649, %swap3A_650, %swap3A_651] {strides = array<i32>} : memref<2x128x32xf32, #tpu.memory_space<vmem>>, vector<16xf32>,
          tpu.vector_store %arg9[%swap3A_649, %swap3A_650, %swap3A_651], %get3A_647 {strides = array<i32>} : memref<2x128x32xf32, #tpu.memory_space<vmem>>, vector<16xf32>,
          %add3A_653 = arith.constant 16 : i32
          %add3A_654 = arith.addi %squeeze3A_638, %add3A_653 : i32
          %get3A_655 = arith.constant 1 : i32
          %get3A_656 = arith.index_cast %get3A_655 : i32 to index
          %get3A_657 = arith.index_cast %add3A_642 : i32 to index
          %get3A_658 = arith.index_cast %add3A_654 : i32 to index
          %get3A_659 = tpu.vector_load %arg8[%get3A_656, %get3A_657, %get3A_658] {strides = array<i32>} : memref<2x128x128xf32, #tpu.memory_space<vmem>>, vector<16xf32>,
          %swap3A_660 = arith.constant 1 : i32
          %swap3A_661 = arith.index_cast %swap3A_660 : i32 to index
          %swap3A_662 = arith.index_cast %add3A_642 : i32 to index
          %swap3A_663 = arith.constant 16 : index
          %swap3A_664 = tpu.vector_load %arg9[%swap3A_661, %swap3A_662, %swap3A_663] {strides = array<i32>} : memref<2x128x32xf32, #tpu.memory_space<vmem>>, vector<16xf32>,
          tpu.vector_store %arg9[%swap3A_661, %swap3A_662, %swap3A_663], %get3A_659 {strides = array<i32>} : memref<2x128x32xf32, #tpu.memory_space<vmem>>, vector<16xf32>,
          %slice3A_665 = vector.extract_strided_slice %shift_left3A_527 {offsets = [5], sizes = [1], strides = [1]} : vector<16xi32> to vector<1xi32>
          %squeeze3A_666 = vector.extract %slice3A_665[0] : i32 from vector<1xi32>
          %mul3A_667 = arith.constant 16 : i32
          %mul3A_668 = arith.muli %scan3A_518, %mul3A_667 : i32
          %add3A_669 = arith.constant 5 : i32
          %add3A_670 = arith.addi %mul3A_668, %add3A_669 : i32
          %get3A_671 = arith.constant 1 : i32
          %get3A_672 = arith.index_cast %get3A_671 : i32 to index
          %get3A_673 = arith.index_cast %add3A_670 : i32 to index
          %get3A_674 = arith.index_cast %squeeze3A_666 : i32 to index
          %get3A_675 = tpu.vector_load %arg8[%get3A_672, %get3A_673, %get3A_674] {strides = array<i32>} : memref<2x128x128xf32, #tpu.memory_space<vmem>>, vector<16xf32>,
          %swap3A_676 = arith.constant 1 : i32
          %swap3A_677 = arith.index_cast %swap3A_676 : i32 to index
          %swap3A_678 = arith.index_cast %add3A_670 : i32 to index
          %swap3A_679 = arith.constant 0 : index
          %swap3A_680 = tpu.vector_load %arg9[%swap3A_677, %swap3A_678, %swap3A_679] {strides = array<i32>} : memref<2x128x32xf32, #tpu.memory_space<vmem>>, vector<16xf32>,
          tpu.vector_store %arg9[%swap3A_677, %swap3A_678, %swap3A_679], %get3A_675 {strides = array<i32>} : memref<2x128x32xf32, #tpu.memory_space<vmem>>, vector<16xf32>,
          %add3A_681 = arith.constant 16 : i32
          %add3A_682 = arith.addi %squeeze3A_666, %add3A_681 : i32
          %get3A_683 = arith.constant 1 : i32
          %get3A_684 = arith.index_cast %get3A_683 : i32 to index
          %get3A_685 = arith.index_cast %add3A_670 : i32 to index
          %get3A_686 = arith.index_cast %add3A_682 : i32 to index
          %get3A_687 = tpu.vector_load %arg8[%get3A_684, %get3A_685, %get3A_686] {strides = array<i32>} : memref<2x128x128xf32, #tpu.memory_space<vmem>>, vector<16xf32>,
          %swap3A_688 = arith.constant 1 : i32
          %swap3A_689 = arith.index_cast %swap3A_688 : i32 to index
          %swap3A_690 = arith.index_cast %add3A_670 : i32 to index
          %swap3A_691 = arith.constant 16 : index
          %swap3A_692 = tpu.vector_load %arg9[%swap3A_689, %swap3A_690, %swap3A_691] {strides = array<i32>} : memref<2x128x32xf32, #tpu.memory_space<vmem>>, vector<16xf32>,
          tpu.vector_store %arg9[%swap3A_689, %swap3A_690, %swap3A_691], %get3A_687 {strides = array<i32>} : memref<2x128x32xf32, #tpu.memory_space<vmem>>, vector<16xf32>,
          %slice3A_693 = vector.extract_strided_slice %shift_left3A_527 {offsets = [6], sizes = [1], strides = [1]} : vector<16xi32> to vector<1xi32>
          %squeeze3A_694 = vector.extract %slice3A_693[0] : i32 from vector<1xi32>
          %mul3A_695 = arith.constant 16 : i32
          %mul3A_696 = arith.muli %scan3A_518, %mul3A_695 : i32
          %add3A_697 = arith.constant 6 : i32
          %add3A_698 = arith.addi %mul3A_696, %add3A_697 : i32
          %get3A_699 = arith.constant 1 : i32
          %get3A_700 = arith.index_cast %get3A_699 : i32 to index
          %get3A_701 = arith.index_cast %add3A_698 : i32 to index
          %get3A_702 = arith.index_cast %squeeze3A_694 : i32 to index
          %get3A_703 = tpu.vector_load %arg8[%get3A_700, %get3A_701, %get3A_702] {strides = array<i32>} : memref<2x128x128xf32, #tpu.memory_space<vmem>>, vector<16xf32>,
          %swap3A_704 = arith.constant 1 : i32
          %swap3A_705 = arith.index_cast %swap3A_704 : i32 to index
          %swap3A_706 = arith.index_cast %add3A_698 : i32 to index
          %swap3A_707 = arith.constant 0 : index
          %swap3A_708 = tpu.vector_load %arg9[%swap3A_705, %swap3A_706, %swap3A_707] {strides = array<i32>} : memref<2x128x32xf32, #tpu.memory_space<vmem>>, vector<16xf32>,
          tpu.vector_store %arg9[%swap3A_705, %swap3A_706, %swap3A_707], %get3A_703 {strides = array<i32>} : memref<2x128x32xf32, #tpu.memory_space<vmem>>, vector<16xf32>,
          %add3A_709 = arith.constant 16 : i32
          %add3A_710 = arith.addi %squeeze3A_694, %add3A_709 : i32
          %get3A_711 = arith.constant 1 : i32
          %get3A_712 = arith.index_cast %get3A_711 : i32 to index
          %get3A_713 = arith.index_cast %add3A_698 : i32 to index
          %get3A_714 = arith.index_cast %add3A_710 : i32 to index
          %get3A_715 = tpu.vector_load %arg8[%get3A_712, %get3A_713, %get3A_714] {strides = array<i32>} : memref<2x128x128xf32, #tpu.memory_space<vmem>>, vector<16xf32>,
          %swap3A_716 = arith.constant 1 : i32
          %swap3A_717 = arith.index_cast %swap3A_716 : i32 to index
          %swap3A_718 = arith.index_cast %add3A_698 : i32 to index
          %swap3A_719 = arith.constant 16 : index
          %swap3A_720 = tpu.vector_load %arg9[%swap3A_717, %swap3A_718, %swap3A_719] {strides = array<i32>} : memref<2x128x32xf32, #tpu.memory_space<vmem>>, vector<16xf32>,
          tpu.vector_store %arg9[%swap3A_717, %swap3A_718, %swap3A_719], %get3A_715 {strides = array<i32>} : memref<2x128x32xf32, #tpu.memory_space<vmem>>, vector<16xf32>,
          %slice3A_721 = vector.extract_strided_slice %shift_left3A_527 {offsets = [7], sizes = [1], strides = [1]} : vector<16xi32> to vector<1xi32>
          %squeeze3A_722 = vector.extract %slice3A_721[0] : i32 from vector<1xi32>
          %mul3A_723 = arith.constant 16 : i32
          %mul3A_724 = arith.muli %scan3A_518, %mul3A_723 : i32
          %add3A_725 = arith.constant 7 : i32
          %add3A_726 = arith.addi %mul3A_724, %add3A_725 : i32
          %get3A_727 = arith.constant 1 : i32
          %get3A_728 = arith.index_cast %get3A_727 : i32 to index
          %get3A_729 = arith.index_cast %add3A_726 : i32 to index
          %get3A_730 = arith.index_cast %squeeze3A_722 : i32 to index
          %get3A_731 = tpu.vector_load %arg8[%get3A_728, %get3A_729, %get3A_730] {strides = array<i32>} : memref<2x128x128xf32, #tpu.memory_space<vmem>>, vector<16xf32>,
          %swap3A_732 = arith.constant 1 : i32
          %swap3A_733 = arith.index_cast %swap3A_732 : i32 to index
          %swap3A_734 = arith.index_cast %add3A_726 : i32 to index
          %swap3A_735 = arith.constant 0 : index
          %swap3A_736 = tpu.vector_load %arg9[%swap3A_733, %swap3A_734, %swap3A_735] {strides = array<i32>} : memref<2x128x32xf32, #tpu.memory_space<vmem>>, vector<16xf32>,
          tpu.vector_store %arg9[%swap3A_733, %swap3A_734, %swap3A_735], %get3A_731 {strides = array<i32>} : memref<2x128x32xf32, #tpu.memory_space<vmem>>, vector<16xf32>,
          %add3A_737 = arith.constant 16 : i32
          %add3A_738 = arith.addi %squeeze3A_722, %add3A_737 : i32
          %get3A_739 = arith.constant 1 : i32
          %get3A_740 = arith.index_cast %get3A_739 : i32 to index
          %get3A_741 = arith.index_cast %add3A_726 : i32 to index
          %get3A_742 = arith.index_cast %add3A_738 : i32 to index
          %get3A_743 = tpu.vector_load %arg8[%get3A_740, %get3A_741, %get3A_742] {strides = array<i32>} : memref<2x128x128xf32, #tpu.memory_space<vmem>>, vector<16xf32>,
          %swap3A_744 = arith.constant 1 : i32
          %swap3A_745 = arith.index_cast %swap3A_744 : i32 to index
          %swap3A_746 = arith.index_cast %add3A_726 : i32 to index
          %swap3A_747 = arith.constant 16 : index
          %swap3A_748 = tpu.vector_load %arg9[%swap3A_745, %swap3A_746, %swap3A_747] {strides = array<i32>} : memref<2x128x32xf32, #tpu.memory_space<vmem>>, vector<16xf32>,
          tpu.vector_store %arg9[%swap3A_745, %swap3A_746, %swap3A_747], %get3A_743 {strides = array<i32>} : memref<2x128x32xf32, #tpu.memory_space<vmem>>, vector<16xf32>,
          %slice3A_749 = vector.extract_strided_slice %shift_left3A_527 {offsets = [8], sizes = [1], strides = [1]} : vector<16xi32> to vector<1xi32>
          %squeeze3A_750 = vector.extract %slice3A_749[0] : i32 from vector<1xi32>
          %mul3A_751 = arith.constant 16 : i32
          %mul3A_752 = arith.muli %scan3A_518, %mul3A_751 : i32
          %add3A_753 = arith.constant 8 : i32
          %add3A_754 = arith.addi %mul3A_752, %add3A_753 : i32
          %get3A_755 = arith.constant 1 : i32
          %get3A_756 = arith.index_cast %get3A_755 : i32 to index
          %get3A_757 = arith.index_cast %add3A_754 : i32 to index
          %get3A_758 = arith.index_cast %squeeze3A_750 : i32 to index
          %get3A_759 = tpu.vector_load %arg8[%get3A_756, %get3A_757, %get3A_758] {strides = array<i32>} : memref<2x128x128xf32, #tpu.memory_space<vmem>>, vector<16xf32>,
          %swap3A_760 = arith.constant 1 : i32
          %swap3A_761 = arith.index_cast %swap3A_760 : i32 to index
          %swap3A_762 = arith.index_cast %add3A_754 : i32 to index
          %swap3A_763 = arith.constant 0 : index
          %swap3A_764 = tpu.vector_load %arg9[%swap3A_761, %swap3A_762, %swap3A_763] {strides = array<i32>} : memref<2x128x32xf32, #tpu.memory_space<vmem>>, vector<16xf32>,
          tpu.vector_store %arg9[%swap3A_761, %swap3A_762, %swap3A_763], %get3A_759 {strides = array<i32>} : memref<2x128x32xf32, #tpu.memory_space<vmem>>, vector<16xf32>,
          %add3A_765 = arith.constant 16 : i32
          %add3A_766 = arith.addi %squeeze3A_750, %add3A_765 : i32
          %get3A_767 = arith.constant 1 : i32
          %get3A_768 = arith.index_cast %get3A_767 : i32 to index
          %get3A_769 = arith.index_cast %add3A_754 : i32 to index
          %get3A_770 = arith.index_cast %add3A_766 : i32 to index
          %get3A_771 = tpu.vector_load %arg8[%get3A_768, %get3A_769, %get3A_770] {strides = array<i32>} : memref<2x128x128xf32, #tpu.memory_space<vmem>>, vector<16xf32>,
          %swap3A_772 = arith.constant 1 : i32
          %swap3A_773 = arith.index_cast %swap3A_772 : i32 to index
          %swap3A_774 = arith.index_cast %add3A_754 : i32 to index
          %swap3A_775 = arith.constant 16 : index
          %swap3A_776 = tpu.vector_load %arg9[%swap3A_773, %swap3A_774, %swap3A_775] {strides = array<i32>} : memref<2x128x32xf32, #tpu.memory_space<vmem>>, vector<16xf32>,
          tpu.vector_store %arg9[%swap3A_773, %swap3A_774, %swap3A_775], %get3A_771 {strides = array<i32>} : memref<2x128x32xf32, #tpu.memory_space<vmem>>, vector<16xf32>,
          %slice3A_777 = vector.extract_strided_slice %shift_left3A_527 {offsets = [9], sizes = [1], strides = [1]} : vector<16xi32> to vector<1xi32>
          %squeeze3A_778 = vector.extract %slice3A_777[0] : i32 from vector<1xi32>
          %mul3A_779 = arith.constant 16 : i32
          %mul3A_780 = arith.muli %scan3A_518, %mul3A_779 : i32
          %add3A_781 = arith.constant 9 : i32
          %add3A_782 = arith.addi %mul3A_780, %add3A_781 : i32
          %get3A_783 = arith.constant 1 : i32
          %get3A_784 = arith.index_cast %get3A_783 : i32 to index
          %get3A_785 = arith.index_cast %add3A_782 : i32 to index
          %get3A_786 = arith.index_cast %squeeze3A_778 : i32 to index
          %get3A_787 = tpu.vector_load %arg8[%get3A_784, %get3A_785, %get3A_786] {strides = array<i32>} : memref<2x128x128xf32, #tpu.memory_space<vmem>>, vector<16xf32>,
          %swap3A_788 = arith.constant 1 : i32
          %swap3A_789 = arith.index_cast %swap3A_788 : i32 to index
          %swap3A_790 = arith.index_cast %add3A_782 : i32 to index
          %swap3A_791 = arith.constant 0 : index
          %swap3A_792 = tpu.vector_load %arg9[%swap3A_789, %swap3A_790, %swap3A_791] {strides = array<i32>} : memref<2x128x32xf32, #tpu.memory_space<vmem>>, vector<16xf32>,
          tpu.vector_store %arg9[%swap3A_789, %swap3A_790, %swap3A_791], %get3A_787 {strides = array<i32>} : memref<2x128x32xf32, #tpu.memory_space<vmem>>, vector<16xf32>,
          %add3A_793 = arith.constant 16 : i32
          %add3A_794 = arith.addi %squeeze3A_778, %add3A_793 : i32
          %get3A_795 = arith.constant 1 : i32
          %get3A_796 = arith.index_cast %get3A_795 : i32 to index
          %get3A_797 = arith.index_cast %add3A_782 : i32 to index
          %get3A_798 = arith.index_cast %add3A_794 : i32 to index
          %get3A_799 = tpu.vector_load %arg8[%get3A_796, %get3A_797, %get3A_798] {strides = array<i32>} : memref<2x128x128xf32, #tpu.memory_space<vmem>>, vector<16xf32>,
          %swap3A_800 = arith.constant 1 : i32
          %swap3A_801 = arith.index_cast %swap3A_800 : i32 to index
          %swap3A_802 = arith.index_cast %add3A_782 : i32 to index
          %swap3A_803 = arith.constant 16 : index
          %swap3A_804 = tpu.vector_load %arg9[%swap3A_801, %swap3A_802, %swap3A_803] {strides = array<i32>} : memref<2x128x32xf32, #tpu.memory_space<vmem>>, vector<16xf32>,
          tpu.vector_store %arg9[%swap3A_801, %swap3A_802, %swap3A_803], %get3A_799 {strides = array<i32>} : memref<2x128x32xf32, #tpu.memory_space<vmem>>, vector<16xf32>,
          %slice3A_805 = vector.extract_strided_slice %shift_left3A_527 {offsets = [10], sizes = [1], strides = [1]} : vector<16xi32> to vector<1xi32>
          %squeeze3A_806 = vector.extract %slice3A_805[0] : i32 from vector<1xi32>
          %mul3A_807 = arith.constant 16 : i32
          %mul3A_808 = arith.muli %scan3A_518, %mul3A_807 : i32
          %add3A_809 = arith.constant 10 : i32
          %add3A_810 = arith.addi %mul3A_808, %add3A_809 : i32
          %get3A_811 = arith.constant 1 : i32
          %get3A_812 = arith.index_cast %get3A_811 : i32 to index
          %get3A_813 = arith.index_cast %add3A_810 : i32 to index
          %get3A_814 = arith.index_cast %squeeze3A_806 : i32 to index
          %get3A_815 = tpu.vector_load %arg8[%get3A_812, %get3A_813, %get3A_814] {strides = array<i32>} : memref<2x128x128xf32, #tpu.memory_space<vmem>>, vector<16xf32>,
          %swap3A_816 = arith.constant 1 : i32
          %swap3A_817 = arith.index_cast %swap3A_816 : i32 to index
          %swap3A_818 = arith.index_cast %add3A_810 : i32 to index
          %swap3A_819 = arith.constant 0 : index
          %swap3A_820 = tpu.vector_load %arg9[%swap3A_817, %swap3A_818, %swap3A_819] {strides = array<i32>} : memref<2x128x32xf32, #tpu.memory_space<vmem>>, vector<16xf32>,
          tpu.vector_store %arg9[%swap3A_817, %swap3A_818, %swap3A_819], %get3A_815 {strides = array<i32>} : memref<2x128x32xf32, #tpu.memory_space<vmem>>, vector<16xf32>,
          %add3A_821 = arith.constant 16 : i32
          %add3A_822 = arith.addi %squeeze3A_806, %add3A_821 : i32
          %get3A_823 = arith.constant 1 : i32
          %get3A_824 = arith.index_cast %get3A_823 : i32 to index
          %get3A_825 = arith.index_cast %add3A_810 : i32 to index
          %get3A_826 = arith.index_cast %add3A_822 : i32 to index
          %get3A_827 = tpu.vector_load %arg8[%get3A_824, %get3A_825, %get3A_826] {strides = array<i32>} : memref<2x128x128xf32, #tpu.memory_space<vmem>>, vector<16xf32>,
          %swap3A_828 = arith.constant 1 : i32
          %swap3A_829 = arith.index_cast %swap3A_828 : i32 to index
          %swap3A_830 = arith.index_cast %add3A_810 : i32 to index
          %swap3A_831 = arith.constant 16 : index
          %swap3A_832 = tpu.vector_load %arg9[%swap3A_829, %swap3A_830, %swap3A_831] {strides = array<i32>} : memref<2x128x32xf32, #tpu.memory_space<vmem>>, vector<16xf32>,
          tpu.vector_store %arg9[%swap3A_829, %swap3A_830, %swap3A_831], %get3A_827 {strides = array<i32>} : memref<2x128x32xf32, #tpu.memory_space<vmem>>, vector<16xf32>,
          %slice3A_833 = vector.extract_strided_slice %shift_left3A_527 {offsets = [11], sizes = [1], strides = [1]} : vector<16xi32> to vector<1xi32>
          %squeeze3A_834 = vector.extract %slice3A_833[0] : i32 from vector<1xi32>
          %mul3A_835 = arith.constant 16 : i32
          %mul3A_836 = arith.muli %scan3A_518, %mul3A_835 : i32
          %add3A_837 = arith.constant 11 : i32
          %add3A_838 = arith.addi %mul3A_836, %add3A_837 : i32
          %get3A_839 = arith.constant 1 : i32
          %get3A_840 = arith.index_cast %get3A_839 : i32 to index
          %get3A_841 = arith.index_cast %add3A_838 : i32 to index
          %get3A_842 = arith.index_cast %squeeze3A_834 : i32 to index
          %get3A_843 = tpu.vector_load %arg8[%get3A_840, %get3A_841, %get3A_842] {strides = array<i32>} : memref<2x128x128xf32, #tpu.memory_space<vmem>>, vector<16xf32>,
          %swap3A_844 = arith.constant 1 : i32
          %swap3A_845 = arith.index_cast %swap3A_844 : i32 to index
          %swap3A_846 = arith.index_cast %add3A_838 : i32 to index
          %swap3A_847 = arith.constant 0 : index
          %swap3A_848 = tpu.vector_load %arg9[%swap3A_845, %swap3A_846, %swap3A_847] {strides = array<i32>} : memref<2x128x32xf32, #tpu.memory_space<vmem>>, vector<16xf32>,
          tpu.vector_store %arg9[%swap3A_845, %swap3A_846, %swap3A_847], %get3A_843 {strides = array<i32>} : memref<2x128x32xf32, #tpu.memory_space<vmem>>, vector<16xf32>,
          %add3A_849 = arith.constant 16 : i32
          %add3A_850 = arith.addi %squeeze3A_834, %add3A_849 : i32
          %get3A_851 = arith.constant 1 : i32
          %get3A_852 = arith.index_cast %get3A_851 : i32 to index
          %get3A_853 = arith.index_cast %add3A_838 : i32 to index
          %get3A_854 = arith.index_cast %add3A_850 : i32 to index
          %get3A_855 = tpu.vector_load %arg8[%get3A_852, %get3A_853, %get3A_854] {strides = array<i32>} : memref<2x128x128xf32, #tpu.memory_space<vmem>>, vector<16xf32>,
          %swap3A_856 = arith.constant 1 : i32
          %swap3A_857 = arith.index_cast %swap3A_856 : i32 to index
          %swap3A_858 = arith.index_cast %add3A_838 : i32 to index
          %swap3A_859 = arith.constant 16 : index
          %swap3A_860 = tpu.vector_load %arg9[%swap3A_857, %swap3A_858, %swap3A_859] {strides = array<i32>} : memref<2x128x32xf32, #tpu.memory_space<vmem>>, vector<16xf32>,
          tpu.vector_store %arg9[%swap3A_857, %swap3A_858, %swap3A_859], %get3A_855 {strides = array<i32>} : memref<2x128x32xf32, #tpu.memory_space<vmem>>, vector<16xf32>,
          %slice3A_861 = vector.extract_strided_slice %shift_left3A_527 {offsets = [12], sizes = [1], strides = [1]} : vector<16xi32> to vector<1xi32>
          %squeeze3A_862 = vector.extract %slice3A_861[0] : i32 from vector<1xi32>
          %mul3A_863 = arith.constant 16 : i32
          %mul3A_864 = arith.muli %scan3A_518, %mul3A_863 : i32
          %add3A_865 = arith.constant 12 : i32
          %add3A_866 = arith.addi %mul3A_864, %add3A_865 : i32
          %get3A_867 = arith.constant 1 : i32
          %get3A_868 = arith.index_cast %get3A_867 : i32 to index
          %get3A_869 = arith.index_cast %add3A_866 : i32 to index
          %get3A_870 = arith.index_cast %squeeze3A_862 : i32 to index
          %get3A_871 = tpu.vector_load %arg8[%get3A_868, %get3A_869, %get3A_870] {strides = array<i32>} : memref<2x128x128xf32, #tpu.memory_space<vmem>>, vector<16xf32>,
          %swap3A_872 = arith.constant 1 : i32
          %swap3A_873 = arith.index_cast %swap3A_872 : i32 to index
          %swap3A_874 = arith.index_cast %add3A_866 : i32 to index
          %swap3A_875 = arith.constant 0 : index
          %swap3A_876 = tpu.vector_load %arg9[%swap3A_873, %swap3A_874, %swap3A_875] {strides = array<i32>} : memref<2x128x32xf32, #tpu.memory_space<vmem>>, vector<16xf32>,
          tpu.vector_store %arg9[%swap3A_873, %swap3A_874, %swap3A_875], %get3A_871 {strides = array<i32>} : memref<2x128x32xf32, #tpu.memory_space<vmem>>, vector<16xf32>,
          %add3A_877 = arith.constant 16 : i32
          %add3A_878 = arith.addi %squeeze3A_862, %add3A_877 : i32
          %get3A_879 = arith.constant 1 : i32
          %get3A_880 = arith.index_cast %get3A_879 : i32 to index
          %get3A_881 = arith.index_cast %add3A_866 : i32 to index
          %get3A_882 = arith.index_cast %add3A_878 : i32 to index
          %get3A_883 = tpu.vector_load %arg8[%get3A_880, %get3A_881, %get3A_882] {strides = array<i32>} : memref<2x128x128xf32, #tpu.memory_space<vmem>>, vector<16xf32>,
          %swap3A_884 = arith.constant 1 : i32
          %swap3A_885 = arith.index_cast %swap3A_884 : i32 to index
          %swap3A_886 = arith.index_cast %add3A_866 : i32 to index
          %swap3A_887 = arith.constant 16 : index
          %swap3A_888 = tpu.vector_load %arg9[%swap3A_885, %swap3A_886, %swap3A_887] {strides = array<i32>} : memref<2x128x32xf32, #tpu.memory_space<vmem>>, vector<16xf32>,
          tpu.vector_store %arg9[%swap3A_885, %swap3A_886, %swap3A_887], %get3A_883 {strides = array<i32>} : memref<2x128x32xf32, #tpu.memory_space<vmem>>, vector<16xf32>,
          %slice3A_889 = vector.extract_strided_slice %shift_left3A_527 {offsets = [13], sizes = [1], strides = [1]} : vector<16xi32> to vector<1xi32>
          %squeeze3A_890 = vector.extract %slice3A_889[0] : i32 from vector<1xi32>
          %mul3A_891 = arith.constant 16 : i32
          %mul3A_892 = arith.muli %scan3A_518, %mul3A_891 : i32
          %add3A_893 = arith.constant 13 : i32
          %add3A_894 = arith.addi %mul3A_892, %add3A_893 : i32
          %get3A_895 = arith.constant 1 : i32
          %get3A_896 = arith.index_cast %get3A_895 : i32 to index
          %get3A_897 = arith.index_cast %add3A_894 : i32 to index
          %get3A_898 = arith.index_cast %squeeze3A_890 : i32 to index
          %get3A_899 = tpu.vector_load %arg8[%get3A_896, %get3A_897, %get3A_898] {strides = array<i32>} : memref<2x128x128xf32, #tpu.memory_space<vmem>>, vector<16xf32>,
          %swap3A_900 = arith.constant 1 : i32
          %swap3A_901 = arith.index_cast %swap3A_900 : i32 to index
          %swap3A_902 = arith.index_cast %add3A_894 : i32 to index
          %swap3A_903 = arith.constant 0 : index
          %swap3A_904 = tpu.vector_load %arg9[%swap3A_901, %swap3A_902, %swap3A_903] {strides = array<i32>} : memref<2x128x32xf32, #tpu.memory_space<vmem>>, vector<16xf32>,
          tpu.vector_store %arg9[%swap3A_901, %swap3A_902, %swap3A_903], %get3A_899 {strides = array<i32>} : memref<2x128x32xf32, #tpu.memory_space<vmem>>, vector<16xf32>,
          %add3A_905 = arith.constant 16 : i32
          %add3A_906 = arith.addi %squeeze3A_890, %add3A_905 : i32
          %get3A_907 = arith.constant 1 : i32
          %get3A_908 = arith.index_cast %get3A_907 : i32 to index
          %get3A_909 = arith.index_cast %add3A_894 : i32 to index
          %get3A_910 = arith.index_cast %add3A_906 : i32 to index
          %get3A_911 = tpu.vector_load %arg8[%get3A_908, %get3A_909, %get3A_910] {strides = array<i32>} : memref<2x128x128xf32, #tpu.memory_space<vmem>>, vector<16xf32>,
          %swap3A_912 = arith.constant 1 : i32
          %swap3A_913 = arith.index_cast %swap3A_912 : i32 to index
          %swap3A_914 = arith.index_cast %add3A_894 : i32 to index
          %swap3A_915 = arith.constant 16 : index
          %swap3A_916 = tpu.vector_load %arg9[%swap3A_913, %swap3A_914, %swap3A_915] {strides = array<i32>} : memref<2x128x32xf32, #tpu.memory_space<vmem>>, vector<16xf32>,
          tpu.vector_store %arg9[%swap3A_913, %swap3A_914, %swap3A_915], %get3A_911 {strides = array<i32>} : memref<2x128x32xf32, #tpu.memory_space<vmem>>, vector<16xf32>,
          %slice3A_917 = vector.extract_strided_slice %shift_left3A_527 {offsets = [14], sizes = [1], strides = [1]} : vector<16xi32> to vector<1xi32>
          %squeeze3A_918 = vector.extract %slice3A_917[0] : i32 from vector<1xi32>
          %mul3A_919 = arith.constant 16 : i32
          %mul3A_920 = arith.muli %scan3A_518, %mul3A_919 : i32
          %add3A_921 = arith.constant 14 : i32
          %add3A_922 = arith.addi %mul3A_920, %add3A_921 : i32
          %get3A_923 = arith.constant 1 : i32
          %get3A_924 = arith.index_cast %get3A_923 : i32 to index
          %get3A_925 = arith.index_cast %add3A_922 : i32 to index
          %get3A_926 = arith.index_cast %squeeze3A_918 : i32 to index
          %get3A_927 = tpu.vector_load %arg8[%get3A_924, %get3A_925, %get3A_926] {strides = array<i32>} : memref<2x128x128xf32, #tpu.memory_space<vmem>>, vector<16xf32>,
          %swap3A_928 = arith.constant 1 : i32
          %swap3A_929 = arith.index_cast %swap3A_928 : i32 to index
          %swap3A_930 = arith.index_cast %add3A_922 : i32 to index
          %swap3A_931 = arith.constant 0 : index
          %swap3A_932 = tpu.vector_load %arg9[%swap3A_929, %swap3A_930, %swap3A_931] {strides = array<i32>} : memref<2x128x32xf32, #tpu.memory_space<vmem>>, vector<16xf32>,
          tpu.vector_store %arg9[%swap3A_929, %swap3A_930, %swap3A_931], %get3A_927 {strides = array<i32>} : memref<2x128x32xf32, #tpu.memory_space<vmem>>, vector<16xf32>,
          %add3A_933 = arith.constant 16 : i32
          %add3A_934 = arith.addi %squeeze3A_918, %add3A_933 : i32
          %get3A_935 = arith.constant 1 : i32
          %get3A_936 = arith.index_cast %get3A_935 : i32 to index
          %get3A_937 = arith.index_cast %add3A_922 : i32 to index
          %get3A_938 = arith.index_cast %add3A_934 : i32 to index
          %get3A_939 = tpu.vector_load %arg8[%get3A_936, %get3A_937, %get3A_938] {strides = array<i32>} : memref<2x128x128xf32, #tpu.memory_space<vmem>>, vector<16xf32>,
          %swap3A_940 = arith.constant 1 : i32
          %swap3A_941 = arith.index_cast %swap3A_940 : i32 to index
          %swap3A_942 = arith.index_cast %add3A_922 : i32 to index
          %swap3A_943 = arith.constant 16 : index
          %swap3A_944 = tpu.vector_load %arg9[%swap3A_941, %swap3A_942, %swap3A_943] {strides = array<i32>} : memref<2x128x32xf32, #tpu.memory_space<vmem>>, vector<16xf32>,
          tpu.vector_store %arg9[%swap3A_941, %swap3A_942, %swap3A_943], %get3A_939 {strides = array<i32>} : memref<2x128x32xf32, #tpu.memory_space<vmem>>, vector<16xf32>,
          %slice3A_945 = vector.extract_strided_slice %shift_left3A_527 {offsets = [15], sizes = [1], strides = [1]} : vector<16xi32> to vector<1xi32>
          %squeeze3A_946 = vector.extract %slice3A_945[0] : i32 from vector<1xi32>
          %mul3A_947 = arith.constant 16 : i32
          %mul3A_948 = arith.muli %scan3A_518, %mul3A_947 : i32
          %add3A_949 = arith.constant 15 : i32
          %add3A_950 = arith.addi %mul3A_948, %add3A_949 : i32
          %get3A_951 = arith.constant 1 : i32
          %get3A_952 = arith.index_cast %get3A_951 : i32 to index
          %get3A_953 = arith.index_cast %add3A_950 : i32 to index
          %get3A_954 = arith.index_cast %squeeze3A_946 : i32 to index
          %get3A_955 = tpu.vector_load %arg8[%get3A_952, %get3A_953, %get3A_954] {strides = array<i32>} : memref<2x128x128xf32, #tpu.memory_space<vmem>>, vector<16xf32>,
          %swap3A_956 = arith.constant 1 : i32
          %swap3A_957 = arith.index_cast %swap3A_956 : i32 to index
          %swap3A_958 = arith.index_cast %add3A_950 : i32 to index
          %swap3A_959 = arith.constant 0 : index
          %swap3A_960 = tpu.vector_load %arg9[%swap3A_957, %swap3A_958, %swap3A_959] {strides = array<i32>} : memref<2x128x32xf32, #tpu.memory_space<vmem>>, vector<16xf32>,
          tpu.vector_store %arg9[%swap3A_957, %swap3A_958, %swap3A_959], %get3A_955 {strides = array<i32>} : memref<2x128x32xf32, #tpu.memory_space<vmem>>, vector<16xf32>,
          %add3A_961 = arith.constant 16 : i32
          %add3A_962 = arith.addi %squeeze3A_946, %add3A_961 : i32
          %get3A_963 = arith.constant 1 : i32
          %get3A_964 = arith.index_cast %get3A_963 : i32 to index
          %get3A_965 = arith.index_cast %add3A_950 : i32 to index
          %get3A_966 = arith.index_cast %add3A_962 : i32 to index
          %get3A_967 = tpu.vector_load %arg8[%get3A_964, %get3A_965, %get3A_966] {strides = array<i32>} : memref<2x128x128xf32, #tpu.memory_space<vmem>>, vector<16xf32>,
          %swap3A_968 = arith.constant 1 : i32
          %swap3A_969 = arith.index_cast %swap3A_968 : i32 to index
          %swap3A_970 = arith.index_cast %add3A_950 : i32 to index
          %swap3A_971 = arith.constant 16 : index
          %swap3A_972 = tpu.vector_load %arg9[%swap3A_969, %swap3A_970, %swap3A_971] {strides = array<i32>} : memref<2x128x32xf32, #tpu.memory_space<vmem>>, vector<16xf32>,
          tpu.vector_store %arg9[%swap3A_969, %swap3A_970, %swap3A_971], %get3A_967 {strides = array<i32>} : memref<2x128x32xf32, #tpu.memory_space<vmem>>, vector<16xf32>,
        }
        %scan3A_496 = arith.constant 8 : i32
        %sub3A = arith.constant 1 : i32
        %sub3A_497 = arith.subi %add3A_175, %sub3A : i32
        %mul3A_498 = arith.constant 128 : i32
        %mul3A_499 = arith.muli %sub3A_497, %mul3A_498 : i32
        %add3A_500 = arith.addi %mul3A_2, %mul3A_499 : i32
        %multiple_of3A_501 = tpu.assume_multiple %add3A_500, 128 : i32
        %dma_start3A_502 = arith.constant 1 : i32
        %dma_start3A_503 = arith.constant 1 : i32
        %dma_start3A_504 = arith.constant 0 : i32
        %dma_start3A_505 = arith.constant 0 : i32
        %dma_start3A_506 = tpu.memref_slice %arg9[%dma_start3A_502, %dma_start3A_504, %dma_start3A_505] : memref<2x128x32xf32, #tpu.memory_space<vmem>> -> memref<1x128x32xf32, #tpu.memory_space<vmem>>
        %dma_start3A_507 = tpu.memref_squeeze %dma_start3A_506 : memref<1x128x32xf32, #tpu.memory_space<vmem>> -> memref<128x32xf32, #tpu.memory_space<vmem>>
        %dma_start3A_508 = arith.constant 0 : i32
        %dma_start3A_509 = tpu.memref_slice %arg5[%multiple_of3A_501, %dma_start3A_508] : memref<3276800x32xf32, #tpu.memory_space<hbm>> -> memref<128x32xf32, #tpu.memory_space<hbm>>
        %dma_start3A_510 = tpu.memref_slice %arg13[%dma_start3A_503] : memref<2x!tpu.dma_semaphore, #tpu.memory_space<semaphore_mem>> -> memref<1x!tpu.dma_semaphore, #tpu.memory_space<semaphore_mem>>
        %dma_start3A_511 = tpu.memref_squeeze %dma_start3A_510 : memref<1x!tpu.dma_semaphore, #tpu.memory_space<semaphore_mem>> -> memref<!tpu.dma_semaphore, #tpu.memory_space<semaphore_mem>>
        %dma_start3A_512 = arith.constant 0 : i32
        %dma_start3A_513 = tpu.memref_slice %arg5[%multiple_of3A_501, %dma_start3A_512] : memref<3276800x32xf32, #tpu.memory_space<hbm>> -> memref<128x32xf32, #tpu.memory_space<hbm>>
        %dma_start3A_514 = arith.constant 0 : i32
        %dma_start3A_515 = arith.constant 0 : i32
        %dma_start3A_516 = tpu.memref_slice %arg9[%dma_start3A_502, %dma_start3A_514, %dma_start3A_515] : memref<2x128x32xf32, #tpu.memory_space<vmem>> -> memref<1x128x32xf32, #tpu.memory_space<vmem>>
        %dma_start3A_517 = tpu.memref_squeeze %dma_start3A_516 : memref<1x128x32xf32, #tpu.memory_space<vmem>> -> memref<128x32xf32, #tpu.memory_space<vmem>>
        tpu.enqueue_dma source(%dma_start3A_517 : memref<128x32xf32, #tpu.memory_space<vmem>>) target(%dma_start3A_513 : memref<128x32xf32, #tpu.memory_space<hbm>>) target_semaphore(%dma_start3A_511 : memref<!tpu.dma_semaphore, #tpu.memory_space<semaphore_mem>>)
      } else {
      }
      %mul3A_240 = arith.constant 4 : i32
      %mul3A_241 = arith.muli %mul3A_240, %scan3A_171 : i32
      %add3A_242 = arith.constant 1 : i32
      %add3A_243 = arith.addi %mul3A_241, %add3A_242 : i32
      %multiple_of3A_244 = tpu.assume_multiple %mul3A_2, 128 : i32
      %dma_wait3A_245 = arith.constant 1 : i32
      %dma_wait3A_246 = arith.constant 1 : i32
      %dma_wait3A_247 = arith.constant 0 : i32
      %dma_wait3A_248 = tpu.memref_slice %arg6[%dma_wait3A_245, %dma_wait3A_247] : memref<4x128xi32, #tpu.memory_space<vmem>> -> memref<1x128xi32, #tpu.memory_space<vmem>>
      %dma_wait3A_249 = tpu.memref_squeeze %dma_wait3A_248 : memref<1x128xi32, #tpu.memory_space<vmem>> -> memref<128xi32, #tpu.memory_space<vmem>>
      %dma_wait3A_250 = tpu.memref_slice %arg2[%multiple_of3A_244] : memref<3276800xi32, #tpu.memory_space<hbm>> -> memref<128xi32, #tpu.memory_space<hbm>>
      %dma_wait3A_251 = tpu.memref_slice %arg10[%dma_wait3A_246] : memref<4x!tpu.dma_semaphore, #tpu.memory_space<semaphore_mem>> -> memref<1x!tpu.dma_semaphore, #tpu.memory_space<semaphore_mem>>
      %dma_wait3A_252 = tpu.memref_squeeze %dma_wait3A_251 : memref<1x!tpu.dma_semaphore, #tpu.memory_space<semaphore_mem>> -> memref<!tpu.dma_semaphore, #tpu.memory_space<semaphore_mem>>
      %dma_wait3A_253 = arith.constant 0 : i32
      %dma_wait3A_254 = tpu.memref_slice %arg6[%dma_wait3A_245, %dma_wait3A_253] : memref<4x128xi32, #tpu.memory_space<vmem>> -> memref<1x128xi32, #tpu.memory_space<vmem>>
      %dma_wait3A_255 = tpu.memref_squeeze %dma_wait3A_254 : memref<1x128xi32, #tpu.memory_space<vmem>> -> memref<128xi32, #tpu.memory_space<vmem>>
      %dma_wait3A_256 = tpu.memref_slice %arg2[%multiple_of3A_244] : memref<3276800xi32, #tpu.memory_space<hbm>> -> memref<128xi32, #tpu.memory_space<hbm>>
      tpu.wait_dma2 semaphore(%dma_wait3A_252 : memref<!tpu.dma_semaphore, #tpu.memory_space<semaphore_mem>>) src(%dma_wait3A_256 : memref<128xi32, #tpu.memory_space<hbm>>) dst(%dma_wait3A_255 : memref<128xi32, #tpu.memory_space<vmem>>)
      %multiple_of3A_257 = tpu.assume_multiple %mul3A_2, 128 : i32
      %dma_wait3A_258 = arith.constant 1 : i32
      %dma_wait3A_259 = arith.constant 1 : i32
      %dma_wait3A_260 = arith.constant 0 : i32
      %dma_wait3A_261 = tpu.memref_slice %arg7[%dma_wait3A_258, %dma_wait3A_260] : memref<4x128xi32, #tpu.memory_space<vmem>> -> memref<1x128xi32, #tpu.memory_space<vmem>>
      %dma_wait3A_262 = tpu.memref_squeeze %dma_wait3A_261 : memref<1x128xi32, #tpu.memory_space<vmem>> -> memref<128xi32, #tpu.memory_space<vmem>>
      %dma_wait3A_263 = tpu.memref_slice %arg3[%multiple_of3A_257] : memref<3276800xi32, #tpu.memory_space<hbm>> -> memref<128xi32, #tpu.memory_space<hbm>>
      %dma_wait3A_264 = tpu.memref_slice %arg11[%dma_wait3A_259] : memref<4x!tpu.dma_semaphore, #tpu.memory_space<semaphore_mem>> -> memref<1x!tpu.dma_semaphore, #tpu.memory_space<semaphore_mem>>
      %dma_wait3A_265 = tpu.memref_squeeze %dma_wait3A_264 : memref<1x!tpu.dma_semaphore, #tpu.memory_space<semaphore_mem>> -> memref<!tpu.dma_semaphore, #tpu.memory_space<semaphore_mem>>
      %dma_wait3A_266 = arith.constant 0 : i32
      %dma_wait3A_267 = tpu.memref_slice %arg7[%dma_wait3A_258, %dma_wait3A_266] : memref<4x128xi32, #tpu.memory_space<vmem>> -> memref<1x128xi32, #tpu.memory_space<vmem>>
      %dma_wait3A_268 = tpu.memref_squeeze %dma_wait3A_267 : memref<1x128xi32, #tpu.memory_space<vmem>> -> memref<128xi32, #tpu.memory_space<vmem>>
      %dma_wait3A_269 = tpu.memref_slice %arg3[%multiple_of3A_257] : memref<3276800xi32, #tpu.memory_space<hbm>> -> memref<128xi32, #tpu.memory_space<hbm>>
      tpu.wait_dma2 semaphore(%dma_wait3A_265 : memref<!tpu.dma_semaphore, #tpu.memory_space<semaphore_mem>>) src(%dma_wait3A_269 : memref<128xi32, #tpu.memory_space<hbm>>) dst(%dma_wait3A_268 : memref<128xi32, #tpu.memory_space<vmem>>)
      %dma_start3A_270 = arith.constant 1 : i32
      %dma_start3A_271 = arith.constant 1 : i32
      %dma_start3A_272 = arith.constant 1 : i32
      %dma_start3A_273 = arith.constant 0 : i32
      %dma_start3A_274 = arith.constant 0 : i32
      %dma_start3A_275 = tpu.memref_slice %arg8[%dma_start3A_271, %dma_start3A_273, %dma_start3A_274] : memref<2x128x128xf32, #tpu.memory_space<vmem>> -> memref<1x64x128xf32, #tpu.memory_space<vmem>>
      %dma_start3A_276 = tpu.memref_squeeze %dma_start3A_275 : memref<1x64x128xf32, #tpu.memory_space<vmem>> -> memref<64x128xf32, #tpu.memory_space<vmem>>
      %dma_start3A_277 = arith.constant 0 : i32
      %dma_start3A_278 = tpu.memref_slice %arg7[%dma_start3A_270, %dma_start3A_277] : memref<4x128xi32, #tpu.memory_space<vmem>> -> memref<1x64xi32, #tpu.memory_space<vmem>>
      %dma_start3A_279 = tpu.memref_squeeze %dma_start3A_278 : memref<1x64xi32, #tpu.memory_space<vmem>> -> memref<64xi32, #tpu.memory_space<vmem>>
      %dma_start3A_280 = arith.constant 0 : i32
      %dma_start3A_281 = arith.constant 0 : i32
      %dma_start3A_282 = tpu.memref_slice %arg4[%dma_start3A_280, %dma_start3A_281] : memref<250000x128xf32, #tpu.memory_space<hbm>> -> memref<250000x128xf32, #tpu.memory_space<hbm>>
      %dma_start3A_283 = tpu.memref_slice %arg12[%dma_start3A_272] : memref<2x!tpu.dma_semaphore, #tpu.memory_space<semaphore_mem>> -> memref<1x!tpu.dma_semaphore, #tpu.memory_space<semaphore_mem>>
      %dma_start3A_284 = tpu.memref_squeeze %dma_start3A_283 : memref<1x!tpu.dma_semaphore, #tpu.memory_space<semaphore_mem>> -> memref<!tpu.dma_semaphore, #tpu.memory_space<semaphore_mem>>
      tpu.enqueue_indirect_dma source(%dma_start3A_282 : memref<250000x128xf32, #tpu.memory_space<hbm>>) target(%dma_start3A_276 : memref<64x128xf32, #tpu.memory_space<vmem>>) offsets(%dma_start3A_279 : memref<64xi32, #tpu.memory_space<vmem>>) semaphore(%dma_start3A_284 : memref<!tpu.dma_semaphore, #tpu.memory_space<semaphore_mem>>)
      %dma_start3A_285 = arith.constant 1 : i32
      %dma_start3A_286 = arith.constant 1 : i32
      %dma_start3A_287 = arith.constant 1 : i32
      %dma_start3A_288 = arith.constant 64 : i32
      %dma_start3A_289 = arith.constant 0 : i32
      %dma_start3A_290 = tpu.memref_slice %arg8[%dma_start3A_286, %dma_start3A_288, %dma_start3A_289] : memref<2x128x128xf32, #tpu.memory_space<vmem>> -> memref<1x64x128xf32, #tpu.memory_space<vmem>>
      %dma_start3A_291 = tpu.memref_squeeze %dma_start3A_290 : memref<1x64x128xf32, #tpu.memory_space<vmem>> -> memref<64x128xf32, #tpu.memory_space<vmem>>
      %dma_start3A_292 = arith.constant 64 : i32
      %dma_start3A_293 = tpu.memref_slice %arg7[%dma_start3A_285, %dma_start3A_292] : memref<4x128xi32, #tpu.memory_space<vmem>> -> memref<1x64xi32, #tpu.memory_space<vmem>>
      %dma_start3A_294 = tpu.memref_squeeze %dma_start3A_293 : memref<1x64xi32, #tpu.memory_space<vmem>> -> memref<64xi32, #tpu.memory_space<vmem>>
      %dma_start3A_295 = arith.constant 0 : i32
      %dma_start3A_296 = arith.constant 0 : i32
      %dma_start3A_297 = tpu.memref_slice %arg4[%dma_start3A_295, %dma_start3A_296] : memref<250000x128xf32, #tpu.memory_space<hbm>> -> memref<250000x128xf32, #tpu.memory_space<hbm>>
      %dma_start3A_298 = tpu.memref_slice %arg12[%dma_start3A_287] : memref<2x!tpu.dma_semaphore, #tpu.memory_space<semaphore_mem>> -> memref<1x!tpu.dma_semaphore, #tpu.memory_space<semaphore_mem>>
      %dma_start3A_299 = tpu.memref_squeeze %dma_start3A_298 : memref<1x!tpu.dma_semaphore, #tpu.memory_space<semaphore_mem>> -> memref<!tpu.dma_semaphore, #tpu.memory_space<semaphore_mem>>
      tpu.enqueue_indirect_dma source(%dma_start3A_297 : memref<250000x128xf32, #tpu.memory_space<hbm>>) target(%dma_start3A_291 : memref<64x128xf32, #tpu.memory_space<vmem>>) offsets(%dma_start3A_294 : memref<64xi32, #tpu.memory_space<vmem>>) semaphore(%dma_start3A_299 : memref<!tpu.dma_semaphore, #tpu.memory_space<semaphore_mem>>)
      %add3A_300 = arith.constant 2 : i32
      %add3A_301 = arith.addi %add3A_243, %add3A_300 : i32
      %lt3A_302 = arith.constant 800 : i32
      %lt3A_303 = arith.cmpi slt, %add3A_301, %lt3A_302 : i32
      %convert_element_type3A_304 = arith.extui %lt3A_303 : i1 to i32
      %cond3A_305 = arith.constant 0 : i32
      %cond3A_306 = arith.cmpi ne, %convert_element_type3A_304, %cond3A_305 : i32
      scf.if %cond3A_306 {
        %add3A_456 = arith.constant 2 : i32
        %add3A_457 = arith.addi %add3A_243, %add3A_456 : i32
        %mul3A_458 = arith.constant 128 : i32
        %mul3A_459 = arith.muli %add3A_457, %mul3A_458 : i32
        %add3A_460 = arith.addi %mul3A_2, %mul3A_459 : i32
        %multiple_of3A_461 = tpu.assume_multiple %add3A_460, 128 : i32
        %dma_start3A_462 = arith.constant 3 : i32
        %dma_start3A_463 = arith.constant 3 : i32
        %dma_start3A_464 = arith.constant 0 : i32
        %dma_start3A_465 = tpu.memref_slice %arg6[%dma_start3A_462, %dma_start3A_464] : memref<4x128xi32, #tpu.memory_space<vmem>> -> memref<1x128xi32, #tpu.memory_space<vmem>>
        %dma_start3A_466 = tpu.memref_squeeze %dma_start3A_465 : memref<1x128xi32, #tpu.memory_space<vmem>> -> memref<128xi32, #tpu.memory_space<vmem>>
        %dma_start3A_467 = tpu.memref_slice %arg2[%multiple_of3A_461] : memref<3276800xi32, #tpu.memory_space<hbm>> -> memref<128xi32, #tpu.memory_space<hbm>>
        %dma_start3A_468 = tpu.memref_slice %arg10[%dma_start3A_463] : memref<4x!tpu.dma_semaphore, #tpu.memory_space<semaphore_mem>> -> memref<1x!tpu.dma_semaphore, #tpu.memory_space<semaphore_mem>>
        %dma_start3A_469 = tpu.memref_squeeze %dma_start3A_468 : memref<1x!tpu.dma_semaphore, #tpu.memory_space<semaphore_mem>> -> memref<!tpu.dma_semaphore, #tpu.memory_space<semaphore_mem>>
        %dma_start3A_470 = arith.constant 0 : i32
        %dma_start3A_471 = tpu.memref_slice %arg6[%dma_start3A_462, %dma_start3A_470] : memref<4x128xi32, #tpu.memory_space<vmem>> -> memref<1x128xi32, #tpu.memory_space<vmem>>
        %dma_start3A_472 = tpu.memref_squeeze %dma_start3A_471 : memref<1x128xi32, #tpu.memory_space<vmem>> -> memref<128xi32, #tpu.memory_space<vmem>>
        %dma_start3A_473 = tpu.memref_slice %arg2[%multiple_of3A_461] : memref<3276800xi32, #tpu.memory_space<hbm>> -> memref<128xi32, #tpu.memory_space<hbm>>
        tpu.enqueue_dma source(%dma_start3A_473 : memref<128xi32, #tpu.memory_space<hbm>>) target(%dma_start3A_472 : memref<128xi32, #tpu.memory_space<vmem>>) target_semaphore(%dma_start3A_469 : memref<!tpu.dma_semaphore, #tpu.memory_space<semaphore_mem>>)
        %mul3A_474 = arith.constant 128 : i32
        %mul3A_475 = arith.muli %add3A_457, %mul3A_474 : i32
        %add3A_476 = arith.addi %mul3A_2, %mul3A_475 : i32
        %multiple_of3A_477 = tpu.assume_multiple %add3A_476, 128 : i32
        %dma_start3A_478 = arith.constant 3 : i32
        %dma_start3A_479 = arith.constant 3 : i32
        %dma_start3A_480 = arith.constant 0 : i32
        %dma_start3A_481 = tpu.memref_slice %arg7[%dma_start3A_478, %dma_start3A_480] : memref<4x128xi32, #tpu.memory_space<vmem>> -> memref<1x128xi32, #tpu.memory_space<vmem>>
        %dma_start3A_482 = tpu.memref_squeeze %dma_start3A_481 : memref<1x128xi32, #tpu.memory_space<vmem>> -> memref<128xi32, #tpu.memory_space<vmem>>
        %dma_start3A_483 = tpu.memref_slice %arg3[%multiple_of3A_477] : memref<3276800xi32, #tpu.memory_space<hbm>> -> memref<128xi32, #tpu.memory_space<hbm>>
        %dma_start3A_484 = tpu.memref_slice %arg11[%dma_start3A_479] : memref<4x!tpu.dma_semaphore, #tpu.memory_space<semaphore_mem>> -> memref<1x!tpu.dma_semaphore, #tpu.memory_space<semaphore_mem>>
        %dma_start3A_485 = tpu.memref_squeeze %dma_start3A_484 : memref<1x!tpu.dma_semaphore, #tpu.memory_space<semaphore_mem>> -> memref<!tpu.dma_semaphore, #tpu.memory_space<semaphore_mem>>
        %dma_start3A_486 = arith.constant 0 : i32
        %dma_start3A_487 = tpu.memref_slice %arg7[%dma_start3A_478, %dma_start3A_486] : memref<4x128xi32, #tpu.memory_space<vmem>> -> memref<1x128xi32, #tpu.memory_space<vmem>>
        %dma_start3A_488 = tpu.memref_squeeze %dma_start3A_487 : memref<1x128xi32, #tpu.memory_space<vmem>> -> memref<128xi32, #tpu.memory_space<vmem>>
        %dma_start3A_489 = tpu.memref_slice %arg3[%multiple_of3A_477] : memref<3276800xi32, #tpu.memory_space<hbm>> -> memref<128xi32, #tpu.memory_space<hbm>>
        tpu.enqueue_dma source(%dma_start3A_489 : memref<128xi32, #tpu.memory_space<hbm>>) target(%dma_start3A_488 : memref<128xi32, #tpu.memory_space<vmem>>) target_semaphore(%dma_start3A_485 : memref<!tpu.dma_semaphore, #tpu.memory_space<semaphore_mem>>)
      } else {
      }
      %ge3A_307 = arith.constant 1 : i32
      %ge3A_308 = arith.cmpi sge, %add3A_243, %ge3A_307 : i32
      %convert_element_type3A_309 = arith.extui %ge3A_308 : i1 to i32
      %cond3A_310 = arith.constant 0 : i32
      %cond3A_311 = arith.cmpi ne, %convert_element_type3A_309, %cond3A_310 : i32
      scf.if %cond3A_311 {
        %dma_wait3A_456 = arith.constant 0 : i32
        %dma_wait3A_457 = arith.constant 0 : i32
        %dma_wait3A_458 = arith.constant 0 : i32
        %dma_wait3A_459 = arith.constant 0 : i32
        %dma_wait3A_460 = arith.constant 0 : i32
        %dma_wait3A_461 = tpu.memref_slice %arg8[%dma_wait3A_457, %dma_wait3A_459, %dma_wait3A_460] : memref<2x128x128xf32, #tpu.memory_space<vmem>> -> memref<1x64x128xf32, #tpu.memory_space<vmem>>
        %dma_wait3A_462 = tpu.memref_squeeze %dma_wait3A_461 : memref<1x64x128xf32, #tpu.memory_space<vmem>> -> memref<64x128xf32, #tpu.memory_space<vmem>>
        %dma_wait3A_463 = arith.constant 0 : i32
        %dma_wait3A_464 = tpu.memref_slice %arg7[%dma_wait3A_456, %dma_wait3A_463] : memref<4x128xi32, #tpu.memory_space<vmem>> -> memref<1x64xi32, #tpu.memory_space<vmem>>
        %dma_wait3A_465 = tpu.memref_squeeze %dma_wait3A_464 : memref<1x64xi32, #tpu.memory_space<vmem>> -> memref<64xi32, #tpu.memory_space<vmem>>
        %dma_wait3A_466 = arith.constant 0 : i32
        %dma_wait3A_467 = arith.constant 0 : i32
        %dma_wait3A_468 = tpu.memref_slice %arg4[%dma_wait3A_466, %dma_wait3A_467] : memref<250000x128xf32, #tpu.memory_space<hbm>> -> memref<250000x128xf32, #tpu.memory_space<hbm>>
        %dma_wait3A_469 = tpu.memref_slice %arg12[%dma_wait3A_458] : memref<2x!tpu.dma_semaphore, #tpu.memory_space<semaphore_mem>> -> memref<1x!tpu.dma_semaphore, #tpu.memory_space<semaphore_mem>>
        %dma_wait3A_470 = tpu.memref_squeeze %dma_wait3A_469 : memref<1x!tpu.dma_semaphore, #tpu.memory_space<semaphore_mem>> -> memref<!tpu.dma_semaphore, #tpu.memory_space<semaphore_mem>>
        tpu.wait_indirect_dma semaphore(%dma_wait3A_470 : memref<!tpu.dma_semaphore, #tpu.memory_space<semaphore_mem>>) src(%dma_wait3A_468 : memref<250000x128xf32, #tpu.memory_space<hbm>>) dst(%dma_wait3A_462 : memref<64x128xf32, #tpu.memory_space<vmem>>)
        %dma_wait3A_471 = arith.constant 0 : i32
        %dma_wait3A_472 = arith.constant 0 : i32
        %dma_wait3A_473 = arith.constant 0 : i32
        %dma_wait3A_474 = arith.constant 64 : i32
        %dma_wait3A_475 = arith.constant 0 : i32
        %dma_wait3A_476 = tpu.memref_slice %arg8[%dma_wait3A_472, %dma_wait3A_474, %dma_wait3A_475] : memref<2x128x128xf32, #tpu.memory_space<vmem>> -> memref<1x64x128xf32, #tpu.memory_space<vmem>>
        %dma_wait3A_477 = tpu.memref_squeeze %dma_wait3A_476 : memref<1x64x128xf32, #tpu.memory_space<vmem>> -> memref<64x128xf32, #tpu.memory_space<vmem>>
        %dma_wait3A_478 = arith.constant 0 : i32
        %dma_wait3A_479 = tpu.memref_slice %arg7[%dma_wait3A_471, %dma_wait3A_478] : memref<4x128xi32, #tpu.memory_space<vmem>> -> memref<1x64xi32, #tpu.memory_space<vmem>>
        %dma_wait3A_480 = tpu.memref_squeeze %dma_wait3A_479 : memref<1x64xi32, #tpu.memory_space<vmem>> -> memref<64xi32, #tpu.memory_space<vmem>>
        %dma_wait3A_481 = arith.constant 0 : i32
        %dma_wait3A_482 = arith.constant 0 : i32
        %dma_wait3A_483 = tpu.memref_slice %arg4[%dma_wait3A_481, %dma_wait3A_482] : memref<250000x128xf32, #tpu.memory_space<hbm>> -> memref<250000x128xf32, #tpu.memory_space<hbm>>
        %dma_wait3A_484 = tpu.memref_slice %arg12[%dma_wait3A_473] : memref<2x!tpu.dma_semaphore, #tpu.memory_space<semaphore_mem>> -> memref<1x!tpu.dma_semaphore, #tpu.memory_space<semaphore_mem>>
        %dma_wait3A_485 = tpu.memref_squeeze %dma_wait3A_484 : memref<1x!tpu.dma_semaphore, #tpu.memory_space<semaphore_mem>> -> memref<!tpu.dma_semaphore, #tpu.memory_space<semaphore_mem>>
        tpu.wait_indirect_dma semaphore(%dma_wait3A_485 : memref<!tpu.dma_semaphore, #tpu.memory_space<semaphore_mem>>) src(%dma_wait3A_483 : memref<250000x128xf32, #tpu.memory_space<hbm>>) dst(%dma_wait3A_477 : memref<64x128xf32, #tpu.memory_space<vmem>>)
        %ge3A_486 = arith.constant 3 : i32
        %ge3A_487 = arith.cmpi sge, %add3A_243, %ge3A_486 : i32
        %convert_element_type3A_488 = arith.extui %ge3A_487 : i1 to i32
        %cond3A_489 = arith.constant 0 : i32
        %cond3A_490 = arith.cmpi ne, %convert_element_type3A_488, %cond3A_489 : i32
        scf.if %cond3A_490 {
          %multiple_of3A_518 = tpu.assume_multiple %mul3A_2, 128 : i32
          %dma_wait3A_519 = arith.constant 0 : i32
          %dma_wait3A_520 = arith.constant 0 : i32
          %dma_wait3A_521 = arith.constant 0 : i32
          %dma_wait3A_522 = arith.constant 0 : i32
          %dma_wait3A_523 = tpu.memref_slice %arg9[%dma_wait3A_519, %dma_wait3A_521, %dma_wait3A_522] : memref<2x128x32xf32, #tpu.memory_space<vmem>> -> memref<1x128x32xf32, #tpu.memory_space<vmem>>
          %dma_wait3A_524 = tpu.memref_squeeze %dma_wait3A_523 : memref<1x128x32xf32, #tpu.memory_space<vmem>> -> memref<128x32xf32, #tpu.memory_space<vmem>>
          %dma_wait3A_525 = arith.constant 0 : i32
          %dma_wait3A_526 = tpu.memref_slice %arg5[%multiple_of3A_518, %dma_wait3A_525] : memref<3276800x32xf32, #tpu.memory_space<hbm>> -> memref<128x32xf32, #tpu.memory_space<hbm>>
          %dma_wait3A_527 = tpu.memref_slice %arg13[%dma_wait3A_520] : memref<2x!tpu.dma_semaphore, #tpu.memory_space<semaphore_mem>> -> memref<1x!tpu.dma_semaphore, #tpu.memory_space<semaphore_mem>>
          %dma_wait3A_528 = tpu.memref_squeeze %dma_wait3A_527 : memref<1x!tpu.dma_semaphore, #tpu.memory_space<semaphore_mem>> -> memref<!tpu.dma_semaphore, #tpu.memory_space<semaphore_mem>>
          %dma_wait3A_529 = arith.constant 0 : i32
          %dma_wait3A_530 = tpu.memref_slice %arg5[%multiple_of3A_518, %dma_wait3A_529] : memref<3276800x32xf32, #tpu.memory_space<hbm>> -> memref<128x32xf32, #tpu.memory_space<hbm>>
          %dma_wait3A_531 = arith.constant 0 : i32
          %dma_wait3A_532 = arith.constant 0 : i32
          %dma_wait3A_533 = tpu.memref_slice %arg9[%dma_wait3A_519, %dma_wait3A_531, %dma_wait3A_532] : memref<2x128x32xf32, #tpu.memory_space<vmem>> -> memref<1x128x32xf32, #tpu.memory_space<vmem>>
          %dma_wait3A_534 = tpu.memref_squeeze %dma_wait3A_533 : memref<1x128x32xf32, #tpu.memory_space<vmem>> -> memref<128x32xf32, #tpu.memory_space<vmem>>
          tpu.wait_dma2 semaphore(%dma_wait3A_528 : memref<!tpu.dma_semaphore, #tpu.memory_space<semaphore_mem>>) src(%dma_wait3A_534 : memref<128x32xf32, #tpu.memory_space<vmem>>) dst(%dma_wait3A_530 : memref<128x32xf32, #tpu.memory_space<hbm>>)
        } else {
        }
        %scan3A_491 = arith.constant 0 : i32
        %scan3A_492 = arith.constant 0 : i32
        %scan3A_493 = arith.constant 8 : i32
        %scan3A_494 = arith.addi %scan3A_492, %scan3A_493 : i32
        %scan3A_495 = arith.constant 1 : i32
        scf.for %scan3A_518 = %scan3A_492 to %scan3A_494 step %scan3A_495  : i32 {
          %mul3A_519 = arith.constant 16 : i32
          %mul3A_520 = arith.muli %scan3A_518, %mul3A_519 : i32
          %get3A = arith.constant 0 : i32
          %get3A_521 = arith.index_cast %get3A : i32 to index
          %get3A_522 = arith.index_cast %mul3A_520 : i32 to index
          %get3A_523 = tpu.vector_load %arg6[%get3A_521, %get3A_522] {strides = array<i32>} : memref<4x128xi32, #tpu.memory_space<vmem>>, vector<16xi32>,
          %and3A = arith.constant 3 : i32
          %and3A_524 = vector.broadcast %and3A : i32 to vector<16xi32>
          %and3A_525 = arith.andi %get3A_523, %and3A_524 : vector<16xi32>
          %shift_left3A = arith.constant 5 : i32
          %shift_left3A_526 = vector.broadcast %shift_left3A : i32 to vector<16xi32>
          %shift_left3A_527 = arith.shli %and3A_525, %shift_left3A_526 : vector<16xi32>
          %slice3A = vector.extract_strided_slice %shift_left3A_527 {offsets = [0], sizes = [1], strides = [1]} : vector<16xi32> to vector<1xi32>
          %squeeze3A = vector.extract %slice3A[0] : i32 from vector<1xi32>
          %mul3A_528 = arith.constant 16 : i32
          %mul3A_529 = arith.muli %scan3A_518, %mul3A_528 : i32
          %add3A_530 = arith.constant 0 : i32
          %add3A_531 = arith.addi %mul3A_529, %add3A_530 : i32
          %get3A_532 = arith.constant 0 : i32
          %get3A_533 = arith.index_cast %get3A_532 : i32 to index
          %get3A_534 = arith.index_cast %add3A_531 : i32 to index
          %get3A_535 = arith.index_cast %squeeze3A : i32 to index
          %get3A_536 = tpu.vector_load %arg8[%get3A_533, %get3A_534, %get3A_535] {strides = array<i32>} : memref<2x128x128xf32, #tpu.memory_space<vmem>>, vector<16xf32>,
          %swap3A = arith.constant 0 : i32
          %swap3A_537 = arith.index_cast %swap3A : i32 to index
          %swap3A_538 = arith.index_cast %add3A_531 : i32 to index
          %swap3A_539 = arith.constant 0 : index
          %swap3A_540 = tpu.vector_load %arg9[%swap3A_537, %swap3A_538, %swap3A_539] {strides = array<i32>} : memref<2x128x32xf32, #tpu.memory_space<vmem>>, vector<16xf32>,
          tpu.vector_store %arg9[%swap3A_537, %swap3A_538, %swap3A_539], %get3A_536 {strides = array<i32>} : memref<2x128x32xf32, #tpu.memory_space<vmem>>, vector<16xf32>,
          %add3A_541 = arith.constant 16 : i32
          %add3A_542 = arith.addi %squeeze3A, %add3A_541 : i32
          %get3A_543 = arith.constant 0 : i32
          %get3A_544 = arith.index_cast %get3A_543 : i32 to index
          %get3A_545 = arith.index_cast %add3A_531 : i32 to index
          %get3A_546 = arith.index_cast %add3A_542 : i32 to index
          %get3A_547 = tpu.vector_load %arg8[%get3A_544, %get3A_545, %get3A_546] {strides = array<i32>} : memref<2x128x128xf32, #tpu.memory_space<vmem>>, vector<16xf32>,
          %swap3A_548 = arith.constant 0 : i32
          %swap3A_549 = arith.index_cast %swap3A_548 : i32 to index
          %swap3A_550 = arith.index_cast %add3A_531 : i32 to index
          %swap3A_551 = arith.constant 16 : index
          %swap3A_552 = tpu.vector_load %arg9[%swap3A_549, %swap3A_550, %swap3A_551] {strides = array<i32>} : memref<2x128x32xf32, #tpu.memory_space<vmem>>, vector<16xf32>,
          tpu.vector_store %arg9[%swap3A_549, %swap3A_550, %swap3A_551], %get3A_547 {strides = array<i32>} : memref<2x128x32xf32, #tpu.memory_space<vmem>>, vector<16xf32>,
          %slice3A_553 = vector.extract_strided_slice %shift_left3A_527 {offsets = [1], sizes = [1], strides = [1]} : vector<16xi32> to vector<1xi32>
          %squeeze3A_554 = vector.extract %slice3A_553[0] : i32 from vector<1xi32>
          %mul3A_555 = arith.constant 16 : i32
          %mul3A_556 = arith.muli %scan3A_518, %mul3A_555 : i32
          %add3A_557 = arith.constant 1 : i32
          %add3A_558 = arith.addi %mul3A_556, %add3A_557 : i32
          %get3A_559 = arith.constant 0 : i32
          %get3A_560 = arith.index_cast %get3A_559 : i32 to index
          %get3A_561 = arith.index_cast %add3A_558 : i32 to index
          %get3A_562 = arith.index_cast %squeeze3A_554 : i32 to index
          %get3A_563 = tpu.vector_load %arg8[%get3A_560, %get3A_561, %get3A_562] {strides = array<i32>} : memref<2x128x128xf32, #tpu.memory_space<vmem>>, vector<16xf32>,
          %swap3A_564 = arith.constant 0 : i32
          %swap3A_565 = arith.index_cast %swap3A_564 : i32 to index
          %swap3A_566 = arith.index_cast %add3A_558 : i32 to index
          %swap3A_567 = arith.constant 0 : index
          %swap3A_568 = tpu.vector_load %arg9[%swap3A_565, %swap3A_566, %swap3A_567] {strides = array<i32>} : memref<2x128x32xf32, #tpu.memory_space<vmem>>, vector<16xf32>,
          tpu.vector_store %arg9[%swap3A_565, %swap3A_566, %swap3A_567], %get3A_563 {strides = array<i32>} : memref<2x128x32xf32, #tpu.memory_space<vmem>>, vector<16xf32>,
          %add3A_569 = arith.constant 16 : i32
          %add3A_570 = arith.addi %squeeze3A_554, %add3A_569 : i32
          %get3A_571 = arith.constant 0 : i32
          %get3A_572 = arith.index_cast %get3A_571 : i32 to index
          %get3A_573 = arith.index_cast %add3A_558 : i32 to index
          %get3A_574 = arith.index_cast %add3A_570 : i32 to index
          %get3A_575 = tpu.vector_load %arg8[%get3A_572, %get3A_573, %get3A_574] {strides = array<i32>} : memref<2x128x128xf32, #tpu.memory_space<vmem>>, vector<16xf32>,
          %swap3A_576 = arith.constant 0 : i32
          %swap3A_577 = arith.index_cast %swap3A_576 : i32 to index
          %swap3A_578 = arith.index_cast %add3A_558 : i32 to index
          %swap3A_579 = arith.constant 16 : index
          %swap3A_580 = tpu.vector_load %arg9[%swap3A_577, %swap3A_578, %swap3A_579] {strides = array<i32>} : memref<2x128x32xf32, #tpu.memory_space<vmem>>, vector<16xf32>,
          tpu.vector_store %arg9[%swap3A_577, %swap3A_578, %swap3A_579], %get3A_575 {strides = array<i32>} : memref<2x128x32xf32, #tpu.memory_space<vmem>>, vector<16xf32>,
          %slice3A_581 = vector.extract_strided_slice %shift_left3A_527 {offsets = [2], sizes = [1], strides = [1]} : vector<16xi32> to vector<1xi32>
          %squeeze3A_582 = vector.extract %slice3A_581[0] : i32 from vector<1xi32>
          %mul3A_583 = arith.constant 16 : i32
          %mul3A_584 = arith.muli %scan3A_518, %mul3A_583 : i32
          %add3A_585 = arith.constant 2 : i32
          %add3A_586 = arith.addi %mul3A_584, %add3A_585 : i32
          %get3A_587 = arith.constant 0 : i32
          %get3A_588 = arith.index_cast %get3A_587 : i32 to index
          %get3A_589 = arith.index_cast %add3A_586 : i32 to index
          %get3A_590 = arith.index_cast %squeeze3A_582 : i32 to index
          %get3A_591 = tpu.vector_load %arg8[%get3A_588, %get3A_589, %get3A_590] {strides = array<i32>} : memref<2x128x128xf32, #tpu.memory_space<vmem>>, vector<16xf32>,
          %swap3A_592 = arith.constant 0 : i32
          %swap3A_593 = arith.index_cast %swap3A_592 : i32 to index
          %swap3A_594 = arith.index_cast %add3A_586 : i32 to index
          %swap3A_595 = arith.constant 0 : index
          %swap3A_596 = tpu.vector_load %arg9[%swap3A_593, %swap3A_594, %swap3A_595] {strides = array<i32>} : memref<2x128x32xf32, #tpu.memory_space<vmem>>, vector<16xf32>,
          tpu.vector_store %arg9[%swap3A_593, %swap3A_594, %swap3A_595], %get3A_591 {strides = array<i32>} : memref<2x128x32xf32, #tpu.memory_space<vmem>>, vector<16xf32>,
          %add3A_597 = arith.constant 16 : i32
          %add3A_598 = arith.addi %squeeze3A_582, %add3A_597 : i32
          %get3A_599 = arith.constant 0 : i32
          %get3A_600 = arith.index_cast %get3A_599 : i32 to index
          %get3A_601 = arith.index_cast %add3A_586 : i32 to index
          %get3A_602 = arith.index_cast %add3A_598 : i32 to index
          %get3A_603 = tpu.vector_load %arg8[%get3A_600, %get3A_601, %get3A_602] {strides = array<i32>} : memref<2x128x128xf32, #tpu.memory_space<vmem>>, vector<16xf32>,
          %swap3A_604 = arith.constant 0 : i32
          %swap3A_605 = arith.index_cast %swap3A_604 : i32 to index
          %swap3A_606 = arith.index_cast %add3A_586 : i32 to index
          %swap3A_607 = arith.constant 16 : index
          %swap3A_608 = tpu.vector_load %arg9[%swap3A_605, %swap3A_606, %swap3A_607] {strides = array<i32>} : memref<2x128x32xf32, #tpu.memory_space<vmem>>, vector<16xf32>,
          tpu.vector_store %arg9[%swap3A_605, %swap3A_606, %swap3A_607], %get3A_603 {strides = array<i32>} : memref<2x128x32xf32, #tpu.memory_space<vmem>>, vector<16xf32>,
          %slice3A_609 = vector.extract_strided_slice %shift_left3A_527 {offsets = [3], sizes = [1], strides = [1]} : vector<16xi32> to vector<1xi32>
          %squeeze3A_610 = vector.extract %slice3A_609[0] : i32 from vector<1xi32>
          %mul3A_611 = arith.constant 16 : i32
          %mul3A_612 = arith.muli %scan3A_518, %mul3A_611 : i32
          %add3A_613 = arith.constant 3 : i32
          %add3A_614 = arith.addi %mul3A_612, %add3A_613 : i32
          %get3A_615 = arith.constant 0 : i32
          %get3A_616 = arith.index_cast %get3A_615 : i32 to index
          %get3A_617 = arith.index_cast %add3A_614 : i32 to index
          %get3A_618 = arith.index_cast %squeeze3A_610 : i32 to index
          %get3A_619 = tpu.vector_load %arg8[%get3A_616, %get3A_617, %get3A_618] {strides = array<i32>} : memref<2x128x128xf32, #tpu.memory_space<vmem>>, vector<16xf32>,
          %swap3A_620 = arith.constant 0 : i32
          %swap3A_621 = arith.index_cast %swap3A_620 : i32 to index
          %swap3A_622 = arith.index_cast %add3A_614 : i32 to index
          %swap3A_623 = arith.constant 0 : index
          %swap3A_624 = tpu.vector_load %arg9[%swap3A_621, %swap3A_622, %swap3A_623] {strides = array<i32>} : memref<2x128x32xf32, #tpu.memory_space<vmem>>, vector<16xf32>,
          tpu.vector_store %arg9[%swap3A_621, %swap3A_622, %swap3A_623], %get3A_619 {strides = array<i32>} : memref<2x128x32xf32, #tpu.memory_space<vmem>>, vector<16xf32>,
          %add3A_625 = arith.constant 16 : i32
          %add3A_626 = arith.addi %squeeze3A_610, %add3A_625 : i32
          %get3A_627 = arith.constant 0 : i32
          %get3A_628 = arith.index_cast %get3A_627 : i32 to index
          %get3A_629 = arith.index_cast %add3A_614 : i32 to index
          %get3A_630 = arith.index_cast %add3A_626 : i32 to index
          %get3A_631 = tpu.vector_load %arg8[%get3A_628, %get3A_629, %get3A_630] {strides = array<i32>} : memref<2x128x128xf32, #tpu.memory_space<vmem>>, vector<16xf32>,
          %swap3A_632 = arith.constant 0 : i32
          %swap3A_633 = arith.index_cast %swap3A_632 : i32 to index
          %swap3A_634 = arith.index_cast %add3A_614 : i32 to index
          %swap3A_635 = arith.constant 16 : index
          %swap3A_636 = tpu.vector_load %arg9[%swap3A_633, %swap3A_634, %swap3A_635] {strides = array<i32>} : memref<2x128x32xf32, #tpu.memory_space<vmem>>, vector<16xf32>,
          tpu.vector_store %arg9[%swap3A_633, %swap3A_634, %swap3A_635], %get3A_631 {strides = array<i32>} : memref<2x128x32xf32, #tpu.memory_space<vmem>>, vector<16xf32>,
          %slice3A_637 = vector.extract_strided_slice %shift_left3A_527 {offsets = [4], sizes = [1], strides = [1]} : vector<16xi32> to vector<1xi32>
          %squeeze3A_638 = vector.extract %slice3A_637[0] : i32 from vector<1xi32>
          %mul3A_639 = arith.constant 16 : i32
          %mul3A_640 = arith.muli %scan3A_518, %mul3A_639 : i32
          %add3A_641 = arith.constant 4 : i32
          %add3A_642 = arith.addi %mul3A_640, %add3A_641 : i32
          %get3A_643 = arith.constant 0 : i32
          %get3A_644 = arith.index_cast %get3A_643 : i32 to index
          %get3A_645 = arith.index_cast %add3A_642 : i32 to index
          %get3A_646 = arith.index_cast %squeeze3A_638 : i32 to index
          %get3A_647 = tpu.vector_load %arg8[%get3A_644, %get3A_645, %get3A_646] {strides = array<i32>} : memref<2x128x128xf32, #tpu.memory_space<vmem>>, vector<16xf32>,
          %swap3A_648 = arith.constant 0 : i32
          %swap3A_649 = arith.index_cast %swap3A_648 : i32 to index
          %swap3A_650 = arith.index_cast %add3A_642 : i32 to index
          %swap3A_651 = arith.constant 0 : index
          %swap3A_652 = tpu.vector_load %arg9[%swap3A_649, %swap3A_650, %swap3A_651] {strides = array<i32>} : memref<2x128x32xf32, #tpu.memory_space<vmem>>, vector<16xf32>,
          tpu.vector_store %arg9[%swap3A_649, %swap3A_650, %swap3A_651], %get3A_647 {strides = array<i32>} : memref<2x128x32xf32, #tpu.memory_space<vmem>>, vector<16xf32>,
          %add3A_653 = arith.constant 16 : i32
          %add3A_654 = arith.addi %squeeze3A_638, %add3A_653 : i32
          %get3A_655 = arith.constant 0 : i32
          %get3A_656 = arith.index_cast %get3A_655 : i32 to index
          %get3A_657 = arith.index_cast %add3A_642 : i32 to index
          %get3A_658 = arith.index_cast %add3A_654 : i32 to index
          %get3A_659 = tpu.vector_load %arg8[%get3A_656, %get3A_657, %get3A_658] {strides = array<i32>} : memref<2x128x128xf32, #tpu.memory_space<vmem>>, vector<16xf32>,
          %swap3A_660 = arith.constant 0 : i32
          %swap3A_661 = arith.index_cast %swap3A_660 : i32 to index
          %swap3A_662 = arith.index_cast %add3A_642 : i32 to index
          %swap3A_663 = arith.constant 16 : index
          %swap3A_664 = tpu.vector_load %arg9[%swap3A_661, %swap3A_662, %swap3A_663] {strides = array<i32>} : memref<2x128x32xf32, #tpu.memory_space<vmem>>, vector<16xf32>,
          tpu.vector_store %arg9[%swap3A_661, %swap3A_662, %swap3A_663], %get3A_659 {strides = array<i32>} : memref<2x128x32xf32, #tpu.memory_space<vmem>>, vector<16xf32>,
          %slice3A_665 = vector.extract_strided_slice %shift_left3A_527 {offsets = [5], sizes = [1], strides = [1]} : vector<16xi32> to vector<1xi32>
          %squeeze3A_666 = vector.extract %slice3A_665[0] : i32 from vector<1xi32>
          %mul3A_667 = arith.constant 16 : i32
          %mul3A_668 = arith.muli %scan3A_518, %mul3A_667 : i32
          %add3A_669 = arith.constant 5 : i32
          %add3A_670 = arith.addi %mul3A_668, %add3A_669 : i32
          %get3A_671 = arith.constant 0 : i32
          %get3A_672 = arith.index_cast %get3A_671 : i32 to index
          %get3A_673 = arith.index_cast %add3A_670 : i32 to index
          %get3A_674 = arith.index_cast %squeeze3A_666 : i32 to index
          %get3A_675 = tpu.vector_load %arg8[%get3A_672, %get3A_673, %get3A_674] {strides = array<i32>} : memref<2x128x128xf32, #tpu.memory_space<vmem>>, vector<16xf32>,
          %swap3A_676 = arith.constant 0 : i32
          %swap3A_677 = arith.index_cast %swap3A_676 : i32 to index
          %swap3A_678 = arith.index_cast %add3A_670 : i32 to index
          %swap3A_679 = arith.constant 0 : index
          %swap3A_680 = tpu.vector_load %arg9[%swap3A_677, %swap3A_678, %swap3A_679] {strides = array<i32>} : memref<2x128x32xf32, #tpu.memory_space<vmem>>, vector<16xf32>,
          tpu.vector_store %arg9[%swap3A_677, %swap3A_678, %swap3A_679], %get3A_675 {strides = array<i32>} : memref<2x128x32xf32, #tpu.memory_space<vmem>>, vector<16xf32>,
          %add3A_681 = arith.constant 16 : i32
          %add3A_682 = arith.addi %squeeze3A_666, %add3A_681 : i32
          %get3A_683 = arith.constant 0 : i32
          %get3A_684 = arith.index_cast %get3A_683 : i32 to index
          %get3A_685 = arith.index_cast %add3A_670 : i32 to index
          %get3A_686 = arith.index_cast %add3A_682 : i32 to index
          %get3A_687 = tpu.vector_load %arg8[%get3A_684, %get3A_685, %get3A_686] {strides = array<i32>} : memref<2x128x128xf32, #tpu.memory_space<vmem>>, vector<16xf32>,
          %swap3A_688 = arith.constant 0 : i32
          %swap3A_689 = arith.index_cast %swap3A_688 : i32 to index
          %swap3A_690 = arith.index_cast %add3A_670 : i32 to index
          %swap3A_691 = arith.constant 16 : index
          %swap3A_692 = tpu.vector_load %arg9[%swap3A_689, %swap3A_690, %swap3A_691] {strides = array<i32>} : memref<2x128x32xf32, #tpu.memory_space<vmem>>, vector<16xf32>,
          tpu.vector_store %arg9[%swap3A_689, %swap3A_690, %swap3A_691], %get3A_687 {strides = array<i32>} : memref<2x128x32xf32, #tpu.memory_space<vmem>>, vector<16xf32>,
          %slice3A_693 = vector.extract_strided_slice %shift_left3A_527 {offsets = [6], sizes = [1], strides = [1]} : vector<16xi32> to vector<1xi32>
          %squeeze3A_694 = vector.extract %slice3A_693[0] : i32 from vector<1xi32>
          %mul3A_695 = arith.constant 16 : i32
          %mul3A_696 = arith.muli %scan3A_518, %mul3A_695 : i32
          %add3A_697 = arith.constant 6 : i32
          %add3A_698 = arith.addi %mul3A_696, %add3A_697 : i32
          %get3A_699 = arith.constant 0 : i32
          %get3A_700 = arith.index_cast %get3A_699 : i32 to index
          %get3A_701 = arith.index_cast %add3A_698 : i32 to index
          %get3A_702 = arith.index_cast %squeeze3A_694 : i32 to index
          %get3A_703 = tpu.vector_load %arg8[%get3A_700, %get3A_701, %get3A_702] {strides = array<i32>} : memref<2x128x128xf32, #tpu.memory_space<vmem>>, vector<16xf32>,
          %swap3A_704 = arith.constant 0 : i32
          %swap3A_705 = arith.index_cast %swap3A_704 : i32 to index
          %swap3A_706 = arith.index_cast %add3A_698 : i32 to index
          %swap3A_707 = arith.constant 0 : index
          %swap3A_708 = tpu.vector_load %arg9[%swap3A_705, %swap3A_706, %swap3A_707] {strides = array<i32>} : memref<2x128x32xf32, #tpu.memory_space<vmem>>, vector<16xf32>,
          tpu.vector_store %arg9[%swap3A_705, %swap3A_706, %swap3A_707], %get3A_703 {strides = array<i32>} : memref<2x128x32xf32, #tpu.memory_space<vmem>>, vector<16xf32>,
          %add3A_709 = arith.constant 16 : i32
          %add3A_710 = arith.addi %squeeze3A_694, %add3A_709 : i32
          %get3A_711 = arith.constant 0 : i32
          %get3A_712 = arith.index_cast %get3A_711 : i32 to index
          %get3A_713 = arith.index_cast %add3A_698 : i32 to index
          %get3A_714 = arith.index_cast %add3A_710 : i32 to index
          %get3A_715 = tpu.vector_load %arg8[%get3A_712, %get3A_713, %get3A_714] {strides = array<i32>} : memref<2x128x128xf32, #tpu.memory_space<vmem>>, vector<16xf32>,
          %swap3A_716 = arith.constant 0 : i32
          %swap3A_717 = arith.index_cast %swap3A_716 : i32 to index
          %swap3A_718 = arith.index_cast %add3A_698 : i32 to index
          %swap3A_719 = arith.constant 16 : index
          %swap3A_720 = tpu.vector_load %arg9[%swap3A_717, %swap3A_718, %swap3A_719] {strides = array<i32>} : memref<2x128x32xf32, #tpu.memory_space<vmem>>, vector<16xf32>,
          tpu.vector_store %arg9[%swap3A_717, %swap3A_718, %swap3A_719], %get3A_715 {strides = array<i32>} : memref<2x128x32xf32, #tpu.memory_space<vmem>>, vector<16xf32>,
          %slice3A_721 = vector.extract_strided_slice %shift_left3A_527 {offsets = [7], sizes = [1], strides = [1]} : vector<16xi32> to vector<1xi32>
          %squeeze3A_722 = vector.extract %slice3A_721[0] : i32 from vector<1xi32>
          %mul3A_723 = arith.constant 16 : i32
          %mul3A_724 = arith.muli %scan3A_518, %mul3A_723 : i32
          %add3A_725 = arith.constant 7 : i32
          %add3A_726 = arith.addi %mul3A_724, %add3A_725 : i32
          %get3A_727 = arith.constant 0 : i32
          %get3A_728 = arith.index_cast %get3A_727 : i32 to index
          %get3A_729 = arith.index_cast %add3A_726 : i32 to index
          %get3A_730 = arith.index_cast %squeeze3A_722 : i32 to index
          %get3A_731 = tpu.vector_load %arg8[%get3A_728, %get3A_729, %get3A_730] {strides = array<i32>} : memref<2x128x128xf32, #tpu.memory_space<vmem>>, vector<16xf32>,
          %swap3A_732 = arith.constant 0 : i32
          %swap3A_733 = arith.index_cast %swap3A_732 : i32 to index
          %swap3A_734 = arith.index_cast %add3A_726 : i32 to index
          %swap3A_735 = arith.constant 0 : index
          %swap3A_736 = tpu.vector_load %arg9[%swap3A_733, %swap3A_734, %swap3A_735] {strides = array<i32>} : memref<2x128x32xf32, #tpu.memory_space<vmem>>, vector<16xf32>,
          tpu.vector_store %arg9[%swap3A_733, %swap3A_734, %swap3A_735], %get3A_731 {strides = array<i32>} : memref<2x128x32xf32, #tpu.memory_space<vmem>>, vector<16xf32>,
          %add3A_737 = arith.constant 16 : i32
          %add3A_738 = arith.addi %squeeze3A_722, %add3A_737 : i32
          %get3A_739 = arith.constant 0 : i32
          %get3A_740 = arith.index_cast %get3A_739 : i32 to index
          %get3A_741 = arith.index_cast %add3A_726 : i32 to index
          %get3A_742 = arith.index_cast %add3A_738 : i32 to index
          %get3A_743 = tpu.vector_load %arg8[%get3A_740, %get3A_741, %get3A_742] {strides = array<i32>} : memref<2x128x128xf32, #tpu.memory_space<vmem>>, vector<16xf32>,
          %swap3A_744 = arith.constant 0 : i32
          %swap3A_745 = arith.index_cast %swap3A_744 : i32 to index
          %swap3A_746 = arith.index_cast %add3A_726 : i32 to index
          %swap3A_747 = arith.constant 16 : index
          %swap3A_748 = tpu.vector_load %arg9[%swap3A_745, %swap3A_746, %swap3A_747] {strides = array<i32>} : memref<2x128x32xf32, #tpu.memory_space<vmem>>, vector<16xf32>,
          tpu.vector_store %arg9[%swap3A_745, %swap3A_746, %swap3A_747], %get3A_743 {strides = array<i32>} : memref<2x128x32xf32, #tpu.memory_space<vmem>>, vector<16xf32>,
          %slice3A_749 = vector.extract_strided_slice %shift_left3A_527 {offsets = [8], sizes = [1], strides = [1]} : vector<16xi32> to vector<1xi32>
          %squeeze3A_750 = vector.extract %slice3A_749[0] : i32 from vector<1xi32>
          %mul3A_751 = arith.constant 16 : i32
          %mul3A_752 = arith.muli %scan3A_518, %mul3A_751 : i32
          %add3A_753 = arith.constant 8 : i32
          %add3A_754 = arith.addi %mul3A_752, %add3A_753 : i32
          %get3A_755 = arith.constant 0 : i32
          %get3A_756 = arith.index_cast %get3A_755 : i32 to index
          %get3A_757 = arith.index_cast %add3A_754 : i32 to index
          %get3A_758 = arith.index_cast %squeeze3A_750 : i32 to index
          %get3A_759 = tpu.vector_load %arg8[%get3A_756, %get3A_757, %get3A_758] {strides = array<i32>} : memref<2x128x128xf32, #tpu.memory_space<vmem>>, vector<16xf32>,
          %swap3A_760 = arith.constant 0 : i32
          %swap3A_761 = arith.index_cast %swap3A_760 : i32 to index
          %swap3A_762 = arith.index_cast %add3A_754 : i32 to index
          %swap3A_763 = arith.constant 0 : index
          %swap3A_764 = tpu.vector_load %arg9[%swap3A_761, %swap3A_762, %swap3A_763] {strides = array<i32>} : memref<2x128x32xf32, #tpu.memory_space<vmem>>, vector<16xf32>,
          tpu.vector_store %arg9[%swap3A_761, %swap3A_762, %swap3A_763], %get3A_759 {strides = array<i32>} : memref<2x128x32xf32, #tpu.memory_space<vmem>>, vector<16xf32>,
          %add3A_765 = arith.constant 16 : i32
          %add3A_766 = arith.addi %squeeze3A_750, %add3A_765 : i32
          %get3A_767 = arith.constant 0 : i32
          %get3A_768 = arith.index_cast %get3A_767 : i32 to index
          %get3A_769 = arith.index_cast %add3A_754 : i32 to index
          %get3A_770 = arith.index_cast %add3A_766 : i32 to index
          %get3A_771 = tpu.vector_load %arg8[%get3A_768, %get3A_769, %get3A_770] {strides = array<i32>} : memref<2x128x128xf32, #tpu.memory_space<vmem>>, vector<16xf32>,
          %swap3A_772 = arith.constant 0 : i32
          %swap3A_773 = arith.index_cast %swap3A_772 : i32 to index
          %swap3A_774 = arith.index_cast %add3A_754 : i32 to index
          %swap3A_775 = arith.constant 16 : index
          %swap3A_776 = tpu.vector_load %arg9[%swap3A_773, %swap3A_774, %swap3A_775] {strides = array<i32>} : memref<2x128x32xf32, #tpu.memory_space<vmem>>, vector<16xf32>,
          tpu.vector_store %arg9[%swap3A_773, %swap3A_774, %swap3A_775], %get3A_771 {strides = array<i32>} : memref<2x128x32xf32, #tpu.memory_space<vmem>>, vector<16xf32>,
          %slice3A_777 = vector.extract_strided_slice %shift_left3A_527 {offsets = [9], sizes = [1], strides = [1]} : vector<16xi32> to vector<1xi32>
          %squeeze3A_778 = vector.extract %slice3A_777[0] : i32 from vector<1xi32>
          %mul3A_779 = arith.constant 16 : i32
          %mul3A_780 = arith.muli %scan3A_518, %mul3A_779 : i32
          %add3A_781 = arith.constant 9 : i32
          %add3A_782 = arith.addi %mul3A_780, %add3A_781 : i32
          %get3A_783 = arith.constant 0 : i32
          %get3A_784 = arith.index_cast %get3A_783 : i32 to index
          %get3A_785 = arith.index_cast %add3A_782 : i32 to index
          %get3A_786 = arith.index_cast %squeeze3A_778 : i32 to index
          %get3A_787 = tpu.vector_load %arg8[%get3A_784, %get3A_785, %get3A_786] {strides = array<i32>} : memref<2x128x128xf32, #tpu.memory_space<vmem>>, vector<16xf32>,
          %swap3A_788 = arith.constant 0 : i32
          %swap3A_789 = arith.index_cast %swap3A_788 : i32 to index
          %swap3A_790 = arith.index_cast %add3A_782 : i32 to index
          %swap3A_791 = arith.constant 0 : index
          %swap3A_792 = tpu.vector_load %arg9[%swap3A_789, %swap3A_790, %swap3A_791] {strides = array<i32>} : memref<2x128x32xf32, #tpu.memory_space<vmem>>, vector<16xf32>,
          tpu.vector_store %arg9[%swap3A_789, %swap3A_790, %swap3A_791], %get3A_787 {strides = array<i32>} : memref<2x128x32xf32, #tpu.memory_space<vmem>>, vector<16xf32>,
          %add3A_793 = arith.constant 16 : i32
          %add3A_794 = arith.addi %squeeze3A_778, %add3A_793 : i32
          %get3A_795 = arith.constant 0 : i32
          %get3A_796 = arith.index_cast %get3A_795 : i32 to index
          %get3A_797 = arith.index_cast %add3A_782 : i32 to index
          %get3A_798 = arith.index_cast %add3A_794 : i32 to index
          %get3A_799 = tpu.vector_load %arg8[%get3A_796, %get3A_797, %get3A_798] {strides = array<i32>} : memref<2x128x128xf32, #tpu.memory_space<vmem>>, vector<16xf32>,
          %swap3A_800 = arith.constant 0 : i32
          %swap3A_801 = arith.index_cast %swap3A_800 : i32 to index
          %swap3A_802 = arith.index_cast %add3A_782 : i32 to index
          %swap3A_803 = arith.constant 16 : index
          %swap3A_804 = tpu.vector_load %arg9[%swap3A_801, %swap3A_802, %swap3A_803] {strides = array<i32>} : memref<2x128x32xf32, #tpu.memory_space<vmem>>, vector<16xf32>,
          tpu.vector_store %arg9[%swap3A_801, %swap3A_802, %swap3A_803], %get3A_799 {strides = array<i32>} : memref<2x128x32xf32, #tpu.memory_space<vmem>>, vector<16xf32>,
          %slice3A_805 = vector.extract_strided_slice %shift_left3A_527 {offsets = [10], sizes = [1], strides = [1]} : vector<16xi32> to vector<1xi32>
          %squeeze3A_806 = vector.extract %slice3A_805[0] : i32 from vector<1xi32>
          %mul3A_807 = arith.constant 16 : i32
          %mul3A_808 = arith.muli %scan3A_518, %mul3A_807 : i32
          %add3A_809 = arith.constant 10 : i32
          %add3A_810 = arith.addi %mul3A_808, %add3A_809 : i32
          %get3A_811 = arith.constant 0 : i32
          %get3A_812 = arith.index_cast %get3A_811 : i32 to index
          %get3A_813 = arith.index_cast %add3A_810 : i32 to index
          %get3A_814 = arith.index_cast %squeeze3A_806 : i32 to index
          %get3A_815 = tpu.vector_load %arg8[%get3A_812, %get3A_813, %get3A_814] {strides = array<i32>} : memref<2x128x128xf32, #tpu.memory_space<vmem>>, vector<16xf32>,
          %swap3A_816 = arith.constant 0 : i32
          %swap3A_817 = arith.index_cast %swap3A_816 : i32 to index
          %swap3A_818 = arith.index_cast %add3A_810 : i32 to index
          %swap3A_819 = arith.constant 0 : index
          %swap3A_820 = tpu.vector_load %arg9[%swap3A_817, %swap3A_818, %swap3A_819] {strides = array<i32>} : memref<2x128x32xf32, #tpu.memory_space<vmem>>, vector<16xf32>,
          tpu.vector_store %arg9[%swap3A_817, %swap3A_818, %swap3A_819], %get3A_815 {strides = array<i32>} : memref<2x128x32xf32, #tpu.memory_space<vmem>>, vector<16xf32>,
          %add3A_821 = arith.constant 16 : i32
          %add3A_822 = arith.addi %squeeze3A_806, %add3A_821 : i32
          %get3A_823 = arith.constant 0 : i32
          %get3A_824 = arith.index_cast %get3A_823 : i32 to index
          %get3A_825 = arith.index_cast %add3A_810 : i32 to index
          %get3A_826 = arith.index_cast %add3A_822 : i32 to index
          %get3A_827 = tpu.vector_load %arg8[%get3A_824, %get3A_825, %get3A_826] {strides = array<i32>} : memref<2x128x128xf32, #tpu.memory_space<vmem>>, vector<16xf32>,
          %swap3A_828 = arith.constant 0 : i32
          %swap3A_829 = arith.index_cast %swap3A_828 : i32 to index
          %swap3A_830 = arith.index_cast %add3A_810 : i32 to index
          %swap3A_831 = arith.constant 16 : index
          %swap3A_832 = tpu.vector_load %arg9[%swap3A_829, %swap3A_830, %swap3A_831] {strides = array<i32>} : memref<2x128x32xf32, #tpu.memory_space<vmem>>, vector<16xf32>,
          tpu.vector_store %arg9[%swap3A_829, %swap3A_830, %swap3A_831], %get3A_827 {strides = array<i32>} : memref<2x128x32xf32, #tpu.memory_space<vmem>>, vector<16xf32>,
          %slice3A_833 = vector.extract_strided_slice %shift_left3A_527 {offsets = [11], sizes = [1], strides = [1]} : vector<16xi32> to vector<1xi32>
          %squeeze3A_834 = vector.extract %slice3A_833[0] : i32 from vector<1xi32>
          %mul3A_835 = arith.constant 16 : i32
          %mul3A_836 = arith.muli %scan3A_518, %mul3A_835 : i32
          %add3A_837 = arith.constant 11 : i32
          %add3A_838 = arith.addi %mul3A_836, %add3A_837 : i32
          %get3A_839 = arith.constant 0 : i32
          %get3A_840 = arith.index_cast %get3A_839 : i32 to index
          %get3A_841 = arith.index_cast %add3A_838 : i32 to index
          %get3A_842 = arith.index_cast %squeeze3A_834 : i32 to index
          %get3A_843 = tpu.vector_load %arg8[%get3A_840, %get3A_841, %get3A_842] {strides = array<i32>} : memref<2x128x128xf32, #tpu.memory_space<vmem>>, vector<16xf32>,
          %swap3A_844 = arith.constant 0 : i32
          %swap3A_845 = arith.index_cast %swap3A_844 : i32 to index
          %swap3A_846 = arith.index_cast %add3A_838 : i32 to index
          %swap3A_847 = arith.constant 0 : index
          %swap3A_848 = tpu.vector_load %arg9[%swap3A_845, %swap3A_846, %swap3A_847] {strides = array<i32>} : memref<2x128x32xf32, #tpu.memory_space<vmem>>, vector<16xf32>,
          tpu.vector_store %arg9[%swap3A_845, %swap3A_846, %swap3A_847], %get3A_843 {strides = array<i32>} : memref<2x128x32xf32, #tpu.memory_space<vmem>>, vector<16xf32>,
          %add3A_849 = arith.constant 16 : i32
          %add3A_850 = arith.addi %squeeze3A_834, %add3A_849 : i32
          %get3A_851 = arith.constant 0 : i32
          %get3A_852 = arith.index_cast %get3A_851 : i32 to index
          %get3A_853 = arith.index_cast %add3A_838 : i32 to index
          %get3A_854 = arith.index_cast %add3A_850 : i32 to index
          %get3A_855 = tpu.vector_load %arg8[%get3A_852, %get3A_853, %get3A_854] {strides = array<i32>} : memref<2x128x128xf32, #tpu.memory_space<vmem>>, vector<16xf32>,
          %swap3A_856 = arith.constant 0 : i32
          %swap3A_857 = arith.index_cast %swap3A_856 : i32 to index
          %swap3A_858 = arith.index_cast %add3A_838 : i32 to index
          %swap3A_859 = arith.constant 16 : index
          %swap3A_860 = tpu.vector_load %arg9[%swap3A_857, %swap3A_858, %swap3A_859] {strides = array<i32>} : memref<2x128x32xf32, #tpu.memory_space<vmem>>, vector<16xf32>,
          tpu.vector_store %arg9[%swap3A_857, %swap3A_858, %swap3A_859], %get3A_855 {strides = array<i32>} : memref<2x128x32xf32, #tpu.memory_space<vmem>>, vector<16xf32>,
          %slice3A_861 = vector.extract_strided_slice %shift_left3A_527 {offsets = [12], sizes = [1], strides = [1]} : vector<16xi32> to vector<1xi32>
          %squeeze3A_862 = vector.extract %slice3A_861[0] : i32 from vector<1xi32>
          %mul3A_863 = arith.constant 16 : i32
          %mul3A_864 = arith.muli %scan3A_518, %mul3A_863 : i32
          %add3A_865 = arith.constant 12 : i32
          %add3A_866 = arith.addi %mul3A_864, %add3A_865 : i32
          %get3A_867 = arith.constant 0 : i32
          %get3A_868 = arith.index_cast %get3A_867 : i32 to index
          %get3A_869 = arith.index_cast %add3A_866 : i32 to index
          %get3A_870 = arith.index_cast %squeeze3A_862 : i32 to index
          %get3A_871 = tpu.vector_load %arg8[%get3A_868, %get3A_869, %get3A_870] {strides = array<i32>} : memref<2x128x128xf32, #tpu.memory_space<vmem>>, vector<16xf32>,
          %swap3A_872 = arith.constant 0 : i32
          %swap3A_873 = arith.index_cast %swap3A_872 : i32 to index
          %swap3A_874 = arith.index_cast %add3A_866 : i32 to index
          %swap3A_875 = arith.constant 0 : index
          %swap3A_876 = tpu.vector_load %arg9[%swap3A_873, %swap3A_874, %swap3A_875] {strides = array<i32>} : memref<2x128x32xf32, #tpu.memory_space<vmem>>, vector<16xf32>,
          tpu.vector_store %arg9[%swap3A_873, %swap3A_874, %swap3A_875], %get3A_871 {strides = array<i32>} : memref<2x128x32xf32, #tpu.memory_space<vmem>>, vector<16xf32>,
          %add3A_877 = arith.constant 16 : i32
          %add3A_878 = arith.addi %squeeze3A_862, %add3A_877 : i32
          %get3A_879 = arith.constant 0 : i32
          %get3A_880 = arith.index_cast %get3A_879 : i32 to index
          %get3A_881 = arith.index_cast %add3A_866 : i32 to index
          %get3A_882 = arith.index_cast %add3A_878 : i32 to index
          %get3A_883 = tpu.vector_load %arg8[%get3A_880, %get3A_881, %get3A_882] {strides = array<i32>} : memref<2x128x128xf32, #tpu.memory_space<vmem>>, vector<16xf32>,
          %swap3A_884 = arith.constant 0 : i32
          %swap3A_885 = arith.index_cast %swap3A_884 : i32 to index
          %swap3A_886 = arith.index_cast %add3A_866 : i32 to index
          %swap3A_887 = arith.constant 16 : index
          %swap3A_888 = tpu.vector_load %arg9[%swap3A_885, %swap3A_886, %swap3A_887] {strides = array<i32>} : memref<2x128x32xf32, #tpu.memory_space<vmem>>, vector<16xf32>,
          tpu.vector_store %arg9[%swap3A_885, %swap3A_886, %swap3A_887], %get3A_883 {strides = array<i32>} : memref<2x128x32xf32, #tpu.memory_space<vmem>>, vector<16xf32>,
          %slice3A_889 = vector.extract_strided_slice %shift_left3A_527 {offsets = [13], sizes = [1], strides = [1]} : vector<16xi32> to vector<1xi32>
          %squeeze3A_890 = vector.extract %slice3A_889[0] : i32 from vector<1xi32>
          %mul3A_891 = arith.constant 16 : i32
          %mul3A_892 = arith.muli %scan3A_518, %mul3A_891 : i32
          %add3A_893 = arith.constant 13 : i32
          %add3A_894 = arith.addi %mul3A_892, %add3A_893 : i32
          %get3A_895 = arith.constant 0 : i32
          %get3A_896 = arith.index_cast %get3A_895 : i32 to index
          %get3A_897 = arith.index_cast %add3A_894 : i32 to index
          %get3A_898 = arith.index_cast %squeeze3A_890 : i32 to index
          %get3A_899 = tpu.vector_load %arg8[%get3A_896, %get3A_897, %get3A_898] {strides = array<i32>} : memref<2x128x128xf32, #tpu.memory_space<vmem>>, vector<16xf32>,
          %swap3A_900 = arith.constant 0 : i32
          %swap3A_901 = arith.index_cast %swap3A_900 : i32 to index
          %swap3A_902 = arith.index_cast %add3A_894 : i32 to index
          %swap3A_903 = arith.constant 0 : index
          %swap3A_904 = tpu.vector_load %arg9[%swap3A_901, %swap3A_902, %swap3A_903] {strides = array<i32>} : memref<2x128x32xf32, #tpu.memory_space<vmem>>, vector<16xf32>,
          tpu.vector_store %arg9[%swap3A_901, %swap3A_902, %swap3A_903], %get3A_899 {strides = array<i32>} : memref<2x128x32xf32, #tpu.memory_space<vmem>>, vector<16xf32>,
          %add3A_905 = arith.constant 16 : i32
          %add3A_906 = arith.addi %squeeze3A_890, %add3A_905 : i32
          %get3A_907 = arith.constant 0 : i32
          %get3A_908 = arith.index_cast %get3A_907 : i32 to index
          %get3A_909 = arith.index_cast %add3A_894 : i32 to index
          %get3A_910 = arith.index_cast %add3A_906 : i32 to index
          %get3A_911 = tpu.vector_load %arg8[%get3A_908, %get3A_909, %get3A_910] {strides = array<i32>} : memref<2x128x128xf32, #tpu.memory_space<vmem>>, vector<16xf32>,
          %swap3A_912 = arith.constant 0 : i32
          %swap3A_913 = arith.index_cast %swap3A_912 : i32 to index
          %swap3A_914 = arith.index_cast %add3A_894 : i32 to index
          %swap3A_915 = arith.constant 16 : index
          %swap3A_916 = tpu.vector_load %arg9[%swap3A_913, %swap3A_914, %swap3A_915] {strides = array<i32>} : memref<2x128x32xf32, #tpu.memory_space<vmem>>, vector<16xf32>,
          tpu.vector_store %arg9[%swap3A_913, %swap3A_914, %swap3A_915], %get3A_911 {strides = array<i32>} : memref<2x128x32xf32, #tpu.memory_space<vmem>>, vector<16xf32>,
          %slice3A_917 = vector.extract_strided_slice %shift_left3A_527 {offsets = [14], sizes = [1], strides = [1]} : vector<16xi32> to vector<1xi32>
          %squeeze3A_918 = vector.extract %slice3A_917[0] : i32 from vector<1xi32>
          %mul3A_919 = arith.constant 16 : i32
          %mul3A_920 = arith.muli %scan3A_518, %mul3A_919 : i32
          %add3A_921 = arith.constant 14 : i32
          %add3A_922 = arith.addi %mul3A_920, %add3A_921 : i32
          %get3A_923 = arith.constant 0 : i32
          %get3A_924 = arith.index_cast %get3A_923 : i32 to index
          %get3A_925 = arith.index_cast %add3A_922 : i32 to index
          %get3A_926 = arith.index_cast %squeeze3A_918 : i32 to index
          %get3A_927 = tpu.vector_load %arg8[%get3A_924, %get3A_925, %get3A_926] {strides = array<i32>} : memref<2x128x128xf32, #tpu.memory_space<vmem>>, vector<16xf32>,
          %swap3A_928 = arith.constant 0 : i32
          %swap3A_929 = arith.index_cast %swap3A_928 : i32 to index
          %swap3A_930 = arith.index_cast %add3A_922 : i32 to index
          %swap3A_931 = arith.constant 0 : index
          %swap3A_932 = tpu.vector_load %arg9[%swap3A_929, %swap3A_930, %swap3A_931] {strides = array<i32>} : memref<2x128x32xf32, #tpu.memory_space<vmem>>, vector<16xf32>,
          tpu.vector_store %arg9[%swap3A_929, %swap3A_930, %swap3A_931], %get3A_927 {strides = array<i32>} : memref<2x128x32xf32, #tpu.memory_space<vmem>>, vector<16xf32>,
          %add3A_933 = arith.constant 16 : i32
          %add3A_934 = arith.addi %squeeze3A_918, %add3A_933 : i32
          %get3A_935 = arith.constant 0 : i32
          %get3A_936 = arith.index_cast %get3A_935 : i32 to index
          %get3A_937 = arith.index_cast %add3A_922 : i32 to index
          %get3A_938 = arith.index_cast %add3A_934 : i32 to index
          %get3A_939 = tpu.vector_load %arg8[%get3A_936, %get3A_937, %get3A_938] {strides = array<i32>} : memref<2x128x128xf32, #tpu.memory_space<vmem>>, vector<16xf32>,
          %swap3A_940 = arith.constant 0 : i32
          %swap3A_941 = arith.index_cast %swap3A_940 : i32 to index
          %swap3A_942 = arith.index_cast %add3A_922 : i32 to index
          %swap3A_943 = arith.constant 16 : index
          %swap3A_944 = tpu.vector_load %arg9[%swap3A_941, %swap3A_942, %swap3A_943] {strides = array<i32>} : memref<2x128x32xf32, #tpu.memory_space<vmem>>, vector<16xf32>,
          tpu.vector_store %arg9[%swap3A_941, %swap3A_942, %swap3A_943], %get3A_939 {strides = array<i32>} : memref<2x128x32xf32, #tpu.memory_space<vmem>>, vector<16xf32>,
          %slice3A_945 = vector.extract_strided_slice %shift_left3A_527 {offsets = [15], sizes = [1], strides = [1]} : vector<16xi32> to vector<1xi32>
          %squeeze3A_946 = vector.extract %slice3A_945[0] : i32 from vector<1xi32>
          %mul3A_947 = arith.constant 16 : i32
          %mul3A_948 = arith.muli %scan3A_518, %mul3A_947 : i32
          %add3A_949 = arith.constant 15 : i32
          %add3A_950 = arith.addi %mul3A_948, %add3A_949 : i32
          %get3A_951 = arith.constant 0 : i32
          %get3A_952 = arith.index_cast %get3A_951 : i32 to index
          %get3A_953 = arith.index_cast %add3A_950 : i32 to index
          %get3A_954 = arith.index_cast %squeeze3A_946 : i32 to index
          %get3A_955 = tpu.vector_load %arg8[%get3A_952, %get3A_953, %get3A_954] {strides = array<i32>} : memref<2x128x128xf32, #tpu.memory_space<vmem>>, vector<16xf32>,
          %swap3A_956 = arith.constant 0 : i32
          %swap3A_957 = arith.index_cast %swap3A_956 : i32 to index
          %swap3A_958 = arith.index_cast %add3A_950 : i32 to index
          %swap3A_959 = arith.constant 0 : index
          %swap3A_960 = tpu.vector_load %arg9[%swap3A_957, %swap3A_958, %swap3A_959] {strides = array<i32>} : memref<2x128x32xf32, #tpu.memory_space<vmem>>, vector<16xf32>,
          tpu.vector_store %arg9[%swap3A_957, %swap3A_958, %swap3A_959], %get3A_955 {strides = array<i32>} : memref<2x128x32xf32, #tpu.memory_space<vmem>>, vector<16xf32>,
          %add3A_961 = arith.constant 16 : i32
          %add3A_962 = arith.addi %squeeze3A_946, %add3A_961 : i32
          %get3A_963 = arith.constant 0 : i32
          %get3A_964 = arith.index_cast %get3A_963 : i32 to index
          %get3A_965 = arith.index_cast %add3A_950 : i32 to index
          %get3A_966 = arith.index_cast %add3A_962 : i32 to index
          %get3A_967 = tpu.vector_load %arg8[%get3A_964, %get3A_965, %get3A_966] {strides = array<i32>} : memref<2x128x128xf32, #tpu.memory_space<vmem>>, vector<16xf32>,
          %swap3A_968 = arith.constant 0 : i32
          %swap3A_969 = arith.index_cast %swap3A_968 : i32 to index
          %swap3A_970 = arith.index_cast %add3A_950 : i32 to index
          %swap3A_971 = arith.constant 16 : index
          %swap3A_972 = tpu.vector_load %arg9[%swap3A_969, %swap3A_970, %swap3A_971] {strides = array<i32>} : memref<2x128x32xf32, #tpu.memory_space<vmem>>, vector<16xf32>,
          tpu.vector_store %arg9[%swap3A_969, %swap3A_970, %swap3A_971], %get3A_967 {strides = array<i32>} : memref<2x128x32xf32, #tpu.memory_space<vmem>>, vector<16xf32>,
        }
        %scan3A_496 = arith.constant 8 : i32
        %sub3A = arith.constant 1 : i32
        %sub3A_497 = arith.subi %add3A_243, %sub3A : i32
        %mul3A_498 = arith.constant 128 : i32
        %mul3A_499 = arith.muli %sub3A_497, %mul3A_498 : i32
        %add3A_500 = arith.addi %mul3A_2, %mul3A_499 : i32
        %multiple_of3A_501 = tpu.assume_multiple %add3A_500, 128 : i32
        %dma_start3A_502 = arith.constant 0 : i32
        %dma_start3A_503 = arith.constant 0 : i32
        %dma_start3A_504 = arith.constant 0 : i32
        %dma_start3A_505 = arith.constant 0 : i32
        %dma_start3A_506 = tpu.memref_slice %arg9[%dma_start3A_502, %dma_start3A_504, %dma_start3A_505] : memref<2x128x32xf32, #tpu.memory_space<vmem>> -> memref<1x128x32xf32, #tpu.memory_space<vmem>>
        %dma_start3A_507 = tpu.memref_squeeze %dma_start3A_506 : memref<1x128x32xf32, #tpu.memory_space<vmem>> -> memref<128x32xf32, #tpu.memory_space<vmem>>
        %dma_start3A_508 = arith.constant 0 : i32
        %dma_start3A_509 = tpu.memref_slice %arg5[%multiple_of3A_501, %dma_start3A_508] : memref<3276800x32xf32, #tpu.memory_space<hbm>> -> memref<128x32xf32, #tpu.memory_space<hbm>>
        %dma_start3A_510 = tpu.memref_slice %arg13[%dma_start3A_503] : memref<2x!tpu.dma_semaphore, #tpu.memory_space<semaphore_mem>> -> memref<1x!tpu.dma_semaphore, #tpu.memory_space<semaphore_mem>>
        %dma_start3A_511 = tpu.memref_squeeze %dma_start3A_510 : memref<1x!tpu.dma_semaphore, #tpu.memory_space<semaphore_mem>> -> memref<!tpu.dma_semaphore, #tpu.memory_space<semaphore_mem>>
        %dma_start3A_512 = arith.constant 0 : i32
        %dma_start3A_513 = tpu.memref_slice %arg5[%multiple_of3A_501, %dma_start3A_512] : memref<3276800x32xf32, #tpu.memory_space<hbm>> -> memref<128x32xf32, #tpu.memory_space<hbm>>
        %dma_start3A_514 = arith.constant 0 : i32
        %dma_start3A_515 = arith.constant 0 : i32
        %dma_start3A_516 = tpu.memref_slice %arg9[%dma_start3A_502, %dma_start3A_514, %dma_start3A_515] : memref<2x128x32xf32, #tpu.memory_space<vmem>> -> memref<1x128x32xf32, #tpu.memory_space<vmem>>
        %dma_start3A_517 = tpu.memref_squeeze %dma_start3A_516 : memref<1x128x32xf32, #tpu.memory_space<vmem>> -> memref<128x32xf32, #tpu.memory_space<vmem>>
        tpu.enqueue_dma source(%dma_start3A_517 : memref<128x32xf32, #tpu.memory_space<vmem>>) target(%dma_start3A_513 : memref<128x32xf32, #tpu.memory_space<hbm>>) target_semaphore(%dma_start3A_511 : memref<!tpu.dma_semaphore, #tpu.memory_space<semaphore_mem>>)
      } else {
      }
      %mul3A_312 = arith.constant 4 : i32
      %mul3A_313 = arith.muli %mul3A_312, %scan3A_171 : i32
      %add3A_314 = arith.constant 2 : i32
      %add3A_315 = arith.addi %mul3A_313, %add3A_314 : i32
      %multiple_of3A_316 = tpu.assume_multiple %mul3A_2, 128 : i32
      %dma_wait3A_317 = arith.constant 2 : i32
      %dma_wait3A_318 = arith.constant 2 : i32
      %dma_wait3A_319 = arith.constant 0 : i32
      %dma_wait3A_320 = tpu.memref_slice %arg6[%dma_wait3A_317, %dma_wait3A_319] : memref<4x128xi32, #tpu.memory_space<vmem>> -> memref<1x128xi32, #tpu.memory_space<vmem>>
      %dma_wait3A_321 = tpu.memref_squeeze %dma_wait3A_320 : memref<1x128xi32, #tpu.memory_space<vmem>> -> memref<128xi32, #tpu.memory_space<vmem>>
      %dma_wait3A_322 = tpu.memref_slice %arg2[%multiple_of3A_316] : memref<3276800xi32, #tpu.memory_space<hbm>> -> memref<128xi32, #tpu.memory_space<hbm>>
      %dma_wait3A_323 = tpu.memref_slice %arg10[%dma_wait3A_318] : memref<4x!tpu.dma_semaphore, #tpu.memory_space<semaphore_mem>> -> memref<1x!tpu.dma_semaphore, #tpu.memory_space<semaphore_mem>>
      %dma_wait3A_324 = tpu.memref_squeeze %dma_wait3A_323 : memref<1x!tpu.dma_semaphore, #tpu.memory_space<semaphore_mem>> -> memref<!tpu.dma_semaphore, #tpu.memory_space<semaphore_mem>>
      %dma_wait3A_325 = arith.constant 0 : i32
      %dma_wait3A_326 = tpu.memref_slice %arg6[%dma_wait3A_317, %dma_wait3A_325] : memref<4x128xi32, #tpu.memory_space<vmem>> -> memref<1x128xi32, #tpu.memory_space<vmem>>
      %dma_wait3A_327 = tpu.memref_squeeze %dma_wait3A_326 : memref<1x128xi32, #tpu.memory_space<vmem>> -> memref<128xi32, #tpu.memory_space<vmem>>
      %dma_wait3A_328 = tpu.memref_slice %arg2[%multiple_of3A_316] : memref<3276800xi32, #tpu.memory_space<hbm>> -> memref<128xi32, #tpu.memory_space<hbm>>
      tpu.wait_dma2 semaphore(%dma_wait3A_324 : memref<!tpu.dma_semaphore, #tpu.memory_space<semaphore_mem>>) src(%dma_wait3A_328 : memref<128xi32, #tpu.memory_space<hbm>>) dst(%dma_wait3A_327 : memref<128xi32, #tpu.memory_space<vmem>>)
      %multiple_of3A_329 = tpu.assume_multiple %mul3A_2, 128 : i32
      %dma_wait3A_330 = arith.constant 2 : i32
      %dma_wait3A_331 = arith.constant 2 : i32
      %dma_wait3A_332 = arith.constant 0 : i32
      %dma_wait3A_333 = tpu.memref_slice %arg7[%dma_wait3A_330, %dma_wait3A_332] : memref<4x128xi32, #tpu.memory_space<vmem>> -> memref<1x128xi32, #tpu.memory_space<vmem>>
      %dma_wait3A_334 = tpu.memref_squeeze %dma_wait3A_333 : memref<1x128xi32, #tpu.memory_space<vmem>> -> memref<128xi32, #tpu.memory_space<vmem>>
      %dma_wait3A_335 = tpu.memref_slice %arg3[%multiple_of3A_329] : memref<3276800xi32, #tpu.memory_space<hbm>> -> memref<128xi32, #tpu.memory_space<hbm>>
      %dma_wait3A_336 = tpu.memref_slice %arg11[%dma_wait3A_331] : memref<4x!tpu.dma_semaphore, #tpu.memory_space<semaphore_mem>> -> memref<1x!tpu.dma_semaphore, #tpu.memory_space<semaphore_mem>>
      %dma_wait3A_337 = tpu.memref_squeeze %dma_wait3A_336 : memref<1x!tpu.dma_semaphore, #tpu.memory_space<semaphore_mem>> -> memref<!tpu.dma_semaphore, #tpu.memory_space<semaphore_mem>>
      %dma_wait3A_338 = arith.constant 0 : i32
      %dma_wait3A_339 = tpu.memref_slice %arg7[%dma_wait3A_330, %dma_wait3A_338] : memref<4x128xi32, #tpu.memory_space<vmem>> -> memref<1x128xi32, #tpu.memory_space<vmem>>
      %dma_wait3A_340 = tpu.memref_squeeze %dma_wait3A_339 : memref<1x128xi32, #tpu.memory_space<vmem>> -> memref<128xi32, #tpu.memory_space<vmem>>
      %dma_wait3A_341 = tpu.memref_slice %arg3[%multiple_of3A_329] : memref<3276800xi32, #tpu.memory_space<hbm>> -> memref<128xi32, #tpu.memory_space<hbm>>
      tpu.wait_dma2 semaphore(%dma_wait3A_337 : memref<!tpu.dma_semaphore, #tpu.memory_space<semaphore_mem>>) src(%dma_wait3A_341 : memref<128xi32, #tpu.memory_space<hbm>>) dst(%dma_wait3A_340 : memref<128xi32, #tpu.memory_space<vmem>>)
      %dma_start3A_342 = arith.constant 2 : i32
      %dma_start3A_343 = arith.constant 0 : i32
      %dma_start3A_344 = arith.constant 0 : i32
      %dma_start3A_345 = arith.constant 0 : i32
      %dma_start3A_346 = arith.constant 0 : i32
      %dma_start3A_347 = tpu.memref_slice %arg8[%dma_start3A_343, %dma_start3A_345, %dma_start3A_346] : memref<2x128x128xf32, #tpu.memory_space<vmem>> -> memref<1x64x128xf32, #tpu.memory_space<vmem>>
      %dma_start3A_348 = tpu.memref_squeeze %dma_start3A_347 : memref<1x64x128xf32, #tpu.memory_space<vmem>> -> memref<64x128xf32, #tpu.memory_space<vmem>>
      %dma_start3A_349 = arith.constant 0 : i32
      %dma_start3A_350 = tpu.memref_slice %arg7[%dma_start3A_342, %dma_start3A_349] : memref<4x128xi32, #tpu.memory_space<vmem>> -> memref<1x64xi32, #tpu.memory_space<vmem>>
      %dma_start3A_351 = tpu.memref_squeeze %dma_start3A_350 : memref<1x64xi32, #tpu.memory_space<vmem>> -> memref<64xi32, #tpu.memory_space<vmem>>
      %dma_start3A_352 = arith.constant 0 : i32
      %dma_start3A_353 = arith.constant 0 : i32
      %dma_start3A_354 = tpu.memref_slice %arg4[%dma_start3A_352, %dma_start3A_353] : memref<250000x128xf32, #tpu.memory_space<hbm>> -> memref<250000x128xf32, #tpu.memory_space<hbm>>
      %dma_start3A_355 = tpu.memref_slice %arg12[%dma_start3A_344] : memref<2x!tpu.dma_semaphore, #tpu.memory_space<semaphore_mem>> -> memref<1x!tpu.dma_semaphore, #tpu.memory_space<semaphore_mem>>
      %dma_start3A_356 = tpu.memref_squeeze %dma_start3A_355 : memref<1x!tpu.dma_semaphore, #tpu.memory_space<semaphore_mem>> -> memref<!tpu.dma_semaphore, #tpu.memory_space<semaphore_mem>>
      tpu.enqueue_indirect_dma source(%dma_start3A_354 : memref<250000x128xf32, #tpu.memory_space<hbm>>) target(%dma_start3A_348 : memref<64x128xf32, #tpu.memory_space<vmem>>) offsets(%dma_start3A_351 : memref<64xi32, #tpu.memory_space<vmem>>) semaphore(%dma_start3A_356 : memref<!tpu.dma_semaphore, #tpu.memory_space<semaphore_mem>>)
      %dma_start3A_357 = arith.constant 2 : i32
      %dma_start3A_358 = arith.constant 0 : i32
      %dma_start3A_359 = arith.constant 0 : i32
      %dma_start3A_360 = arith.constant 64 : i32
      %dma_start3A_361 = arith.constant 0 : i32
      %dma_start3A_362 = tpu.memref_slice %arg8[%dma_start3A_358, %dma_start3A_360, %dma_start3A_361] : memref<2x128x128xf32, #tpu.memory_space<vmem>> -> memref<1x64x128xf32, #tpu.memory_space<vmem>>
      %dma_start3A_363 = tpu.memref_squeeze %dma_start3A_362 : memref<1x64x128xf32, #tpu.memory_space<vmem>> -> memref<64x128xf32, #tpu.memory_space<vmem>>
      %dma_start3A_364 = arith.constant 64 : i32
      %dma_start3A_365 = tpu.memref_slice %arg7[%dma_start3A_357, %dma_start3A_364] : memref<4x128xi32, #tpu.memory_space<vmem>> -> memref<1x64xi32, #tpu.memory_space<vmem>>
      %dma_start3A_366 = tpu.memref_squeeze %dma_start3A_365 : memref<1x64xi32, #tpu.memory_space<vmem>> -> memref<64xi32, #tpu.memory_space<vmem>>
      %dma_start3A_367 = arith.constant 0 : i32
      %dma_start3A_368 = arith.constant 0 : i32
      %dma_start3A_369 = tpu.memref_slice %arg4[%dma_start3A_367, %dma_start3A_368] : memref<250000x128xf32, #tpu.memory_space<hbm>> -> memref<250000x128xf32, #tpu.memory_space<hbm>>
      %dma_start3A_370 = tpu.memref_slice %arg12[%dma_start3A_359] : memref<2x!tpu.dma_semaphore, #tpu.memory_space<semaphore_mem>> -> memref<1x!tpu.dma_semaphore, #tpu.memory_space<semaphore_mem>>
      %dma_start3A_371 = tpu.memref_squeeze %dma_start3A_370 : memref<1x!tpu.dma_semaphore, #tpu.memory_space<semaphore_mem>> -> memref<!tpu.dma_semaphore, #tpu.memory_space<semaphore_mem>>
      tpu.enqueue_indirect_dma source(%dma_start3A_369 : memref<250000x128xf32, #tpu.memory_space<hbm>>) target(%dma_start3A_363 : memref<64x128xf32, #tpu.memory_space<vmem>>) offsets(%dma_start3A_366 : memref<64xi32, #tpu.memory_space<vmem>>) semaphore(%dma_start3A_371 : memref<!tpu.dma_semaphore, #tpu.memory_space<semaphore_mem>>)
      %add3A_372 = arith.constant 2 : i32
      %add3A_373 = arith.addi %add3A_315, %add3A_372 : i32
      %lt3A_374 = arith.constant 800 : i32
      %lt3A_375 = arith.cmpi slt, %add3A_373, %lt3A_374 : i32
      %convert_element_type3A_376 = arith.extui %lt3A_375 : i1 to i32
      %cond3A_377 = arith.constant 0 : i32
      %cond3A_378 = arith.cmpi ne, %convert_element_type3A_376, %cond3A_377 : i32
      scf.if %cond3A_378 {
        %add3A_456 = arith.constant 2 : i32
        %add3A_457 = arith.addi %add3A_315, %add3A_456 : i32
        %mul3A_458 = arith.constant 128 : i32
        %mul3A_459 = arith.muli %add3A_457, %mul3A_458 : i32
        %add3A_460 = arith.addi %mul3A_2, %mul3A_459 : i32
        %multiple_of3A_461 = tpu.assume_multiple %add3A_460, 128 : i32
        %dma_start3A_462 = arith.constant 0 : i32
        %dma_start3A_463 = arith.constant 0 : i32
        %dma_start3A_464 = arith.constant 0 : i32
        %dma_start3A_465 = tpu.memref_slice %arg6[%dma_start3A_462, %dma_start3A_464] : memref<4x128xi32, #tpu.memory_space<vmem>> -> memref<1x128xi32, #tpu.memory_space<vmem>>
        %dma_start3A_466 = tpu.memref_squeeze %dma_start3A_465 : memref<1x128xi32, #tpu.memory_space<vmem>> -> memref<128xi32, #tpu.memory_space<vmem>>
        %dma_start3A_467 = tpu.memref_slice %arg2[%multiple_of3A_461] : memref<3276800xi32, #tpu.memory_space<hbm>> -> memref<128xi32, #tpu.memory_space<hbm>>
        %dma_start3A_468 = tpu.memref_slice %arg10[%dma_start3A_463] : memref<4x!tpu.dma_semaphore, #tpu.memory_space<semaphore_mem>> -> memref<1x!tpu.dma_semaphore, #tpu.memory_space<semaphore_mem>>
        %dma_start3A_469 = tpu.memref_squeeze %dma_start3A_468 : memref<1x!tpu.dma_semaphore, #tpu.memory_space<semaphore_mem>> -> memref<!tpu.dma_semaphore, #tpu.memory_space<semaphore_mem>>
        %dma_start3A_470 = arith.constant 0 : i32
        %dma_start3A_471 = tpu.memref_slice %arg6[%dma_start3A_462, %dma_start3A_470] : memref<4x128xi32, #tpu.memory_space<vmem>> -> memref<1x128xi32, #tpu.memory_space<vmem>>
        %dma_start3A_472 = tpu.memref_squeeze %dma_start3A_471 : memref<1x128xi32, #tpu.memory_space<vmem>> -> memref<128xi32, #tpu.memory_space<vmem>>
        %dma_start3A_473 = tpu.memref_slice %arg2[%multiple_of3A_461] : memref<3276800xi32, #tpu.memory_space<hbm>> -> memref<128xi32, #tpu.memory_space<hbm>>
        tpu.enqueue_dma source(%dma_start3A_473 : memref<128xi32, #tpu.memory_space<hbm>>) target(%dma_start3A_472 : memref<128xi32, #tpu.memory_space<vmem>>) target_semaphore(%dma_start3A_469 : memref<!tpu.dma_semaphore, #tpu.memory_space<semaphore_mem>>)
        %mul3A_474 = arith.constant 128 : i32
        %mul3A_475 = arith.muli %add3A_457, %mul3A_474 : i32
        %add3A_476 = arith.addi %mul3A_2, %mul3A_475 : i32
        %multiple_of3A_477 = tpu.assume_multiple %add3A_476, 128 : i32
        %dma_start3A_478 = arith.constant 0 : i32
        %dma_start3A_479 = arith.constant 0 : i32
        %dma_start3A_480 = arith.constant 0 : i32
        %dma_start3A_481 = tpu.memref_slice %arg7[%dma_start3A_478, %dma_start3A_480] : memref<4x128xi32, #tpu.memory_space<vmem>> -> memref<1x128xi32, #tpu.memory_space<vmem>>
        %dma_start3A_482 = tpu.memref_squeeze %dma_start3A_481 : memref<1x128xi32, #tpu.memory_space<vmem>> -> memref<128xi32, #tpu.memory_space<vmem>>
        %dma_start3A_483 = tpu.memref_slice %arg3[%multiple_of3A_477] : memref<3276800xi32, #tpu.memory_space<hbm>> -> memref<128xi32, #tpu.memory_space<hbm>>
        %dma_start3A_484 = tpu.memref_slice %arg11[%dma_start3A_479] : memref<4x!tpu.dma_semaphore, #tpu.memory_space<semaphore_mem>> -> memref<1x!tpu.dma_semaphore, #tpu.memory_space<semaphore_mem>>
        %dma_start3A_485 = tpu.memref_squeeze %dma_start3A_484 : memref<1x!tpu.dma_semaphore, #tpu.memory_space<semaphore_mem>> -> memref<!tpu.dma_semaphore, #tpu.memory_space<semaphore_mem>>
        %dma_start3A_486 = arith.constant 0 : i32
        %dma_start3A_487 = tpu.memref_slice %arg7[%dma_start3A_478, %dma_start3A_486] : memref<4x128xi32, #tpu.memory_space<vmem>> -> memref<1x128xi32, #tpu.memory_space<vmem>>
        %dma_start3A_488 = tpu.memref_squeeze %dma_start3A_487 : memref<1x128xi32, #tpu.memory_space<vmem>> -> memref<128xi32, #tpu.memory_space<vmem>>
        %dma_start3A_489 = tpu.memref_slice %arg3[%multiple_of3A_477] : memref<3276800xi32, #tpu.memory_space<hbm>> -> memref<128xi32, #tpu.memory_space<hbm>>
        tpu.enqueue_dma source(%dma_start3A_489 : memref<128xi32, #tpu.memory_space<hbm>>) target(%dma_start3A_488 : memref<128xi32, #tpu.memory_space<vmem>>) target_semaphore(%dma_start3A_485 : memref<!tpu.dma_semaphore, #tpu.memory_space<semaphore_mem>>)
      } else {
      }
      %ge3A_379 = arith.constant 1 : i32
      %ge3A_380 = arith.cmpi sge, %add3A_315, %ge3A_379 : i32
      %convert_element_type3A_381 = arith.extui %ge3A_380 : i1 to i32
      %cond3A_382 = arith.constant 0 : i32
      %cond3A_383 = arith.cmpi ne, %convert_element_type3A_381, %cond3A_382 : i32
      scf.if %cond3A_383 {
        %dma_wait3A_456 = arith.constant 0 : i32
        %dma_wait3A_457 = arith.constant 1 : i32
        %dma_wait3A_458 = arith.constant 1 : i32
        %dma_wait3A_459 = arith.constant 0 : i32
        %dma_wait3A_460 = arith.constant 0 : i32
        %dma_wait3A_461 = tpu.memref_slice %arg8[%dma_wait3A_457, %dma_wait3A_459, %dma_wait3A_460] : memref<2x128x128xf32, #tpu.memory_space<vmem>> -> memref<1x64x128xf32, #tpu.memory_space<vmem>>
        %dma_wait3A_462 = tpu.memref_squeeze %dma_wait3A_461 : memref<1x64x128xf32, #tpu.memory_space<vmem>> -> memref<64x128xf32, #tpu.memory_space<vmem>>
        %dma_wait3A_463 = arith.constant 0 : i32
        %dma_wait3A_464 = tpu.memref_slice %arg7[%dma_wait3A_456, %dma_wait3A_463] : memref<4x128xi32, #tpu.memory_space<vmem>> -> memref<1x64xi32, #tpu.memory_space<vmem>>
        %dma_wait3A_465 = tpu.memref_squeeze %dma_wait3A_464 : memref<1x64xi32, #tpu.memory_space<vmem>> -> memref<64xi32, #tpu.memory_space<vmem>>
        %dma_wait3A_466 = arith.constant 0 : i32
        %dma_wait3A_467 = arith.constant 0 : i32
        %dma_wait3A_468 = tpu.memref_slice %arg4[%dma_wait3A_466, %dma_wait3A_467] : memref<250000x128xf32, #tpu.memory_space<hbm>> -> memref<250000x128xf32, #tpu.memory_space<hbm>>
        %dma_wait3A_469 = tpu.memref_slice %arg12[%dma_wait3A_458] : memref<2x!tpu.dma_semaphore, #tpu.memory_space<semaphore_mem>> -> memref<1x!tpu.dma_semaphore, #tpu.memory_space<semaphore_mem>>
        %dma_wait3A_470 = tpu.memref_squeeze %dma_wait3A_469 : memref<1x!tpu.dma_semaphore, #tpu.memory_space<semaphore_mem>> -> memref<!tpu.dma_semaphore, #tpu.memory_space<semaphore_mem>>
        tpu.wait_indirect_dma semaphore(%dma_wait3A_470 : memref<!tpu.dma_semaphore, #tpu.memory_space<semaphore_mem>>) src(%dma_wait3A_468 : memref<250000x128xf32, #tpu.memory_space<hbm>>) dst(%dma_wait3A_462 : memref<64x128xf32, #tpu.memory_space<vmem>>)
        %dma_wait3A_471 = arith.constant 0 : i32
        %dma_wait3A_472 = arith.constant 1 : i32
        %dma_wait3A_473 = arith.constant 1 : i32
        %dma_wait3A_474 = arith.constant 64 : i32
        %dma_wait3A_475 = arith.constant 0 : i32
        %dma_wait3A_476 = tpu.memref_slice %arg8[%dma_wait3A_472, %dma_wait3A_474, %dma_wait3A_475] : memref<2x128x128xf32, #tpu.memory_space<vmem>> -> memref<1x64x128xf32, #tpu.memory_space<vmem>>
        %dma_wait3A_477 = tpu.memref_squeeze %dma_wait3A_476 : memref<1x64x128xf32, #tpu.memory_space<vmem>> -> memref<64x128xf32, #tpu.memory_space<vmem>>
        %dma_wait3A_478 = arith.constant 0 : i32
        %dma_wait3A_479 = tpu.memref_slice %arg7[%dma_wait3A_471, %dma_wait3A_478] : memref<4x128xi32, #tpu.memory_space<vmem>> -> memref<1x64xi32, #tpu.memory_space<vmem>>
        %dma_wait3A_480 = tpu.memref_squeeze %dma_wait3A_479 : memref<1x64xi32, #tpu.memory_space<vmem>> -> memref<64xi32, #tpu.memory_space<vmem>>
        %dma_wait3A_481 = arith.constant 0 : i32
        %dma_wait3A_482 = arith.constant 0 : i32
        %dma_wait3A_483 = tpu.memref_slice %arg4[%dma_wait3A_481, %dma_wait3A_482] : memref<250000x128xf32, #tpu.memory_space<hbm>> -> memref<250000x128xf32, #tpu.memory_space<hbm>>
        %dma_wait3A_484 = tpu.memref_slice %arg12[%dma_wait3A_473] : memref<2x!tpu.dma_semaphore, #tpu.memory_space<semaphore_mem>> -> memref<1x!tpu.dma_semaphore, #tpu.memory_space<semaphore_mem>>
        %dma_wait3A_485 = tpu.memref_squeeze %dma_wait3A_484 : memref<1x!tpu.dma_semaphore, #tpu.memory_space<semaphore_mem>> -> memref<!tpu.dma_semaphore, #tpu.memory_space<semaphore_mem>>
        tpu.wait_indirect_dma semaphore(%dma_wait3A_485 : memref<!tpu.dma_semaphore, #tpu.memory_space<semaphore_mem>>) src(%dma_wait3A_483 : memref<250000x128xf32, #tpu.memory_space<hbm>>) dst(%dma_wait3A_477 : memref<64x128xf32, #tpu.memory_space<vmem>>)
        %ge3A_486 = arith.constant 3 : i32
        %ge3A_487 = arith.cmpi sge, %add3A_315, %ge3A_486 : i32
        %convert_element_type3A_488 = arith.extui %ge3A_487 : i1 to i32
        %cond3A_489 = arith.constant 0 : i32
        %cond3A_490 = arith.cmpi ne, %convert_element_type3A_488, %cond3A_489 : i32
        scf.if %cond3A_490 {
          %multiple_of3A_518 = tpu.assume_multiple %mul3A_2, 128 : i32
          %dma_wait3A_519 = arith.constant 1 : i32
          %dma_wait3A_520 = arith.constant 1 : i32
          %dma_wait3A_521 = arith.constant 0 : i32
          %dma_wait3A_522 = arith.constant 0 : i32
          %dma_wait3A_523 = tpu.memref_slice %arg9[%dma_wait3A_519, %dma_wait3A_521, %dma_wait3A_522] : memref<2x128x32xf32, #tpu.memory_space<vmem>> -> memref<1x128x32xf32, #tpu.memory_space<vmem>>
          %dma_wait3A_524 = tpu.memref_squeeze %dma_wait3A_523 : memref<1x128x32xf32, #tpu.memory_space<vmem>> -> memref<128x32xf32, #tpu.memory_space<vmem>>
          %dma_wait3A_525 = arith.constant 0 : i32
          %dma_wait3A_526 = tpu.memref_slice %arg5[%multiple_of3A_518, %dma_wait3A_525] : memref<3276800x32xf32, #tpu.memory_space<hbm>> -> memref<128x32xf32, #tpu.memory_space<hbm>>
          %dma_wait3A_527 = tpu.memref_slice %arg13[%dma_wait3A_520] : memref<2x!tpu.dma_semaphore, #tpu.memory_space<semaphore_mem>> -> memref<1x!tpu.dma_semaphore, #tpu.memory_space<semaphore_mem>>
          %dma_wait3A_528 = tpu.memref_squeeze %dma_wait3A_527 : memref<1x!tpu.dma_semaphore, #tpu.memory_space<semaphore_mem>> -> memref<!tpu.dma_semaphore, #tpu.memory_space<semaphore_mem>>
          %dma_wait3A_529 = arith.constant 0 : i32
          %dma_wait3A_530 = tpu.memref_slice %arg5[%multiple_of3A_518, %dma_wait3A_529] : memref<3276800x32xf32, #tpu.memory_space<hbm>> -> memref<128x32xf32, #tpu.memory_space<hbm>>
          %dma_wait3A_531 = arith.constant 0 : i32
          %dma_wait3A_532 = arith.constant 0 : i32
          %dma_wait3A_533 = tpu.memref_slice %arg9[%dma_wait3A_519, %dma_wait3A_531, %dma_wait3A_532] : memref<2x128x32xf32, #tpu.memory_space<vmem>> -> memref<1x128x32xf32, #tpu.memory_space<vmem>>
          %dma_wait3A_534 = tpu.memref_squeeze %dma_wait3A_533 : memref<1x128x32xf32, #tpu.memory_space<vmem>> -> memref<128x32xf32, #tpu.memory_space<vmem>>
          tpu.wait_dma2 semaphore(%dma_wait3A_528 : memref<!tpu.dma_semaphore, #tpu.memory_space<semaphore_mem>>) src(%dma_wait3A_534 : memref<128x32xf32, #tpu.memory_space<vmem>>) dst(%dma_wait3A_530 : memref<128x32xf32, #tpu.memory_space<hbm>>)
        } else {
        }
        %scan3A_491 = arith.constant 0 : i32
        %scan3A_492 = arith.constant 0 : i32
        %scan3A_493 = arith.constant 8 : i32
        %scan3A_494 = arith.addi %scan3A_492, %scan3A_493 : i32
        %scan3A_495 = arith.constant 1 : i32
        scf.for %scan3A_518 = %scan3A_492 to %scan3A_494 step %scan3A_495  : i32 {
          %mul3A_519 = arith.constant 16 : i32
          %mul3A_520 = arith.muli %scan3A_518, %mul3A_519 : i32
          %get3A = arith.constant 1 : i32
          %get3A_521 = arith.index_cast %get3A : i32 to index
          %get3A_522 = arith.index_cast %mul3A_520 : i32 to index
          %get3A_523 = tpu.vector_load %arg6[%get3A_521, %get3A_522] {strides = array<i32>} : memref<4x128xi32, #tpu.memory_space<vmem>>, vector<16xi32>,
          %and3A = arith.constant 3 : i32
          %and3A_524 = vector.broadcast %and3A : i32 to vector<16xi32>
          %and3A_525 = arith.andi %get3A_523, %and3A_524 : vector<16xi32>
          %shift_left3A = arith.constant 5 : i32
          %shift_left3A_526 = vector.broadcast %shift_left3A : i32 to vector<16xi32>
          %shift_left3A_527 = arith.shli %and3A_525, %shift_left3A_526 : vector<16xi32>
          %slice3A = vector.extract_strided_slice %shift_left3A_527 {offsets = [0], sizes = [1], strides = [1]} : vector<16xi32> to vector<1xi32>
          %squeeze3A = vector.extract %slice3A[0] : i32 from vector<1xi32>
          %mul3A_528 = arith.constant 16 : i32
          %mul3A_529 = arith.muli %scan3A_518, %mul3A_528 : i32
          %add3A_530 = arith.constant 0 : i32
          %add3A_531 = arith.addi %mul3A_529, %add3A_530 : i32
          %get3A_532 = arith.constant 1 : i32
          %get3A_533 = arith.index_cast %get3A_532 : i32 to index
          %get3A_534 = arith.index_cast %add3A_531 : i32 to index
          %get3A_535 = arith.index_cast %squeeze3A : i32 to index
          %get3A_536 = tpu.vector_load %arg8[%get3A_533, %get3A_534, %get3A_535] {strides = array<i32>} : memref<2x128x128xf32, #tpu.memory_space<vmem>>, vector<16xf32>,
          %swap3A = arith.constant 1 : i32
          %swap3A_537 = arith.index_cast %swap3A : i32 to index
          %swap3A_538 = arith.index_cast %add3A_531 : i32 to index
          %swap3A_539 = arith.constant 0 : index
          %swap3A_540 = tpu.vector_load %arg9[%swap3A_537, %swap3A_538, %swap3A_539] {strides = array<i32>} : memref<2x128x32xf32, #tpu.memory_space<vmem>>, vector<16xf32>,
          tpu.vector_store %arg9[%swap3A_537, %swap3A_538, %swap3A_539], %get3A_536 {strides = array<i32>} : memref<2x128x32xf32, #tpu.memory_space<vmem>>, vector<16xf32>,
          %add3A_541 = arith.constant 16 : i32
          %add3A_542 = arith.addi %squeeze3A, %add3A_541 : i32
          %get3A_543 = arith.constant 1 : i32
          %get3A_544 = arith.index_cast %get3A_543 : i32 to index
          %get3A_545 = arith.index_cast %add3A_531 : i32 to index
          %get3A_546 = arith.index_cast %add3A_542 : i32 to index
          %get3A_547 = tpu.vector_load %arg8[%get3A_544, %get3A_545, %get3A_546] {strides = array<i32>} : memref<2x128x128xf32, #tpu.memory_space<vmem>>, vector<16xf32>,
          %swap3A_548 = arith.constant 1 : i32
          %swap3A_549 = arith.index_cast %swap3A_548 : i32 to index
          %swap3A_550 = arith.index_cast %add3A_531 : i32 to index
          %swap3A_551 = arith.constant 16 : index
          %swap3A_552 = tpu.vector_load %arg9[%swap3A_549, %swap3A_550, %swap3A_551] {strides = array<i32>} : memref<2x128x32xf32, #tpu.memory_space<vmem>>, vector<16xf32>,
          tpu.vector_store %arg9[%swap3A_549, %swap3A_550, %swap3A_551], %get3A_547 {strides = array<i32>} : memref<2x128x32xf32, #tpu.memory_space<vmem>>, vector<16xf32>,
          %slice3A_553 = vector.extract_strided_slice %shift_left3A_527 {offsets = [1], sizes = [1], strides = [1]} : vector<16xi32> to vector<1xi32>
          %squeeze3A_554 = vector.extract %slice3A_553[0] : i32 from vector<1xi32>
          %mul3A_555 = arith.constant 16 : i32
          %mul3A_556 = arith.muli %scan3A_518, %mul3A_555 : i32
          %add3A_557 = arith.constant 1 : i32
          %add3A_558 = arith.addi %mul3A_556, %add3A_557 : i32
          %get3A_559 = arith.constant 1 : i32
          %get3A_560 = arith.index_cast %get3A_559 : i32 to index
          %get3A_561 = arith.index_cast %add3A_558 : i32 to index
          %get3A_562 = arith.index_cast %squeeze3A_554 : i32 to index
          %get3A_563 = tpu.vector_load %arg8[%get3A_560, %get3A_561, %get3A_562] {strides = array<i32>} : memref<2x128x128xf32, #tpu.memory_space<vmem>>, vector<16xf32>,
          %swap3A_564 = arith.constant 1 : i32
          %swap3A_565 = arith.index_cast %swap3A_564 : i32 to index
          %swap3A_566 = arith.index_cast %add3A_558 : i32 to index
          %swap3A_567 = arith.constant 0 : index
          %swap3A_568 = tpu.vector_load %arg9[%swap3A_565, %swap3A_566, %swap3A_567] {strides = array<i32>} : memref<2x128x32xf32, #tpu.memory_space<vmem>>, vector<16xf32>,
          tpu.vector_store %arg9[%swap3A_565, %swap3A_566, %swap3A_567], %get3A_563 {strides = array<i32>} : memref<2x128x32xf32, #tpu.memory_space<vmem>>, vector<16xf32>,
          %add3A_569 = arith.constant 16 : i32
          %add3A_570 = arith.addi %squeeze3A_554, %add3A_569 : i32
          %get3A_571 = arith.constant 1 : i32
          %get3A_572 = arith.index_cast %get3A_571 : i32 to index
          %get3A_573 = arith.index_cast %add3A_558 : i32 to index
          %get3A_574 = arith.index_cast %add3A_570 : i32 to index
          %get3A_575 = tpu.vector_load %arg8[%get3A_572, %get3A_573, %get3A_574] {strides = array<i32>} : memref<2x128x128xf32, #tpu.memory_space<vmem>>, vector<16xf32>,
          %swap3A_576 = arith.constant 1 : i32
          %swap3A_577 = arith.index_cast %swap3A_576 : i32 to index
          %swap3A_578 = arith.index_cast %add3A_558 : i32 to index
          %swap3A_579 = arith.constant 16 : index
          %swap3A_580 = tpu.vector_load %arg9[%swap3A_577, %swap3A_578, %swap3A_579] {strides = array<i32>} : memref<2x128x32xf32, #tpu.memory_space<vmem>>, vector<16xf32>,
          tpu.vector_store %arg9[%swap3A_577, %swap3A_578, %swap3A_579], %get3A_575 {strides = array<i32>} : memref<2x128x32xf32, #tpu.memory_space<vmem>>, vector<16xf32>,
          %slice3A_581 = vector.extract_strided_slice %shift_left3A_527 {offsets = [2], sizes = [1], strides = [1]} : vector<16xi32> to vector<1xi32>
          %squeeze3A_582 = vector.extract %slice3A_581[0] : i32 from vector<1xi32>
          %mul3A_583 = arith.constant 16 : i32
          %mul3A_584 = arith.muli %scan3A_518, %mul3A_583 : i32
          %add3A_585 = arith.constant 2 : i32
          %add3A_586 = arith.addi %mul3A_584, %add3A_585 : i32
          %get3A_587 = arith.constant 1 : i32
          %get3A_588 = arith.index_cast %get3A_587 : i32 to index
          %get3A_589 = arith.index_cast %add3A_586 : i32 to index
          %get3A_590 = arith.index_cast %squeeze3A_582 : i32 to index
          %get3A_591 = tpu.vector_load %arg8[%get3A_588, %get3A_589, %get3A_590] {strides = array<i32>} : memref<2x128x128xf32, #tpu.memory_space<vmem>>, vector<16xf32>,
          %swap3A_592 = arith.constant 1 : i32
          %swap3A_593 = arith.index_cast %swap3A_592 : i32 to index
          %swap3A_594 = arith.index_cast %add3A_586 : i32 to index
          %swap3A_595 = arith.constant 0 : index
          %swap3A_596 = tpu.vector_load %arg9[%swap3A_593, %swap3A_594, %swap3A_595] {strides = array<i32>} : memref<2x128x32xf32, #tpu.memory_space<vmem>>, vector<16xf32>,
          tpu.vector_store %arg9[%swap3A_593, %swap3A_594, %swap3A_595], %get3A_591 {strides = array<i32>} : memref<2x128x32xf32, #tpu.memory_space<vmem>>, vector<16xf32>,
          %add3A_597 = arith.constant 16 : i32
          %add3A_598 = arith.addi %squeeze3A_582, %add3A_597 : i32
          %get3A_599 = arith.constant 1 : i32
          %get3A_600 = arith.index_cast %get3A_599 : i32 to index
          %get3A_601 = arith.index_cast %add3A_586 : i32 to index
          %get3A_602 = arith.index_cast %add3A_598 : i32 to index
          %get3A_603 = tpu.vector_load %arg8[%get3A_600, %get3A_601, %get3A_602] {strides = array<i32>} : memref<2x128x128xf32, #tpu.memory_space<vmem>>, vector<16xf32>,
          %swap3A_604 = arith.constant 1 : i32
          %swap3A_605 = arith.index_cast %swap3A_604 : i32 to index
          %swap3A_606 = arith.index_cast %add3A_586 : i32 to index
          %swap3A_607 = arith.constant 16 : index
          %swap3A_608 = tpu.vector_load %arg9[%swap3A_605, %swap3A_606, %swap3A_607] {strides = array<i32>} : memref<2x128x32xf32, #tpu.memory_space<vmem>>, vector<16xf32>,
          tpu.vector_store %arg9[%swap3A_605, %swap3A_606, %swap3A_607], %get3A_603 {strides = array<i32>} : memref<2x128x32xf32, #tpu.memory_space<vmem>>, vector<16xf32>,
          %slice3A_609 = vector.extract_strided_slice %shift_left3A_527 {offsets = [3], sizes = [1], strides = [1]} : vector<16xi32> to vector<1xi32>
          %squeeze3A_610 = vector.extract %slice3A_609[0] : i32 from vector<1xi32>
          %mul3A_611 = arith.constant 16 : i32
          %mul3A_612 = arith.muli %scan3A_518, %mul3A_611 : i32
          %add3A_613 = arith.constant 3 : i32
          %add3A_614 = arith.addi %mul3A_612, %add3A_613 : i32
          %get3A_615 = arith.constant 1 : i32
          %get3A_616 = arith.index_cast %get3A_615 : i32 to index
          %get3A_617 = arith.index_cast %add3A_614 : i32 to index
          %get3A_618 = arith.index_cast %squeeze3A_610 : i32 to index
          %get3A_619 = tpu.vector_load %arg8[%get3A_616, %get3A_617, %get3A_618] {strides = array<i32>} : memref<2x128x128xf32, #tpu.memory_space<vmem>>, vector<16xf32>,
          %swap3A_620 = arith.constant 1 : i32
          %swap3A_621 = arith.index_cast %swap3A_620 : i32 to index
          %swap3A_622 = arith.index_cast %add3A_614 : i32 to index
          %swap3A_623 = arith.constant 0 : index
          %swap3A_624 = tpu.vector_load %arg9[%swap3A_621, %swap3A_622, %swap3A_623] {strides = array<i32>} : memref<2x128x32xf32, #tpu.memory_space<vmem>>, vector<16xf32>,
          tpu.vector_store %arg9[%swap3A_621, %swap3A_622, %swap3A_623], %get3A_619 {strides = array<i32>} : memref<2x128x32xf32, #tpu.memory_space<vmem>>, vector<16xf32>,
          %add3A_625 = arith.constant 16 : i32
          %add3A_626 = arith.addi %squeeze3A_610, %add3A_625 : i32
          %get3A_627 = arith.constant 1 : i32
          %get3A_628 = arith.index_cast %get3A_627 : i32 to index
          %get3A_629 = arith.index_cast %add3A_614 : i32 to index
          %get3A_630 = arith.index_cast %add3A_626 : i32 to index
          %get3A_631 = tpu.vector_load %arg8[%get3A_628, %get3A_629, %get3A_630] {strides = array<i32>} : memref<2x128x128xf32, #tpu.memory_space<vmem>>, vector<16xf32>,
          %swap3A_632 = arith.constant 1 : i32
          %swap3A_633 = arith.index_cast %swap3A_632 : i32 to index
          %swap3A_634 = arith.index_cast %add3A_614 : i32 to index
          %swap3A_635 = arith.constant 16 : index
          %swap3A_636 = tpu.vector_load %arg9[%swap3A_633, %swap3A_634, %swap3A_635] {strides = array<i32>} : memref<2x128x32xf32, #tpu.memory_space<vmem>>, vector<16xf32>,
          tpu.vector_store %arg9[%swap3A_633, %swap3A_634, %swap3A_635], %get3A_631 {strides = array<i32>} : memref<2x128x32xf32, #tpu.memory_space<vmem>>, vector<16xf32>,
          %slice3A_637 = vector.extract_strided_slice %shift_left3A_527 {offsets = [4], sizes = [1], strides = [1]} : vector<16xi32> to vector<1xi32>
          %squeeze3A_638 = vector.extract %slice3A_637[0] : i32 from vector<1xi32>
          %mul3A_639 = arith.constant 16 : i32
          %mul3A_640 = arith.muli %scan3A_518, %mul3A_639 : i32
          %add3A_641 = arith.constant 4 : i32
          %add3A_642 = arith.addi %mul3A_640, %add3A_641 : i32
          %get3A_643 = arith.constant 1 : i32
          %get3A_644 = arith.index_cast %get3A_643 : i32 to index
          %get3A_645 = arith.index_cast %add3A_642 : i32 to index
          %get3A_646 = arith.index_cast %squeeze3A_638 : i32 to index
          %get3A_647 = tpu.vector_load %arg8[%get3A_644, %get3A_645, %get3A_646] {strides = array<i32>} : memref<2x128x128xf32, #tpu.memory_space<vmem>>, vector<16xf32>,
          %swap3A_648 = arith.constant 1 : i32
          %swap3A_649 = arith.index_cast %swap3A_648 : i32 to index
          %swap3A_650 = arith.index_cast %add3A_642 : i32 to index
          %swap3A_651 = arith.constant 0 : index
          %swap3A_652 = tpu.vector_load %arg9[%swap3A_649, %swap3A_650, %swap3A_651] {strides = array<i32>} : memref<2x128x32xf32, #tpu.memory_space<vmem>>, vector<16xf32>,
          tpu.vector_store %arg9[%swap3A_649, %swap3A_650, %swap3A_651], %get3A_647 {strides = array<i32>} : memref<2x128x32xf32, #tpu.memory_space<vmem>>, vector<16xf32>,
          %add3A_653 = arith.constant 16 : i32
          %add3A_654 = arith.addi %squeeze3A_638, %add3A_653 : i32
          %get3A_655 = arith.constant 1 : i32
          %get3A_656 = arith.index_cast %get3A_655 : i32 to index
          %get3A_657 = arith.index_cast %add3A_642 : i32 to index
          %get3A_658 = arith.index_cast %add3A_654 : i32 to index
          %get3A_659 = tpu.vector_load %arg8[%get3A_656, %get3A_657, %get3A_658] {strides = array<i32>} : memref<2x128x128xf32, #tpu.memory_space<vmem>>, vector<16xf32>,
          %swap3A_660 = arith.constant 1 : i32
          %swap3A_661 = arith.index_cast %swap3A_660 : i32 to index
          %swap3A_662 = arith.index_cast %add3A_642 : i32 to index
          %swap3A_663 = arith.constant 16 : index
          %swap3A_664 = tpu.vector_load %arg9[%swap3A_661, %swap3A_662, %swap3A_663] {strides = array<i32>} : memref<2x128x32xf32, #tpu.memory_space<vmem>>, vector<16xf32>,
          tpu.vector_store %arg9[%swap3A_661, %swap3A_662, %swap3A_663], %get3A_659 {strides = array<i32>} : memref<2x128x32xf32, #tpu.memory_space<vmem>>, vector<16xf32>,
          %slice3A_665 = vector.extract_strided_slice %shift_left3A_527 {offsets = [5], sizes = [1], strides = [1]} : vector<16xi32> to vector<1xi32>
          %squeeze3A_666 = vector.extract %slice3A_665[0] : i32 from vector<1xi32>
          %mul3A_667 = arith.constant 16 : i32
          %mul3A_668 = arith.muli %scan3A_518, %mul3A_667 : i32
          %add3A_669 = arith.constant 5 : i32
          %add3A_670 = arith.addi %mul3A_668, %add3A_669 : i32
          %get3A_671 = arith.constant 1 : i32
          %get3A_672 = arith.index_cast %get3A_671 : i32 to index
          %get3A_673 = arith.index_cast %add3A_670 : i32 to index
          %get3A_674 = arith.index_cast %squeeze3A_666 : i32 to index
          %get3A_675 = tpu.vector_load %arg8[%get3A_672, %get3A_673, %get3A_674] {strides = array<i32>} : memref<2x128x128xf32, #tpu.memory_space<vmem>>, vector<16xf32>,
          %swap3A_676 = arith.constant 1 : i32
          %swap3A_677 = arith.index_cast %swap3A_676 : i32 to index
          %swap3A_678 = arith.index_cast %add3A_670 : i32 to index
          %swap3A_679 = arith.constant 0 : index
          %swap3A_680 = tpu.vector_load %arg9[%swap3A_677, %swap3A_678, %swap3A_679] {strides = array<i32>} : memref<2x128x32xf32, #tpu.memory_space<vmem>>, vector<16xf32>,
          tpu.vector_store %arg9[%swap3A_677, %swap3A_678, %swap3A_679], %get3A_675 {strides = array<i32>} : memref<2x128x32xf32, #tpu.memory_space<vmem>>, vector<16xf32>,
          %add3A_681 = arith.constant 16 : i32
          %add3A_682 = arith.addi %squeeze3A_666, %add3A_681 : i32
          %get3A_683 = arith.constant 1 : i32
          %get3A_684 = arith.index_cast %get3A_683 : i32 to index
          %get3A_685 = arith.index_cast %add3A_670 : i32 to index
          %get3A_686 = arith.index_cast %add3A_682 : i32 to index
          %get3A_687 = tpu.vector_load %arg8[%get3A_684, %get3A_685, %get3A_686] {strides = array<i32>} : memref<2x128x128xf32, #tpu.memory_space<vmem>>, vector<16xf32>,
          %swap3A_688 = arith.constant 1 : i32
          %swap3A_689 = arith.index_cast %swap3A_688 : i32 to index
          %swap3A_690 = arith.index_cast %add3A_670 : i32 to index
          %swap3A_691 = arith.constant 16 : index
          %swap3A_692 = tpu.vector_load %arg9[%swap3A_689, %swap3A_690, %swap3A_691] {strides = array<i32>} : memref<2x128x32xf32, #tpu.memory_space<vmem>>, vector<16xf32>,
          tpu.vector_store %arg9[%swap3A_689, %swap3A_690, %swap3A_691], %get3A_687 {strides = array<i32>} : memref<2x128x32xf32, #tpu.memory_space<vmem>>, vector<16xf32>,
          %slice3A_693 = vector.extract_strided_slice %shift_left3A_527 {offsets = [6], sizes = [1], strides = [1]} : vector<16xi32> to vector<1xi32>
          %squeeze3A_694 = vector.extract %slice3A_693[0] : i32 from vector<1xi32>
          %mul3A_695 = arith.constant 16 : i32
          %mul3A_696 = arith.muli %scan3A_518, %mul3A_695 : i32
          %add3A_697 = arith.constant 6 : i32
          %add3A_698 = arith.addi %mul3A_696, %add3A_697 : i32
          %get3A_699 = arith.constant 1 : i32
          %get3A_700 = arith.index_cast %get3A_699 : i32 to index
          %get3A_701 = arith.index_cast %add3A_698 : i32 to index
          %get3A_702 = arith.index_cast %squeeze3A_694 : i32 to index
          %get3A_703 = tpu.vector_load %arg8[%get3A_700, %get3A_701, %get3A_702] {strides = array<i32>} : memref<2x128x128xf32, #tpu.memory_space<vmem>>, vector<16xf32>,
          %swap3A_704 = arith.constant 1 : i32
          %swap3A_705 = arith.index_cast %swap3A_704 : i32 to index
          %swap3A_706 = arith.index_cast %add3A_698 : i32 to index
          %swap3A_707 = arith.constant 0 : index
          %swap3A_708 = tpu.vector_load %arg9[%swap3A_705, %swap3A_706, %swap3A_707] {strides = array<i32>} : memref<2x128x32xf32, #tpu.memory_space<vmem>>, vector<16xf32>,
          tpu.vector_store %arg9[%swap3A_705, %swap3A_706, %swap3A_707], %get3A_703 {strides = array<i32>} : memref<2x128x32xf32, #tpu.memory_space<vmem>>, vector<16xf32>,
          %add3A_709 = arith.constant 16 : i32
          %add3A_710 = arith.addi %squeeze3A_694, %add3A_709 : i32
          %get3A_711 = arith.constant 1 : i32
          %get3A_712 = arith.index_cast %get3A_711 : i32 to index
          %get3A_713 = arith.index_cast %add3A_698 : i32 to index
          %get3A_714 = arith.index_cast %add3A_710 : i32 to index
          %get3A_715 = tpu.vector_load %arg8[%get3A_712, %get3A_713, %get3A_714] {strides = array<i32>} : memref<2x128x128xf32, #tpu.memory_space<vmem>>, vector<16xf32>,
          %swap3A_716 = arith.constant 1 : i32
          %swap3A_717 = arith.index_cast %swap3A_716 : i32 to index
          %swap3A_718 = arith.index_cast %add3A_698 : i32 to index
          %swap3A_719 = arith.constant 16 : index
          %swap3A_720 = tpu.vector_load %arg9[%swap3A_717, %swap3A_718, %swap3A_719] {strides = array<i32>} : memref<2x128x32xf32, #tpu.memory_space<vmem>>, vector<16xf32>,
          tpu.vector_store %arg9[%swap3A_717, %swap3A_718, %swap3A_719], %get3A_715 {strides = array<i32>} : memref<2x128x32xf32, #tpu.memory_space<vmem>>, vector<16xf32>,
          %slice3A_721 = vector.extract_strided_slice %shift_left3A_527 {offsets = [7], sizes = [1], strides = [1]} : vector<16xi32> to vector<1xi32>
          %squeeze3A_722 = vector.extract %slice3A_721[0] : i32 from vector<1xi32>
          %mul3A_723 = arith.constant 16 : i32
          %mul3A_724 = arith.muli %scan3A_518, %mul3A_723 : i32
          %add3A_725 = arith.constant 7 : i32
          %add3A_726 = arith.addi %mul3A_724, %add3A_725 : i32
          %get3A_727 = arith.constant 1 : i32
          %get3A_728 = arith.index_cast %get3A_727 : i32 to index
          %get3A_729 = arith.index_cast %add3A_726 : i32 to index
          %get3A_730 = arith.index_cast %squeeze3A_722 : i32 to index
          %get3A_731 = tpu.vector_load %arg8[%get3A_728, %get3A_729, %get3A_730] {strides = array<i32>} : memref<2x128x128xf32, #tpu.memory_space<vmem>>, vector<16xf32>,
          %swap3A_732 = arith.constant 1 : i32
          %swap3A_733 = arith.index_cast %swap3A_732 : i32 to index
          %swap3A_734 = arith.index_cast %add3A_726 : i32 to index
          %swap3A_735 = arith.constant 0 : index
          %swap3A_736 = tpu.vector_load %arg9[%swap3A_733, %swap3A_734, %swap3A_735] {strides = array<i32>} : memref<2x128x32xf32, #tpu.memory_space<vmem>>, vector<16xf32>,
          tpu.vector_store %arg9[%swap3A_733, %swap3A_734, %swap3A_735], %get3A_731 {strides = array<i32>} : memref<2x128x32xf32, #tpu.memory_space<vmem>>, vector<16xf32>,
          %add3A_737 = arith.constant 16 : i32
          %add3A_738 = arith.addi %squeeze3A_722, %add3A_737 : i32
          %get3A_739 = arith.constant 1 : i32
          %get3A_740 = arith.index_cast %get3A_739 : i32 to index
          %get3A_741 = arith.index_cast %add3A_726 : i32 to index
          %get3A_742 = arith.index_cast %add3A_738 : i32 to index
          %get3A_743 = tpu.vector_load %arg8[%get3A_740, %get3A_741, %get3A_742] {strides = array<i32>} : memref<2x128x128xf32, #tpu.memory_space<vmem>>, vector<16xf32>,
          %swap3A_744 = arith.constant 1 : i32
          %swap3A_745 = arith.index_cast %swap3A_744 : i32 to index
          %swap3A_746 = arith.index_cast %add3A_726 : i32 to index
          %swap3A_747 = arith.constant 16 : index
          %swap3A_748 = tpu.vector_load %arg9[%swap3A_745, %swap3A_746, %swap3A_747] {strides = array<i32>} : memref<2x128x32xf32, #tpu.memory_space<vmem>>, vector<16xf32>,
          tpu.vector_store %arg9[%swap3A_745, %swap3A_746, %swap3A_747], %get3A_743 {strides = array<i32>} : memref<2x128x32xf32, #tpu.memory_space<vmem>>, vector<16xf32>,
          %slice3A_749 = vector.extract_strided_slice %shift_left3A_527 {offsets = [8], sizes = [1], strides = [1]} : vector<16xi32> to vector<1xi32>
          %squeeze3A_750 = vector.extract %slice3A_749[0] : i32 from vector<1xi32>
          %mul3A_751 = arith.constant 16 : i32
          %mul3A_752 = arith.muli %scan3A_518, %mul3A_751 : i32
          %add3A_753 = arith.constant 8 : i32
          %add3A_754 = arith.addi %mul3A_752, %add3A_753 : i32
          %get3A_755 = arith.constant 1 : i32
          %get3A_756 = arith.index_cast %get3A_755 : i32 to index
          %get3A_757 = arith.index_cast %add3A_754 : i32 to index
          %get3A_758 = arith.index_cast %squeeze3A_750 : i32 to index
          %get3A_759 = tpu.vector_load %arg8[%get3A_756, %get3A_757, %get3A_758] {strides = array<i32>} : memref<2x128x128xf32, #tpu.memory_space<vmem>>, vector<16xf32>,
          %swap3A_760 = arith.constant 1 : i32
          %swap3A_761 = arith.index_cast %swap3A_760 : i32 to index
          %swap3A_762 = arith.index_cast %add3A_754 : i32 to index
          %swap3A_763 = arith.constant 0 : index
          %swap3A_764 = tpu.vector_load %arg9[%swap3A_761, %swap3A_762, %swap3A_763] {strides = array<i32>} : memref<2x128x32xf32, #tpu.memory_space<vmem>>, vector<16xf32>,
          tpu.vector_store %arg9[%swap3A_761, %swap3A_762, %swap3A_763], %get3A_759 {strides = array<i32>} : memref<2x128x32xf32, #tpu.memory_space<vmem>>, vector<16xf32>,
          %add3A_765 = arith.constant 16 : i32
          %add3A_766 = arith.addi %squeeze3A_750, %add3A_765 : i32
          %get3A_767 = arith.constant 1 : i32
          %get3A_768 = arith.index_cast %get3A_767 : i32 to index
          %get3A_769 = arith.index_cast %add3A_754 : i32 to index
          %get3A_770 = arith.index_cast %add3A_766 : i32 to index
          %get3A_771 = tpu.vector_load %arg8[%get3A_768, %get3A_769, %get3A_770] {strides = array<i32>} : memref<2x128x128xf32, #tpu.memory_space<vmem>>, vector<16xf32>,
          %swap3A_772 = arith.constant 1 : i32
          %swap3A_773 = arith.index_cast %swap3A_772 : i32 to index
          %swap3A_774 = arith.index_cast %add3A_754 : i32 to index
          %swap3A_775 = arith.constant 16 : index
          %swap3A_776 = tpu.vector_load %arg9[%swap3A_773, %swap3A_774, %swap3A_775] {strides = array<i32>} : memref<2x128x32xf32, #tpu.memory_space<vmem>>, vector<16xf32>,
          tpu.vector_store %arg9[%swap3A_773, %swap3A_774, %swap3A_775], %get3A_771 {strides = array<i32>} : memref<2x128x32xf32, #tpu.memory_space<vmem>>, vector<16xf32>,
          %slice3A_777 = vector.extract_strided_slice %shift_left3A_527 {offsets = [9], sizes = [1], strides = [1]} : vector<16xi32> to vector<1xi32>
          %squeeze3A_778 = vector.extract %slice3A_777[0] : i32 from vector<1xi32>
          %mul3A_779 = arith.constant 16 : i32
          %mul3A_780 = arith.muli %scan3A_518, %mul3A_779 : i32
          %add3A_781 = arith.constant 9 : i32
          %add3A_782 = arith.addi %mul3A_780, %add3A_781 : i32
          %get3A_783 = arith.constant 1 : i32
          %get3A_784 = arith.index_cast %get3A_783 : i32 to index
          %get3A_785 = arith.index_cast %add3A_782 : i32 to index
          %get3A_786 = arith.index_cast %squeeze3A_778 : i32 to index
          %get3A_787 = tpu.vector_load %arg8[%get3A_784, %get3A_785, %get3A_786] {strides = array<i32>} : memref<2x128x128xf32, #tpu.memory_space<vmem>>, vector<16xf32>,
          %swap3A_788 = arith.constant 1 : i32
          %swap3A_789 = arith.index_cast %swap3A_788 : i32 to index
          %swap3A_790 = arith.index_cast %add3A_782 : i32 to index
          %swap3A_791 = arith.constant 0 : index
          %swap3A_792 = tpu.vector_load %arg9[%swap3A_789, %swap3A_790, %swap3A_791] {strides = array<i32>} : memref<2x128x32xf32, #tpu.memory_space<vmem>>, vector<16xf32>,
          tpu.vector_store %arg9[%swap3A_789, %swap3A_790, %swap3A_791], %get3A_787 {strides = array<i32>} : memref<2x128x32xf32, #tpu.memory_space<vmem>>, vector<16xf32>,
          %add3A_793 = arith.constant 16 : i32
          %add3A_794 = arith.addi %squeeze3A_778, %add3A_793 : i32
          %get3A_795 = arith.constant 1 : i32
          %get3A_796 = arith.index_cast %get3A_795 : i32 to index
          %get3A_797 = arith.index_cast %add3A_782 : i32 to index
          %get3A_798 = arith.index_cast %add3A_794 : i32 to index
          %get3A_799 = tpu.vector_load %arg8[%get3A_796, %get3A_797, %get3A_798] {strides = array<i32>} : memref<2x128x128xf32, #tpu.memory_space<vmem>>, vector<16xf32>,
          %swap3A_800 = arith.constant 1 : i32
          %swap3A_801 = arith.index_cast %swap3A_800 : i32 to index
          %swap3A_802 = arith.index_cast %add3A_782 : i32 to index
          %swap3A_803 = arith.constant 16 : index
          %swap3A_804 = tpu.vector_load %arg9[%swap3A_801, %swap3A_802, %swap3A_803] {strides = array<i32>} : memref<2x128x32xf32, #tpu.memory_space<vmem>>, vector<16xf32>,
          tpu.vector_store %arg9[%swap3A_801, %swap3A_802, %swap3A_803], %get3A_799 {strides = array<i32>} : memref<2x128x32xf32, #tpu.memory_space<vmem>>, vector<16xf32>,
          %slice3A_805 = vector.extract_strided_slice %shift_left3A_527 {offsets = [10], sizes = [1], strides = [1]} : vector<16xi32> to vector<1xi32>
          %squeeze3A_806 = vector.extract %slice3A_805[0] : i32 from vector<1xi32>
          %mul3A_807 = arith.constant 16 : i32
          %mul3A_808 = arith.muli %scan3A_518, %mul3A_807 : i32
          %add3A_809 = arith.constant 10 : i32
          %add3A_810 = arith.addi %mul3A_808, %add3A_809 : i32
          %get3A_811 = arith.constant 1 : i32
          %get3A_812 = arith.index_cast %get3A_811 : i32 to index
          %get3A_813 = arith.index_cast %add3A_810 : i32 to index
          %get3A_814 = arith.index_cast %squeeze3A_806 : i32 to index
          %get3A_815 = tpu.vector_load %arg8[%get3A_812, %get3A_813, %get3A_814] {strides = array<i32>} : memref<2x128x128xf32, #tpu.memory_space<vmem>>, vector<16xf32>,
          %swap3A_816 = arith.constant 1 : i32
          %swap3A_817 = arith.index_cast %swap3A_816 : i32 to index
          %swap3A_818 = arith.index_cast %add3A_810 : i32 to index
          %swap3A_819 = arith.constant 0 : index
          %swap3A_820 = tpu.vector_load %arg9[%swap3A_817, %swap3A_818, %swap3A_819] {strides = array<i32>} : memref<2x128x32xf32, #tpu.memory_space<vmem>>, vector<16xf32>,
          tpu.vector_store %arg9[%swap3A_817, %swap3A_818, %swap3A_819], %get3A_815 {strides = array<i32>} : memref<2x128x32xf32, #tpu.memory_space<vmem>>, vector<16xf32>,
          %add3A_821 = arith.constant 16 : i32
          %add3A_822 = arith.addi %squeeze3A_806, %add3A_821 : i32
          %get3A_823 = arith.constant 1 : i32
          %get3A_824 = arith.index_cast %get3A_823 : i32 to index
          %get3A_825 = arith.index_cast %add3A_810 : i32 to index
          %get3A_826 = arith.index_cast %add3A_822 : i32 to index
          %get3A_827 = tpu.vector_load %arg8[%get3A_824, %get3A_825, %get3A_826] {strides = array<i32>} : memref<2x128x128xf32, #tpu.memory_space<vmem>>, vector<16xf32>,
          %swap3A_828 = arith.constant 1 : i32
          %swap3A_829 = arith.index_cast %swap3A_828 : i32 to index
          %swap3A_830 = arith.index_cast %add3A_810 : i32 to index
          %swap3A_831 = arith.constant 16 : index
          %swap3A_832 = tpu.vector_load %arg9[%swap3A_829, %swap3A_830, %swap3A_831] {strides = array<i32>} : memref<2x128x32xf32, #tpu.memory_space<vmem>>, vector<16xf32>,
          tpu.vector_store %arg9[%swap3A_829, %swap3A_830, %swap3A_831], %get3A_827 {strides = array<i32>} : memref<2x128x32xf32, #tpu.memory_space<vmem>>, vector<16xf32>,
          %slice3A_833 = vector.extract_strided_slice %shift_left3A_527 {offsets = [11], sizes = [1], strides = [1]} : vector<16xi32> to vector<1xi32>
          %squeeze3A_834 = vector.extract %slice3A_833[0] : i32 from vector<1xi32>
          %mul3A_835 = arith.constant 16 : i32
          %mul3A_836 = arith.muli %scan3A_518, %mul3A_835 : i32
          %add3A_837 = arith.constant 11 : i32
          %add3A_838 = arith.addi %mul3A_836, %add3A_837 : i32
          %get3A_839 = arith.constant 1 : i32
          %get3A_840 = arith.index_cast %get3A_839 : i32 to index
          %get3A_841 = arith.index_cast %add3A_838 : i32 to index
          %get3A_842 = arith.index_cast %squeeze3A_834 : i32 to index
          %get3A_843 = tpu.vector_load %arg8[%get3A_840, %get3A_841, %get3A_842] {strides = array<i32>} : memref<2x128x128xf32, #tpu.memory_space<vmem>>, vector<16xf32>,
          %swap3A_844 = arith.constant 1 : i32
          %swap3A_845 = arith.index_cast %swap3A_844 : i32 to index
          %swap3A_846 = arith.index_cast %add3A_838 : i32 to index
          %swap3A_847 = arith.constant 0 : index
          %swap3A_848 = tpu.vector_load %arg9[%swap3A_845, %swap3A_846, %swap3A_847] {strides = array<i32>} : memref<2x128x32xf32, #tpu.memory_space<vmem>>, vector<16xf32>,
          tpu.vector_store %arg9[%swap3A_845, %swap3A_846, %swap3A_847], %get3A_843 {strides = array<i32>} : memref<2x128x32xf32, #tpu.memory_space<vmem>>, vector<16xf32>,
          %add3A_849 = arith.constant 16 : i32
          %add3A_850 = arith.addi %squeeze3A_834, %add3A_849 : i32
          %get3A_851 = arith.constant 1 : i32
          %get3A_852 = arith.index_cast %get3A_851 : i32 to index
          %get3A_853 = arith.index_cast %add3A_838 : i32 to index
          %get3A_854 = arith.index_cast %add3A_850 : i32 to index
          %get3A_855 = tpu.vector_load %arg8[%get3A_852, %get3A_853, %get3A_854] {strides = array<i32>} : memref<2x128x128xf32, #tpu.memory_space<vmem>>, vector<16xf32>,
          %swap3A_856 = arith.constant 1 : i32
          %swap3A_857 = arith.index_cast %swap3A_856 : i32 to index
          %swap3A_858 = arith.index_cast %add3A_838 : i32 to index
          %swap3A_859 = arith.constant 16 : index
          %swap3A_860 = tpu.vector_load %arg9[%swap3A_857, %swap3A_858, %swap3A_859] {strides = array<i32>} : memref<2x128x32xf32, #tpu.memory_space<vmem>>, vector<16xf32>,
          tpu.vector_store %arg9[%swap3A_857, %swap3A_858, %swap3A_859], %get3A_855 {strides = array<i32>} : memref<2x128x32xf32, #tpu.memory_space<vmem>>, vector<16xf32>,
          %slice3A_861 = vector.extract_strided_slice %shift_left3A_527 {offsets = [12], sizes = [1], strides = [1]} : vector<16xi32> to vector<1xi32>
          %squeeze3A_862 = vector.extract %slice3A_861[0] : i32 from vector<1xi32>
          %mul3A_863 = arith.constant 16 : i32
          %mul3A_864 = arith.muli %scan3A_518, %mul3A_863 : i32
          %add3A_865 = arith.constant 12 : i32
          %add3A_866 = arith.addi %mul3A_864, %add3A_865 : i32
          %get3A_867 = arith.constant 1 : i32
          %get3A_868 = arith.index_cast %get3A_867 : i32 to index
          %get3A_869 = arith.index_cast %add3A_866 : i32 to index
          %get3A_870 = arith.index_cast %squeeze3A_862 : i32 to index
          %get3A_871 = tpu.vector_load %arg8[%get3A_868, %get3A_869, %get3A_870] {strides = array<i32>} : memref<2x128x128xf32, #tpu.memory_space<vmem>>, vector<16xf32>,
          %swap3A_872 = arith.constant 1 : i32
          %swap3A_873 = arith.index_cast %swap3A_872 : i32 to index
          %swap3A_874 = arith.index_cast %add3A_866 : i32 to index
          %swap3A_875 = arith.constant 0 : index
          %swap3A_876 = tpu.vector_load %arg9[%swap3A_873, %swap3A_874, %swap3A_875] {strides = array<i32>} : memref<2x128x32xf32, #tpu.memory_space<vmem>>, vector<16xf32>,
          tpu.vector_store %arg9[%swap3A_873, %swap3A_874, %swap3A_875], %get3A_871 {strides = array<i32>} : memref<2x128x32xf32, #tpu.memory_space<vmem>>, vector<16xf32>,
          %add3A_877 = arith.constant 16 : i32
          %add3A_878 = arith.addi %squeeze3A_862, %add3A_877 : i32
          %get3A_879 = arith.constant 1 : i32
          %get3A_880 = arith.index_cast %get3A_879 : i32 to index
          %get3A_881 = arith.index_cast %add3A_866 : i32 to index
          %get3A_882 = arith.index_cast %add3A_878 : i32 to index
          %get3A_883 = tpu.vector_load %arg8[%get3A_880, %get3A_881, %get3A_882] {strides = array<i32>} : memref<2x128x128xf32, #tpu.memory_space<vmem>>, vector<16xf32>,
          %swap3A_884 = arith.constant 1 : i32
          %swap3A_885 = arith.index_cast %swap3A_884 : i32 to index
          %swap3A_886 = arith.index_cast %add3A_866 : i32 to index
          %swap3A_887 = arith.constant 16 : index
          %swap3A_888 = tpu.vector_load %arg9[%swap3A_885, %swap3A_886, %swap3A_887] {strides = array<i32>} : memref<2x128x32xf32, #tpu.memory_space<vmem>>, vector<16xf32>,
          tpu.vector_store %arg9[%swap3A_885, %swap3A_886, %swap3A_887], %get3A_883 {strides = array<i32>} : memref<2x128x32xf32, #tpu.memory_space<vmem>>, vector<16xf32>,
          %slice3A_889 = vector.extract_strided_slice %shift_left3A_527 {offsets = [13], sizes = [1], strides = [1]} : vector<16xi32> to vector<1xi32>
          %squeeze3A_890 = vector.extract %slice3A_889[0] : i32 from vector<1xi32>
          %mul3A_891 = arith.constant 16 : i32
          %mul3A_892 = arith.muli %scan3A_518, %mul3A_891 : i32
          %add3A_893 = arith.constant 13 : i32
          %add3A_894 = arith.addi %mul3A_892, %add3A_893 : i32
          %get3A_895 = arith.constant 1 : i32
          %get3A_896 = arith.index_cast %get3A_895 : i32 to index
          %get3A_897 = arith.index_cast %add3A_894 : i32 to index
          %get3A_898 = arith.index_cast %squeeze3A_890 : i32 to index
          %get3A_899 = tpu.vector_load %arg8[%get3A_896, %get3A_897, %get3A_898] {strides = array<i32>} : memref<2x128x128xf32, #tpu.memory_space<vmem>>, vector<16xf32>,
          %swap3A_900 = arith.constant 1 : i32
          %swap3A_901 = arith.index_cast %swap3A_900 : i32 to index
          %swap3A_902 = arith.index_cast %add3A_894 : i32 to index
          %swap3A_903 = arith.constant 0 : index
          %swap3A_904 = tpu.vector_load %arg9[%swap3A_901, %swap3A_902, %swap3A_903] {strides = array<i32>} : memref<2x128x32xf32, #tpu.memory_space<vmem>>, vector<16xf32>,
          tpu.vector_store %arg9[%swap3A_901, %swap3A_902, %swap3A_903], %get3A_899 {strides = array<i32>} : memref<2x128x32xf32, #tpu.memory_space<vmem>>, vector<16xf32>,
          %add3A_905 = arith.constant 16 : i32
          %add3A_906 = arith.addi %squeeze3A_890, %add3A_905 : i32
          %get3A_907 = arith.constant 1 : i32
          %get3A_908 = arith.index_cast %get3A_907 : i32 to index
          %get3A_909 = arith.index_cast %add3A_894 : i32 to index
          %get3A_910 = arith.index_cast %add3A_906 : i32 to index
          %get3A_911 = tpu.vector_load %arg8[%get3A_908, %get3A_909, %get3A_910] {strides = array<i32>} : memref<2x128x128xf32, #tpu.memory_space<vmem>>, vector<16xf32>,
          %swap3A_912 = arith.constant 1 : i32
          %swap3A_913 = arith.index_cast %swap3A_912 : i32 to index
          %swap3A_914 = arith.index_cast %add3A_894 : i32 to index
          %swap3A_915 = arith.constant 16 : index
          %swap3A_916 = tpu.vector_load %arg9[%swap3A_913, %swap3A_914, %swap3A_915] {strides = array<i32>} : memref<2x128x32xf32, #tpu.memory_space<vmem>>, vector<16xf32>,
          tpu.vector_store %arg9[%swap3A_913, %swap3A_914, %swap3A_915], %get3A_911 {strides = array<i32>} : memref<2x128x32xf32, #tpu.memory_space<vmem>>, vector<16xf32>,
          %slice3A_917 = vector.extract_strided_slice %shift_left3A_527 {offsets = [14], sizes = [1], strides = [1]} : vector<16xi32> to vector<1xi32>
          %squeeze3A_918 = vector.extract %slice3A_917[0] : i32 from vector<1xi32>
          %mul3A_919 = arith.constant 16 : i32
          %mul3A_920 = arith.muli %scan3A_518, %mul3A_919 : i32
          %add3A_921 = arith.constant 14 : i32
          %add3A_922 = arith.addi %mul3A_920, %add3A_921 : i32
          %get3A_923 = arith.constant 1 : i32
          %get3A_924 = arith.index_cast %get3A_923 : i32 to index
          %get3A_925 = arith.index_cast %add3A_922 : i32 to index
          %get3A_926 = arith.index_cast %squeeze3A_918 : i32 to index
          %get3A_927 = tpu.vector_load %arg8[%get3A_924, %get3A_925, %get3A_926] {strides = array<i32>} : memref<2x128x128xf32, #tpu.memory_space<vmem>>, vector<16xf32>,
          %swap3A_928 = arith.constant 1 : i32
          %swap3A_929 = arith.index_cast %swap3A_928 : i32 to index
          %swap3A_930 = arith.index_cast %add3A_922 : i32 to index
          %swap3A_931 = arith.constant 0 : index
          %swap3A_932 = tpu.vector_load %arg9[%swap3A_929, %swap3A_930, %swap3A_931] {strides = array<i32>} : memref<2x128x32xf32, #tpu.memory_space<vmem>>, vector<16xf32>,
          tpu.vector_store %arg9[%swap3A_929, %swap3A_930, %swap3A_931], %get3A_927 {strides = array<i32>} : memref<2x128x32xf32, #tpu.memory_space<vmem>>, vector<16xf32>,
          %add3A_933 = arith.constant 16 : i32
          %add3A_934 = arith.addi %squeeze3A_918, %add3A_933 : i32
          %get3A_935 = arith.constant 1 : i32
          %get3A_936 = arith.index_cast %get3A_935 : i32 to index
          %get3A_937 = arith.index_cast %add3A_922 : i32 to index
          %get3A_938 = arith.index_cast %add3A_934 : i32 to index
          %get3A_939 = tpu.vector_load %arg8[%get3A_936, %get3A_937, %get3A_938] {strides = array<i32>} : memref<2x128x128xf32, #tpu.memory_space<vmem>>, vector<16xf32>,
          %swap3A_940 = arith.constant 1 : i32
          %swap3A_941 = arith.index_cast %swap3A_940 : i32 to index
          %swap3A_942 = arith.index_cast %add3A_922 : i32 to index
          %swap3A_943 = arith.constant 16 : index
          %swap3A_944 = tpu.vector_load %arg9[%swap3A_941, %swap3A_942, %swap3A_943] {strides = array<i32>} : memref<2x128x32xf32, #tpu.memory_space<vmem>>, vector<16xf32>,
          tpu.vector_store %arg9[%swap3A_941, %swap3A_942, %swap3A_943], %get3A_939 {strides = array<i32>} : memref<2x128x32xf32, #tpu.memory_space<vmem>>, vector<16xf32>,
          %slice3A_945 = vector.extract_strided_slice %shift_left3A_527 {offsets = [15], sizes = [1], strides = [1]} : vector<16xi32> to vector<1xi32>
          %squeeze3A_946 = vector.extract %slice3A_945[0] : i32 from vector<1xi32>
          %mul3A_947 = arith.constant 16 : i32
          %mul3A_948 = arith.muli %scan3A_518, %mul3A_947 : i32
          %add3A_949 = arith.constant 15 : i32
          %add3A_950 = arith.addi %mul3A_948, %add3A_949 : i32
          %get3A_951 = arith.constant 1 : i32
          %get3A_952 = arith.index_cast %get3A_951 : i32 to index
          %get3A_953 = arith.index_cast %add3A_950 : i32 to index
          %get3A_954 = arith.index_cast %squeeze3A_946 : i32 to index
          %get3A_955 = tpu.vector_load %arg8[%get3A_952, %get3A_953, %get3A_954] {strides = array<i32>} : memref<2x128x128xf32, #tpu.memory_space<vmem>>, vector<16xf32>,
          %swap3A_956 = arith.constant 1 : i32
          %swap3A_957 = arith.index_cast %swap3A_956 : i32 to index
          %swap3A_958 = arith.index_cast %add3A_950 : i32 to index
          %swap3A_959 = arith.constant 0 : index
          %swap3A_960 = tpu.vector_load %arg9[%swap3A_957, %swap3A_958, %swap3A_959] {strides = array<i32>} : memref<2x128x32xf32, #tpu.memory_space<vmem>>, vector<16xf32>,
          tpu.vector_store %arg9[%swap3A_957, %swap3A_958, %swap3A_959], %get3A_955 {strides = array<i32>} : memref<2x128x32xf32, #tpu.memory_space<vmem>>, vector<16xf32>,
          %add3A_961 = arith.constant 16 : i32
          %add3A_962 = arith.addi %squeeze3A_946, %add3A_961 : i32
          %get3A_963 = arith.constant 1 : i32
          %get3A_964 = arith.index_cast %get3A_963 : i32 to index
          %get3A_965 = arith.index_cast %add3A_950 : i32 to index
          %get3A_966 = arith.index_cast %add3A_962 : i32 to index
          %get3A_967 = tpu.vector_load %arg8[%get3A_964, %get3A_965, %get3A_966] {strides = array<i32>} : memref<2x128x128xf32, #tpu.memory_space<vmem>>, vector<16xf32>,
          %swap3A_968 = arith.constant 1 : i32
          %swap3A_969 = arith.index_cast %swap3A_968 : i32 to index
          %swap3A_970 = arith.index_cast %add3A_950 : i32 to index
          %swap3A_971 = arith.constant 16 : index
          %swap3A_972 = tpu.vector_load %arg9[%swap3A_969, %swap3A_970, %swap3A_971] {strides = array<i32>} : memref<2x128x32xf32, #tpu.memory_space<vmem>>, vector<16xf32>,
          tpu.vector_store %arg9[%swap3A_969, %swap3A_970, %swap3A_971], %get3A_967 {strides = array<i32>} : memref<2x128x32xf32, #tpu.memory_space<vmem>>, vector<16xf32>,
        }
        %scan3A_496 = arith.constant 8 : i32
        %sub3A = arith.constant 1 : i32
        %sub3A_497 = arith.subi %add3A_315, %sub3A : i32
        %mul3A_498 = arith.constant 128 : i32
        %mul3A_499 = arith.muli %sub3A_497, %mul3A_498 : i32
        %add3A_500 = arith.addi %mul3A_2, %mul3A_499 : i32
        %multiple_of3A_501 = tpu.assume_multiple %add3A_500, 128 : i32
        %dma_start3A_502 = arith.constant 1 : i32
        %dma_start3A_503 = arith.constant 1 : i32
        %dma_start3A_504 = arith.constant 0 : i32
        %dma_start3A_505 = arith.constant 0 : i32
        %dma_start3A_506 = tpu.memref_slice %arg9[%dma_start3A_502, %dma_start3A_504, %dma_start3A_505] : memref<2x128x32xf32, #tpu.memory_space<vmem>> -> memref<1x128x32xf32, #tpu.memory_space<vmem>>
        %dma_start3A_507 = tpu.memref_squeeze %dma_start3A_506 : memref<1x128x32xf32, #tpu.memory_space<vmem>> -> memref<128x32xf32, #tpu.memory_space<vmem>>
        %dma_start3A_508 = arith.constant 0 : i32
        %dma_start3A_509 = tpu.memref_slice %arg5[%multiple_of3A_501, %dma_start3A_508] : memref<3276800x32xf32, #tpu.memory_space<hbm>> -> memref<128x32xf32, #tpu.memory_space<hbm>>
        %dma_start3A_510 = tpu.memref_slice %arg13[%dma_start3A_503] : memref<2x!tpu.dma_semaphore, #tpu.memory_space<semaphore_mem>> -> memref<1x!tpu.dma_semaphore, #tpu.memory_space<semaphore_mem>>
        %dma_start3A_511 = tpu.memref_squeeze %dma_start3A_510 : memref<1x!tpu.dma_semaphore, #tpu.memory_space<semaphore_mem>> -> memref<!tpu.dma_semaphore, #tpu.memory_space<semaphore_mem>>
        %dma_start3A_512 = arith.constant 0 : i32
        %dma_start3A_513 = tpu.memref_slice %arg5[%multiple_of3A_501, %dma_start3A_512] : memref<3276800x32xf32, #tpu.memory_space<hbm>> -> memref<128x32xf32, #tpu.memory_space<hbm>>
        %dma_start3A_514 = arith.constant 0 : i32
        %dma_start3A_515 = arith.constant 0 : i32
        %dma_start3A_516 = tpu.memref_slice %arg9[%dma_start3A_502, %dma_start3A_514, %dma_start3A_515] : memref<2x128x32xf32, #tpu.memory_space<vmem>> -> memref<1x128x32xf32, #tpu.memory_space<vmem>>
        %dma_start3A_517 = tpu.memref_squeeze %dma_start3A_516 : memref<1x128x32xf32, #tpu.memory_space<vmem>> -> memref<128x32xf32, #tpu.memory_space<vmem>>
        tpu.enqueue_dma source(%dma_start3A_517 : memref<128x32xf32, #tpu.memory_space<vmem>>) target(%dma_start3A_513 : memref<128x32xf32, #tpu.memory_space<hbm>>) target_semaphore(%dma_start3A_511 : memref<!tpu.dma_semaphore, #tpu.memory_space<semaphore_mem>>)
      } else {
      }
      %mul3A_384 = arith.constant 4 : i32
      %mul3A_385 = arith.muli %mul3A_384, %scan3A_171 : i32
      %add3A_386 = arith.constant 3 : i32
      %add3A_387 = arith.addi %mul3A_385, %add3A_386 : i32
      %multiple_of3A_388 = tpu.assume_multiple %mul3A_2, 128 : i32
      %dma_wait3A_389 = arith.constant 3 : i32
      %dma_wait3A_390 = arith.constant 3 : i32
      %dma_wait3A_391 = arith.constant 0 : i32
      %dma_wait3A_392 = tpu.memref_slice %arg6[%dma_wait3A_389, %dma_wait3A_391] : memref<4x128xi32, #tpu.memory_space<vmem>> -> memref<1x128xi32, #tpu.memory_space<vmem>>
      %dma_wait3A_393 = tpu.memref_squeeze %dma_wait3A_392 : memref<1x128xi32, #tpu.memory_space<vmem>> -> memref<128xi32, #tpu.memory_space<vmem>>
      %dma_wait3A_394 = tpu.memref_slice %arg2[%multiple_of3A_388] : memref<3276800xi32, #tpu.memory_space<hbm>> -> memref<128xi32, #tpu.memory_space<hbm>>
      %dma_wait3A_395 = tpu.memref_slice %arg10[%dma_wait3A_390] : memref<4x!tpu.dma_semaphore, #tpu.memory_space<semaphore_mem>> -> memref<1x!tpu.dma_semaphore, #tpu.memory_space<semaphore_mem>>
      %dma_wait3A_396 = tpu.memref_squeeze %dma_wait3A_395 : memref<1x!tpu.dma_semaphore, #tpu.memory_space<semaphore_mem>> -> memref<!tpu.dma_semaphore, #tpu.memory_space<semaphore_mem>>
      %dma_wait3A_397 = arith.constant 0 : i32
      %dma_wait3A_398 = tpu.memref_slice %arg6[%dma_wait3A_389, %dma_wait3A_397] : memref<4x128xi32, #tpu.memory_space<vmem>> -> memref<1x128xi32, #tpu.memory_space<vmem>>
      %dma_wait3A_399 = tpu.memref_squeeze %dma_wait3A_398 : memref<1x128xi32, #tpu.memory_space<vmem>> -> memref<128xi32, #tpu.memory_space<vmem>>
      %dma_wait3A_400 = tpu.memref_slice %arg2[%multiple_of3A_388] : memref<3276800xi32, #tpu.memory_space<hbm>> -> memref<128xi32, #tpu.memory_space<hbm>>
      tpu.wait_dma2 semaphore(%dma_wait3A_396 : memref<!tpu.dma_semaphore, #tpu.memory_space<semaphore_mem>>) src(%dma_wait3A_400 : memref<128xi32, #tpu.memory_space<hbm>>) dst(%dma_wait3A_399 : memref<128xi32, #tpu.memory_space<vmem>>)
      %multiple_of3A_401 = tpu.assume_multiple %mul3A_2, 128 : i32
      %dma_wait3A_402 = arith.constant 3 : i32
      %dma_wait3A_403 = arith.constant 3 : i32
      %dma_wait3A_404 = arith.constant 0 : i32
      %dma_wait3A_405 = tpu.memref_slice %arg7[%dma_wait3A_402, %dma_wait3A_404] : memref<4x128xi32, #tpu.memory_space<vmem>> -> memref<1x128xi32, #tpu.memory_space<vmem>>
      %dma_wait3A_406 = tpu.memref_squeeze %dma_wait3A_405 : memref<1x128xi32, #tpu.memory_space<vmem>> -> memref<128xi32, #tpu.memory_space<vmem>>
      %dma_wait3A_407 = tpu.memref_slice %arg3[%multiple_of3A_401] : memref<3276800xi32, #tpu.memory_space<hbm>> -> memref<128xi32, #tpu.memory_space<hbm>>
      %dma_wait3A_408 = tpu.memref_slice %arg11[%dma_wait3A_403] : memref<4x!tpu.dma_semaphore, #tpu.memory_space<semaphore_mem>> -> memref<1x!tpu.dma_semaphore, #tpu.memory_space<semaphore_mem>>
      %dma_wait3A_409 = tpu.memref_squeeze %dma_wait3A_408 : memref<1x!tpu.dma_semaphore, #tpu.memory_space<semaphore_mem>> -> memref<!tpu.dma_semaphore, #tpu.memory_space<semaphore_mem>>
      %dma_wait3A_410 = arith.constant 0 : i32
      %dma_wait3A_411 = tpu.memref_slice %arg7[%dma_wait3A_402, %dma_wait3A_410] : memref<4x128xi32, #tpu.memory_space<vmem>> -> memref<1x128xi32, #tpu.memory_space<vmem>>
      %dma_wait3A_412 = tpu.memref_squeeze %dma_wait3A_411 : memref<1x128xi32, #tpu.memory_space<vmem>> -> memref<128xi32, #tpu.memory_space<vmem>>
      %dma_wait3A_413 = tpu.memref_slice %arg3[%multiple_of3A_401] : memref<3276800xi32, #tpu.memory_space<hbm>> -> memref<128xi32, #tpu.memory_space<hbm>>
      tpu.wait_dma2 semaphore(%dma_wait3A_409 : memref<!tpu.dma_semaphore, #tpu.memory_space<semaphore_mem>>) src(%dma_wait3A_413 : memref<128xi32, #tpu.memory_space<hbm>>) dst(%dma_wait3A_412 : memref<128xi32, #tpu.memory_space<vmem>>)
      %dma_start3A_414 = arith.constant 3 : i32
      %dma_start3A_415 = arith.constant 1 : i32
      %dma_start3A_416 = arith.constant 1 : i32
      %dma_start3A_417 = arith.constant 0 : i32
      %dma_start3A_418 = arith.constant 0 : i32
      %dma_start3A_419 = tpu.memref_slice %arg8[%dma_start3A_415, %dma_start3A_417, %dma_start3A_418] : memref<2x128x128xf32, #tpu.memory_space<vmem>> -> memref<1x64x128xf32, #tpu.memory_space<vmem>>
      %dma_start3A_420 = tpu.memref_squeeze %dma_start3A_419 : memref<1x64x128xf32, #tpu.memory_space<vmem>> -> memref<64x128xf32, #tpu.memory_space<vmem>>
      %dma_start3A_421 = arith.constant 0 : i32
      %dma_start3A_422 = tpu.memref_slice %arg7[%dma_start3A_414, %dma_start3A_421] : memref<4x128xi32, #tpu.memory_space<vmem>> -> memref<1x64xi32, #tpu.memory_space<vmem>>
      %dma_start3A_423 = tpu.memref_squeeze %dma_start3A_422 : memref<1x64xi32, #tpu.memory_space<vmem>> -> memref<64xi32, #tpu.memory_space<vmem>>
      %dma_start3A_424 = arith.constant 0 : i32
      %dma_start3A_425 = arith.constant 0 : i32
      %dma_start3A_426 = tpu.memref_slice %arg4[%dma_start3A_424, %dma_start3A_425] : memref<250000x128xf32, #tpu.memory_space<hbm>> -> memref<250000x128xf32, #tpu.memory_space<hbm>>
      %dma_start3A_427 = tpu.memref_slice %arg12[%dma_start3A_416] : memref<2x!tpu.dma_semaphore, #tpu.memory_space<semaphore_mem>> -> memref<1x!tpu.dma_semaphore, #tpu.memory_space<semaphore_mem>>
      %dma_start3A_428 = tpu.memref_squeeze %dma_start3A_427 : memref<1x!tpu.dma_semaphore, #tpu.memory_space<semaphore_mem>> -> memref<!tpu.dma_semaphore, #tpu.memory_space<semaphore_mem>>
      tpu.enqueue_indirect_dma source(%dma_start3A_426 : memref<250000x128xf32, #tpu.memory_space<hbm>>) target(%dma_start3A_420 : memref<64x128xf32, #tpu.memory_space<vmem>>) offsets(%dma_start3A_423 : memref<64xi32, #tpu.memory_space<vmem>>) semaphore(%dma_start3A_428 : memref<!tpu.dma_semaphore, #tpu.memory_space<semaphore_mem>>)
      %dma_start3A_429 = arith.constant 3 : i32
      %dma_start3A_430 = arith.constant 1 : i32
      %dma_start3A_431 = arith.constant 1 : i32
      %dma_start3A_432 = arith.constant 64 : i32
      %dma_start3A_433 = arith.constant 0 : i32
      %dma_start3A_434 = tpu.memref_slice %arg8[%dma_start3A_430, %dma_start3A_432, %dma_start3A_433] : memref<2x128x128xf32, #tpu.memory_space<vmem>> -> memref<1x64x128xf32, #tpu.memory_space<vmem>>
      %dma_start3A_435 = tpu.memref_squeeze %dma_start3A_434 : memref<1x64x128xf32, #tpu.memory_space<vmem>> -> memref<64x128xf32, #tpu.memory_space<vmem>>
      %dma_start3A_436 = arith.constant 64 : i32
      %dma_start3A_437 = tpu.memref_slice %arg7[%dma_start3A_429, %dma_start3A_436] : memref<4x128xi32, #tpu.memory_space<vmem>> -> memref<1x64xi32, #tpu.memory_space<vmem>>
      %dma_start3A_438 = tpu.memref_squeeze %dma_start3A_437 : memref<1x64xi32, #tpu.memory_space<vmem>> -> memref<64xi32, #tpu.memory_space<vmem>>
      %dma_start3A_439 = arith.constant 0 : i32
      %dma_start3A_440 = arith.constant 0 : i32
      %dma_start3A_441 = tpu.memref_slice %arg4[%dma_start3A_439, %dma_start3A_440] : memref<250000x128xf32, #tpu.memory_space<hbm>> -> memref<250000x128xf32, #tpu.memory_space<hbm>>
      %dma_start3A_442 = tpu.memref_slice %arg12[%dma_start3A_431] : memref<2x!tpu.dma_semaphore, #tpu.memory_space<semaphore_mem>> -> memref<1x!tpu.dma_semaphore, #tpu.memory_space<semaphore_mem>>
      %dma_start3A_443 = tpu.memref_squeeze %dma_start3A_442 : memref<1x!tpu.dma_semaphore, #tpu.memory_space<semaphore_mem>> -> memref<!tpu.dma_semaphore, #tpu.memory_space<semaphore_mem>>
      tpu.enqueue_indirect_dma source(%dma_start3A_441 : memref<250000x128xf32, #tpu.memory_space<hbm>>) target(%dma_start3A_435 : memref<64x128xf32, #tpu.memory_space<vmem>>) offsets(%dma_start3A_438 : memref<64xi32, #tpu.memory_space<vmem>>) semaphore(%dma_start3A_443 : memref<!tpu.dma_semaphore, #tpu.memory_space<semaphore_mem>>)
      %add3A_444 = arith.constant 2 : i32
      %add3A_445 = arith.addi %add3A_387, %add3A_444 : i32
      %lt3A_446 = arith.constant 800 : i32
      %lt3A_447 = arith.cmpi slt, %add3A_445, %lt3A_446 : i32
      %convert_element_type3A_448 = arith.extui %lt3A_447 : i1 to i32
      %cond3A_449 = arith.constant 0 : i32
      %cond3A_450 = arith.cmpi ne, %convert_element_type3A_448, %cond3A_449 : i32
      scf.if %cond3A_450 {
        %add3A_456 = arith.constant 2 : i32
        %add3A_457 = arith.addi %add3A_387, %add3A_456 : i32
        %mul3A_458 = arith.constant 128 : i32
        %mul3A_459 = arith.muli %add3A_457, %mul3A_458 : i32
        %add3A_460 = arith.addi %mul3A_2, %mul3A_459 : i32
        %multiple_of3A_461 = tpu.assume_multiple %add3A_460, 128 : i32
        %dma_start3A_462 = arith.constant 1 : i32
        %dma_start3A_463 = arith.constant 1 : i32
        %dma_start3A_464 = arith.constant 0 : i32
        %dma_start3A_465 = tpu.memref_slice %arg6[%dma_start3A_462, %dma_start3A_464] : memref<4x128xi32, #tpu.memory_space<vmem>> -> memref<1x128xi32, #tpu.memory_space<vmem>>
        %dma_start3A_466 = tpu.memref_squeeze %dma_start3A_465 : memref<1x128xi32, #tpu.memory_space<vmem>> -> memref<128xi32, #tpu.memory_space<vmem>>
        %dma_start3A_467 = tpu.memref_slice %arg2[%multiple_of3A_461] : memref<3276800xi32, #tpu.memory_space<hbm>> -> memref<128xi32, #tpu.memory_space<hbm>>
        %dma_start3A_468 = tpu.memref_slice %arg10[%dma_start3A_463] : memref<4x!tpu.dma_semaphore, #tpu.memory_space<semaphore_mem>> -> memref<1x!tpu.dma_semaphore, #tpu.memory_space<semaphore_mem>>
        %dma_start3A_469 = tpu.memref_squeeze %dma_start3A_468 : memref<1x!tpu.dma_semaphore, #tpu.memory_space<semaphore_mem>> -> memref<!tpu.dma_semaphore, #tpu.memory_space<semaphore_mem>>
        %dma_start3A_470 = arith.constant 0 : i32
        %dma_start3A_471 = tpu.memref_slice %arg6[%dma_start3A_462, %dma_start3A_470] : memref<4x128xi32, #tpu.memory_space<vmem>> -> memref<1x128xi32, #tpu.memory_space<vmem>>
        %dma_start3A_472 = tpu.memref_squeeze %dma_start3A_471 : memref<1x128xi32, #tpu.memory_space<vmem>> -> memref<128xi32, #tpu.memory_space<vmem>>
        %dma_start3A_473 = tpu.memref_slice %arg2[%multiple_of3A_461] : memref<3276800xi32, #tpu.memory_space<hbm>> -> memref<128xi32, #tpu.memory_space<hbm>>
        tpu.enqueue_dma source(%dma_start3A_473 : memref<128xi32, #tpu.memory_space<hbm>>) target(%dma_start3A_472 : memref<128xi32, #tpu.memory_space<vmem>>) target_semaphore(%dma_start3A_469 : memref<!tpu.dma_semaphore, #tpu.memory_space<semaphore_mem>>)
        %mul3A_474 = arith.constant 128 : i32
        %mul3A_475 = arith.muli %add3A_457, %mul3A_474 : i32
        %add3A_476 = arith.addi %mul3A_2, %mul3A_475 : i32
        %multiple_of3A_477 = tpu.assume_multiple %add3A_476, 128 : i32
        %dma_start3A_478 = arith.constant 1 : i32
        %dma_start3A_479 = arith.constant 1 : i32
        %dma_start3A_480 = arith.constant 0 : i32
        %dma_start3A_481 = tpu.memref_slice %arg7[%dma_start3A_478, %dma_start3A_480] : memref<4x128xi32, #tpu.memory_space<vmem>> -> memref<1x128xi32, #tpu.memory_space<vmem>>
        %dma_start3A_482 = tpu.memref_squeeze %dma_start3A_481 : memref<1x128xi32, #tpu.memory_space<vmem>> -> memref<128xi32, #tpu.memory_space<vmem>>
        %dma_start3A_483 = tpu.memref_slice %arg3[%multiple_of3A_477] : memref<3276800xi32, #tpu.memory_space<hbm>> -> memref<128xi32, #tpu.memory_space<hbm>>
        %dma_start3A_484 = tpu.memref_slice %arg11[%dma_start3A_479] : memref<4x!tpu.dma_semaphore, #tpu.memory_space<semaphore_mem>> -> memref<1x!tpu.dma_semaphore, #tpu.memory_space<semaphore_mem>>
        %dma_start3A_485 = tpu.memref_squeeze %dma_start3A_484 : memref<1x!tpu.dma_semaphore, #tpu.memory_space<semaphore_mem>> -> memref<!tpu.dma_semaphore, #tpu.memory_space<semaphore_mem>>
        %dma_start3A_486 = arith.constant 0 : i32
        %dma_start3A_487 = tpu.memref_slice %arg7[%dma_start3A_478, %dma_start3A_486] : memref<4x128xi32, #tpu.memory_space<vmem>> -> memref<1x128xi32, #tpu.memory_space<vmem>>
        %dma_start3A_488 = tpu.memref_squeeze %dma_start3A_487 : memref<1x128xi32, #tpu.memory_space<vmem>> -> memref<128xi32, #tpu.memory_space<vmem>>
        %dma_start3A_489 = tpu.memref_slice %arg3[%multiple_of3A_477] : memref<3276800xi32, #tpu.memory_space<hbm>> -> memref<128xi32, #tpu.memory_space<hbm>>
        tpu.enqueue_dma source(%dma_start3A_489 : memref<128xi32, #tpu.memory_space<hbm>>) target(%dma_start3A_488 : memref<128xi32, #tpu.memory_space<vmem>>) target_semaphore(%dma_start3A_485 : memref<!tpu.dma_semaphore, #tpu.memory_space<semaphore_mem>>)
      } else {
      }
      %ge3A_451 = arith.constant 1 : i32
      %ge3A_452 = arith.cmpi sge, %add3A_387, %ge3A_451 : i32
      %convert_element_type3A_453 = arith.extui %ge3A_452 : i1 to i32
      %cond3A_454 = arith.constant 0 : i32
      %cond3A_455 = arith.cmpi ne, %convert_element_type3A_453, %cond3A_454 : i32
      scf.if %cond3A_455 {
        %dma_wait3A_456 = arith.constant 0 : i32
        %dma_wait3A_457 = arith.constant 0 : i32
        %dma_wait3A_458 = arith.constant 0 : i32
        %dma_wait3A_459 = arith.constant 0 : i32
        %dma_wait3A_460 = arith.constant 0 : i32
        %dma_wait3A_461 = tpu.memref_slice %arg8[%dma_wait3A_457, %dma_wait3A_459, %dma_wait3A_460] : memref<2x128x128xf32, #tpu.memory_space<vmem>> -> memref<1x64x128xf32, #tpu.memory_space<vmem>>
        %dma_wait3A_462 = tpu.memref_squeeze %dma_wait3A_461 : memref<1x64x128xf32, #tpu.memory_space<vmem>> -> memref<64x128xf32, #tpu.memory_space<vmem>>
        %dma_wait3A_463 = arith.constant 0 : i32
        %dma_wait3A_464 = tpu.memref_slice %arg7[%dma_wait3A_456, %dma_wait3A_463] : memref<4x128xi32, #tpu.memory_space<vmem>> -> memref<1x64xi32, #tpu.memory_space<vmem>>
        %dma_wait3A_465 = tpu.memref_squeeze %dma_wait3A_464 : memref<1x64xi32, #tpu.memory_space<vmem>> -> memref<64xi32, #tpu.memory_space<vmem>>
        %dma_wait3A_466 = arith.constant 0 : i32
        %dma_wait3A_467 = arith.constant 0 : i32
        %dma_wait3A_468 = tpu.memref_slice %arg4[%dma_wait3A_466, %dma_wait3A_467] : memref<250000x128xf32, #tpu.memory_space<hbm>> -> memref<250000x128xf32, #tpu.memory_space<hbm>>
        %dma_wait3A_469 = tpu.memref_slice %arg12[%dma_wait3A_458] : memref<2x!tpu.dma_semaphore, #tpu.memory_space<semaphore_mem>> -> memref<1x!tpu.dma_semaphore, #tpu.memory_space<semaphore_mem>>
        %dma_wait3A_470 = tpu.memref_squeeze %dma_wait3A_469 : memref<1x!tpu.dma_semaphore, #tpu.memory_space<semaphore_mem>> -> memref<!tpu.dma_semaphore, #tpu.memory_space<semaphore_mem>>
        tpu.wait_indirect_dma semaphore(%dma_wait3A_470 : memref<!tpu.dma_semaphore, #tpu.memory_space<semaphore_mem>>) src(%dma_wait3A_468 : memref<250000x128xf32, #tpu.memory_space<hbm>>) dst(%dma_wait3A_462 : memref<64x128xf32, #tpu.memory_space<vmem>>)
        %dma_wait3A_471 = arith.constant 0 : i32
        %dma_wait3A_472 = arith.constant 0 : i32
        %dma_wait3A_473 = arith.constant 0 : i32
        %dma_wait3A_474 = arith.constant 64 : i32
        %dma_wait3A_475 = arith.constant 0 : i32
        %dma_wait3A_476 = tpu.memref_slice %arg8[%dma_wait3A_472, %dma_wait3A_474, %dma_wait3A_475] : memref<2x128x128xf32, #tpu.memory_space<vmem>> -> memref<1x64x128xf32, #tpu.memory_space<vmem>>
        %dma_wait3A_477 = tpu.memref_squeeze %dma_wait3A_476 : memref<1x64x128xf32, #tpu.memory_space<vmem>> -> memref<64x128xf32, #tpu.memory_space<vmem>>
        %dma_wait3A_478 = arith.constant 0 : i32
        %dma_wait3A_479 = tpu.memref_slice %arg7[%dma_wait3A_471, %dma_wait3A_478] : memref<4x128xi32, #tpu.memory_space<vmem>> -> memref<1x64xi32, #tpu.memory_space<vmem>>
        %dma_wait3A_480 = tpu.memref_squeeze %dma_wait3A_479 : memref<1x64xi32, #tpu.memory_space<vmem>> -> memref<64xi32, #tpu.memory_space<vmem>>
        %dma_wait3A_481 = arith.constant 0 : i32
        %dma_wait3A_482 = arith.constant 0 : i32
        %dma_wait3A_483 = tpu.memref_slice %arg4[%dma_wait3A_481, %dma_wait3A_482] : memref<250000x128xf32, #tpu.memory_space<hbm>> -> memref<250000x128xf32, #tpu.memory_space<hbm>>
        %dma_wait3A_484 = tpu.memref_slice %arg12[%dma_wait3A_473] : memref<2x!tpu.dma_semaphore, #tpu.memory_space<semaphore_mem>> -> memref<1x!tpu.dma_semaphore, #tpu.memory_space<semaphore_mem>>
        %dma_wait3A_485 = tpu.memref_squeeze %dma_wait3A_484 : memref<1x!tpu.dma_semaphore, #tpu.memory_space<semaphore_mem>> -> memref<!tpu.dma_semaphore, #tpu.memory_space<semaphore_mem>>
        tpu.wait_indirect_dma semaphore(%dma_wait3A_485 : memref<!tpu.dma_semaphore, #tpu.memory_space<semaphore_mem>>) src(%dma_wait3A_483 : memref<250000x128xf32, #tpu.memory_space<hbm>>) dst(%dma_wait3A_477 : memref<64x128xf32, #tpu.memory_space<vmem>>)
        %ge3A_486 = arith.constant 3 : i32
        %ge3A_487 = arith.cmpi sge, %add3A_387, %ge3A_486 : i32
        %convert_element_type3A_488 = arith.extui %ge3A_487 : i1 to i32
        %cond3A_489 = arith.constant 0 : i32
        %cond3A_490 = arith.cmpi ne, %convert_element_type3A_488, %cond3A_489 : i32
        scf.if %cond3A_490 {
          %multiple_of3A_518 = tpu.assume_multiple %mul3A_2, 128 : i32
          %dma_wait3A_519 = arith.constant 0 : i32
          %dma_wait3A_520 = arith.constant 0 : i32
          %dma_wait3A_521 = arith.constant 0 : i32
          %dma_wait3A_522 = arith.constant 0 : i32
          %dma_wait3A_523 = tpu.memref_slice %arg9[%dma_wait3A_519, %dma_wait3A_521, %dma_wait3A_522] : memref<2x128x32xf32, #tpu.memory_space<vmem>> -> memref<1x128x32xf32, #tpu.memory_space<vmem>>
          %dma_wait3A_524 = tpu.memref_squeeze %dma_wait3A_523 : memref<1x128x32xf32, #tpu.memory_space<vmem>> -> memref<128x32xf32, #tpu.memory_space<vmem>>
          %dma_wait3A_525 = arith.constant 0 : i32
          %dma_wait3A_526 = tpu.memref_slice %arg5[%multiple_of3A_518, %dma_wait3A_525] : memref<3276800x32xf32, #tpu.memory_space<hbm>> -> memref<128x32xf32, #tpu.memory_space<hbm>>
          %dma_wait3A_527 = tpu.memref_slice %arg13[%dma_wait3A_520] : memref<2x!tpu.dma_semaphore, #tpu.memory_space<semaphore_mem>> -> memref<1x!tpu.dma_semaphore, #tpu.memory_space<semaphore_mem>>
          %dma_wait3A_528 = tpu.memref_squeeze %dma_wait3A_527 : memref<1x!tpu.dma_semaphore, #tpu.memory_space<semaphore_mem>> -> memref<!tpu.dma_semaphore, #tpu.memory_space<semaphore_mem>>
          %dma_wait3A_529 = arith.constant 0 : i32
          %dma_wait3A_530 = tpu.memref_slice %arg5[%multiple_of3A_518, %dma_wait3A_529] : memref<3276800x32xf32, #tpu.memory_space<hbm>> -> memref<128x32xf32, #tpu.memory_space<hbm>>
          %dma_wait3A_531 = arith.constant 0 : i32
          %dma_wait3A_532 = arith.constant 0 : i32
          %dma_wait3A_533 = tpu.memref_slice %arg9[%dma_wait3A_519, %dma_wait3A_531, %dma_wait3A_532] : memref<2x128x32xf32, #tpu.memory_space<vmem>> -> memref<1x128x32xf32, #tpu.memory_space<vmem>>
          %dma_wait3A_534 = tpu.memref_squeeze %dma_wait3A_533 : memref<1x128x32xf32, #tpu.memory_space<vmem>> -> memref<128x32xf32, #tpu.memory_space<vmem>>
          tpu.wait_dma2 semaphore(%dma_wait3A_528 : memref<!tpu.dma_semaphore, #tpu.memory_space<semaphore_mem>>) src(%dma_wait3A_534 : memref<128x32xf32, #tpu.memory_space<vmem>>) dst(%dma_wait3A_530 : memref<128x32xf32, #tpu.memory_space<hbm>>)
        } else {
        }
        %scan3A_491 = arith.constant 0 : i32
        %scan3A_492 = arith.constant 0 : i32
        %scan3A_493 = arith.constant 8 : i32
        %scan3A_494 = arith.addi %scan3A_492, %scan3A_493 : i32
        %scan3A_495 = arith.constant 1 : i32
        scf.for %scan3A_518 = %scan3A_492 to %scan3A_494 step %scan3A_495  : i32 {
          %mul3A_519 = arith.constant 16 : i32
          %mul3A_520 = arith.muli %scan3A_518, %mul3A_519 : i32
          %get3A = arith.constant 2 : i32
          %get3A_521 = arith.index_cast %get3A : i32 to index
          %get3A_522 = arith.index_cast %mul3A_520 : i32 to index
          %get3A_523 = tpu.vector_load %arg6[%get3A_521, %get3A_522] {strides = array<i32>} : memref<4x128xi32, #tpu.memory_space<vmem>>, vector<16xi32>,
          %and3A = arith.constant 3 : i32
          %and3A_524 = vector.broadcast %and3A : i32 to vector<16xi32>
          %and3A_525 = arith.andi %get3A_523, %and3A_524 : vector<16xi32>
          %shift_left3A = arith.constant 5 : i32
          %shift_left3A_526 = vector.broadcast %shift_left3A : i32 to vector<16xi32>
          %shift_left3A_527 = arith.shli %and3A_525, %shift_left3A_526 : vector<16xi32>
          %slice3A = vector.extract_strided_slice %shift_left3A_527 {offsets = [0], sizes = [1], strides = [1]} : vector<16xi32> to vector<1xi32>
          %squeeze3A = vector.extract %slice3A[0] : i32 from vector<1xi32>
          %mul3A_528 = arith.constant 16 : i32
          %mul3A_529 = arith.muli %scan3A_518, %mul3A_528 : i32
          %add3A_530 = arith.constant 0 : i32
          %add3A_531 = arith.addi %mul3A_529, %add3A_530 : i32
          %get3A_532 = arith.constant 0 : i32
          %get3A_533 = arith.index_cast %get3A_532 : i32 to index
          %get3A_534 = arith.index_cast %add3A_531 : i32 to index
          %get3A_535 = arith.index_cast %squeeze3A : i32 to index
          %get3A_536 = tpu.vector_load %arg8[%get3A_533, %get3A_534, %get3A_535] {strides = array<i32>} : memref<2x128x128xf32, #tpu.memory_space<vmem>>, vector<16xf32>,
          %swap3A = arith.constant 0 : i32
          %swap3A_537 = arith.index_cast %swap3A : i32 to index
          %swap3A_538 = arith.index_cast %add3A_531 : i32 to index
          %swap3A_539 = arith.constant 0 : index
          %swap3A_540 = tpu.vector_load %arg9[%swap3A_537, %swap3A_538, %swap3A_539] {strides = array<i32>} : memref<2x128x32xf32, #tpu.memory_space<vmem>>, vector<16xf32>,
          tpu.vector_store %arg9[%swap3A_537, %swap3A_538, %swap3A_539], %get3A_536 {strides = array<i32>} : memref<2x128x32xf32, #tpu.memory_space<vmem>>, vector<16xf32>,
          %add3A_541 = arith.constant 16 : i32
          %add3A_542 = arith.addi %squeeze3A, %add3A_541 : i32
          %get3A_543 = arith.constant 0 : i32
          %get3A_544 = arith.index_cast %get3A_543 : i32 to index
          %get3A_545 = arith.index_cast %add3A_531 : i32 to index
          %get3A_546 = arith.index_cast %add3A_542 : i32 to index
          %get3A_547 = tpu.vector_load %arg8[%get3A_544, %get3A_545, %get3A_546] {strides = array<i32>} : memref<2x128x128xf32, #tpu.memory_space<vmem>>, vector<16xf32>,
          %swap3A_548 = arith.constant 0 : i32
          %swap3A_549 = arith.index_cast %swap3A_548 : i32 to index
          %swap3A_550 = arith.index_cast %add3A_531 : i32 to index
          %swap3A_551 = arith.constant 16 : index
          %swap3A_552 = tpu.vector_load %arg9[%swap3A_549, %swap3A_550, %swap3A_551] {strides = array<i32>} : memref<2x128x32xf32, #tpu.memory_space<vmem>>, vector<16xf32>,
          tpu.vector_store %arg9[%swap3A_549, %swap3A_550, %swap3A_551], %get3A_547 {strides = array<i32>} : memref<2x128x32xf32, #tpu.memory_space<vmem>>, vector<16xf32>,
          %slice3A_553 = vector.extract_strided_slice %shift_left3A_527 {offsets = [1], sizes = [1], strides = [1]} : vector<16xi32> to vector<1xi32>
          %squeeze3A_554 = vector.extract %slice3A_553[0] : i32 from vector<1xi32>
          %mul3A_555 = arith.constant 16 : i32
          %mul3A_556 = arith.muli %scan3A_518, %mul3A_555 : i32
          %add3A_557 = arith.constant 1 : i32
          %add3A_558 = arith.addi %mul3A_556, %add3A_557 : i32
          %get3A_559 = arith.constant 0 : i32
          %get3A_560 = arith.index_cast %get3A_559 : i32 to index
          %get3A_561 = arith.index_cast %add3A_558 : i32 to index
          %get3A_562 = arith.index_cast %squeeze3A_554 : i32 to index
          %get3A_563 = tpu.vector_load %arg8[%get3A_560, %get3A_561, %get3A_562] {strides = array<i32>} : memref<2x128x128xf32, #tpu.memory_space<vmem>>, vector<16xf32>,
          %swap3A_564 = arith.constant 0 : i32
          %swap3A_565 = arith.index_cast %swap3A_564 : i32 to index
          %swap3A_566 = arith.index_cast %add3A_558 : i32 to index
          %swap3A_567 = arith.constant 0 : index
          %swap3A_568 = tpu.vector_load %arg9[%swap3A_565, %swap3A_566, %swap3A_567] {strides = array<i32>} : memref<2x128x32xf32, #tpu.memory_space<vmem>>, vector<16xf32>,
          tpu.vector_store %arg9[%swap3A_565, %swap3A_566, %swap3A_567], %get3A_563 {strides = array<i32>} : memref<2x128x32xf32, #tpu.memory_space<vmem>>, vector<16xf32>,
          %add3A_569 = arith.constant 16 : i32
          %add3A_570 = arith.addi %squeeze3A_554, %add3A_569 : i32
          %get3A_571 = arith.constant 0 : i32
          %get3A_572 = arith.index_cast %get3A_571 : i32 to index
          %get3A_573 = arith.index_cast %add3A_558 : i32 to index
          %get3A_574 = arith.index_cast %add3A_570 : i32 to index
          %get3A_575 = tpu.vector_load %arg8[%get3A_572, %get3A_573, %get3A_574] {strides = array<i32>} : memref<2x128x128xf32, #tpu.memory_space<vmem>>, vector<16xf32>,
          %swap3A_576 = arith.constant 0 : i32
          %swap3A_577 = arith.index_cast %swap3A_576 : i32 to index
          %swap3A_578 = arith.index_cast %add3A_558 : i32 to index
          %swap3A_579 = arith.constant 16 : index
          %swap3A_580 = tpu.vector_load %arg9[%swap3A_577, %swap3A_578, %swap3A_579] {strides = array<i32>} : memref<2x128x32xf32, #tpu.memory_space<vmem>>, vector<16xf32>,
          tpu.vector_store %arg9[%swap3A_577, %swap3A_578, %swap3A_579], %get3A_575 {strides = array<i32>} : memref<2x128x32xf32, #tpu.memory_space<vmem>>, vector<16xf32>,
          %slice3A_581 = vector.extract_strided_slice %shift_left3A_527 {offsets = [2], sizes = [1], strides = [1]} : vector<16xi32> to vector<1xi32>
          %squeeze3A_582 = vector.extract %slice3A_581[0] : i32 from vector<1xi32>
          %mul3A_583 = arith.constant 16 : i32
          %mul3A_584 = arith.muli %scan3A_518, %mul3A_583 : i32
          %add3A_585 = arith.constant 2 : i32
          %add3A_586 = arith.addi %mul3A_584, %add3A_585 : i32
          %get3A_587 = arith.constant 0 : i32
          %get3A_588 = arith.index_cast %get3A_587 : i32 to index
          %get3A_589 = arith.index_cast %add3A_586 : i32 to index
          %get3A_590 = arith.index_cast %squeeze3A_582 : i32 to index
          %get3A_591 = tpu.vector_load %arg8[%get3A_588, %get3A_589, %get3A_590] {strides = array<i32>} : memref<2x128x128xf32, #tpu.memory_space<vmem>>, vector<16xf32>,
          %swap3A_592 = arith.constant 0 : i32
          %swap3A_593 = arith.index_cast %swap3A_592 : i32 to index
          %swap3A_594 = arith.index_cast %add3A_586 : i32 to index
          %swap3A_595 = arith.constant 0 : index
          %swap3A_596 = tpu.vector_load %arg9[%swap3A_593, %swap3A_594, %swap3A_595] {strides = array<i32>} : memref<2x128x32xf32, #tpu.memory_space<vmem>>, vector<16xf32>,
          tpu.vector_store %arg9[%swap3A_593, %swap3A_594, %swap3A_595], %get3A_591 {strides = array<i32>} : memref<2x128x32xf32, #tpu.memory_space<vmem>>, vector<16xf32>,
          %add3A_597 = arith.constant 16 : i32
          %add3A_598 = arith.addi %squeeze3A_582, %add3A_597 : i32
          %get3A_599 = arith.constant 0 : i32
          %get3A_600 = arith.index_cast %get3A_599 : i32 to index
          %get3A_601 = arith.index_cast %add3A_586 : i32 to index
          %get3A_602 = arith.index_cast %add3A_598 : i32 to index
          %get3A_603 = tpu.vector_load %arg8[%get3A_600, %get3A_601, %get3A_602] {strides = array<i32>} : memref<2x128x128xf32, #tpu.memory_space<vmem>>, vector<16xf32>,
          %swap3A_604 = arith.constant 0 : i32
          %swap3A_605 = arith.index_cast %swap3A_604 : i32 to index
          %swap3A_606 = arith.index_cast %add3A_586 : i32 to index
          %swap3A_607 = arith.constant 16 : index
          %swap3A_608 = tpu.vector_load %arg9[%swap3A_605, %swap3A_606, %swap3A_607] {strides = array<i32>} : memref<2x128x32xf32, #tpu.memory_space<vmem>>, vector<16xf32>,
          tpu.vector_store %arg9[%swap3A_605, %swap3A_606, %swap3A_607], %get3A_603 {strides = array<i32>} : memref<2x128x32xf32, #tpu.memory_space<vmem>>, vector<16xf32>,
          %slice3A_609 = vector.extract_strided_slice %shift_left3A_527 {offsets = [3], sizes = [1], strides = [1]} : vector<16xi32> to vector<1xi32>
          %squeeze3A_610 = vector.extract %slice3A_609[0] : i32 from vector<1xi32>
          %mul3A_611 = arith.constant 16 : i32
          %mul3A_612 = arith.muli %scan3A_518, %mul3A_611 : i32
          %add3A_613 = arith.constant 3 : i32
          %add3A_614 = arith.addi %mul3A_612, %add3A_613 : i32
          %get3A_615 = arith.constant 0 : i32
          %get3A_616 = arith.index_cast %get3A_615 : i32 to index
          %get3A_617 = arith.index_cast %add3A_614 : i32 to index
          %get3A_618 = arith.index_cast %squeeze3A_610 : i32 to index
          %get3A_619 = tpu.vector_load %arg8[%get3A_616, %get3A_617, %get3A_618] {strides = array<i32>} : memref<2x128x128xf32, #tpu.memory_space<vmem>>, vector<16xf32>,
          %swap3A_620 = arith.constant 0 : i32
          %swap3A_621 = arith.index_cast %swap3A_620 : i32 to index
          %swap3A_622 = arith.index_cast %add3A_614 : i32 to index
          %swap3A_623 = arith.constant 0 : index
          %swap3A_624 = tpu.vector_load %arg9[%swap3A_621, %swap3A_622, %swap3A_623] {strides = array<i32>} : memref<2x128x32xf32, #tpu.memory_space<vmem>>, vector<16xf32>,
          tpu.vector_store %arg9[%swap3A_621, %swap3A_622, %swap3A_623], %get3A_619 {strides = array<i32>} : memref<2x128x32xf32, #tpu.memory_space<vmem>>, vector<16xf32>,
          %add3A_625 = arith.constant 16 : i32
          %add3A_626 = arith.addi %squeeze3A_610, %add3A_625 : i32
          %get3A_627 = arith.constant 0 : i32
          %get3A_628 = arith.index_cast %get3A_627 : i32 to index
          %get3A_629 = arith.index_cast %add3A_614 : i32 to index
          %get3A_630 = arith.index_cast %add3A_626 : i32 to index
          %get3A_631 = tpu.vector_load %arg8[%get3A_628, %get3A_629, %get3A_630] {strides = array<i32>} : memref<2x128x128xf32, #tpu.memory_space<vmem>>, vector<16xf32>,
          %swap3A_632 = arith.constant 0 : i32
          %swap3A_633 = arith.index_cast %swap3A_632 : i32 to index
          %swap3A_634 = arith.index_cast %add3A_614 : i32 to index
          %swap3A_635 = arith.constant 16 : index
          %swap3A_636 = tpu.vector_load %arg9[%swap3A_633, %swap3A_634, %swap3A_635] {strides = array<i32>} : memref<2x128x32xf32, #tpu.memory_space<vmem>>, vector<16xf32>,
          tpu.vector_store %arg9[%swap3A_633, %swap3A_634, %swap3A_635], %get3A_631 {strides = array<i32>} : memref<2x128x32xf32, #tpu.memory_space<vmem>>, vector<16xf32>,
          %slice3A_637 = vector.extract_strided_slice %shift_left3A_527 {offsets = [4], sizes = [1], strides = [1]} : vector<16xi32> to vector<1xi32>
          %squeeze3A_638 = vector.extract %slice3A_637[0] : i32 from vector<1xi32>
          %mul3A_639 = arith.constant 16 : i32
          %mul3A_640 = arith.muli %scan3A_518, %mul3A_639 : i32
          %add3A_641 = arith.constant 4 : i32
          %add3A_642 = arith.addi %mul3A_640, %add3A_641 : i32
          %get3A_643 = arith.constant 0 : i32
          %get3A_644 = arith.index_cast %get3A_643 : i32 to index
          %get3A_645 = arith.index_cast %add3A_642 : i32 to index
          %get3A_646 = arith.index_cast %squeeze3A_638 : i32 to index
          %get3A_647 = tpu.vector_load %arg8[%get3A_644, %get3A_645, %get3A_646] {strides = array<i32>} : memref<2x128x128xf32, #tpu.memory_space<vmem>>, vector<16xf32>,
          %swap3A_648 = arith.constant 0 : i32
          %swap3A_649 = arith.index_cast %swap3A_648 : i32 to index
          %swap3A_650 = arith.index_cast %add3A_642 : i32 to index
          %swap3A_651 = arith.constant 0 : index
          %swap3A_652 = tpu.vector_load %arg9[%swap3A_649, %swap3A_650, %swap3A_651] {strides = array<i32>} : memref<2x128x32xf32, #tpu.memory_space<vmem>>, vector<16xf32>,
          tpu.vector_store %arg9[%swap3A_649, %swap3A_650, %swap3A_651], %get3A_647 {strides = array<i32>} : memref<2x128x32xf32, #tpu.memory_space<vmem>>, vector<16xf32>,
          %add3A_653 = arith.constant 16 : i32
          %add3A_654 = arith.addi %squeeze3A_638, %add3A_653 : i32
          %get3A_655 = arith.constant 0 : i32
          %get3A_656 = arith.index_cast %get3A_655 : i32 to index
          %get3A_657 = arith.index_cast %add3A_642 : i32 to index
          %get3A_658 = arith.index_cast %add3A_654 : i32 to index
          %get3A_659 = tpu.vector_load %arg8[%get3A_656, %get3A_657, %get3A_658] {strides = array<i32>} : memref<2x128x128xf32, #tpu.memory_space<vmem>>, vector<16xf32>,
          %swap3A_660 = arith.constant 0 : i32
          %swap3A_661 = arith.index_cast %swap3A_660 : i32 to index
          %swap3A_662 = arith.index_cast %add3A_642 : i32 to index
          %swap3A_663 = arith.constant 16 : index
          %swap3A_664 = tpu.vector_load %arg9[%swap3A_661, %swap3A_662, %swap3A_663] {strides = array<i32>} : memref<2x128x32xf32, #tpu.memory_space<vmem>>, vector<16xf32>,
          tpu.vector_store %arg9[%swap3A_661, %swap3A_662, %swap3A_663], %get3A_659 {strides = array<i32>} : memref<2x128x32xf32, #tpu.memory_space<vmem>>, vector<16xf32>,
          %slice3A_665 = vector.extract_strided_slice %shift_left3A_527 {offsets = [5], sizes = [1], strides = [1]} : vector<16xi32> to vector<1xi32>
          %squeeze3A_666 = vector.extract %slice3A_665[0] : i32 from vector<1xi32>
          %mul3A_667 = arith.constant 16 : i32
          %mul3A_668 = arith.muli %scan3A_518, %mul3A_667 : i32
          %add3A_669 = arith.constant 5 : i32
          %add3A_670 = arith.addi %mul3A_668, %add3A_669 : i32
          %get3A_671 = arith.constant 0 : i32
          %get3A_672 = arith.index_cast %get3A_671 : i32 to index
          %get3A_673 = arith.index_cast %add3A_670 : i32 to index
          %get3A_674 = arith.index_cast %squeeze3A_666 : i32 to index
          %get3A_675 = tpu.vector_load %arg8[%get3A_672, %get3A_673, %get3A_674] {strides = array<i32>} : memref<2x128x128xf32, #tpu.memory_space<vmem>>, vector<16xf32>,
          %swap3A_676 = arith.constant 0 : i32
          %swap3A_677 = arith.index_cast %swap3A_676 : i32 to index
          %swap3A_678 = arith.index_cast %add3A_670 : i32 to index
          %swap3A_679 = arith.constant 0 : index
          %swap3A_680 = tpu.vector_load %arg9[%swap3A_677, %swap3A_678, %swap3A_679] {strides = array<i32>} : memref<2x128x32xf32, #tpu.memory_space<vmem>>, vector<16xf32>,
          tpu.vector_store %arg9[%swap3A_677, %swap3A_678, %swap3A_679], %get3A_675 {strides = array<i32>} : memref<2x128x32xf32, #tpu.memory_space<vmem>>, vector<16xf32>,
          %add3A_681 = arith.constant 16 : i32
          %add3A_682 = arith.addi %squeeze3A_666, %add3A_681 : i32
          %get3A_683 = arith.constant 0 : i32
          %get3A_684 = arith.index_cast %get3A_683 : i32 to index
          %get3A_685 = arith.index_cast %add3A_670 : i32 to index
          %get3A_686 = arith.index_cast %add3A_682 : i32 to index
          %get3A_687 = tpu.vector_load %arg8[%get3A_684, %get3A_685, %get3A_686] {strides = array<i32>} : memref<2x128x128xf32, #tpu.memory_space<vmem>>, vector<16xf32>,
          %swap3A_688 = arith.constant 0 : i32
          %swap3A_689 = arith.index_cast %swap3A_688 : i32 to index
          %swap3A_690 = arith.index_cast %add3A_670 : i32 to index
          %swap3A_691 = arith.constant 16 : index
          %swap3A_692 = tpu.vector_load %arg9[%swap3A_689, %swap3A_690, %swap3A_691] {strides = array<i32>} : memref<2x128x32xf32, #tpu.memory_space<vmem>>, vector<16xf32>,
          tpu.vector_store %arg9[%swap3A_689, %swap3A_690, %swap3A_691], %get3A_687 {strides = array<i32>} : memref<2x128x32xf32, #tpu.memory_space<vmem>>, vector<16xf32>,
          %slice3A_693 = vector.extract_strided_slice %shift_left3A_527 {offsets = [6], sizes = [1], strides = [1]} : vector<16xi32> to vector<1xi32>
          %squeeze3A_694 = vector.extract %slice3A_693[0] : i32 from vector<1xi32>
          %mul3A_695 = arith.constant 16 : i32
          %mul3A_696 = arith.muli %scan3A_518, %mul3A_695 : i32
          %add3A_697 = arith.constant 6 : i32
          %add3A_698 = arith.addi %mul3A_696, %add3A_697 : i32
          %get3A_699 = arith.constant 0 : i32
          %get3A_700 = arith.index_cast %get3A_699 : i32 to index
          %get3A_701 = arith.index_cast %add3A_698 : i32 to index
          %get3A_702 = arith.index_cast %squeeze3A_694 : i32 to index
          %get3A_703 = tpu.vector_load %arg8[%get3A_700, %get3A_701, %get3A_702] {strides = array<i32>} : memref<2x128x128xf32, #tpu.memory_space<vmem>>, vector<16xf32>,
          %swap3A_704 = arith.constant 0 : i32
          %swap3A_705 = arith.index_cast %swap3A_704 : i32 to index
          %swap3A_706 = arith.index_cast %add3A_698 : i32 to index
          %swap3A_707 = arith.constant 0 : index
          %swap3A_708 = tpu.vector_load %arg9[%swap3A_705, %swap3A_706, %swap3A_707] {strides = array<i32>} : memref<2x128x32xf32, #tpu.memory_space<vmem>>, vector<16xf32>,
          tpu.vector_store %arg9[%swap3A_705, %swap3A_706, %swap3A_707], %get3A_703 {strides = array<i32>} : memref<2x128x32xf32, #tpu.memory_space<vmem>>, vector<16xf32>,
          %add3A_709 = arith.constant 16 : i32
          %add3A_710 = arith.addi %squeeze3A_694, %add3A_709 : i32
          %get3A_711 = arith.constant 0 : i32
          %get3A_712 = arith.index_cast %get3A_711 : i32 to index
          %get3A_713 = arith.index_cast %add3A_698 : i32 to index
          %get3A_714 = arith.index_cast %add3A_710 : i32 to index
          %get3A_715 = tpu.vector_load %arg8[%get3A_712, %get3A_713, %get3A_714] {strides = array<i32>} : memref<2x128x128xf32, #tpu.memory_space<vmem>>, vector<16xf32>,
          %swap3A_716 = arith.constant 0 : i32
          %swap3A_717 = arith.index_cast %swap3A_716 : i32 to index
          %swap3A_718 = arith.index_cast %add3A_698 : i32 to index
          %swap3A_719 = arith.constant 16 : index
          %swap3A_720 = tpu.vector_load %arg9[%swap3A_717, %swap3A_718, %swap3A_719] {strides = array<i32>} : memref<2x128x32xf32, #tpu.memory_space<vmem>>, vector<16xf32>,
          tpu.vector_store %arg9[%swap3A_717, %swap3A_718, %swap3A_719], %get3A_715 {strides = array<i32>} : memref<2x128x32xf32, #tpu.memory_space<vmem>>, vector<16xf32>,
          %slice3A_721 = vector.extract_strided_slice %shift_left3A_527 {offsets = [7], sizes = [1], strides = [1]} : vector<16xi32> to vector<1xi32>
          %squeeze3A_722 = vector.extract %slice3A_721[0] : i32 from vector<1xi32>
          %mul3A_723 = arith.constant 16 : i32
          %mul3A_724 = arith.muli %scan3A_518, %mul3A_723 : i32
          %add3A_725 = arith.constant 7 : i32
          %add3A_726 = arith.addi %mul3A_724, %add3A_725 : i32
          %get3A_727 = arith.constant 0 : i32
          %get3A_728 = arith.index_cast %get3A_727 : i32 to index
          %get3A_729 = arith.index_cast %add3A_726 : i32 to index
          %get3A_730 = arith.index_cast %squeeze3A_722 : i32 to index
          %get3A_731 = tpu.vector_load %arg8[%get3A_728, %get3A_729, %get3A_730] {strides = array<i32>} : memref<2x128x128xf32, #tpu.memory_space<vmem>>, vector<16xf32>,
          %swap3A_732 = arith.constant 0 : i32
          %swap3A_733 = arith.index_cast %swap3A_732 : i32 to index
          %swap3A_734 = arith.index_cast %add3A_726 : i32 to index
          %swap3A_735 = arith.constant 0 : index
          %swap3A_736 = tpu.vector_load %arg9[%swap3A_733, %swap3A_734, %swap3A_735] {strides = array<i32>} : memref<2x128x32xf32, #tpu.memory_space<vmem>>, vector<16xf32>,
          tpu.vector_store %arg9[%swap3A_733, %swap3A_734, %swap3A_735], %get3A_731 {strides = array<i32>} : memref<2x128x32xf32, #tpu.memory_space<vmem>>, vector<16xf32>,
          %add3A_737 = arith.constant 16 : i32
          %add3A_738 = arith.addi %squeeze3A_722, %add3A_737 : i32
          %get3A_739 = arith.constant 0 : i32
          %get3A_740 = arith.index_cast %get3A_739 : i32 to index
          %get3A_741 = arith.index_cast %add3A_726 : i32 to index
          %get3A_742 = arith.index_cast %add3A_738 : i32 to index
          %get3A_743 = tpu.vector_load %arg8[%get3A_740, %get3A_741, %get3A_742] {strides = array<i32>} : memref<2x128x128xf32, #tpu.memory_space<vmem>>, vector<16xf32>,
          %swap3A_744 = arith.constant 0 : i32
          %swap3A_745 = arith.index_cast %swap3A_744 : i32 to index
          %swap3A_746 = arith.index_cast %add3A_726 : i32 to index
          %swap3A_747 = arith.constant 16 : index
          %swap3A_748 = tpu.vector_load %arg9[%swap3A_745, %swap3A_746, %swap3A_747] {strides = array<i32>} : memref<2x128x32xf32, #tpu.memory_space<vmem>>, vector<16xf32>,
          tpu.vector_store %arg9[%swap3A_745, %swap3A_746, %swap3A_747], %get3A_743 {strides = array<i32>} : memref<2x128x32xf32, #tpu.memory_space<vmem>>, vector<16xf32>,
          %slice3A_749 = vector.extract_strided_slice %shift_left3A_527 {offsets = [8], sizes = [1], strides = [1]} : vector<16xi32> to vector<1xi32>
          %squeeze3A_750 = vector.extract %slice3A_749[0] : i32 from vector<1xi32>
          %mul3A_751 = arith.constant 16 : i32
          %mul3A_752 = arith.muli %scan3A_518, %mul3A_751 : i32
          %add3A_753 = arith.constant 8 : i32
          %add3A_754 = arith.addi %mul3A_752, %add3A_753 : i32
          %get3A_755 = arith.constant 0 : i32
          %get3A_756 = arith.index_cast %get3A_755 : i32 to index
          %get3A_757 = arith.index_cast %add3A_754 : i32 to index
          %get3A_758 = arith.index_cast %squeeze3A_750 : i32 to index
          %get3A_759 = tpu.vector_load %arg8[%get3A_756, %get3A_757, %get3A_758] {strides = array<i32>} : memref<2x128x128xf32, #tpu.memory_space<vmem>>, vector<16xf32>,
          %swap3A_760 = arith.constant 0 : i32
          %swap3A_761 = arith.index_cast %swap3A_760 : i32 to index
          %swap3A_762 = arith.index_cast %add3A_754 : i32 to index
          %swap3A_763 = arith.constant 0 : index
          %swap3A_764 = tpu.vector_load %arg9[%swap3A_761, %swap3A_762, %swap3A_763] {strides = array<i32>} : memref<2x128x32xf32, #tpu.memory_space<vmem>>, vector<16xf32>,
          tpu.vector_store %arg9[%swap3A_761, %swap3A_762, %swap3A_763], %get3A_759 {strides = array<i32>} : memref<2x128x32xf32, #tpu.memory_space<vmem>>, vector<16xf32>,
          %add3A_765 = arith.constant 16 : i32
          %add3A_766 = arith.addi %squeeze3A_750, %add3A_765 : i32
          %get3A_767 = arith.constant 0 : i32
          %get3A_768 = arith.index_cast %get3A_767 : i32 to index
          %get3A_769 = arith.index_cast %add3A_754 : i32 to index
          %get3A_770 = arith.index_cast %add3A_766 : i32 to index
          %get3A_771 = tpu.vector_load %arg8[%get3A_768, %get3A_769, %get3A_770] {strides = array<i32>} : memref<2x128x128xf32, #tpu.memory_space<vmem>>, vector<16xf32>,
          %swap3A_772 = arith.constant 0 : i32
          %swap3A_773 = arith.index_cast %swap3A_772 : i32 to index
          %swap3A_774 = arith.index_cast %add3A_754 : i32 to index
          %swap3A_775 = arith.constant 16 : index
          %swap3A_776 = tpu.vector_load %arg9[%swap3A_773, %swap3A_774, %swap3A_775] {strides = array<i32>} : memref<2x128x32xf32, #tpu.memory_space<vmem>>, vector<16xf32>,
          tpu.vector_store %arg9[%swap3A_773, %swap3A_774, %swap3A_775], %get3A_771 {strides = array<i32>} : memref<2x128x32xf32, #tpu.memory_space<vmem>>, vector<16xf32>,
          %slice3A_777 = vector.extract_strided_slice %shift_left3A_527 {offsets = [9], sizes = [1], strides = [1]} : vector<16xi32> to vector<1xi32>
          %squeeze3A_778 = vector.extract %slice3A_777[0] : i32 from vector<1xi32>
          %mul3A_779 = arith.constant 16 : i32
          %mul3A_780 = arith.muli %scan3A_518, %mul3A_779 : i32
          %add3A_781 = arith.constant 9 : i32
          %add3A_782 = arith.addi %mul3A_780, %add3A_781 : i32
          %get3A_783 = arith.constant 0 : i32
          %get3A_784 = arith.index_cast %get3A_783 : i32 to index
          %get3A_785 = arith.index_cast %add3A_782 : i32 to index
          %get3A_786 = arith.index_cast %squeeze3A_778 : i32 to index
          %get3A_787 = tpu.vector_load %arg8[%get3A_784, %get3A_785, %get3A_786] {strides = array<i32>} : memref<2x128x128xf32, #tpu.memory_space<vmem>>, vector<16xf32>,
          %swap3A_788 = arith.constant 0 : i32
          %swap3A_789 = arith.index_cast %swap3A_788 : i32 to index
          %swap3A_790 = arith.index_cast %add3A_782 : i32 to index
          %swap3A_791 = arith.constant 0 : index
          %swap3A_792 = tpu.vector_load %arg9[%swap3A_789, %swap3A_790, %swap3A_791] {strides = array<i32>} : memref<2x128x32xf32, #tpu.memory_space<vmem>>, vector<16xf32>,
          tpu.vector_store %arg9[%swap3A_789, %swap3A_790, %swap3A_791], %get3A_787 {strides = array<i32>} : memref<2x128x32xf32, #tpu.memory_space<vmem>>, vector<16xf32>,
          %add3A_793 = arith.constant 16 : i32
          %add3A_794 = arith.addi %squeeze3A_778, %add3A_793 : i32
          %get3A_795 = arith.constant 0 : i32
          %get3A_796 = arith.index_cast %get3A_795 : i32 to index
          %get3A_797 = arith.index_cast %add3A_782 : i32 to index
          %get3A_798 = arith.index_cast %add3A_794 : i32 to index
          %get3A_799 = tpu.vector_load %arg8[%get3A_796, %get3A_797, %get3A_798] {strides = array<i32>} : memref<2x128x128xf32, #tpu.memory_space<vmem>>, vector<16xf32>,
          %swap3A_800 = arith.constant 0 : i32
          %swap3A_801 = arith.index_cast %swap3A_800 : i32 to index
          %swap3A_802 = arith.index_cast %add3A_782 : i32 to index
          %swap3A_803 = arith.constant 16 : index
          %swap3A_804 = tpu.vector_load %arg9[%swap3A_801, %swap3A_802, %swap3A_803] {strides = array<i32>} : memref<2x128x32xf32, #tpu.memory_space<vmem>>, vector<16xf32>,
          tpu.vector_store %arg9[%swap3A_801, %swap3A_802, %swap3A_803], %get3A_799 {strides = array<i32>} : memref<2x128x32xf32, #tpu.memory_space<vmem>>, vector<16xf32>,
          %slice3A_805 = vector.extract_strided_slice %shift_left3A_527 {offsets = [10], sizes = [1], strides = [1]} : vector<16xi32> to vector<1xi32>
          %squeeze3A_806 = vector.extract %slice3A_805[0] : i32 from vector<1xi32>
          %mul3A_807 = arith.constant 16 : i32
          %mul3A_808 = arith.muli %scan3A_518, %mul3A_807 : i32
          %add3A_809 = arith.constant 10 : i32
          %add3A_810 = arith.addi %mul3A_808, %add3A_809 : i32
          %get3A_811 = arith.constant 0 : i32
          %get3A_812 = arith.index_cast %get3A_811 : i32 to index
          %get3A_813 = arith.index_cast %add3A_810 : i32 to index
          %get3A_814 = arith.index_cast %squeeze3A_806 : i32 to index
          %get3A_815 = tpu.vector_load %arg8[%get3A_812, %get3A_813, %get3A_814] {strides = array<i32>} : memref<2x128x128xf32, #tpu.memory_space<vmem>>, vector<16xf32>,
          %swap3A_816 = arith.constant 0 : i32
          %swap3A_817 = arith.index_cast %swap3A_816 : i32 to index
          %swap3A_818 = arith.index_cast %add3A_810 : i32 to index
          %swap3A_819 = arith.constant 0 : index
          %swap3A_820 = tpu.vector_load %arg9[%swap3A_817, %swap3A_818, %swap3A_819] {strides = array<i32>} : memref<2x128x32xf32, #tpu.memory_space<vmem>>, vector<16xf32>,
          tpu.vector_store %arg9[%swap3A_817, %swap3A_818, %swap3A_819], %get3A_815 {strides = array<i32>} : memref<2x128x32xf32, #tpu.memory_space<vmem>>, vector<16xf32>,
          %add3A_821 = arith.constant 16 : i32
          %add3A_822 = arith.addi %squeeze3A_806, %add3A_821 : i32
          %get3A_823 = arith.constant 0 : i32
          %get3A_824 = arith.index_cast %get3A_823 : i32 to index
          %get3A_825 = arith.index_cast %add3A_810 : i32 to index
          %get3A_826 = arith.index_cast %add3A_822 : i32 to index
          %get3A_827 = tpu.vector_load %arg8[%get3A_824, %get3A_825, %get3A_826] {strides = array<i32>} : memref<2x128x128xf32, #tpu.memory_space<vmem>>, vector<16xf32>,
          %swap3A_828 = arith.constant 0 : i32
          %swap3A_829 = arith.index_cast %swap3A_828 : i32 to index
          %swap3A_830 = arith.index_cast %add3A_810 : i32 to index
          %swap3A_831 = arith.constant 16 : index
          %swap3A_832 = tpu.vector_load %arg9[%swap3A_829, %swap3A_830, %swap3A_831] {strides = array<i32>} : memref<2x128x32xf32, #tpu.memory_space<vmem>>, vector<16xf32>,
          tpu.vector_store %arg9[%swap3A_829, %swap3A_830, %swap3A_831], %get3A_827 {strides = array<i32>} : memref<2x128x32xf32, #tpu.memory_space<vmem>>, vector<16xf32>,
          %slice3A_833 = vector.extract_strided_slice %shift_left3A_527 {offsets = [11], sizes = [1], strides = [1]} : vector<16xi32> to vector<1xi32>
          %squeeze3A_834 = vector.extract %slice3A_833[0] : i32 from vector<1xi32>
          %mul3A_835 = arith.constant 16 : i32
          %mul3A_836 = arith.muli %scan3A_518, %mul3A_835 : i32
          %add3A_837 = arith.constant 11 : i32
          %add3A_838 = arith.addi %mul3A_836, %add3A_837 : i32
          %get3A_839 = arith.constant 0 : i32
          %get3A_840 = arith.index_cast %get3A_839 : i32 to index
          %get3A_841 = arith.index_cast %add3A_838 : i32 to index
          %get3A_842 = arith.index_cast %squeeze3A_834 : i32 to index
          %get3A_843 = tpu.vector_load %arg8[%get3A_840, %get3A_841, %get3A_842] {strides = array<i32>} : memref<2x128x128xf32, #tpu.memory_space<vmem>>, vector<16xf32>,
          %swap3A_844 = arith.constant 0 : i32
          %swap3A_845 = arith.index_cast %swap3A_844 : i32 to index
          %swap3A_846 = arith.index_cast %add3A_838 : i32 to index
          %swap3A_847 = arith.constant 0 : index
          %swap3A_848 = tpu.vector_load %arg9[%swap3A_845, %swap3A_846, %swap3A_847] {strides = array<i32>} : memref<2x128x32xf32, #tpu.memory_space<vmem>>, vector<16xf32>,
          tpu.vector_store %arg9[%swap3A_845, %swap3A_846, %swap3A_847], %get3A_843 {strides = array<i32>} : memref<2x128x32xf32, #tpu.memory_space<vmem>>, vector<16xf32>,
          %add3A_849 = arith.constant 16 : i32
          %add3A_850 = arith.addi %squeeze3A_834, %add3A_849 : i32
          %get3A_851 = arith.constant 0 : i32
          %get3A_852 = arith.index_cast %get3A_851 : i32 to index
          %get3A_853 = arith.index_cast %add3A_838 : i32 to index
          %get3A_854 = arith.index_cast %add3A_850 : i32 to index
          %get3A_855 = tpu.vector_load %arg8[%get3A_852, %get3A_853, %get3A_854] {strides = array<i32>} : memref<2x128x128xf32, #tpu.memory_space<vmem>>, vector<16xf32>,
          %swap3A_856 = arith.constant 0 : i32
          %swap3A_857 = arith.index_cast %swap3A_856 : i32 to index
          %swap3A_858 = arith.index_cast %add3A_838 : i32 to index
          %swap3A_859 = arith.constant 16 : index
          %swap3A_860 = tpu.vector_load %arg9[%swap3A_857, %swap3A_858, %swap3A_859] {strides = array<i32>} : memref<2x128x32xf32, #tpu.memory_space<vmem>>, vector<16xf32>,
          tpu.vector_store %arg9[%swap3A_857, %swap3A_858, %swap3A_859], %get3A_855 {strides = array<i32>} : memref<2x128x32xf32, #tpu.memory_space<vmem>>, vector<16xf32>,
          %slice3A_861 = vector.extract_strided_slice %shift_left3A_527 {offsets = [12], sizes = [1], strides = [1]} : vector<16xi32> to vector<1xi32>
          %squeeze3A_862 = vector.extract %slice3A_861[0] : i32 from vector<1xi32>
          %mul3A_863 = arith.constant 16 : i32
          %mul3A_864 = arith.muli %scan3A_518, %mul3A_863 : i32
          %add3A_865 = arith.constant 12 : i32
          %add3A_866 = arith.addi %mul3A_864, %add3A_865 : i32
          %get3A_867 = arith.constant 0 : i32
          %get3A_868 = arith.index_cast %get3A_867 : i32 to index
          %get3A_869 = arith.index_cast %add3A_866 : i32 to index
          %get3A_870 = arith.index_cast %squeeze3A_862 : i32 to index
          %get3A_871 = tpu.vector_load %arg8[%get3A_868, %get3A_869, %get3A_870] {strides = array<i32>} : memref<2x128x128xf32, #tpu.memory_space<vmem>>, vector<16xf32>,
          %swap3A_872 = arith.constant 0 : i32
          %swap3A_873 = arith.index_cast %swap3A_872 : i32 to index
          %swap3A_874 = arith.index_cast %add3A_866 : i32 to index
          %swap3A_875 = arith.constant 0 : index
          %swap3A_876 = tpu.vector_load %arg9[%swap3A_873, %swap3A_874, %swap3A_875] {strides = array<i32>} : memref<2x128x32xf32, #tpu.memory_space<vmem>>, vector<16xf32>,
          tpu.vector_store %arg9[%swap3A_873, %swap3A_874, %swap3A_875], %get3A_871 {strides = array<i32>} : memref<2x128x32xf32, #tpu.memory_space<vmem>>, vector<16xf32>,
          %add3A_877 = arith.constant 16 : i32
          %add3A_878 = arith.addi %squeeze3A_862, %add3A_877 : i32
          %get3A_879 = arith.constant 0 : i32
          %get3A_880 = arith.index_cast %get3A_879 : i32 to index
          %get3A_881 = arith.index_cast %add3A_866 : i32 to index
          %get3A_882 = arith.index_cast %add3A_878 : i32 to index
          %get3A_883 = tpu.vector_load %arg8[%get3A_880, %get3A_881, %get3A_882] {strides = array<i32>} : memref<2x128x128xf32, #tpu.memory_space<vmem>>, vector<16xf32>,
          %swap3A_884 = arith.constant 0 : i32
          %swap3A_885 = arith.index_cast %swap3A_884 : i32 to index
          %swap3A_886 = arith.index_cast %add3A_866 : i32 to index
          %swap3A_887 = arith.constant 16 : index
          %swap3A_888 = tpu.vector_load %arg9[%swap3A_885, %swap3A_886, %swap3A_887] {strides = array<i32>} : memref<2x128x32xf32, #tpu.memory_space<vmem>>, vector<16xf32>,
          tpu.vector_store %arg9[%swap3A_885, %swap3A_886, %swap3A_887], %get3A_883 {strides = array<i32>} : memref<2x128x32xf32, #tpu.memory_space<vmem>>, vector<16xf32>,
          %slice3A_889 = vector.extract_strided_slice %shift_left3A_527 {offsets = [13], sizes = [1], strides = [1]} : vector<16xi32> to vector<1xi32>
          %squeeze3A_890 = vector.extract %slice3A_889[0] : i32 from vector<1xi32>
          %mul3A_891 = arith.constant 16 : i32
          %mul3A_892 = arith.muli %scan3A_518, %mul3A_891 : i32
          %add3A_893 = arith.constant 13 : i32
          %add3A_894 = arith.addi %mul3A_892, %add3A_893 : i32
          %get3A_895 = arith.constant 0 : i32
          %get3A_896 = arith.index_cast %get3A_895 : i32 to index
          %get3A_897 = arith.index_cast %add3A_894 : i32 to index
          %get3A_898 = arith.index_cast %squeeze3A_890 : i32 to index
          %get3A_899 = tpu.vector_load %arg8[%get3A_896, %get3A_897, %get3A_898] {strides = array<i32>} : memref<2x128x128xf32, #tpu.memory_space<vmem>>, vector<16xf32>,
          %swap3A_900 = arith.constant 0 : i32
          %swap3A_901 = arith.index_cast %swap3A_900 : i32 to index
          %swap3A_902 = arith.index_cast %add3A_894 : i32 to index
          %swap3A_903 = arith.constant 0 : index
          %swap3A_904 = tpu.vector_load %arg9[%swap3A_901, %swap3A_902, %swap3A_903] {strides = array<i32>} : memref<2x128x32xf32, #tpu.memory_space<vmem>>, vector<16xf32>,
          tpu.vector_store %arg9[%swap3A_901, %swap3A_902, %swap3A_903], %get3A_899 {strides = array<i32>} : memref<2x128x32xf32, #tpu.memory_space<vmem>>, vector<16xf32>,
          %add3A_905 = arith.constant 16 : i32
          %add3A_906 = arith.addi %squeeze3A_890, %add3A_905 : i32
          %get3A_907 = arith.constant 0 : i32
          %get3A_908 = arith.index_cast %get3A_907 : i32 to index
          %get3A_909 = arith.index_cast %add3A_894 : i32 to index
          %get3A_910 = arith.index_cast %add3A_906 : i32 to index
          %get3A_911 = tpu.vector_load %arg8[%get3A_908, %get3A_909, %get3A_910] {strides = array<i32>} : memref<2x128x128xf32, #tpu.memory_space<vmem>>, vector<16xf32>,
          %swap3A_912 = arith.constant 0 : i32
          %swap3A_913 = arith.index_cast %swap3A_912 : i32 to index
          %swap3A_914 = arith.index_cast %add3A_894 : i32 to index
          %swap3A_915 = arith.constant 16 : index
          %swap3A_916 = tpu.vector_load %arg9[%swap3A_913, %swap3A_914, %swap3A_915] {strides = array<i32>} : memref<2x128x32xf32, #tpu.memory_space<vmem>>, vector<16xf32>,
          tpu.vector_store %arg9[%swap3A_913, %swap3A_914, %swap3A_915], %get3A_911 {strides = array<i32>} : memref<2x128x32xf32, #tpu.memory_space<vmem>>, vector<16xf32>,
          %slice3A_917 = vector.extract_strided_slice %shift_left3A_527 {offsets = [14], sizes = [1], strides = [1]} : vector<16xi32> to vector<1xi32>
          %squeeze3A_918 = vector.extract %slice3A_917[0] : i32 from vector<1xi32>
          %mul3A_919 = arith.constant 16 : i32
          %mul3A_920 = arith.muli %scan3A_518, %mul3A_919 : i32
          %add3A_921 = arith.constant 14 : i32
          %add3A_922 = arith.addi %mul3A_920, %add3A_921 : i32
          %get3A_923 = arith.constant 0 : i32
          %get3A_924 = arith.index_cast %get3A_923 : i32 to index
          %get3A_925 = arith.index_cast %add3A_922 : i32 to index
          %get3A_926 = arith.index_cast %squeeze3A_918 : i32 to index
          %get3A_927 = tpu.vector_load %arg8[%get3A_924, %get3A_925, %get3A_926] {strides = array<i32>} : memref<2x128x128xf32, #tpu.memory_space<vmem>>, vector<16xf32>,
          %swap3A_928 = arith.constant 0 : i32
          %swap3A_929 = arith.index_cast %swap3A_928 : i32 to index
          %swap3A_930 = arith.index_cast %add3A_922 : i32 to index
          %swap3A_931 = arith.constant 0 : index
          %swap3A_932 = tpu.vector_load %arg9[%swap3A_929, %swap3A_930, %swap3A_931] {strides = array<i32>} : memref<2x128x32xf32, #tpu.memory_space<vmem>>, vector<16xf32>,
          tpu.vector_store %arg9[%swap3A_929, %swap3A_930, %swap3A_931], %get3A_927 {strides = array<i32>} : memref<2x128x32xf32, #tpu.memory_space<vmem>>, vector<16xf32>,
          %add3A_933 = arith.constant 16 : i32
          %add3A_934 = arith.addi %squeeze3A_918, %add3A_933 : i32
          %get3A_935 = arith.constant 0 : i32
          %get3A_936 = arith.index_cast %get3A_935 : i32 to index
          %get3A_937 = arith.index_cast %add3A_922 : i32 to index
          %get3A_938 = arith.index_cast %add3A_934 : i32 to index
          %get3A_939 = tpu.vector_load %arg8[%get3A_936, %get3A_937, %get3A_938] {strides = array<i32>} : memref<2x128x128xf32, #tpu.memory_space<vmem>>, vector<16xf32>,
          %swap3A_940 = arith.constant 0 : i32
          %swap3A_941 = arith.index_cast %swap3A_940 : i32 to index
          %swap3A_942 = arith.index_cast %add3A_922 : i32 to index
          %swap3A_943 = arith.constant 16 : index
          %swap3A_944 = tpu.vector_load %arg9[%swap3A_941, %swap3A_942, %swap3A_943] {strides = array<i32>} : memref<2x128x32xf32, #tpu.memory_space<vmem>>, vector<16xf32>,
          tpu.vector_store %arg9[%swap3A_941, %swap3A_942, %swap3A_943], %get3A_939 {strides = array<i32>} : memref<2x128x32xf32, #tpu.memory_space<vmem>>, vector<16xf32>,
          %slice3A_945 = vector.extract_strided_slice %shift_left3A_527 {offsets = [15], sizes = [1], strides = [1]} : vector<16xi32> to vector<1xi32>
          %squeeze3A_946 = vector.extract %slice3A_945[0] : i32 from vector<1xi32>
          %mul3A_947 = arith.constant 16 : i32
          %mul3A_948 = arith.muli %scan3A_518, %mul3A_947 : i32
          %add3A_949 = arith.constant 15 : i32
          %add3A_950 = arith.addi %mul3A_948, %add3A_949 : i32
          %get3A_951 = arith.constant 0 : i32
          %get3A_952 = arith.index_cast %get3A_951 : i32 to index
          %get3A_953 = arith.index_cast %add3A_950 : i32 to index
          %get3A_954 = arith.index_cast %squeeze3A_946 : i32 to index
          %get3A_955 = tpu.vector_load %arg8[%get3A_952, %get3A_953, %get3A_954] {strides = array<i32>} : memref<2x128x128xf32, #tpu.memory_space<vmem>>, vector<16xf32>,
          %swap3A_956 = arith.constant 0 : i32
          %swap3A_957 = arith.index_cast %swap3A_956 : i32 to index
          %swap3A_958 = arith.index_cast %add3A_950 : i32 to index
          %swap3A_959 = arith.constant 0 : index
          %swap3A_960 = tpu.vector_load %arg9[%swap3A_957, %swap3A_958, %swap3A_959] {strides = array<i32>} : memref<2x128x32xf32, #tpu.memory_space<vmem>>, vector<16xf32>,
          tpu.vector_store %arg9[%swap3A_957, %swap3A_958, %swap3A_959], %get3A_955 {strides = array<i32>} : memref<2x128x32xf32, #tpu.memory_space<vmem>>, vector<16xf32>,
          %add3A_961 = arith.constant 16 : i32
          %add3A_962 = arith.addi %squeeze3A_946, %add3A_961 : i32
          %get3A_963 = arith.constant 0 : i32
          %get3A_964 = arith.index_cast %get3A_963 : i32 to index
          %get3A_965 = arith.index_cast %add3A_950 : i32 to index
          %get3A_966 = arith.index_cast %add3A_962 : i32 to index
          %get3A_967 = tpu.vector_load %arg8[%get3A_964, %get3A_965, %get3A_966] {strides = array<i32>} : memref<2x128x128xf32, #tpu.memory_space<vmem>>, vector<16xf32>,
          %swap3A_968 = arith.constant 0 : i32
          %swap3A_969 = arith.index_cast %swap3A_968 : i32 to index
          %swap3A_970 = arith.index_cast %add3A_950 : i32 to index
          %swap3A_971 = arith.constant 16 : index
          %swap3A_972 = tpu.vector_load %arg9[%swap3A_969, %swap3A_970, %swap3A_971] {strides = array<i32>} : memref<2x128x32xf32, #tpu.memory_space<vmem>>, vector<16xf32>,
          tpu.vector_store %arg9[%swap3A_969, %swap3A_970, %swap3A_971], %get3A_967 {strides = array<i32>} : memref<2x128x32xf32, #tpu.memory_space<vmem>>, vector<16xf32>,
        }
        %scan3A_496 = arith.constant 8 : i32
        %sub3A = arith.constant 1 : i32
        %sub3A_497 = arith.subi %add3A_387, %sub3A : i32
        %mul3A_498 = arith.constant 128 : i32
        %mul3A_499 = arith.muli %sub3A_497, %mul3A_498 : i32
        %add3A_500 = arith.addi %mul3A_2, %mul3A_499 : i32
        %multiple_of3A_501 = tpu.assume_multiple %add3A_500, 128 : i32
        %dma_start3A_502 = arith.constant 0 : i32
        %dma_start3A_503 = arith.constant 0 : i32
        %dma_start3A_504 = arith.constant 0 : i32
        %dma_start3A_505 = arith.constant 0 : i32
        %dma_start3A_506 = tpu.memref_slice %arg9[%dma_start3A_502, %dma_start3A_504, %dma_start3A_505] : memref<2x128x32xf32, #tpu.memory_space<vmem>> -> memref<1x128x32xf32, #tpu.memory_space<vmem>>
        %dma_start3A_507 = tpu.memref_squeeze %dma_start3A_506 : memref<1x128x32xf32, #tpu.memory_space<vmem>> -> memref<128x32xf32, #tpu.memory_space<vmem>>
        %dma_start3A_508 = arith.constant 0 : i32
        %dma_start3A_509 = tpu.memref_slice %arg5[%multiple_of3A_501, %dma_start3A_508] : memref<3276800x32xf32, #tpu.memory_space<hbm>> -> memref<128x32xf32, #tpu.memory_space<hbm>>
        %dma_start3A_510 = tpu.memref_slice %arg13[%dma_start3A_503] : memref<2x!tpu.dma_semaphore, #tpu.memory_space<semaphore_mem>> -> memref<1x!tpu.dma_semaphore, #tpu.memory_space<semaphore_mem>>
        %dma_start3A_511 = tpu.memref_squeeze %dma_start3A_510 : memref<1x!tpu.dma_semaphore, #tpu.memory_space<semaphore_mem>> -> memref<!tpu.dma_semaphore, #tpu.memory_space<semaphore_mem>>
        %dma_start3A_512 = arith.constant 0 : i32
        %dma_start3A_513 = tpu.memref_slice %arg5[%multiple_of3A_501, %dma_start3A_512] : memref<3276800x32xf32, #tpu.memory_space<hbm>> -> memref<128x32xf32, #tpu.memory_space<hbm>>
        %dma_start3A_514 = arith.constant 0 : i32
        %dma_start3A_515 = arith.constant 0 : i32
        %dma_start3A_516 = tpu.memref_slice %arg9[%dma_start3A_502, %dma_start3A_514, %dma_start3A_515] : memref<2x128x32xf32, #tpu.memory_space<vmem>> -> memref<1x128x32xf32, #tpu.memory_space<vmem>>
        %dma_start3A_517 = tpu.memref_squeeze %dma_start3A_516 : memref<1x128x32xf32, #tpu.memory_space<vmem>> -> memref<128x32xf32, #tpu.memory_space<vmem>>
        tpu.enqueue_dma source(%dma_start3A_517 : memref<128x32xf32, #tpu.memory_space<vmem>>) target(%dma_start3A_513 : memref<128x32xf32, #tpu.memory_space<hbm>>) target_semaphore(%dma_start3A_511 : memref<!tpu.dma_semaphore, #tpu.memory_space<semaphore_mem>>)
      } else {
      }
    }
    %scan3A_65 = arith.constant 200 : i32
    %dma_wait3A = arith.constant 0 : i32
    %dma_wait3A_66 = arith.constant 1 : i32
    %dma_wait3A_67 = arith.constant 1 : i32
    %dma_wait3A_68 = arith.constant 0 : i32
    %dma_wait3A_69 = arith.constant 0 : i32
    %dma_wait3A_70 = tpu.memref_slice %arg8[%dma_wait3A_66, %dma_wait3A_68, %dma_wait3A_69] : memref<2x128x128xf32, #tpu.memory_space<vmem>> -> memref<1x64x128xf32, #tpu.memory_space<vmem>>
    %dma_wait3A_71 = tpu.memref_squeeze %dma_wait3A_70 : memref<1x64x128xf32, #tpu.memory_space<vmem>> -> memref<64x128xf32, #tpu.memory_space<vmem>>
    %dma_wait3A_72 = arith.constant 0 : i32
    %dma_wait3A_73 = tpu.memref_slice %arg7[%dma_wait3A, %dma_wait3A_72] : memref<4x128xi32, #tpu.memory_space<vmem>> -> memref<1x64xi32, #tpu.memory_space<vmem>>
    %dma_wait3A_74 = tpu.memref_squeeze %dma_wait3A_73 : memref<1x64xi32, #tpu.memory_space<vmem>> -> memref<64xi32, #tpu.memory_space<vmem>>
    %dma_wait3A_75 = arith.constant 0 : i32
    %dma_wait3A_76 = arith.constant 0 : i32
    %dma_wait3A_77 = tpu.memref_slice %arg4[%dma_wait3A_75, %dma_wait3A_76] : memref<250000x128xf32, #tpu.memory_space<hbm>> -> memref<250000x128xf32, #tpu.memory_space<hbm>>
    %dma_wait3A_78 = tpu.memref_slice %arg12[%dma_wait3A_67] : memref<2x!tpu.dma_semaphore, #tpu.memory_space<semaphore_mem>> -> memref<1x!tpu.dma_semaphore, #tpu.memory_space<semaphore_mem>>
    %dma_wait3A_79 = tpu.memref_squeeze %dma_wait3A_78 : memref<1x!tpu.dma_semaphore, #tpu.memory_space<semaphore_mem>> -> memref<!tpu.dma_semaphore, #tpu.memory_space<semaphore_mem>>
    tpu.wait_indirect_dma semaphore(%dma_wait3A_79 : memref<!tpu.dma_semaphore, #tpu.memory_space<semaphore_mem>>) src(%dma_wait3A_77 : memref<250000x128xf32, #tpu.memory_space<hbm>>) dst(%dma_wait3A_71 : memref<64x128xf32, #tpu.memory_space<vmem>>)
    %dma_wait3A_80 = arith.constant 0 : i32
    %dma_wait3A_81 = arith.constant 1 : i32
    %dma_wait3A_82 = arith.constant 1 : i32
    %dma_wait3A_83 = arith.constant 64 : i32
    %dma_wait3A_84 = arith.constant 0 : i32
    %dma_wait3A_85 = tpu.memref_slice %arg8[%dma_wait3A_81, %dma_wait3A_83, %dma_wait3A_84] : memref<2x128x128xf32, #tpu.memory_space<vmem>> -> memref<1x64x128xf32, #tpu.memory_space<vmem>>
    %dma_wait3A_86 = tpu.memref_squeeze %dma_wait3A_85 : memref<1x64x128xf32, #tpu.memory_space<vmem>> -> memref<64x128xf32, #tpu.memory_space<vmem>>
    %dma_wait3A_87 = arith.constant 0 : i32
    %dma_wait3A_88 = tpu.memref_slice %arg7[%dma_wait3A_80, %dma_wait3A_87] : memref<4x128xi32, #tpu.memory_space<vmem>> -> memref<1x64xi32, #tpu.memory_space<vmem>>
    %dma_wait3A_89 = tpu.memref_squeeze %dma_wait3A_88 : memref<1x64xi32, #tpu.memory_space<vmem>> -> memref<64xi32, #tpu.memory_space<vmem>>
    %dma_wait3A_90 = arith.constant 0 : i32
    %dma_wait3A_91 = arith.constant 0 : i32
    %dma_wait3A_92 = tpu.memref_slice %arg4[%dma_wait3A_90, %dma_wait3A_91] : memref<250000x128xf32, #tpu.memory_space<hbm>> -> memref<250000x128xf32, #tpu.memory_space<hbm>>
    %dma_wait3A_93 = tpu.memref_slice %arg12[%dma_wait3A_82] : memref<2x!tpu.dma_semaphore, #tpu.memory_space<semaphore_mem>> -> memref<1x!tpu.dma_semaphore, #tpu.memory_space<semaphore_mem>>
    %dma_wait3A_94 = tpu.memref_squeeze %dma_wait3A_93 : memref<1x!tpu.dma_semaphore, #tpu.memory_space<semaphore_mem>> -> memref<!tpu.dma_semaphore, #tpu.memory_space<semaphore_mem>>
    tpu.wait_indirect_dma semaphore(%dma_wait3A_94 : memref<!tpu.dma_semaphore, #tpu.memory_space<semaphore_mem>>) src(%dma_wait3A_92 : memref<250000x128xf32, #tpu.memory_space<hbm>>) dst(%dma_wait3A_86 : memref<64x128xf32, #tpu.memory_space<vmem>>)
    %multiple_of3A_95 = tpu.assume_multiple %mul3A_2, 128 : i32
    %dma_wait3A_96 = arith.constant 1 : i32
    %dma_wait3A_97 = arith.constant 1 : i32
    %dma_wait3A_98 = arith.constant 0 : i32
    %dma_wait3A_99 = arith.constant 0 : i32
    %dma_wait3A_100 = tpu.memref_slice %arg9[%dma_wait3A_96, %dma_wait3A_98, %dma_wait3A_99] : memref<2x128x32xf32, #tpu.memory_space<vmem>> -> memref<1x128x32xf32, #tpu.memory_space<vmem>>
    %dma_wait3A_101 = tpu.memref_squeeze %dma_wait3A_100 : memref<1x128x32xf32, #tpu.memory_space<vmem>> -> memref<128x32xf32, #tpu.memory_space<vmem>>
    %dma_wait3A_102 = arith.constant 0 : i32
    %dma_wait3A_103 = tpu.memref_slice %arg5[%multiple_of3A_95, %dma_wait3A_102] : memref<3276800x32xf32, #tpu.memory_space<hbm>> -> memref<128x32xf32, #tpu.memory_space<hbm>>
    %dma_wait3A_104 = tpu.memref_slice %arg13[%dma_wait3A_97] : memref<2x!tpu.dma_semaphore, #tpu.memory_space<semaphore_mem>> -> memref<1x!tpu.dma_semaphore, #tpu.memory_space<semaphore_mem>>
    %dma_wait3A_105 = tpu.memref_squeeze %dma_wait3A_104 : memref<1x!tpu.dma_semaphore, #tpu.memory_space<semaphore_mem>> -> memref<!tpu.dma_semaphore, #tpu.memory_space<semaphore_mem>>
    %dma_wait3A_106 = arith.constant 0 : i32
    %dma_wait3A_107 = tpu.memref_slice %arg5[%multiple_of3A_95, %dma_wait3A_106] : memref<3276800x32xf32, #tpu.memory_space<hbm>> -> memref<128x32xf32, #tpu.memory_space<hbm>>
    %dma_wait3A_108 = arith.constant 0 : i32
    %dma_wait3A_109 = arith.constant 0 : i32
    %dma_wait3A_110 = tpu.memref_slice %arg9[%dma_wait3A_96, %dma_wait3A_108, %dma_wait3A_109] : memref<2x128x32xf32, #tpu.memory_space<vmem>> -> memref<1x128x32xf32, #tpu.memory_space<vmem>>
    %dma_wait3A_111 = tpu.memref_squeeze %dma_wait3A_110 : memref<1x128x32xf32, #tpu.memory_space<vmem>> -> memref<128x32xf32, #tpu.memory_space<vmem>>
    tpu.wait_dma2 semaphore(%dma_wait3A_105 : memref<!tpu.dma_semaphore, #tpu.memory_space<semaphore_mem>>) src(%dma_wait3A_111 : memref<128x32xf32, #tpu.memory_space<vmem>>) dst(%dma_wait3A_107 : memref<128x32xf32, #tpu.memory_space<hbm>>)
    %scan3A_112 = arith.constant 0 : i32
    %scan3A_113 = arith.constant 0 : i32
    %scan3A_114 = arith.constant 8 : i32
    %scan3A_115 = arith.addi %scan3A_113, %scan3A_114 : i32
    %scan3A_116 = arith.constant 1 : i32
    scf.for %scan3A_171 = %scan3A_113 to %scan3A_115 step %scan3A_116  : i32 {
      %mul3A_172 = arith.constant 16 : i32
      %mul3A_173 = arith.muli %scan3A_171, %mul3A_172 : i32
      %get3A = arith.constant 3 : i32
      %get3A_174 = arith.index_cast %get3A : i32 to index
      %get3A_175 = arith.index_cast %mul3A_173 : i32 to index
      %get3A_176 = tpu.vector_load %arg6[%get3A_174, %get3A_175] {strides = array<i32>} : memref<4x128xi32, #tpu.memory_space<vmem>>, vector<16xi32>,
      %and3A = arith.constant 3 : i32
      %and3A_177 = vector.broadcast %and3A : i32 to vector<16xi32>
      %and3A_178 = arith.andi %get3A_176, %and3A_177 : vector<16xi32>
      %shift_left3A = arith.constant 5 : i32
      %shift_left3A_179 = vector.broadcast %shift_left3A : i32 to vector<16xi32>
      %shift_left3A_180 = arith.shli %and3A_178, %shift_left3A_179 : vector<16xi32>
      %slice3A = vector.extract_strided_slice %shift_left3A_180 {offsets = [0], sizes = [1], strides = [1]} : vector<16xi32> to vector<1xi32>
      %squeeze3A = vector.extract %slice3A[0] : i32 from vector<1xi32>
      %mul3A_181 = arith.constant 16 : i32
      %mul3A_182 = arith.muli %scan3A_171, %mul3A_181 : i32
      %add3A_183 = arith.constant 0 : i32
      %add3A_184 = arith.addi %mul3A_182, %add3A_183 : i32
      %get3A_185 = arith.constant 1 : i32
      %get3A_186 = arith.index_cast %get3A_185 : i32 to index
      %get3A_187 = arith.index_cast %add3A_184 : i32 to index
      %get3A_188 = arith.index_cast %squeeze3A : i32 to index
      %get3A_189 = tpu.vector_load %arg8[%get3A_186, %get3A_187, %get3A_188] {strides = array<i32>} : memref<2x128x128xf32, #tpu.memory_space<vmem>>, vector<16xf32>,
      %swap3A = arith.constant 1 : i32
      %swap3A_190 = arith.index_cast %swap3A : i32 to index
      %swap3A_191 = arith.index_cast %add3A_184 : i32 to index
      %swap3A_192 = arith.constant 0 : index
      %swap3A_193 = tpu.vector_load %arg9[%swap3A_190, %swap3A_191, %swap3A_192] {strides = array<i32>} : memref<2x128x32xf32, #tpu.memory_space<vmem>>, vector<16xf32>,
      tpu.vector_store %arg9[%swap3A_190, %swap3A_191, %swap3A_192], %get3A_189 {strides = array<i32>} : memref<2x128x32xf32, #tpu.memory_space<vmem>>, vector<16xf32>,
      %add3A_194 = arith.constant 16 : i32
      %add3A_195 = arith.addi %squeeze3A, %add3A_194 : i32
      %get3A_196 = arith.constant 1 : i32
      %get3A_197 = arith.index_cast %get3A_196 : i32 to index
      %get3A_198 = arith.index_cast %add3A_184 : i32 to index
      %get3A_199 = arith.index_cast %add3A_195 : i32 to index
      %get3A_200 = tpu.vector_load %arg8[%get3A_197, %get3A_198, %get3A_199] {strides = array<i32>} : memref<2x128x128xf32, #tpu.memory_space<vmem>>, vector<16xf32>,
      %swap3A_201 = arith.constant 1 : i32
      %swap3A_202 = arith.index_cast %swap3A_201 : i32 to index
      %swap3A_203 = arith.index_cast %add3A_184 : i32 to index
      %swap3A_204 = arith.constant 16 : index
      %swap3A_205 = tpu.vector_load %arg9[%swap3A_202, %swap3A_203, %swap3A_204] {strides = array<i32>} : memref<2x128x32xf32, #tpu.memory_space<vmem>>, vector<16xf32>,
      tpu.vector_store %arg9[%swap3A_202, %swap3A_203, %swap3A_204], %get3A_200 {strides = array<i32>} : memref<2x128x32xf32, #tpu.memory_space<vmem>>, vector<16xf32>,
      %slice3A_206 = vector.extract_strided_slice %shift_left3A_180 {offsets = [1], sizes = [1], strides = [1]} : vector<16xi32> to vector<1xi32>
      %squeeze3A_207 = vector.extract %slice3A_206[0] : i32 from vector<1xi32>
      %mul3A_208 = arith.constant 16 : i32
      %mul3A_209 = arith.muli %scan3A_171, %mul3A_208 : i32
      %add3A_210 = arith.constant 1 : i32
      %add3A_211 = arith.addi %mul3A_209, %add3A_210 : i32
      %get3A_212 = arith.constant 1 : i32
      %get3A_213 = arith.index_cast %get3A_212 : i32 to index
      %get3A_214 = arith.index_cast %add3A_211 : i32 to index
      %get3A_215 = arith.index_cast %squeeze3A_207 : i32 to index
      %get3A_216 = tpu.vector_load %arg8[%get3A_213, %get3A_214, %get3A_215] {strides = array<i32>} : memref<2x128x128xf32, #tpu.memory_space<vmem>>, vector<16xf32>,
      %swap3A_217 = arith.constant 1 : i32
      %swap3A_218 = arith.index_cast %swap3A_217 : i32 to index
      %swap3A_219 = arith.index_cast %add3A_211 : i32 to index
      %swap3A_220 = arith.constant 0 : index
      %swap3A_221 = tpu.vector_load %arg9[%swap3A_218, %swap3A_219, %swap3A_220] {strides = array<i32>} : memref<2x128x32xf32, #tpu.memory_space<vmem>>, vector<16xf32>,
      tpu.vector_store %arg9[%swap3A_218, %swap3A_219, %swap3A_220], %get3A_216 {strides = array<i32>} : memref<2x128x32xf32, #tpu.memory_space<vmem>>, vector<16xf32>,
      %add3A_222 = arith.constant 16 : i32
      %add3A_223 = arith.addi %squeeze3A_207, %add3A_222 : i32
      %get3A_224 = arith.constant 1 : i32
      %get3A_225 = arith.index_cast %get3A_224 : i32 to index
      %get3A_226 = arith.index_cast %add3A_211 : i32 to index
      %get3A_227 = arith.index_cast %add3A_223 : i32 to index
      %get3A_228 = tpu.vector_load %arg8[%get3A_225, %get3A_226, %get3A_227] {strides = array<i32>} : memref<2x128x128xf32, #tpu.memory_space<vmem>>, vector<16xf32>,
      %swap3A_229 = arith.constant 1 : i32
      %swap3A_230 = arith.index_cast %swap3A_229 : i32 to index
      %swap3A_231 = arith.index_cast %add3A_211 : i32 to index
      %swap3A_232 = arith.constant 16 : index
      %swap3A_233 = tpu.vector_load %arg9[%swap3A_230, %swap3A_231, %swap3A_232] {strides = array<i32>} : memref<2x128x32xf32, #tpu.memory_space<vmem>>, vector<16xf32>,
      tpu.vector_store %arg9[%swap3A_230, %swap3A_231, %swap3A_232], %get3A_228 {strides = array<i32>} : memref<2x128x32xf32, #tpu.memory_space<vmem>>, vector<16xf32>,
      %slice3A_234 = vector.extract_strided_slice %shift_left3A_180 {offsets = [2], sizes = [1], strides = [1]} : vector<16xi32> to vector<1xi32>
      %squeeze3A_235 = vector.extract %slice3A_234[0] : i32 from vector<1xi32>
      %mul3A_236 = arith.constant 16 : i32
      %mul3A_237 = arith.muli %scan3A_171, %mul3A_236 : i32
      %add3A_238 = arith.constant 2 : i32
      %add3A_239 = arith.addi %mul3A_237, %add3A_238 : i32
      %get3A_240 = arith.constant 1 : i32
      %get3A_241 = arith.index_cast %get3A_240 : i32 to index
      %get3A_242 = arith.index_cast %add3A_239 : i32 to index
      %get3A_243 = arith.index_cast %squeeze3A_235 : i32 to index
      %get3A_244 = tpu.vector_load %arg8[%get3A_241, %get3A_242, %get3A_243] {strides = array<i32>} : memref<2x128x128xf32, #tpu.memory_space<vmem>>, vector<16xf32>,
      %swap3A_245 = arith.constant 1 : i32
      %swap3A_246 = arith.index_cast %swap3A_245 : i32 to index
      %swap3A_247 = arith.index_cast %add3A_239 : i32 to index
      %swap3A_248 = arith.constant 0 : index
      %swap3A_249 = tpu.vector_load %arg9[%swap3A_246, %swap3A_247, %swap3A_248] {strides = array<i32>} : memref<2x128x32xf32, #tpu.memory_space<vmem>>, vector<16xf32>,
      tpu.vector_store %arg9[%swap3A_246, %swap3A_247, %swap3A_248], %get3A_244 {strides = array<i32>} : memref<2x128x32xf32, #tpu.memory_space<vmem>>, vector<16xf32>,
      %add3A_250 = arith.constant 16 : i32
      %add3A_251 = arith.addi %squeeze3A_235, %add3A_250 : i32
      %get3A_252 = arith.constant 1 : i32
      %get3A_253 = arith.index_cast %get3A_252 : i32 to index
      %get3A_254 = arith.index_cast %add3A_239 : i32 to index
      %get3A_255 = arith.index_cast %add3A_251 : i32 to index
      %get3A_256 = tpu.vector_load %arg8[%get3A_253, %get3A_254, %get3A_255] {strides = array<i32>} : memref<2x128x128xf32, #tpu.memory_space<vmem>>, vector<16xf32>,
      %swap3A_257 = arith.constant 1 : i32
      %swap3A_258 = arith.index_cast %swap3A_257 : i32 to index
      %swap3A_259 = arith.index_cast %add3A_239 : i32 to index
      %swap3A_260 = arith.constant 16 : index
      %swap3A_261 = tpu.vector_load %arg9[%swap3A_258, %swap3A_259, %swap3A_260] {strides = array<i32>} : memref<2x128x32xf32, #tpu.memory_space<vmem>>, vector<16xf32>,
      tpu.vector_store %arg9[%swap3A_258, %swap3A_259, %swap3A_260], %get3A_256 {strides = array<i32>} : memref<2x128x32xf32, #tpu.memory_space<vmem>>, vector<16xf32>,
      %slice3A_262 = vector.extract_strided_slice %shift_left3A_180 {offsets = [3], sizes = [1], strides = [1]} : vector<16xi32> to vector<1xi32>
      %squeeze3A_263 = vector.extract %slice3A_262[0] : i32 from vector<1xi32>
      %mul3A_264 = arith.constant 16 : i32
      %mul3A_265 = arith.muli %scan3A_171, %mul3A_264 : i32
      %add3A_266 = arith.constant 3 : i32
      %add3A_267 = arith.addi %mul3A_265, %add3A_266 : i32
      %get3A_268 = arith.constant 1 : i32
      %get3A_269 = arith.index_cast %get3A_268 : i32 to index
      %get3A_270 = arith.index_cast %add3A_267 : i32 to index
      %get3A_271 = arith.index_cast %squeeze3A_263 : i32 to index
      %get3A_272 = tpu.vector_load %arg8[%get3A_269, %get3A_270, %get3A_271] {strides = array<i32>} : memref<2x128x128xf32, #tpu.memory_space<vmem>>, vector<16xf32>,
      %swap3A_273 = arith.constant 1 : i32
      %swap3A_274 = arith.index_cast %swap3A_273 : i32 to index
      %swap3A_275 = arith.index_cast %add3A_267 : i32 to index
      %swap3A_276 = arith.constant 0 : index
      %swap3A_277 = tpu.vector_load %arg9[%swap3A_274, %swap3A_275, %swap3A_276] {strides = array<i32>} : memref<2x128x32xf32, #tpu.memory_space<vmem>>, vector<16xf32>,
      tpu.vector_store %arg9[%swap3A_274, %swap3A_275, %swap3A_276], %get3A_272 {strides = array<i32>} : memref<2x128x32xf32, #tpu.memory_space<vmem>>, vector<16xf32>,
      %add3A_278 = arith.constant 16 : i32
      %add3A_279 = arith.addi %squeeze3A_263, %add3A_278 : i32
      %get3A_280 = arith.constant 1 : i32
      %get3A_281 = arith.index_cast %get3A_280 : i32 to index
      %get3A_282 = arith.index_cast %add3A_267 : i32 to index
      %get3A_283 = arith.index_cast %add3A_279 : i32 to index
      %get3A_284 = tpu.vector_load %arg8[%get3A_281, %get3A_282, %get3A_283] {strides = array<i32>} : memref<2x128x128xf32, #tpu.memory_space<vmem>>, vector<16xf32>,
      %swap3A_285 = arith.constant 1 : i32
      %swap3A_286 = arith.index_cast %swap3A_285 : i32 to index
      %swap3A_287 = arith.index_cast %add3A_267 : i32 to index
      %swap3A_288 = arith.constant 16 : index
      %swap3A_289 = tpu.vector_load %arg9[%swap3A_286, %swap3A_287, %swap3A_288] {strides = array<i32>} : memref<2x128x32xf32, #tpu.memory_space<vmem>>, vector<16xf32>,
      tpu.vector_store %arg9[%swap3A_286, %swap3A_287, %swap3A_288], %get3A_284 {strides = array<i32>} : memref<2x128x32xf32, #tpu.memory_space<vmem>>, vector<16xf32>,
      %slice3A_290 = vector.extract_strided_slice %shift_left3A_180 {offsets = [4], sizes = [1], strides = [1]} : vector<16xi32> to vector<1xi32>
      %squeeze3A_291 = vector.extract %slice3A_290[0] : i32 from vector<1xi32>
      %mul3A_292 = arith.constant 16 : i32
      %mul3A_293 = arith.muli %scan3A_171, %mul3A_292 : i32
      %add3A_294 = arith.constant 4 : i32
      %add3A_295 = arith.addi %mul3A_293, %add3A_294 : i32
      %get3A_296 = arith.constant 1 : i32
      %get3A_297 = arith.index_cast %get3A_296 : i32 to index
      %get3A_298 = arith.index_cast %add3A_295 : i32 to index
      %get3A_299 = arith.index_cast %squeeze3A_291 : i32 to index
      %get3A_300 = tpu.vector_load %arg8[%get3A_297, %get3A_298, %get3A_299] {strides = array<i32>} : memref<2x128x128xf32, #tpu.memory_space<vmem>>, vector<16xf32>,
      %swap3A_301 = arith.constant 1 : i32
      %swap3A_302 = arith.index_cast %swap3A_301 : i32 to index
      %swap3A_303 = arith.index_cast %add3A_295 : i32 to index
      %swap3A_304 = arith.constant 0 : index
      %swap3A_305 = tpu.vector_load %arg9[%swap3A_302, %swap3A_303, %swap3A_304] {strides = array<i32>} : memref<2x128x32xf32, #tpu.memory_space<vmem>>, vector<16xf32>,
      tpu.vector_store %arg9[%swap3A_302, %swap3A_303, %swap3A_304], %get3A_300 {strides = array<i32>} : memref<2x128x32xf32, #tpu.memory_space<vmem>>, vector<16xf32>,
      %add3A_306 = arith.constant 16 : i32
      %add3A_307 = arith.addi %squeeze3A_291, %add3A_306 : i32
      %get3A_308 = arith.constant 1 : i32
      %get3A_309 = arith.index_cast %get3A_308 : i32 to index
      %get3A_310 = arith.index_cast %add3A_295 : i32 to index
      %get3A_311 = arith.index_cast %add3A_307 : i32 to index
      %get3A_312 = tpu.vector_load %arg8[%get3A_309, %get3A_310, %get3A_311] {strides = array<i32>} : memref<2x128x128xf32, #tpu.memory_space<vmem>>, vector<16xf32>,
      %swap3A_313 = arith.constant 1 : i32
      %swap3A_314 = arith.index_cast %swap3A_313 : i32 to index
      %swap3A_315 = arith.index_cast %add3A_295 : i32 to index
      %swap3A_316 = arith.constant 16 : index
      %swap3A_317 = tpu.vector_load %arg9[%swap3A_314, %swap3A_315, %swap3A_316] {strides = array<i32>} : memref<2x128x32xf32, #tpu.memory_space<vmem>>, vector<16xf32>,
      tpu.vector_store %arg9[%swap3A_314, %swap3A_315, %swap3A_316], %get3A_312 {strides = array<i32>} : memref<2x128x32xf32, #tpu.memory_space<vmem>>, vector<16xf32>,
      %slice3A_318 = vector.extract_strided_slice %shift_left3A_180 {offsets = [5], sizes = [1], strides = [1]} : vector<16xi32> to vector<1xi32>
      %squeeze3A_319 = vector.extract %slice3A_318[0] : i32 from vector<1xi32>
      %mul3A_320 = arith.constant 16 : i32
      %mul3A_321 = arith.muli %scan3A_171, %mul3A_320 : i32
      %add3A_322 = arith.constant 5 : i32
      %add3A_323 = arith.addi %mul3A_321, %add3A_322 : i32
      %get3A_324 = arith.constant 1 : i32
      %get3A_325 = arith.index_cast %get3A_324 : i32 to index
      %get3A_326 = arith.index_cast %add3A_323 : i32 to index
      %get3A_327 = arith.index_cast %squeeze3A_319 : i32 to index
      %get3A_328 = tpu.vector_load %arg8[%get3A_325, %get3A_326, %get3A_327] {strides = array<i32>} : memref<2x128x128xf32, #tpu.memory_space<vmem>>, vector<16xf32>,
      %swap3A_329 = arith.constant 1 : i32
      %swap3A_330 = arith.index_cast %swap3A_329 : i32 to index
      %swap3A_331 = arith.index_cast %add3A_323 : i32 to index
      %swap3A_332 = arith.constant 0 : index
      %swap3A_333 = tpu.vector_load %arg9[%swap3A_330, %swap3A_331, %swap3A_332] {strides = array<i32>} : memref<2x128x32xf32, #tpu.memory_space<vmem>>, vector<16xf32>,
      tpu.vector_store %arg9[%swap3A_330, %swap3A_331, %swap3A_332], %get3A_328 {strides = array<i32>} : memref<2x128x32xf32, #tpu.memory_space<vmem>>, vector<16xf32>,
      %add3A_334 = arith.constant 16 : i32
      %add3A_335 = arith.addi %squeeze3A_319, %add3A_334 : i32
      %get3A_336 = arith.constant 1 : i32
      %get3A_337 = arith.index_cast %get3A_336 : i32 to index
      %get3A_338 = arith.index_cast %add3A_323 : i32 to index
      %get3A_339 = arith.index_cast %add3A_335 : i32 to index
      %get3A_340 = tpu.vector_load %arg8[%get3A_337, %get3A_338, %get3A_339] {strides = array<i32>} : memref<2x128x128xf32, #tpu.memory_space<vmem>>, vector<16xf32>,
      %swap3A_341 = arith.constant 1 : i32
      %swap3A_342 = arith.index_cast %swap3A_341 : i32 to index
      %swap3A_343 = arith.index_cast %add3A_323 : i32 to index
      %swap3A_344 = arith.constant 16 : index
      %swap3A_345 = tpu.vector_load %arg9[%swap3A_342, %swap3A_343, %swap3A_344] {strides = array<i32>} : memref<2x128x32xf32, #tpu.memory_space<vmem>>, vector<16xf32>,
      tpu.vector_store %arg9[%swap3A_342, %swap3A_343, %swap3A_344], %get3A_340 {strides = array<i32>} : memref<2x128x32xf32, #tpu.memory_space<vmem>>, vector<16xf32>,
      %slice3A_346 = vector.extract_strided_slice %shift_left3A_180 {offsets = [6], sizes = [1], strides = [1]} : vector<16xi32> to vector<1xi32>
      %squeeze3A_347 = vector.extract %slice3A_346[0] : i32 from vector<1xi32>
      %mul3A_348 = arith.constant 16 : i32
      %mul3A_349 = arith.muli %scan3A_171, %mul3A_348 : i32
      %add3A_350 = arith.constant 6 : i32
      %add3A_351 = arith.addi %mul3A_349, %add3A_350 : i32
      %get3A_352 = arith.constant 1 : i32
      %get3A_353 = arith.index_cast %get3A_352 : i32 to index
      %get3A_354 = arith.index_cast %add3A_351 : i32 to index
      %get3A_355 = arith.index_cast %squeeze3A_347 : i32 to index
      %get3A_356 = tpu.vector_load %arg8[%get3A_353, %get3A_354, %get3A_355] {strides = array<i32>} : memref<2x128x128xf32, #tpu.memory_space<vmem>>, vector<16xf32>,
      %swap3A_357 = arith.constant 1 : i32
      %swap3A_358 = arith.index_cast %swap3A_357 : i32 to index
      %swap3A_359 = arith.index_cast %add3A_351 : i32 to index
      %swap3A_360 = arith.constant 0 : index
      %swap3A_361 = tpu.vector_load %arg9[%swap3A_358, %swap3A_359, %swap3A_360] {strides = array<i32>} : memref<2x128x32xf32, #tpu.memory_space<vmem>>, vector<16xf32>,
      tpu.vector_store %arg9[%swap3A_358, %swap3A_359, %swap3A_360], %get3A_356 {strides = array<i32>} : memref<2x128x32xf32, #tpu.memory_space<vmem>>, vector<16xf32>,
      %add3A_362 = arith.constant 16 : i32
      %add3A_363 = arith.addi %squeeze3A_347, %add3A_362 : i32
      %get3A_364 = arith.constant 1 : i32
      %get3A_365 = arith.index_cast %get3A_364 : i32 to index
      %get3A_366 = arith.index_cast %add3A_351 : i32 to index
      %get3A_367 = arith.index_cast %add3A_363 : i32 to index
      %get3A_368 = tpu.vector_load %arg8[%get3A_365, %get3A_366, %get3A_367] {strides = array<i32>} : memref<2x128x128xf32, #tpu.memory_space<vmem>>, vector<16xf32>,
      %swap3A_369 = arith.constant 1 : i32
      %swap3A_370 = arith.index_cast %swap3A_369 : i32 to index
      %swap3A_371 = arith.index_cast %add3A_351 : i32 to index
      %swap3A_372 = arith.constant 16 : index
      %swap3A_373 = tpu.vector_load %arg9[%swap3A_370, %swap3A_371, %swap3A_372] {strides = array<i32>} : memref<2x128x32xf32, #tpu.memory_space<vmem>>, vector<16xf32>,
      tpu.vector_store %arg9[%swap3A_370, %swap3A_371, %swap3A_372], %get3A_368 {strides = array<i32>} : memref<2x128x32xf32, #tpu.memory_space<vmem>>, vector<16xf32>,
      %slice3A_374 = vector.extract_strided_slice %shift_left3A_180 {offsets = [7], sizes = [1], strides = [1]} : vector<16xi32> to vector<1xi32>
      %squeeze3A_375 = vector.extract %slice3A_374[0] : i32 from vector<1xi32>
      %mul3A_376 = arith.constant 16 : i32
      %mul3A_377 = arith.muli %scan3A_171, %mul3A_376 : i32
      %add3A_378 = arith.constant 7 : i32
      %add3A_379 = arith.addi %mul3A_377, %add3A_378 : i32
      %get3A_380 = arith.constant 1 : i32
      %get3A_381 = arith.index_cast %get3A_380 : i32 to index
      %get3A_382 = arith.index_cast %add3A_379 : i32 to index
      %get3A_383 = arith.index_cast %squeeze3A_375 : i32 to index
      %get3A_384 = tpu.vector_load %arg8[%get3A_381, %get3A_382, %get3A_383] {strides = array<i32>} : memref<2x128x128xf32, #tpu.memory_space<vmem>>, vector<16xf32>,
      %swap3A_385 = arith.constant 1 : i32
      %swap3A_386 = arith.index_cast %swap3A_385 : i32 to index
      %swap3A_387 = arith.index_cast %add3A_379 : i32 to index
      %swap3A_388 = arith.constant 0 : index
      %swap3A_389 = tpu.vector_load %arg9[%swap3A_386, %swap3A_387, %swap3A_388] {strides = array<i32>} : memref<2x128x32xf32, #tpu.memory_space<vmem>>, vector<16xf32>,
      tpu.vector_store %arg9[%swap3A_386, %swap3A_387, %swap3A_388], %get3A_384 {strides = array<i32>} : memref<2x128x32xf32, #tpu.memory_space<vmem>>, vector<16xf32>,
      %add3A_390 = arith.constant 16 : i32
      %add3A_391 = arith.addi %squeeze3A_375, %add3A_390 : i32
      %get3A_392 = arith.constant 1 : i32
      %get3A_393 = arith.index_cast %get3A_392 : i32 to index
      %get3A_394 = arith.index_cast %add3A_379 : i32 to index
      %get3A_395 = arith.index_cast %add3A_391 : i32 to index
      %get3A_396 = tpu.vector_load %arg8[%get3A_393, %get3A_394, %get3A_395] {strides = array<i32>} : memref<2x128x128xf32, #tpu.memory_space<vmem>>, vector<16xf32>,
      %swap3A_397 = arith.constant 1 : i32
      %swap3A_398 = arith.index_cast %swap3A_397 : i32 to index
      %swap3A_399 = arith.index_cast %add3A_379 : i32 to index
      %swap3A_400 = arith.constant 16 : index
      %swap3A_401 = tpu.vector_load %arg9[%swap3A_398, %swap3A_399, %swap3A_400] {strides = array<i32>} : memref<2x128x32xf32, #tpu.memory_space<vmem>>, vector<16xf32>,
      tpu.vector_store %arg9[%swap3A_398, %swap3A_399, %swap3A_400], %get3A_396 {strides = array<i32>} : memref<2x128x32xf32, #tpu.memory_space<vmem>>, vector<16xf32>,
      %slice3A_402 = vector.extract_strided_slice %shift_left3A_180 {offsets = [8], sizes = [1], strides = [1]} : vector<16xi32> to vector<1xi32>
      %squeeze3A_403 = vector.extract %slice3A_402[0] : i32 from vector<1xi32>
      %mul3A_404 = arith.constant 16 : i32
      %mul3A_405 = arith.muli %scan3A_171, %mul3A_404 : i32
      %add3A_406 = arith.constant 8 : i32
      %add3A_407 = arith.addi %mul3A_405, %add3A_406 : i32
      %get3A_408 = arith.constant 1 : i32
      %get3A_409 = arith.index_cast %get3A_408 : i32 to index
      %get3A_410 = arith.index_cast %add3A_407 : i32 to index
      %get3A_411 = arith.index_cast %squeeze3A_403 : i32 to index
      %get3A_412 = tpu.vector_load %arg8[%get3A_409, %get3A_410, %get3A_411] {strides = array<i32>} : memref<2x128x128xf32, #tpu.memory_space<vmem>>, vector<16xf32>,
      %swap3A_413 = arith.constant 1 : i32
      %swap3A_414 = arith.index_cast %swap3A_413 : i32 to index
      %swap3A_415 = arith.index_cast %add3A_407 : i32 to index
      %swap3A_416 = arith.constant 0 : index
      %swap3A_417 = tpu.vector_load %arg9[%swap3A_414, %swap3A_415, %swap3A_416] {strides = array<i32>} : memref<2x128x32xf32, #tpu.memory_space<vmem>>, vector<16xf32>,
      tpu.vector_store %arg9[%swap3A_414, %swap3A_415, %swap3A_416], %get3A_412 {strides = array<i32>} : memref<2x128x32xf32, #tpu.memory_space<vmem>>, vector<16xf32>,
      %add3A_418 = arith.constant 16 : i32
      %add3A_419 = arith.addi %squeeze3A_403, %add3A_418 : i32
      %get3A_420 = arith.constant 1 : i32
      %get3A_421 = arith.index_cast %get3A_420 : i32 to index
      %get3A_422 = arith.index_cast %add3A_407 : i32 to index
      %get3A_423 = arith.index_cast %add3A_419 : i32 to index
      %get3A_424 = tpu.vector_load %arg8[%get3A_421, %get3A_422, %get3A_423] {strides = array<i32>} : memref<2x128x128xf32, #tpu.memory_space<vmem>>, vector<16xf32>,
      %swap3A_425 = arith.constant 1 : i32
      %swap3A_426 = arith.index_cast %swap3A_425 : i32 to index
      %swap3A_427 = arith.index_cast %add3A_407 : i32 to index
      %swap3A_428 = arith.constant 16 : index
      %swap3A_429 = tpu.vector_load %arg9[%swap3A_426, %swap3A_427, %swap3A_428] {strides = array<i32>} : memref<2x128x32xf32, #tpu.memory_space<vmem>>, vector<16xf32>,
      tpu.vector_store %arg9[%swap3A_426, %swap3A_427, %swap3A_428], %get3A_424 {strides = array<i32>} : memref<2x128x32xf32, #tpu.memory_space<vmem>>, vector<16xf32>,
      %slice3A_430 = vector.extract_strided_slice %shift_left3A_180 {offsets = [9], sizes = [1], strides = [1]} : vector<16xi32> to vector<1xi32>
      %squeeze3A_431 = vector.extract %slice3A_430[0] : i32 from vector<1xi32>
      %mul3A_432 = arith.constant 16 : i32
      %mul3A_433 = arith.muli %scan3A_171, %mul3A_432 : i32
      %add3A_434 = arith.constant 9 : i32
      %add3A_435 = arith.addi %mul3A_433, %add3A_434 : i32
      %get3A_436 = arith.constant 1 : i32
      %get3A_437 = arith.index_cast %get3A_436 : i32 to index
      %get3A_438 = arith.index_cast %add3A_435 : i32 to index
      %get3A_439 = arith.index_cast %squeeze3A_431 : i32 to index
      %get3A_440 = tpu.vector_load %arg8[%get3A_437, %get3A_438, %get3A_439] {strides = array<i32>} : memref<2x128x128xf32, #tpu.memory_space<vmem>>, vector<16xf32>,
      %swap3A_441 = arith.constant 1 : i32
      %swap3A_442 = arith.index_cast %swap3A_441 : i32 to index
      %swap3A_443 = arith.index_cast %add3A_435 : i32 to index
      %swap3A_444 = arith.constant 0 : index
      %swap3A_445 = tpu.vector_load %arg9[%swap3A_442, %swap3A_443, %swap3A_444] {strides = array<i32>} : memref<2x128x32xf32, #tpu.memory_space<vmem>>, vector<16xf32>,
      tpu.vector_store %arg9[%swap3A_442, %swap3A_443, %swap3A_444], %get3A_440 {strides = array<i32>} : memref<2x128x32xf32, #tpu.memory_space<vmem>>, vector<16xf32>,
      %add3A_446 = arith.constant 16 : i32
      %add3A_447 = arith.addi %squeeze3A_431, %add3A_446 : i32
      %get3A_448 = arith.constant 1 : i32
      %get3A_449 = arith.index_cast %get3A_448 : i32 to index
      %get3A_450 = arith.index_cast %add3A_435 : i32 to index
      %get3A_451 = arith.index_cast %add3A_447 : i32 to index
      %get3A_452 = tpu.vector_load %arg8[%get3A_449, %get3A_450, %get3A_451] {strides = array<i32>} : memref<2x128x128xf32, #tpu.memory_space<vmem>>, vector<16xf32>,
      %swap3A_453 = arith.constant 1 : i32
      %swap3A_454 = arith.index_cast %swap3A_453 : i32 to index
      %swap3A_455 = arith.index_cast %add3A_435 : i32 to index
      %swap3A_456 = arith.constant 16 : index
      %swap3A_457 = tpu.vector_load %arg9[%swap3A_454, %swap3A_455, %swap3A_456] {strides = array<i32>} : memref<2x128x32xf32, #tpu.memory_space<vmem>>, vector<16xf32>,
      tpu.vector_store %arg9[%swap3A_454, %swap3A_455, %swap3A_456], %get3A_452 {strides = array<i32>} : memref<2x128x32xf32, #tpu.memory_space<vmem>>, vector<16xf32>,
      %slice3A_458 = vector.extract_strided_slice %shift_left3A_180 {offsets = [10], sizes = [1], strides = [1]} : vector<16xi32> to vector<1xi32>
      %squeeze3A_459 = vector.extract %slice3A_458[0] : i32 from vector<1xi32>
      %mul3A_460 = arith.constant 16 : i32
      %mul3A_461 = arith.muli %scan3A_171, %mul3A_460 : i32
      %add3A_462 = arith.constant 10 : i32
      %add3A_463 = arith.addi %mul3A_461, %add3A_462 : i32
      %get3A_464 = arith.constant 1 : i32
      %get3A_465 = arith.index_cast %get3A_464 : i32 to index
      %get3A_466 = arith.index_cast %add3A_463 : i32 to index
      %get3A_467 = arith.index_cast %squeeze3A_459 : i32 to index
      %get3A_468 = tpu.vector_load %arg8[%get3A_465, %get3A_466, %get3A_467] {strides = array<i32>} : memref<2x128x128xf32, #tpu.memory_space<vmem>>, vector<16xf32>,
      %swap3A_469 = arith.constant 1 : i32
      %swap3A_470 = arith.index_cast %swap3A_469 : i32 to index
      %swap3A_471 = arith.index_cast %add3A_463 : i32 to index
      %swap3A_472 = arith.constant 0 : index
      %swap3A_473 = tpu.vector_load %arg9[%swap3A_470, %swap3A_471, %swap3A_472] {strides = array<i32>} : memref<2x128x32xf32, #tpu.memory_space<vmem>>, vector<16xf32>,
      tpu.vector_store %arg9[%swap3A_470, %swap3A_471, %swap3A_472], %get3A_468 {strides = array<i32>} : memref<2x128x32xf32, #tpu.memory_space<vmem>>, vector<16xf32>,
      %add3A_474 = arith.constant 16 : i32
      %add3A_475 = arith.addi %squeeze3A_459, %add3A_474 : i32
      %get3A_476 = arith.constant 1 : i32
      %get3A_477 = arith.index_cast %get3A_476 : i32 to index
      %get3A_478 = arith.index_cast %add3A_463 : i32 to index
      %get3A_479 = arith.index_cast %add3A_475 : i32 to index
      %get3A_480 = tpu.vector_load %arg8[%get3A_477, %get3A_478, %get3A_479] {strides = array<i32>} : memref<2x128x128xf32, #tpu.memory_space<vmem>>, vector<16xf32>,
      %swap3A_481 = arith.constant 1 : i32
      %swap3A_482 = arith.index_cast %swap3A_481 : i32 to index
      %swap3A_483 = arith.index_cast %add3A_463 : i32 to index
      %swap3A_484 = arith.constant 16 : index
      %swap3A_485 = tpu.vector_load %arg9[%swap3A_482, %swap3A_483, %swap3A_484] {strides = array<i32>} : memref<2x128x32xf32, #tpu.memory_space<vmem>>, vector<16xf32>,
      tpu.vector_store %arg9[%swap3A_482, %swap3A_483, %swap3A_484], %get3A_480 {strides = array<i32>} : memref<2x128x32xf32, #tpu.memory_space<vmem>>, vector<16xf32>,
      %slice3A_486 = vector.extract_strided_slice %shift_left3A_180 {offsets = [11], sizes = [1], strides = [1]} : vector<16xi32> to vector<1xi32>
      %squeeze3A_487 = vector.extract %slice3A_486[0] : i32 from vector<1xi32>
      %mul3A_488 = arith.constant 16 : i32
      %mul3A_489 = arith.muli %scan3A_171, %mul3A_488 : i32
      %add3A_490 = arith.constant 11 : i32
      %add3A_491 = arith.addi %mul3A_489, %add3A_490 : i32
      %get3A_492 = arith.constant 1 : i32
      %get3A_493 = arith.index_cast %get3A_492 : i32 to index
      %get3A_494 = arith.index_cast %add3A_491 : i32 to index
      %get3A_495 = arith.index_cast %squeeze3A_487 : i32 to index
      %get3A_496 = tpu.vector_load %arg8[%get3A_493, %get3A_494, %get3A_495] {strides = array<i32>} : memref<2x128x128xf32, #tpu.memory_space<vmem>>, vector<16xf32>,
      %swap3A_497 = arith.constant 1 : i32
      %swap3A_498 = arith.index_cast %swap3A_497 : i32 to index
      %swap3A_499 = arith.index_cast %add3A_491 : i32 to index
      %swap3A_500 = arith.constant 0 : index
      %swap3A_501 = tpu.vector_load %arg9[%swap3A_498, %swap3A_499, %swap3A_500] {strides = array<i32>} : memref<2x128x32xf32, #tpu.memory_space<vmem>>, vector<16xf32>,
      tpu.vector_store %arg9[%swap3A_498, %swap3A_499, %swap3A_500], %get3A_496 {strides = array<i32>} : memref<2x128x32xf32, #tpu.memory_space<vmem>>, vector<16xf32>,
      %add3A_502 = arith.constant 16 : i32
      %add3A_503 = arith.addi %squeeze3A_487, %add3A_502 : i32
      %get3A_504 = arith.constant 1 : i32
      %get3A_505 = arith.index_cast %get3A_504 : i32 to index
      %get3A_506 = arith.index_cast %add3A_491 : i32 to index
      %get3A_507 = arith.index_cast %add3A_503 : i32 to index
      %get3A_508 = tpu.vector_load %arg8[%get3A_505, %get3A_506, %get3A_507] {strides = array<i32>} : memref<2x128x128xf32, #tpu.memory_space<vmem>>, vector<16xf32>,
      %swap3A_509 = arith.constant 1 : i32
      %swap3A_510 = arith.index_cast %swap3A_509 : i32 to index
      %swap3A_511 = arith.index_cast %add3A_491 : i32 to index
      %swap3A_512 = arith.constant 16 : index
      %swap3A_513 = tpu.vector_load %arg9[%swap3A_510, %swap3A_511, %swap3A_512] {strides = array<i32>} : memref<2x128x32xf32, #tpu.memory_space<vmem>>, vector<16xf32>,
      tpu.vector_store %arg9[%swap3A_510, %swap3A_511, %swap3A_512], %get3A_508 {strides = array<i32>} : memref<2x128x32xf32, #tpu.memory_space<vmem>>, vector<16xf32>,
      %slice3A_514 = vector.extract_strided_slice %shift_left3A_180 {offsets = [12], sizes = [1], strides = [1]} : vector<16xi32> to vector<1xi32>
      %squeeze3A_515 = vector.extract %slice3A_514[0] : i32 from vector<1xi32>
      %mul3A_516 = arith.constant 16 : i32
      %mul3A_517 = arith.muli %scan3A_171, %mul3A_516 : i32
      %add3A_518 = arith.constant 12 : i32
      %add3A_519 = arith.addi %mul3A_517, %add3A_518 : i32
      %get3A_520 = arith.constant 1 : i32
      %get3A_521 = arith.index_cast %get3A_520 : i32 to index
      %get3A_522 = arith.index_cast %add3A_519 : i32 to index
      %get3A_523 = arith.index_cast %squeeze3A_515 : i32 to index
      %get3A_524 = tpu.vector_load %arg8[%get3A_521, %get3A_522, %get3A_523] {strides = array<i32>} : memref<2x128x128xf32, #tpu.memory_space<vmem>>, vector<16xf32>,
      %swap3A_525 = arith.constant 1 : i32
      %swap3A_526 = arith.index_cast %swap3A_525 : i32 to index
      %swap3A_527 = arith.index_cast %add3A_519 : i32 to index
      %swap3A_528 = arith.constant 0 : index
      %swap3A_529 = tpu.vector_load %arg9[%swap3A_526, %swap3A_527, %swap3A_528] {strides = array<i32>} : memref<2x128x32xf32, #tpu.memory_space<vmem>>, vector<16xf32>,
      tpu.vector_store %arg9[%swap3A_526, %swap3A_527, %swap3A_528], %get3A_524 {strides = array<i32>} : memref<2x128x32xf32, #tpu.memory_space<vmem>>, vector<16xf32>,
      %add3A_530 = arith.constant 16 : i32
      %add3A_531 = arith.addi %squeeze3A_515, %add3A_530 : i32
      %get3A_532 = arith.constant 1 : i32
      %get3A_533 = arith.index_cast %get3A_532 : i32 to index
      %get3A_534 = arith.index_cast %add3A_519 : i32 to index
      %get3A_535 = arith.index_cast %add3A_531 : i32 to index
      %get3A_536 = tpu.vector_load %arg8[%get3A_533, %get3A_534, %get3A_535] {strides = array<i32>} : memref<2x128x128xf32, #tpu.memory_space<vmem>>, vector<16xf32>,
      %swap3A_537 = arith.constant 1 : i32
      %swap3A_538 = arith.index_cast %swap3A_537 : i32 to index
      %swap3A_539 = arith.index_cast %add3A_519 : i32 to index
      %swap3A_540 = arith.constant 16 : index
      %swap3A_541 = tpu.vector_load %arg9[%swap3A_538, %swap3A_539, %swap3A_540] {strides = array<i32>} : memref<2x128x32xf32, #tpu.memory_space<vmem>>, vector<16xf32>,
      tpu.vector_store %arg9[%swap3A_538, %swap3A_539, %swap3A_540], %get3A_536 {strides = array<i32>} : memref<2x128x32xf32, #tpu.memory_space<vmem>>, vector<16xf32>,
      %slice3A_542 = vector.extract_strided_slice %shift_left3A_180 {offsets = [13], sizes = [1], strides = [1]} : vector<16xi32> to vector<1xi32>
      %squeeze3A_543 = vector.extract %slice3A_542[0] : i32 from vector<1xi32>
      %mul3A_544 = arith.constant 16 : i32
      %mul3A_545 = arith.muli %scan3A_171, %mul3A_544 : i32
      %add3A_546 = arith.constant 13 : i32
      %add3A_547 = arith.addi %mul3A_545, %add3A_546 : i32
      %get3A_548 = arith.constant 1 : i32
      %get3A_549 = arith.index_cast %get3A_548 : i32 to index
      %get3A_550 = arith.index_cast %add3A_547 : i32 to index
      %get3A_551 = arith.index_cast %squeeze3A_543 : i32 to index
      %get3A_552 = tpu.vector_load %arg8[%get3A_549, %get3A_550, %get3A_551] {strides = array<i32>} : memref<2x128x128xf32, #tpu.memory_space<vmem>>, vector<16xf32>,
      %swap3A_553 = arith.constant 1 : i32
      %swap3A_554 = arith.index_cast %swap3A_553 : i32 to index
      %swap3A_555 = arith.index_cast %add3A_547 : i32 to index
      %swap3A_556 = arith.constant 0 : index
      %swap3A_557 = tpu.vector_load %arg9[%swap3A_554, %swap3A_555, %swap3A_556] {strides = array<i32>} : memref<2x128x32xf32, #tpu.memory_space<vmem>>, vector<16xf32>,
      tpu.vector_store %arg9[%swap3A_554, %swap3A_555, %swap3A_556], %get3A_552 {strides = array<i32>} : memref<2x128x32xf32, #tpu.memory_space<vmem>>, vector<16xf32>,
      %add3A_558 = arith.constant 16 : i32
      %add3A_559 = arith.addi %squeeze3A_543, %add3A_558 : i32
      %get3A_560 = arith.constant 1 : i32
      %get3A_561 = arith.index_cast %get3A_560 : i32 to index
      %get3A_562 = arith.index_cast %add3A_547 : i32 to index
      %get3A_563 = arith.index_cast %add3A_559 : i32 to index
      %get3A_564 = tpu.vector_load %arg8[%get3A_561, %get3A_562, %get3A_563] {strides = array<i32>} : memref<2x128x128xf32, #tpu.memory_space<vmem>>, vector<16xf32>,
      %swap3A_565 = arith.constant 1 : i32
      %swap3A_566 = arith.index_cast %swap3A_565 : i32 to index
      %swap3A_567 = arith.index_cast %add3A_547 : i32 to index
      %swap3A_568 = arith.constant 16 : index
      %swap3A_569 = tpu.vector_load %arg9[%swap3A_566, %swap3A_567, %swap3A_568] {strides = array<i32>} : memref<2x128x32xf32, #tpu.memory_space<vmem>>, vector<16xf32>,
      tpu.vector_store %arg9[%swap3A_566, %swap3A_567, %swap3A_568], %get3A_564 {strides = array<i32>} : memref<2x128x32xf32, #tpu.memory_space<vmem>>, vector<16xf32>,
      %slice3A_570 = vector.extract_strided_slice %shift_left3A_180 {offsets = [14], sizes = [1], strides = [1]} : vector<16xi32> to vector<1xi32>
      %squeeze3A_571 = vector.extract %slice3A_570[0] : i32 from vector<1xi32>
      %mul3A_572 = arith.constant 16 : i32
      %mul3A_573 = arith.muli %scan3A_171, %mul3A_572 : i32
      %add3A_574 = arith.constant 14 : i32
      %add3A_575 = arith.addi %mul3A_573, %add3A_574 : i32
      %get3A_576 = arith.constant 1 : i32
      %get3A_577 = arith.index_cast %get3A_576 : i32 to index
      %get3A_578 = arith.index_cast %add3A_575 : i32 to index
      %get3A_579 = arith.index_cast %squeeze3A_571 : i32 to index
      %get3A_580 = tpu.vector_load %arg8[%get3A_577, %get3A_578, %get3A_579] {strides = array<i32>} : memref<2x128x128xf32, #tpu.memory_space<vmem>>, vector<16xf32>,
      %swap3A_581 = arith.constant 1 : i32
      %swap3A_582 = arith.index_cast %swap3A_581 : i32 to index
      %swap3A_583 = arith.index_cast %add3A_575 : i32 to index
      %swap3A_584 = arith.constant 0 : index
      %swap3A_585 = tpu.vector_load %arg9[%swap3A_582, %swap3A_583, %swap3A_584] {strides = array<i32>} : memref<2x128x32xf32, #tpu.memory_space<vmem>>, vector<16xf32>,
      tpu.vector_store %arg9[%swap3A_582, %swap3A_583, %swap3A_584], %get3A_580 {strides = array<i32>} : memref<2x128x32xf32, #tpu.memory_space<vmem>>, vector<16xf32>,
      %add3A_586 = arith.constant 16 : i32
      %add3A_587 = arith.addi %squeeze3A_571, %add3A_586 : i32
      %get3A_588 = arith.constant 1 : i32
      %get3A_589 = arith.index_cast %get3A_588 : i32 to index
      %get3A_590 = arith.index_cast %add3A_575 : i32 to index
      %get3A_591 = arith.index_cast %add3A_587 : i32 to index
      %get3A_592 = tpu.vector_load %arg8[%get3A_589, %get3A_590, %get3A_591] {strides = array<i32>} : memref<2x128x128xf32, #tpu.memory_space<vmem>>, vector<16xf32>,
      %swap3A_593 = arith.constant 1 : i32
      %swap3A_594 = arith.index_cast %swap3A_593 : i32 to index
      %swap3A_595 = arith.index_cast %add3A_575 : i32 to index
      %swap3A_596 = arith.constant 16 : index
      %swap3A_597 = tpu.vector_load %arg9[%swap3A_594, %swap3A_595, %swap3A_596] {strides = array<i32>} : memref<2x128x32xf32, #tpu.memory_space<vmem>>, vector<16xf32>,
      tpu.vector_store %arg9[%swap3A_594, %swap3A_595, %swap3A_596], %get3A_592 {strides = array<i32>} : memref<2x128x32xf32, #tpu.memory_space<vmem>>, vector<16xf32>,
      %slice3A_598 = vector.extract_strided_slice %shift_left3A_180 {offsets = [15], sizes = [1], strides = [1]} : vector<16xi32> to vector<1xi32>
      %squeeze3A_599 = vector.extract %slice3A_598[0] : i32 from vector<1xi32>
      %mul3A_600 = arith.constant 16 : i32
      %mul3A_601 = arith.muli %scan3A_171, %mul3A_600 : i32
      %add3A_602 = arith.constant 15 : i32
      %add3A_603 = arith.addi %mul3A_601, %add3A_602 : i32
      %get3A_604 = arith.constant 1 : i32
      %get3A_605 = arith.index_cast %get3A_604 : i32 to index
      %get3A_606 = arith.index_cast %add3A_603 : i32 to index
      %get3A_607 = arith.index_cast %squeeze3A_599 : i32 to index
      %get3A_608 = tpu.vector_load %arg8[%get3A_605, %get3A_606, %get3A_607] {strides = array<i32>} : memref<2x128x128xf32, #tpu.memory_space<vmem>>, vector<16xf32>,
      %swap3A_609 = arith.constant 1 : i32
      %swap3A_610 = arith.index_cast %swap3A_609 : i32 to index
      %swap3A_611 = arith.index_cast %add3A_603 : i32 to index
      %swap3A_612 = arith.constant 0 : index
      %swap3A_613 = tpu.vector_load %arg9[%swap3A_610, %swap3A_611, %swap3A_612] {strides = array<i32>} : memref<2x128x32xf32, #tpu.memory_space<vmem>>, vector<16xf32>,
      tpu.vector_store %arg9[%swap3A_610, %swap3A_611, %swap3A_612], %get3A_608 {strides = array<i32>} : memref<2x128x32xf32, #tpu.memory_space<vmem>>, vector<16xf32>,
      %add3A_614 = arith.constant 16 : i32
      %add3A_615 = arith.addi %squeeze3A_599, %add3A_614 : i32
      %get3A_616 = arith.constant 1 : i32
      %get3A_617 = arith.index_cast %get3A_616 : i32 to index
      %get3A_618 = arith.index_cast %add3A_603 : i32 to index
      %get3A_619 = arith.index_cast %add3A_615 : i32 to index
      %get3A_620 = tpu.vector_load %arg8[%get3A_617, %get3A_618, %get3A_619] {strides = array<i32>} : memref<2x128x128xf32, #tpu.memory_space<vmem>>, vector<16xf32>,
      %swap3A_621 = arith.constant 1 : i32
      %swap3A_622 = arith.index_cast %swap3A_621 : i32 to index
      %swap3A_623 = arith.index_cast %add3A_603 : i32 to index
      %swap3A_624 = arith.constant 16 : index
      %swap3A_625 = tpu.vector_load %arg9[%swap3A_622, %swap3A_623, %swap3A_624] {strides = array<i32>} : memref<2x128x32xf32, #tpu.memory_space<vmem>>, vector<16xf32>,
      tpu.vector_store %arg9[%swap3A_622, %swap3A_623, %swap3A_624], %get3A_620 {strides = array<i32>} : memref<2x128x32xf32, #tpu.memory_space<vmem>>, vector<16xf32>,
    }
    %scan3A_117 = arith.constant 8 : i32
    %add3A_118 = arith.constant 102272 : i32
    %add3A_119 = arith.addi %mul3A_2, %add3A_118 : i32
    %multiple_of3A_120 = tpu.assume_multiple %add3A_119, 128 : i32
    %dma_start3A_121 = arith.constant 1 : i32
    %dma_start3A_122 = arith.constant 1 : i32
    %dma_start3A_123 = arith.constant 0 : i32
    %dma_start3A_124 = arith.constant 0 : i32
    %dma_start3A_125 = tpu.memref_slice %arg9[%dma_start3A_121, %dma_start3A_123, %dma_start3A_124] : memref<2x128x32xf32, #tpu.memory_space<vmem>> -> memref<1x128x32xf32, #tpu.memory_space<vmem>>
    %dma_start3A_126 = tpu.memref_squeeze %dma_start3A_125 : memref<1x128x32xf32, #tpu.memory_space<vmem>> -> memref<128x32xf32, #tpu.memory_space<vmem>>
    %dma_start3A_127 = arith.constant 0 : i32
    %dma_start3A_128 = tpu.memref_slice %arg5[%multiple_of3A_120, %dma_start3A_127] : memref<3276800x32xf32, #tpu.memory_space<hbm>> -> memref<128x32xf32, #tpu.memory_space<hbm>>
    %dma_start3A_129 = tpu.memref_slice %arg13[%dma_start3A_122] : memref<2x!tpu.dma_semaphore, #tpu.memory_space<semaphore_mem>> -> memref<1x!tpu.dma_semaphore, #tpu.memory_space<semaphore_mem>>
    %dma_start3A_130 = tpu.memref_squeeze %dma_start3A_129 : memref<1x!tpu.dma_semaphore, #tpu.memory_space<semaphore_mem>> -> memref<!tpu.dma_semaphore, #tpu.memory_space<semaphore_mem>>
    %dma_start3A_131 = arith.constant 0 : i32
    %dma_start3A_132 = tpu.memref_slice %arg5[%multiple_of3A_120, %dma_start3A_131] : memref<3276800x32xf32, #tpu.memory_space<hbm>> -> memref<128x32xf32, #tpu.memory_space<hbm>>
    %dma_start3A_133 = arith.constant 0 : i32
    %dma_start3A_134 = arith.constant 0 : i32
    %dma_start3A_135 = tpu.memref_slice %arg9[%dma_start3A_121, %dma_start3A_133, %dma_start3A_134] : memref<2x128x32xf32, #tpu.memory_space<vmem>> -> memref<1x128x32xf32, #tpu.memory_space<vmem>>
    %dma_start3A_136 = tpu.memref_squeeze %dma_start3A_135 : memref<1x128x32xf32, #tpu.memory_space<vmem>> -> memref<128x32xf32, #tpu.memory_space<vmem>>
    tpu.enqueue_dma source(%dma_start3A_136 : memref<128x32xf32, #tpu.memory_space<vmem>>) target(%dma_start3A_132 : memref<128x32xf32, #tpu.memory_space<hbm>>) target_semaphore(%dma_start3A_130 : memref<!tpu.dma_semaphore, #tpu.memory_space<semaphore_mem>>)
    %multiple_of3A_137 = tpu.assume_multiple %mul3A_2, 128 : i32
    %dma_wait3A_138 = arith.constant 0 : i32
    %dma_wait3A_139 = arith.constant 0 : i32
    %dma_wait3A_140 = arith.constant 0 : i32
    %dma_wait3A_141 = arith.constant 0 : i32
    %dma_wait3A_142 = tpu.memref_slice %arg9[%dma_wait3A_138, %dma_wait3A_140, %dma_wait3A_141] : memref<2x128x32xf32, #tpu.memory_space<vmem>> -> memref<1x128x32xf32, #tpu.memory_space<vmem>>
    %dma_wait3A_143 = tpu.memref_squeeze %dma_wait3A_142 : memref<1x128x32xf32, #tpu.memory_space<vmem>> -> memref<128x32xf32, #tpu.memory_space<vmem>>
    %dma_wait3A_144 = arith.constant 0 : i32
    %dma_wait3A_145 = tpu.memref_slice %arg5[%multiple_of3A_137, %dma_wait3A_144] : memref<3276800x32xf32, #tpu.memory_space<hbm>> -> memref<128x32xf32, #tpu.memory_space<hbm>>
    %dma_wait3A_146 = tpu.memref_slice %arg13[%dma_wait3A_139] : memref<2x!tpu.dma_semaphore, #tpu.memory_space<semaphore_mem>> -> memref<1x!tpu.dma_semaphore, #tpu.memory_space<semaphore_mem>>
    %dma_wait3A_147 = tpu.memref_squeeze %dma_wait3A_146 : memref<1x!tpu.dma_semaphore, #tpu.memory_space<semaphore_mem>> -> memref<!tpu.dma_semaphore, #tpu.memory_space<semaphore_mem>>
    %dma_wait3A_148 = arith.constant 0 : i32
    %dma_wait3A_149 = tpu.memref_slice %arg5[%multiple_of3A_137, %dma_wait3A_148] : memref<3276800x32xf32, #tpu.memory_space<hbm>> -> memref<128x32xf32, #tpu.memory_space<hbm>>
    %dma_wait3A_150 = arith.constant 0 : i32
    %dma_wait3A_151 = arith.constant 0 : i32
    %dma_wait3A_152 = tpu.memref_slice %arg9[%dma_wait3A_138, %dma_wait3A_150, %dma_wait3A_151] : memref<2x128x32xf32, #tpu.memory_space<vmem>> -> memref<1x128x32xf32, #tpu.memory_space<vmem>>
    %dma_wait3A_153 = tpu.memref_squeeze %dma_wait3A_152 : memref<1x128x32xf32, #tpu.memory_space<vmem>> -> memref<128x32xf32, #tpu.memory_space<vmem>>
    tpu.wait_dma2 semaphore(%dma_wait3A_147 : memref<!tpu.dma_semaphore, #tpu.memory_space<semaphore_mem>>) src(%dma_wait3A_153 : memref<128x32xf32, #tpu.memory_space<vmem>>) dst(%dma_wait3A_149 : memref<128x32xf32, #tpu.memory_space<hbm>>)
    %multiple_of3A_154 = tpu.assume_multiple %mul3A_2, 128 : i32
    %dma_wait3A_155 = arith.constant 1 : i32
    %dma_wait3A_156 = arith.constant 1 : i32
    %dma_wait3A_157 = arith.constant 0 : i32
    %dma_wait3A_158 = arith.constant 0 : i32
    %dma_wait3A_159 = tpu.memref_slice %arg9[%dma_wait3A_155, %dma_wait3A_157, %dma_wait3A_158] : memref<2x128x32xf32, #tpu.memory_space<vmem>> -> memref<1x128x32xf32, #tpu.memory_space<vmem>>
    %dma_wait3A_160 = tpu.memref_squeeze %dma_wait3A_159 : memref<1x128x32xf32, #tpu.memory_space<vmem>> -> memref<128x32xf32, #tpu.memory_space<vmem>>
    %dma_wait3A_161 = arith.constant 0 : i32
    %dma_wait3A_162 = tpu.memref_slice %arg5[%multiple_of3A_154, %dma_wait3A_161] : memref<3276800x32xf32, #tpu.memory_space<hbm>> -> memref<128x32xf32, #tpu.memory_space<hbm>>
    %dma_wait3A_163 = tpu.memref_slice %arg13[%dma_wait3A_156] : memref<2x!tpu.dma_semaphore, #tpu.memory_space<semaphore_mem>> -> memref<1x!tpu.dma_semaphore, #tpu.memory_space<semaphore_mem>>
    %dma_wait3A_164 = tpu.memref_squeeze %dma_wait3A_163 : memref<1x!tpu.dma_semaphore, #tpu.memory_space<semaphore_mem>> -> memref<!tpu.dma_semaphore, #tpu.memory_space<semaphore_mem>>
    %dma_wait3A_165 = arith.constant 0 : i32
    %dma_wait3A_166 = tpu.memref_slice %arg5[%multiple_of3A_154, %dma_wait3A_165] : memref<3276800x32xf32, #tpu.memory_space<hbm>> -> memref<128x32xf32, #tpu.memory_space<hbm>>
    %dma_wait3A_167 = arith.constant 0 : i32
    %dma_wait3A_168 = arith.constant 0 : i32
    %dma_wait3A_169 = tpu.memref_slice %arg9[%dma_wait3A_155, %dma_wait3A_167, %dma_wait3A_168] : memref<2x128x32xf32, #tpu.memory_space<vmem>> -> memref<1x128x32xf32, #tpu.memory_space<vmem>>
    %dma_wait3A_170 = tpu.memref_squeeze %dma_wait3A_169 : memref<1x128x32xf32, #tpu.memory_space<vmem>> -> memref<128x32xf32, #tpu.memory_space<vmem>>
    tpu.wait_dma2 semaphore(%dma_wait3A_164 : memref<!tpu.dma_semaphore, #tpu.memory_space<semaphore_mem>>) src(%dma_wait3A_170 : memref<128x32xf32, #tpu.memory_space<vmem>>) dst(%dma_wait3A_166 : memref<128x32xf32, #tpu.memory_space<hbm>>)
    return
  }
}

</mosaic_0001>

<sc_bundles>
// kernel: kernel.3.cloned.1.call-start
scs
__scs_entry_jumppad:
0x0: {  	(pc) =	sbr.rel $0x88, $3  }
0x1: {  	(tag) =	ssettag $0x0;
	lr =	simm.s32 $0x1  }
0x2: {  	[smem:$0x3F9F] =	sst lr;
	_ =	strace $0xD0000000  }
0x3: {  	_ = 	snop  }
0x4: {  	_ = 	snop  }
0x5: {  	_ = 	snop  }
0x6: {  	_ = 	snop  }
0x7: {  	_ = 	snop  }
__scs_overlays_trampoline_lowered:
0x8: {  	[smem:$0x3FAE] =	sst s0  }
0x9: {  	[smem:$0x3FAF] =	sst s1  }
0xa: {  	[smem:$0x3FB0] =	sst s2  }
0xb: {  	[smem:$0x3FB1] =	sst s3  }
0xc: {  	[smem:$0x3FB2] =	sst s4  }
0xd: {  	[smem:$0x3FB3] =	sst s5  }
0xe: {  	[smem:$0x3FB4] =	sst s6  }
0xf: {  	[smem:$0x3FB5] =	sst s7  }
0x10: {  	[smem:$0x3FB6] =	sst s8  }
0x11: {  	[smem:$0x3FB7] =	sst s9;
	s0 =	simm.s32 @!p0 $0x0  }
0x12: {  	s1 =	sld [smem:$0x3F9D];
	s0 =	simm.s32 @p0 $0x1  }
0x13: {  	[smem:$0x3FB8] =	sst s0;
	s0 =	simm.s32 @!p1 $0x0  }
0x14: {  	s2 =	sld [smem:$0x3F9C];
	s0 =	simm.s32 @p1 $0x1  }
0x15: {  	[smem:$0x3FB9] =	sst s0;
	s0 =	simm.s32 @!p2 $0x0  }
0x16: {  	s3 =	sld [smem:$0x3FDB];
	s0 =	simm.s32 @p2 $0x1  }
0x17: {  	s4 =	simm.s32 $0x1BF5;
	[smem:$0x3FBB] =	sst s0  }
0x18: {  	s0 =	sld [smem:$0x3F9E];
	_ =	swait.ge [sflag:s4], $0x0  }
0x19: {  	s7 =	sld [smem:$0x3F9F]  }
0x1a: {  	s8 =	sadd.s32 $0xFFFFE003, lr  }
0x1b: {  	s9 =	sadd.s32 $0xFFFFFEF7, lr;
	s5 =	simm.s32 $0xFFFFFFFF;
	p2 =	slt.u32 s8, $0xFFFFF086  }
0x1c: {  	p1 =	slt.u32 s9, $0xF7A;
	s5 =	simm.s32 @!p2 $0x0  }
0x1d: {  	s5 =	simm.s32 @p1 $0x1;
	p0 =	seq.s32 s7, s2  }
0x1e: {  	s7 =	smul.u32 @!p0 $0xF7A, s2;
	p2 =	seq.s32 @!p0 s5, $0x0  }
0x1f: {  	s9 =	smul.u32 $0xF7A, s1;
	s8 =	simm.s32 @!p0 $0x1BF5;
	p2 =	por !p2, p0  }
0x20: {  	[sflag:s8] =	ssyncset.s32 @!p0 $0xFFFFF086;
	s6 =	sadd.s32 @!p0 s3, s7;
	s7 =	simm.s32 @!p0 $0x108  }
0x21: {  	s3 =	sadd.s32 s3, s9;
	s6 =	sadd.s32 @!p0 $0x88, s6;
	s7 =	simm.s32 @p2 $0x1082  }
0x22: {  	[simem:s7], [sflag:s8] =	dma.local @!p0 [hbm:s6], $0xF7A  }
0x23: {  	s9 =	sor.u32 $0xD0000000, s2;
	s6 =	simm.s32 $0x108;
	_ =	swait.ge @!p0 [sflag:s8], $0x0  }
0x24: {  	s3 =	sadd.s32 $0x88, s3;
	s6 =	simm.s32 @!p1 $0x1082;
	[sflag:s4] =	ssyncset.s32 $0xFFFFF086  }
0x25: {  	[simem:s6], [sflag:s4] =	dma.local [hbm:s3], $0xF7A  }
0x26: {  	[smem:$0x3F9F] =	sst s1;
	(tag) =	ssettag s2;
	_ =	strace s9  }
0x27: {  	s1 =	sld [smem:$0x3FAF]  }
0x28: {  	s2 =	sld [smem:$0x3FB0]  }
0x29: {  	s4 =	sld [smem:$0x3FB2]  }
0x2a: {  	p0 =	seq.s32 s5, $0x0;
	s5 =	sld [smem:$0x3FB3]  }
0x2b: {  	s6 =	sld [smem:$0x3FB4]  }
0x2c: {  	s7 =	sld [smem:$0x3FB5]  }
0x2d: {  	s3 =	simm.s32 $0x108;
	s8 =	sld [smem:$0x3FB6]  }
0x2e: {  	s3 =	simm.s32 @!p0 $0x1082;
	s9 =	sld [smem:$0x3FB7]  }
0x2f: {  	lr =	sadd.s32 s0, s3;
	s0 =	sld [smem:$0x3FAE]  }
0x30: {  	s3 =	sld [smem:$0x3FB1]  }
0x31: {  	[smem:$0x3FBA] =	sst s10  }
0x32: {  	s10 =	sld [smem:$0x3FB8];
	_ =	sdelay $0x3  }
0x33: {  	p0 =	seq.s32 s10, $0x1;
	s10 =	sld [smem:$0x3FBA];
	_ =	sdelay $0x3  }
0x34: {  	[smem:$0x3FBA] =	sst s10  }
0x35: {  	s10 =	sld [smem:$0x3FB9];
	_ =	sdelay $0x3  }
0x36: {  	p1 =	seq.s32 s10, $0x1;
	s10 =	sld [smem:$0x3FBA];
	_ =	sdelay $0x3  }
0x37: {  	[smem:$0x3FBA] =	sst s10  }
0x38: {  	s10 =	sld [smem:$0x3FBB]  }
0x39: {  	_ = 	snop;
	(pc) =	sbr.ind lr, $3  }
0x3a: {  	_ = 	snop  }
0x3b: {  	_ = 	snop  }
0x3c: {  	p2 =	seq.s32 s10, $0x1;
	s10 =	sld [smem:$0x3FBA]  }
0x3d: {  	_ =	shalt  }
0x3e: {  	_ =	shalt  }
0x3f: {  	_ =	shalt  }
0x40: {  	_ =	shalt  }
0x41: {  	_ =	shalt  }
0x42: {  	_ =	shalt  }
0x43: {  	_ =	shalt  }
0x44: {  	_ =	shalt  }
0x45: {  	_ =	shalt  }
0x46: {  	_ =	shalt  }
0x47: {  	_ =	shalt  }
0x48: {  	_ =	shalt  }
0x49: {  	_ =	shalt  }
0x4a: {  	_ =	shalt  }
0x4b: {  	_ =	shalt  }
0x4c: {  	_ =	shalt  }
0x4d: {  	_ =	shalt  }
0x4e: {  	_ =	shalt  }
0x4f: {  	_ =	shalt  }
0x50: {  	_ =	shalt  }
0x51: {  	_ =	shalt  }
0x52: {  	_ =	shalt  }
0x53: {  	_ =	shalt  }
0x54: {  	_ =	shalt  }
0x55: {  	_ =	shalt  }
0x56: {  	_ =	shalt  }
0x57: {  	_ =	shalt  }
0x58: {  	_ =	shalt  }
0x59: {  	_ =	shalt  }
0x5a: {  	_ =	shalt  }
0x5b: {  	_ =	shalt  }
0x5c: {  	_ =	shalt  }
0x5d: {  	_ =	shalt  }
0x5e: {  	_ =	shalt  }
0x5f: {  	_ =	shalt  }
0x60: {  	_ =	shalt  }
0x61: {  	_ =	shalt  }
0x62: {  	_ =	shalt  }
0x63: {  	_ =	shalt  }
0x64: {  	_ =	shalt  }
0x65: {  	_ =	shalt  }
0x66: {  	_ =	shalt  }
0x67: {  	_ =	shalt  }
0x68: {  	_ =	shalt  }
0x69: {  	_ =	shalt  }
0x6a: {  	_ =	shalt  }
0x6b: {  	_ =	shalt  }
0x6c: {  	_ =	shalt  }
0x6d: {  	_ =	shalt  }
0x6e: {  	_ =	shalt  }
0x6f: {  	_ =	shalt  }
0x70: {  	_ =	shalt  }
0x71: {  	_ =	shalt  }
0x72: {  	_ =	shalt  }
0x73: {  	_ =	shalt  }
0x74: {  	_ =	shalt  }
0x75: {  	_ =	shalt  }
0x76: {  	_ =	shalt  }
0x77: {  	_ =	shalt  }
0x78: {  	_ =	shalt  }
0x79: {  	_ =	shalt  }
0x7a: {  	_ =	shalt  }
0x7b: {  	_ =	shalt  }
0x7c: {  	_ =	shalt  }
0x7d: {  	_ =	shalt  }
0x7e: {  	_ =	shalt  }
0x7f: {  	_ =	shalt  }
0x80: {  	_ =	shalt  }
0x81: {  	_ =	shalt  }
0x82: {  	_ =	shalt  }
0x83: {  	_ =	shalt  }
0x84: {  	_ =	shalt  }
0x85: {  	_ =	shalt  }
0x86: {  	_ =	shalt  }
0x87: {  	_ =	shalt  }
.Lfunc_end0:
.L_simem_size_0:
called_computation_lowered:
.L_overlay_start_0:
0x88: {  	s2 =	sld [smem:$0x3FD9]  }
0x89: {  	s3 =	sld [smem:$0x3FFE];
	_ =	sdelay $0x1  }
0x8a: {  	s1 =	srdreg.scid  }
0x8b: {  	s0 =	sand.u32 $0x1, s1  }
0x8c: {  	s17 =	sshll.u32 s0, $0xA;
	s2 =	sadd.s32 s3, s2  }
0x8d: {  	s2 =	sadd.s32 s2, s17  }
0x8e: {  	[smem:$0x3FC6] =	sst s2  }
0x8f: {  	_ = 	snop  }
0x90: {  	s2 =	sld [smem:$0x3FC9]  }
0x91: {  	s18 =	sld [smem:$0x3FD0];
	(tm) =	ssettm $0x1  }
0x92: {  	s4 =	sld [smem:$0x3FFB];
	_ =	sdelay $0x3  }
0x93: {  	_ =	strace s4  }
0x94: {  	s4 =	sld [smem:$0x3FFC];
	_ =	sdelay $0x3  }
0x95: {  	_ =	strace s4  }
0x96: {  	s4 =	sld [smem:$0x3FFD];
	_ =	sdelay $0x3  }
0x97: {  	_ =	strace s4  }
0x98: {  	_ =	strace $0x8FFFFFFF  }
0x99: {  	s19 =	sld [smem:$0x3FDB];
	_ =	sdelay $0x1  }
0x9a: {  	s5 =	simm.s32 $_scs_section_size  }
0x9b: {  	s6 =	simm.s32 $_size__tile_overlayer_lowered;
	s7 =	simm.s32 $_tile_overlayer_lowered  }
0x9c: {  	s22 =	simm.s32 $0x1BFF;
	s21 =	sshll.u32 s7, $0x1;
	s4 =	sadd.s32 s5, s19  }
0x9d: {  	s8 =	simm.s32 $0x0;
	s20 =	sshll.u32 s6, $0x1;
	s6 =	sadd.s32 s21, s4  }
0x9e: {  	[timem:s8], [sflag:s22] =	dma.local [hbm:s6], s20  }
0x9f: {  	_ =	swait.ge [sflag:s22], s20  }
0xa0: {  	s5 =	ssub.s32 $0x0, s20;
	[sflag:s22] =	ssyncset.done $0x0  }
0xa1: {  	[sflag:s22] =	ssyncadd.s32 s5;
	_ =	sdelay $0x1  }
0xa2: {  	s23 =	simm.s32 $0x1B8B  }
0xa3: {  	_ =	swait.ge [sflag:s23], $0x1  }
0xa4: {  	[sflag:s23] =	ssyncset.done $0x0  }
0xa5: {  	s25 =	simm.s32 $0x1B8E;
	s24 =	sld [smem:$0x3FFE];
	[sflag:s23] =	ssyncadd.s32 $0xFFFFFFFF  }
0xa6: {  	s26 =	simm.s32 $execute0_lowered;
	[smem:$0x3FD2] =	sst s25  }
0xa7: {  	s6 =	sshll.u32 s26, $0x1;
	_ =	strace $0x80000046;
	[dreg:$0x1] =	wrdreg $0xFFFFFFFF  }
0xa8: {  	s28 =	simm.s32 $_size_execute0_lowered;
	s4 =	sadd.s32 s4, s6;
	[dreg:$0x0] =	wrdreg $0x0  }
0xa9: {  	s6 =	sshll.u32 s28, $0x1;
	[dreg:$0x2] =	wrdreg s4  }
0xaa: {  	[dreg:$0x3] =	wrdreg s6  }
0xab: {  	[dreg:$0x4] =	wrdreg $0xC0  }
0xac: {  	_ =	task [dreg:s8], $0x5FFFF  }
0xad: {  	[dreg:$0x1] =	wrdreg $0xFFFFFFFF  }
0xae: {  	[dreg:$0x0] =	wrdreg $0x60  }
0xaf: {  	[dreg:$0x2] =	wrdreg s2  }
0xb0: {  	[dreg:$0x3] =	wrdreg s24  }
0xb1: {  	[dreg:$0x4] =	wrdreg s18  }
0xb2: {  	[dreg:$0x5] =	wrdreg $0x9  }
0xb3: {  	_ =	task.clear_ibuf [dreg:s8], $0x6FFFF;
	_ =	strace $0x90000046  }
0xb4: {  	s29 =	simm.s32 $0x9;
	_ =	strace $0x80000048  }
0xb5: {  	_ =	swait.ge [sflag:s29], $0x1  }
0xb6: {  	[sflag:s29] =	ssyncadd.s32 $0xFFFFFFFF  }
0xb7: {  	_ =	strace $0x90000048  }
0xb8: {  	_ =	sfence  }
0xb9: {  	s30 =	sld [smem:$0x0];
	_ =	sdelay $0x2  }
0xba: {  	s31 =	sshll.u32 s1, $0xD;
	s1 =	sshrl.u32 s1, $0x2  }
0xbb: {  	s3 =	sand.u32 $0x4000, s31;
	s1 =	sadd.s32 s1, s30  }
0xbc: {  	s0 =	sor.u32 s3, s0;
	s1 =	sshll.u32 s1, $0x11  }
0xbd: {  	s0 =	sor.u32 s1, s0  }
0xbe: {  	s0 =	sadd.s32 $0x8F2B, s0  }
0xbf: {  	[sflag:s0] =	ssyncadd.remote.s32 $0x1  }
0xc0: {  	_ =	sfence.sel $0xFFFF  }
0xc1: {  	[dreg:$0x0] =	wrdreg $0xFFFFFFFF;
	(pc) =	sbr.abs _section_cstart, $3  }
0xc2: {  	[dreg:$0x1] =	wrdreg $0xFFFFFFFF  }
0xc3: {  	_ =	task.clear_ibuf [dreg:s8], $0x2FFFF;
	_ =	strace $0x9FFFFFFF  }
0xc4: {  	(tm) =	ssettm $0x7FFFFFFF  }
0xc5: {  	_ =	shalt  }
tec
execute0_lowered:
.L_overlay_start_1:
0x0: {  	(tag) =	ssettag $0x1  }
0x1: {  	s1 =	rddreg [dreg:$0x0]  }
0x2: {  	s0 =	rddreg [dreg:$0x1];
	s2 =	srdreg.scid  }
0x3: {  	s4 =	stileid.u32;
	s3 =	rddreg [dreg:$0x2]  }
0x4: {  	s12 =	simm.s32 $0x380;
	s28 =	simm.s32 $0x3;
	s30 =	simm.s32 $0x7  }
0x5: {  	s11 =	simm.s32 $0xA;
	s2 =	sand.u32 $0x1, s2;
	s5 =	sshll.u32 s4, $0x1  }
0x6: {  	s13 =	simm.s32 $0x0;
	s4 =	simm.s32 $0x0;
	s5 =	sor.u32 s2, s5  }
0x7: {  	s6 =	sadd.s32 $0x400, s0;
	s7 =	sadd.s32 $0x64400, s0;
	s10 =	smul.u32 $0x19000, s5  }
0x8: {  	[smem:$0x7FF] =	sst s4;
	s2 =	ssub.s32 $0x2, s2;
	s9 =	smul.u32 $0xC80000, s5  }
0x9: {  	_ =	strace $0x80000047;
	s8 =	sshrl.u32 s2, $0x1;
	s5 =	smul.u32 $0x190000, s5  }
0xa: {  	s15 =	ssub.s32 s2, s8;
	s8 =	simm.s32 $0xC;
	s16 =	sshrl.u32 s10, $0x3  }
0xb: {  	s21 =	sor.u32 $0x180, s10;
	s22 =	sshrl.u32 s9, $0x3;
	s23 =	sor.u32 $0x200, s10  }
0xc: {  	s24 =	sor.u32 $0x80, s10;
	s31 =	smov.u32 s10;
	[dreg:$0x8] =	wrdreg s21  }
0xd: {  	s25 =	sor.u32 $0x280, s10;
	s26 =	sadd.s32 s7, s5;
	[dreg:$0x9] =	wrdreg s23  }
0xe: {  	s0 =	smax.u32 s15, $0x1;
	s10 =	simm.s32 $0x6400;
	[dreg:$0xa] =	wrdreg s24  }
0xf: {  	s17 =	sadd.s32 s1, s16;
	s18 =	sor.u32 $0x10, s16;
	[dreg:$0xb] =	wrdreg s25  }
0x10: {  	s2 =	sadd.s32 s6, s16;
	[dreg:$0xd] =	wrdreg s0;
	s29 =	sadd.s32 $0xFFFFF800, s26  }
0x11: {  	s23 =	simm.s32 $0x1;
	s24 =	simm.s32 $0x5;
	s25 =	simm.s32 $0x40  }
0x12: {  	s0 =	simm.s32 $0x6;
	s21 =	simm.s32 $0x4400;
	[dreg:$0x4] =	wrdreg s17  }
0x13: {  	[dreg:$0x5] =	wrdreg s2;
	s19 =	sadd.s32 s1, s18;
	s20 =	sadd.s32 s6, s18  }
0x14: {  	s2 =	sadd.s32 s7, s22;
	[dreg:$0xe] =	wrdreg s29;
	s17 =	simm.s32 $0x9  }
0x15: {  	s18 =	simm.s32 $0x8400;
	s22 =	simm.s32 $0x8;
	[dreg:$0x6] =	wrdreg s19  }
0x16: {  	[dreg:$0x7] =	wrdreg s20;
	s2 =	sadd.s32 $0x18F800, s2;
	s20 =	simm.s32 $0x4  }
0x17: {  	s19 =	simm.s32 $0xB;
	[dreg:$0xc] =	wrdreg s2;
	s2 =	simm.s32 $0x2  }
.LBB2_1:
0x18: {  	[dreg:$0xf] =	wrdreg s13  }
0x19: {  	s5 =	rddreg [dreg:$0x4]  }
0x1a: {  	[tilespmem:s4], [sflag:$0x1] =	stream.linear.gather [hbm4b:s5+s4], $0x80, $0x38;
	[tilespmem:$0x10400] =	vst v63  }
0x1b: {  	s13 =	rddreg [dreg:$0x5];
	s14 =	simm.s32 $0x200  }
0x1c: {  	[tilespmem:s14], [sflag:$0x5] =	stream.linear.gather [hbm4b:s13+s4], $0x80, $0x38;
	[tilespmem:$0x10400] =	vst v63  }
0x1d: {  	s15 =	rddreg [dreg:$0x6];
	s16 =	simm.s32 $0x80  }
0x1e: {  	[tilespmem:s16], [sflag:$0x2] =	stream.linear.gather [hbm4b:s15+s4], $0x80, $0x38;
	[tilespmem:$0x10400] =	vst v63  }
0x1f: {  	s26 =	rddreg [dreg:$0x7];
	s29 =	simm.s32 $0x280;
	s5 =	simm.s32 $0x0  }
0x20: {  	[tilespmem:s29], [sflag:$0x6] =	stream.linear.gather [hbm4b:s26+s4], $0x80, $0x38;
	[tilespmem:$0x10400] =	vst v63  }
.LBB2_2:
0x21: {  	_ =	swait.ge [sflag:s23], $0x80  }
0x22: {  	[sflag:s23] =	ssyncset.done $0x0  }
0x23: {  	[sflag:s23] =	ssyncadd.s32 $0xFFFFFF80  }
0x24: {  	_ =	swait.ge [sflag:s24], $0x80  }
0x25: {  	s13 =	simm.s32 $0x200;
	[sflag:s24] =	ssyncset.done $0x0  }
0x26: {  	s14 =	simm.s32 $0x400;
	s26 =	sshll.u32 s5, $0x2;
	[sflag:s24] =	ssyncadd.s32 $0xFFFFFF80  }
0x27: {  	[tilespmem:s14], [sflag:$0x9] =	stream.indirect.gather [hbm4b:s3+s25], $0x80, s13, s25, $0xb8;
	[tilespmem:$0x10400] =	vst v63  }
0x28: {  	s13 =	sor.u32 $0x2, s26  }
0x29: {  	s29 =	simm.s32 $0x240;
	s15 =	simm.s32 $0x2400;
	s16 =	sshll.u32 s13, $0x7  }
0x2a: {  	[tilespmem:s15], [sflag:$0x9] =	stream.indirect.gather [hbm4b:s3+s25], $0x80, s29, s25, $0xb8;
	[tilespmem:$0x10400] =	vst v63  }
0x2b: {  	p0 =	seq.s32 s5, $0x0;
	s14 =	sadd.s32 s31, s16  }
.Ltmp0:
0x2c: {  	s14 =	sshrl.u32 s14, $0x3;
	(pc) =	sbr.rel @p0 .LBB2_6-.Ltmp0, $4  }
0x2d: {  	s16 =	simm.s32 $0x100;
	s26 =	sadd.s32 s1, s14  }
0x2e: {  	[tilespmem:s16], [sflag:$0x3] =	stream.linear.gather [hbm4b:s26+s4], $0x80, $0x38;
	[tilespmem:$0x10400] =	vst v63  }
0x2f: {  	s29 =	simm.s32 $0x300;
	s14 =	sadd.s32 s6, s14  }
0x30: {  	[tilespmem:s29], [sflag:$0x7] =	stream.linear.gather [hbm4b:s14+s4], $0x80, $0x38;
	[tilespmem:$0x10400] =	vst v63  }
0x31: {  	_ =	swait.ge [sflag:s11], $0x2000  }
0x32: {  	[sflag:s11] =	ssyncset.done $0x0  }
0x33: {  	[sflag:s11] =	ssyncadd.s32 $0xFFFFE000  }
0x34: {  	_ =	swait.ge [sflag:s11], $0x2000  }
0x35: {  	[sflag:s11] =	ssyncset.done $0x0  }
0x36: {  	[sflag:s11] =	ssyncadd.s32 $0xFFFFE000  }
0x37: {  	_ =	swait.ge [sflag:s8], $0x4000  }
0x38: {  	[sflag:s8] =	ssyncset.done $0x0  }
0x39: {  	s14 =	simm.s32 $0x180;
	[sflag:s8] =	ssyncadd.s32 $0xFFFFC000  }
0x3a: {  	v0 =	vld [tilespmem:s14+$0x0];
	_ =	sdelay $0x4  }
0x3b: {  	v0 =	vshll.u32 v0, $0x5  }
0x3c: {  	s15 =	simm.s32 $0x0;
	v0 =	vand.u32 $0x60, v0  }
0x3d: {  	v0 =	vadd.s32 s15, v0  }
0x3e: {  	(v2sf) =	vpush v0, $0x0;
	_ =	sdelay $0xb  }
0x3f: {  	(v2sf) =	vpush v0, $0x1;
	_ =	sdelay $0x2  }
0x40: {  	s16 =	spop (v2sf)  }
0x41: {  	v1 =	vld [tilespmem:s16+$0x4400];
	_ =	sdelay $0x4  }
0x42: {  	[tilespmem:s15+$0xC400] =	vst v1  }
0x43: {  	v1 =	vld [tilespmem:s16+$0x4410];
	_ =	sdelay $0x1  }
0x44: {  	(v2sf) =	vpush v0, $0x2;
	_ =	sdelay $0x2  }
0x45: {  	s26 =	spop (v2sf);
	[tilespmem:s15+$0xC410] =	vst v1  }
0x46: {  	v1 =	vld [tilespmem:s26+$0x4480];
	_ =	sdelay $0x4  }
0x47: {  	[tilespmem:s15+$0xC480] =	vst v1  }
0x48: {  	v1 =	vld [tilespmem:s26+$0x4490];
	_ =	sdelay $0x1  }
0x49: {  	(v2sf) =	vpush v0, $0x3;
	_ =	sdelay $0x2  }
0x4a: {  	s29 =	spop (v2sf);
	[tilespmem:s15+$0xC490] =	vst v1  }
0x4b: {  	v1 =	vld [tilespmem:s29+$0x4500];
	_ =	sdelay $0x4  }
0x4c: {  	[tilespmem:s15+$0xC500] =	vst v1  }
0x4d: {  	v1 =	vld [tilespmem:s29+$0x4510];
	_ =	sdelay $0x1  }
0x4e: {  	(v2sf) =	vpush v0, $0x4;
	_ =	sdelay $0x2  }
0x4f: {  	s26 =	spop (v2sf);
	[tilespmem:s15+$0xC510] =	vst v1  }
0x50: {  	v1 =	vld [tilespmem:s26+$0x4580];
	_ =	sdelay $0x4  }
0x51: {  	[tilespmem:s15+$0xC580] =	vst v1  }
0x52: {  	v1 =	vld [tilespmem:s26+$0x4590];
	_ =	sdelay $0x1  }
0x53: {  	(v2sf) =	vpush v0, $0x5;
	_ =	sdelay $0x2  }
0x54: {  	s29 =	spop (v2sf);
	[tilespmem:s15+$0xC590] =	vst v1  }
0x55: {  	v1 =	vld [tilespmem:s29+$0x4600];
	_ =	sdelay $0x4  }
0x56: {  	[tilespmem:s15+$0xC600] =	vst v1  }
0x57: {  	v1 =	vld [tilespmem:s29+$0x4610];
	_ =	sdelay $0x1  }
0x58: {  	(v2sf) =	vpush v0, $0x6;
	_ =	sdelay $0x2  }
0x59: {  	s26 =	spop (v2sf);
	[tilespmem:s15+$0xC610] =	vst v1  }
0x5a: {  	v1 =	vld [tilespmem:s26+$0x4680];
	_ =	sdelay $0x4  }
0x5b: {  	[tilespmem:s15+$0xC680] =	vst v1  }
0x5c: {  	v1 =	vld [tilespmem:s26+$0x4690];
	_ =	sdelay $0x1  }
0x5d: {  	(v2sf) =	vpush v0, $0x7;
	_ =	sdelay $0x2  }
0x5e: {  	s29 =	spop (v2sf);
	[tilespmem:s15+$0xC690] =	vst v1  }
0x5f: {  	v1 =	vld [tilespmem:s29+$0x4700];
	_ =	sdelay $0x4  }
0x60: {  	[tilespmem:s15+$0xC700] =	vst v1  }
0x61: {  	v1 =	vld [tilespmem:s29+$0x4710];
	_ =	sdelay $0x1  }
0x62: {  	(v2sf) =	vpush v0, $0x8;
	_ =	sdelay $0x2  }
0x63: {  	s26 =	spop (v2sf);
	[tilespmem:s15+$0xC710] =	vst v1  }
0x64: {  	v1 =	vld [tilespmem:s26+$0x4780];
	_ =	sdelay $0x4  }
0x65: {  	[tilespmem:s15+$0xC780] =	vst v1  }
0x66: {  	v1 =	vld [tilespmem:s26+$0x4790];
	_ =	sdelay $0x1  }
0x67: {  	(v2sf) =	vpush v0, $0x9;
	_ =	sdelay $0x2  }
0x68: {  	s29 =	spop (v2sf);
	[tilespmem:s15+$0xC790] =	vst v1  }
0x69: {  	v1 =	vld [tilespmem:s29+$0x4800];
	_ =	sdelay $0x4  }
0x6a: {  	[tilespmem:s15+$0xC800] =	vst v1  }
0x6b: {  	v1 =	vld [tilespmem:s29+$0x4810];
	_ =	sdelay $0x1  }
0x6c: {  	(v2sf) =	vpush v0, $0xA;
	_ =	sdelay $0x2  }
0x6d: {  	s26 =	spop (v2sf);
	[tilespmem:s15+$0xC810] =	vst v1  }
0x6e: {  	v1 =	vld [tilespmem:s26+$0x4880];
	_ =	sdelay $0x4  }
0x6f: {  	[tilespmem:s15+$0xC880] =	vst v1  }
0x70: {  	v1 =	vld [tilespmem:s26+$0x4890];
	_ =	sdelay $0x1  }
0x71: {  	(v2sf) =	vpush v0, $0xB;
	_ =	sdelay $0x2  }
0x72: {  	s29 =	spop (v2sf);
	[tilespmem:s15+$0xC890] =	vst v1  }
0x73: {  	v1 =	vld [tilespmem:s29+$0x4900];
	_ =	sdelay $0x4  }
0x74: {  	[tilespmem:s15+$0xC900] =	vst v1  }
0x75: {  	v1 =	vld [tilespmem:s29+$0x4910];
	_ =	sdelay $0x1  }
0x76: {  	(v2sf) =	vpush v0, $0xC;
	_ =	sdelay $0x2  }
0x77: {  	s26 =	spop (v2sf);
	[tilespmem:s15+$0xC910] =	vst v1  }
0x78: {  	v1 =	vld [tilespmem:s26+$0x4980];
	_ =	sdelay $0x4  }
0x79: {  	[tilespmem:s15+$0xC980] =	vst v1  }
0x7a: {  	v1 =	vld [tilespmem:s26+$0x4990];
	_ =	sdelay $0x1  }
0x7b: {  	(v2sf) =	vpush v0, $0xD;
	_ =	sdelay $0x2  }
0x7c: {  	s29 =	spop (v2sf);
	[tilespmem:s15+$0xC990] =	vst v1  }
0x7d: {  	v1 =	vld [tilespmem:s29+$0x4A00];
	_ =	sdelay $0x4  }
0x7e: {  	[tilespmem:s15+$0xCA00] =	vst v1  }
0x7f: {  	v1 =	vld [tilespmem:s29+$0x4A10];
	_ =	sdelay $0x1  }
0x80: {  	(v2sf) =	vpush v0, $0xE;
	_ =	sdelay $0x2  }
0x81: {  	s26 =	spop (v2sf);
	[tilespmem:s15+$0xCA10] =	vst v1  }
0x82: {  	v1 =	vld [tilespmem:s26+$0x4A80];
	_ =	sdelay $0x4  }
0x83: {  	[tilespmem:s15+$0xCA80] =	vst v1  }
0x84: {  	v1 =	vld [tilespmem:s26+$0x4A90];
	_ =	sdelay $0x1  }
0x85: {  	(v2sf) =	vpush v0, $0xF;
	_ =	sdelay $0x2  }
0x86: {  	s29 =	spop (v2sf);
	[tilespmem:s15+$0xCA90] =	vst v1  }
0x87: {  	v0 =	vld [tilespmem:s29+$0x4B00];
	_ =	sdelay $0x4  }
0x88: {  	[tilespmem:s15+$0xCB00] =	vst v0  }
0x89: {  	v0 =	vld [tilespmem:s29+$0x4B10];
	_ =	sdelay $0x4  }
0x8a: {  	s26 =	spop (v2sf);
	[tilespmem:s15+$0xCB10] =	vst v0  }
0x8b: {  	v0 =	vld [tilespmem:s26+$0x4B80];
	_ =	sdelay $0x4  }
0x8c: {  	[tilespmem:s15+$0xCB80] =	vst v0  }
0x8d: {  	s16 =	simm.s32 $0x2000;
	v0 =	vld [tilespmem:s26+$0x4B90]  }
.LBB2_4:
0x8e: {  	_ =	sdelay $0x2  }
0x8f: {  	p1 =	sne.s32 s16, $0xE000  }
0x90: {  	s14 =	sadd.s32 $0x10, s14;
	[tilespmem:s15+$0xCB90] =	vst v0;
	s15 =	smov.u32 s16;
	s16 =	sadd.s32 $0x2000, s16  }
0x91: {  	v0 =	vld [tilespmem:s14+$0x0];
	_ =	sdelay $0x4  }
0x92: {  	v0 =	vshll.u32 v0, $0x5  }
0x93: {  	s15 =	sshra.s32 s15, $0x2;
	v0 =	vand.u32 $0x60, v0  }
0x94: {  	v0 =	vadd.s32 s15, v0  }
0x95: {  	(v2sf) =	vpush v0, $0x0;
	_ =	sdelay $0xb  }
0x96: {  	(v2sf) =	vpush v0, $0x1;
	_ =	sdelay $0x2  }
0x97: {  	s26 =	spop (v2sf)  }
0x98: {  	v1 =	vld [tilespmem:s26+$0x4400];
	_ =	sdelay $0x4  }
0x99: {  	[tilespmem:s15+$0xC400] =	vst v1  }
0x9a: {  	v1 =	vld [tilespmem:s26+$0x4410];
	_ =	sdelay $0x1  }
0x9b: {  	(v2sf) =	vpush v0, $0x2;
	_ =	sdelay $0x2  }
0x9c: {  	[tilespmem:s15+$0xC410] =	vst v1;
	s26 =	spop (v2sf)  }
0x9d: {  	v1 =	vld [tilespmem:s26+$0x4480];
	_ =	sdelay $0x4  }
0x9e: {  	[tilespmem:s15+$0xC480] =	vst v1  }
0x9f: {  	v1 =	vld [tilespmem:s26+$0x4490];
	_ =	sdelay $0x1  }
0xa0: {  	(v2sf) =	vpush v0, $0x3;
	_ =	sdelay $0x2  }
0xa1: {  	[tilespmem:s15+$0xC490] =	vst v1;
	s26 =	spop (v2sf)  }
0xa2: {  	v1 =	vld [tilespmem:s26+$0x4500];
	_ =	sdelay $0x4  }
0xa3: {  	[tilespmem:s15+$0xC500] =	vst v1  }
0xa4: {  	v1 =	vld [tilespmem:s26+$0x4510];
	_ =	sdelay $0x1  }
0xa5: {  	(v2sf) =	vpush v0, $0x4;
	_ =	sdelay $0x2  }
0xa6: {  	[tilespmem:s15+$0xC510] =	vst v1;
	s26 =	spop (v2sf)  }
0xa7: {  	v1 =	vld [tilespmem:s26+$0x4580];
	_ =	sdelay $0x4  }
0xa8: {  	[tilespmem:s15+$0xC580] =	vst v1  }
0xa9: {  	v1 =	vld [tilespmem:s26+$0x4590];
	_ =	sdelay $0x1  }
0xaa: {  	(v2sf) =	vpush v0, $0x5;
	_ =	sdelay $0x2  }
0xab: {  	[tilespmem:s15+$0xC590] =	vst v1;
	s26 =	spop (v2sf)  }
0xac: {  	v1 =	vld [tilespmem:s26+$0x4600];
	_ =	sdelay $0x4  }
0xad: {  	[tilespmem:s15+$0xC600] =	vst v1  }
0xae: {  	v1 =	vld [tilespmem:s26+$0x4610];
	_ =	sdelay $0x1  }
0xaf: {  	(v2sf) =	vpush v0, $0x6;
	_ =	sdelay $0x2  }
0xb0: {  	[tilespmem:s15+$0xC610] =	vst v1;
	s26 =	spop (v2sf)  }
0xb1: {  	v1 =	vld [tilespmem:s26+$0x4680];
	_ =	sdelay $0x4  }
0xb2: {  	[tilespmem:s15+$0xC680] =	vst v1  }
0xb3: {  	v1 =	vld [tilespmem:s26+$0x4690];
	_ =	sdelay $0x1  }
0xb4: {  	(v2sf) =	vpush v0, $0x7;
	_ =	sdelay $0x2  }
0xb5: {  	[tilespmem:s15+$0xC690] =	vst v1;
	s26 =	spop (v2sf)  }
0xb6: {  	v1 =	vld [tilespmem:s26+$0x4700];
	_ =	sdelay $0x4  }
0xb7: {  	[tilespmem:s15+$0xC700] =	vst v1  }
0xb8: {  	v1 =	vld [tilespmem:s26+$0x4710];
	_ =	sdelay $0x1  }
0xb9: {  	(v2sf) =	vpush v0, $0x8;
	_ =	sdelay $0x2  }
0xba: {  	[tilespmem:s15+$0xC710] =	vst v1;
	s26 =	spop (v2sf)  }
0xbb: {  	v1 =	vld [tilespmem:s26+$0x4780];
	_ =	sdelay $0x4  }
0xbc: {  	[tilespmem:s15+$0xC780] =	vst v1  }
0xbd: {  	v1 =	vld [tilespmem:s26+$0x4790];
	_ =	sdelay $0x1  }
0xbe: {  	(v2sf) =	vpush v0, $0x9;
	_ =	sdelay $0x2  }
0xbf: {  	[tilespmem:s15+$0xC790] =	vst v1;
	s26 =	spop (v2sf)  }
0xc0: {  	v1 =	vld [tilespmem:s26+$0x4800];
	_ =	sdelay $0x4  }
0xc1: {  	[tilespmem:s15+$0xC800] =	vst v1  }
0xc2: {  	v1 =	vld [tilespmem:s26+$0x4810];
	_ =	sdelay $0x1  }
0xc3: {  	(v2sf) =	vpush v0, $0xA;
	_ =	sdelay $0x2  }
0xc4: {  	[tilespmem:s15+$0xC810] =	vst v1;
	s26 =	spop (v2sf)  }
0xc5: {  	v1 =	vld [tilespmem:s26+$0x4880];
	_ =	sdelay $0x4  }
0xc6: {  	[tilespmem:s15+$0xC880] =	vst v1  }
0xc7: {  	v1 =	vld [tilespmem:s26+$0x4890];
	_ =	sdelay $0x1  }
0xc8: {  	(v2sf) =	vpush v0, $0xB;
	_ =	sdelay $0x2  }
0xc9: {  	[tilespmem:s15+$0xC890] =	vst v1;
	s26 =	spop (v2sf)  }
0xca: {  	v1 =	vld [tilespmem:s26+$0x4900];
	_ =	sdelay $0x4  }
0xcb: {  	[tilespmem:s15+$0xC900] =	vst v1  }
0xcc: {  	v1 =	vld [tilespmem:s26+$0x4910];
	_ =	sdelay $0x1  }
0xcd: {  	(v2sf) =	vpush v0, $0xC;
	_ =	sdelay $0x2  }
0xce: {  	[tilespmem:s15+$0xC910] =	vst v1;
	s26 =	spop (v2sf)  }
0xcf: {  	v1 =	vld [tilespmem:s26+$0x4980];
	_ =	sdelay $0x4  }
0xd0: {  	[tilespmem:s15+$0xC980] =	vst v1  }
0xd1: {  	v1 =	vld [tilespmem:s26+$0x4990];
	_ =	sdelay $0x1  }
0xd2: {  	(v2sf) =	vpush v0, $0xD;
	_ =	sdelay $0x2  }
0xd3: {  	[tilespmem:s15+$0xC990] =	vst v1;
	s26 =	spop (v2sf)  }
0xd4: {  	v1 =	vld [tilespmem:s26+$0x4A00];
	_ =	sdelay $0x4  }
0xd5: {  	[tilespmem:s15+$0xCA00] =	vst v1  }
0xd6: {  	v1 =	vld [tilespmem:s26+$0x4A10];
	_ =	sdelay $0x1  }
0xd7: {  	(v2sf) =	vpush v0, $0xE;
	_ =	sdelay $0x2  }
0xd8: {  	[tilespmem:s15+$0xCA10] =	vst v1;
	s26 =	spop (v2sf)  }
0xd9: {  	v1 =	vld [tilespmem:s26+$0x4A80];
	_ =	sdelay $0x4  }
0xda: {  	[tilespmem:s15+$0xCA80] =	vst v1  }
0xdb: {  	v1 =	vld [tilespmem:s26+$0x4A90];
	_ =	sdelay $0x1  }
0xdc: {  	(v2sf) =	vpush v0, $0xF;
	_ =	sdelay $0x2  }
0xdd: {  	[tilespmem:s15+$0xCA90] =	vst v1;
	s26 =	spop (v2sf)  }
0xde: {  	v0 =	vld [tilespmem:s26+$0x4B00];
	_ =	sdelay $0x4  }
0xdf: {  	[tilespmem:s15+$0xCB00] =	vst v0  }
0xe0: {  	v0 =	vld [tilespmem:s26+$0x4B10];
	_ =	sdelay $0x4  }
0xe1: {  	[tilespmem:s15+$0xCB10] =	vst v0;
	s26 =	spop (v2sf)  }
0xe2: {  	v0 =	vld [tilespmem:s26+$0x4B80];
	_ =	sdelay $0x1  }
.Ltmp1:
0xe3: {  	(pc) =	sbr.rel @p1 .LBB2_4-.Ltmp1, $3  }
0xe4: {  	_ =	sdelay $0x1  }
0xe5: {  	[tilespmem:s15+$0xCB80] =	vst v0  }
0xe6: {  	v0 =	vld [tilespmem:s26+$0x4B90]  }
0xe7: {  	_ =	sdelay $0x2  }
0xe8: {  	s14 =	sshll.u32 s5, $0xD;
	s26 =	rddreg [dreg:$0xe]  }
0xe9: {  	s29 =	simm.s32 $0xC400;
	s14 =	sadd.s32 s26, s14;
	[tilespmem:s15+$0xCB90] =	vst v0  }
0xea: {  	[hbm4b:s14+s4] =	stream.linear.scatter [tilespmem:s29], [sflag:$0xC], $0x4000, $0x38;
	[tilespmem:$0x10400] =	vst v63  }
.LBB2_6:
0xeb: {  	_ =	swait.ge [sflag:s2], $0x80  }
0xec: {  	[sflag:s2] =	ssyncset.done $0x0  }
0xed: {  	[sflag:s2] =	ssyncadd.s32 $0xFFFFFF80  }
0xee: {  	_ =	swait.ge [sflag:s0], $0x80  }
0xef: {  	[sflag:s0] =	ssyncset.done $0x0  }
0xf0: {  	s14 =	simm.s32 $0x280;
	[sflag:s0] =	ssyncadd.s32 $0xFFFFFF80  }
0xf1: {  	[tilespmem:s21], [sflag:$0xA] =	stream.indirect.gather [hbm4b:s3+s25], $0x80, s14, s25, $0xb8;
	[tilespmem:$0x10400] =	vst v63  }
0xf2: {  	s15 =	rddreg [dreg:$0x8];
	s14 =	sshll.u32 s5, $0x9  }
0xf3: {  	s26 =	simm.s32 $0x2C0;
	s15 =	sadd.s32 s14, s15  }
0xf4: {  	[tilespmem:s10], [sflag:$0xA] =	stream.indirect.gather [hbm4b:s3+s25], $0x80, s26, s25, $0xb8;
	[tilespmem:$0x10400] =	vst v63  }
0xf5: {  	s15 =	sshrl.u32 s15, $0x3  }
0xf6: {  	s26 =	simm.s32 $0x180;
	s16 =	sadd.s32 s1, s15  }
0xf7: {  	[tilespmem:s26], [sflag:$0x4] =	stream.linear.gather [hbm4b:s16+s4], $0x80, $0x38;
	[tilespmem:$0x10400] =	vst v63  }
0xf8: {  	s15 =	sadd.s32 s6, s15  }
0xf9: {  	[tilespmem:s12], [sflag:$0x8] =	stream.linear.gather [hbm4b:s15+s4], $0x80, $0x38;
	[tilespmem:$0x10400] =	vst v63  }
0xfa: {  	_ =	swait.ge [sflag:s17], $0x2000  }
0xfb: {  	[sflag:s17] =	ssyncset.done $0x0  }
0xfc: {  	[sflag:s17] =	ssyncadd.s32 $0xFFFFE000  }
0xfd: {  	_ =	swait.ge [sflag:s17], $0x2000  }
0xfe: {  	[sflag:s17] =	ssyncset.done $0x0  }
0xff: {  	s15 =	simm.s32 @!p0 $0xB;
	[sflag:s17] =	ssyncadd.s32 $0xFFFFE000  }
0x100: {  	_ =	swait.ge @!p0 [sflag:s15], $0x4000  }
0x101: {  	[sflag:s15] =	ssyncset.done @!p0 $0x0  }
0x102: {  	[sflag:s15] =	ssyncadd.s32 @!p0 $0xFFFFC000;
	s15 =	simm.s32 $0x0  }
0x103: {  	v0 =	vld [tilespmem:s15+$0x0];
	_ =	sdelay $0x4  }
0x104: {  	v0 =	vshll.u32 v0, $0x5  }
0x105: {  	s16 =	simm.s32 $0x0;
	v0 =	vand.u32 $0x60, v0  }
0x106: {  	v0 =	vadd.s32 s16, v0  }
0x107: {  	(v2sf) =	vpush v0, $0x0;
	_ =	sdelay $0xb  }
0x108: {  	(v2sf) =	vpush v0, $0x1;
	_ =	sdelay $0x2  }
0x109: {  	s29 =	spop (v2sf)  }
0x10a: {  	v1 =	vld [tilespmem:s29+$0x400];
	_ =	sdelay $0x4  }
0x10b: {  	[tilespmem:s16+$0x8400] =	vst v1  }
0x10c: {  	v1 =	vld [tilespmem:s29+$0x410];
	_ =	sdelay $0x1  }
0x10d: {  	(v2sf) =	vpush v0, $0x2;
	_ =	sdelay $0x2  }
0x10e: {  	s29 =	spop (v2sf);
	[tilespmem:s16+$0x8410] =	vst v1  }
0x10f: {  	v1 =	vld [tilespmem:s29+$0x480];
	_ =	sdelay $0x4  }
0x110: {  	[tilespmem:s16+$0x8480] =	vst v1  }
0x111: {  	v1 =	vld [tilespmem:s29+$0x490];
	_ =	sdelay $0x1  }
0x112: {  	(v2sf) =	vpush v0, $0x3;
	_ =	sdelay $0x2  }
0x113: {  	s29 =	spop (v2sf);
	[tilespmem:s16+$0x8490] =	vst v1  }
0x114: {  	v1 =	vld [tilespmem:s29+$0x500];
	_ =	sdelay $0x4  }
0x115: {  	[tilespmem:s16+$0x8500] =	vst v1  }
0x116: {  	v1 =	vld [tilespmem:s29+$0x510];
	_ =	sdelay $0x1  }
0x117: {  	(v2sf) =	vpush v0, $0x4;
	_ =	sdelay $0x2  }
0x118: {  	s29 =	spop (v2sf);
	[tilespmem:s16+$0x8510] =	vst v1  }
0x119: {  	v1 =	vld [tilespmem:s29+$0x580];
	_ =	sdelay $0x4  }
0x11a: {  	[tilespmem:s16+$0x8580] =	vst v1  }
0x11b: {  	v1 =	vld [tilespmem:s29+$0x590];
	_ =	sdelay $0x1  }
0x11c: {  	(v2sf) =	vpush v0, $0x5;
	_ =	sdelay $0x2  }
0x11d: {  	s29 =	spop (v2sf);
	[tilespmem:s16+$0x8590] =	vst v1  }
0x11e: {  	v1 =	vld [tilespmem:s29+$0x600];
	_ =	sdelay $0x4  }
0x11f: {  	[tilespmem:s16+$0x8600] =	vst v1  }
0x120: {  	v1 =	vld [tilespmem:s29+$0x610];
	_ =	sdelay $0x1  }
0x121: {  	(v2sf) =	vpush v0, $0x6;
	_ =	sdelay $0x2  }
0x122: {  	s29 =	spop (v2sf);
	[tilespmem:s16+$0x8610] =	vst v1  }
0x123: {  	v1 =	vld [tilespmem:s29+$0x680];
	_ =	sdelay $0x4  }
0x124: {  	[tilespmem:s16+$0x8680] =	vst v1  }
0x125: {  	v1 =	vld [tilespmem:s29+$0x690];
	_ =	sdelay $0x1  }
0x126: {  	(v2sf) =	vpush v0, $0x7;
	_ =	sdelay $0x2  }
0x127: {  	s29 =	spop (v2sf);
	[tilespmem:s16+$0x8690] =	vst v1  }
0x128: {  	v1 =	vld [tilespmem:s29+$0x700];
	_ =	sdelay $0x4  }
0x129: {  	[tilespmem:s16+$0x8700] =	vst v1  }
0x12a: {  	v1 =	vld [tilespmem:s29+$0x710];
	_ =	sdelay $0x1  }
0x12b: {  	(v2sf) =	vpush v0, $0x8;
	_ =	sdelay $0x2  }
0x12c: {  	s29 =	spop (v2sf);
	[tilespmem:s16+$0x8710] =	vst v1  }
0x12d: {  	v1 =	vld [tilespmem:s29+$0x780];
	_ =	sdelay $0x4  }
0x12e: {  	[tilespmem:s16+$0x8780] =	vst v1  }
0x12f: {  	v1 =	vld [tilespmem:s29+$0x790];
	_ =	sdelay $0x1  }
0x130: {  	(v2sf) =	vpush v0, $0x9;
	_ =	sdelay $0x2  }
0x131: {  	s29 =	spop (v2sf);
	[tilespmem:s16+$0x8790] =	vst v1  }
0x132: {  	v1 =	vld [tilespmem:s29+$0x800];
	_ =	sdelay $0x4  }
0x133: {  	[tilespmem:s16+$0x8800] =	vst v1  }
0x134: {  	v1 =	vld [tilespmem:s29+$0x810];
	_ =	sdelay $0x1  }
0x135: {  	(v2sf) =	vpush v0, $0xA;
	_ =	sdelay $0x2  }
0x136: {  	s29 =	spop (v2sf);
	[tilespmem:s16+$0x8810] =	vst v1  }
0x137: {  	v1 =	vld [tilespmem:s29+$0x880];
	_ =	sdelay $0x4  }
0x138: {  	[tilespmem:s16+$0x8880] =	vst v1  }
0x139: {  	v1 =	vld [tilespmem:s29+$0x890];
	_ =	sdelay $0x1  }
0x13a: {  	(v2sf) =	vpush v0, $0xB;
	_ =	sdelay $0x2  }
0x13b: {  	s29 =	spop (v2sf);
	[tilespmem:s16+$0x8890] =	vst v1  }
0x13c: {  	v1 =	vld [tilespmem:s29+$0x900];
	_ =	sdelay $0x4  }
0x13d: {  	[tilespmem:s16+$0x8900] =	vst v1  }
0x13e: {  	v1 =	vld [tilespmem:s29+$0x910];
	_ =	sdelay $0x1  }
0x13f: {  	(v2sf) =	vpush v0, $0xC;
	_ =	sdelay $0x2  }
0x140: {  	s29 =	spop (v2sf);
	[tilespmem:s16+$0x8910] =	vst v1  }
0x141: {  	v1 =	vld [tilespmem:s29+$0x980];
	_ =	sdelay $0x4  }
0x142: {  	[tilespmem:s16+$0x8980] =	vst v1  }
0x143: {  	v1 =	vld [tilespmem:s29+$0x990];
	_ =	sdelay $0x1  }
0x144: {  	(v2sf) =	vpush v0, $0xD;
	_ =	sdelay $0x2  }
0x145: {  	s29 =	spop (v2sf);
	[tilespmem:s16+$0x8990] =	vst v1  }
0x146: {  	v1 =	vld [tilespmem:s29+$0xA00];
	_ =	sdelay $0x4  }
0x147: {  	[tilespmem:s16+$0x8A00] =	vst v1  }
0x148: {  	v1 =	vld [tilespmem:s29+$0xA10];
	_ =	sdelay $0x1  }
0x149: {  	(v2sf) =	vpush v0, $0xE;
	_ =	sdelay $0x2  }
0x14a: {  	s29 =	spop (v2sf);
	[tilespmem:s16+$0x8A10] =	vst v1  }
0x14b: {  	v1 =	vld [tilespmem:s29+$0xA80];
	_ =	sdelay $0x4  }
0x14c: {  	[tilespmem:s16+$0x8A80] =	vst v1  }
0x14d: {  	v1 =	vld [tilespmem:s29+$0xA90];
	_ =	sdelay $0x1  }
0x14e: {  	(v2sf) =	vpush v0, $0xF;
	_ =	sdelay $0x2  }
0x14f: {  	s29 =	spop (v2sf);
	[tilespmem:s16+$0x8A90] =	vst v1  }
0x150: {  	v0 =	vld [tilespmem:s29+$0xB00];
	_ =	sdelay $0x4  }
0x151: {  	[tilespmem:s16+$0x8B00] =	vst v0  }
0x152: {  	v0 =	vld [tilespmem:s29+$0xB10];
	_ =	sdelay $0x4  }
0x153: {  	s29 =	spop (v2sf);
	[tilespmem:s16+$0x8B10] =	vst v0  }
0x154: {  	v0 =	vld [tilespmem:s29+$0xB80];
	_ =	sdelay $0x4  }
0x155: {  	[tilespmem:s16+$0x8B80] =	vst v0  }
0x156: {  	s26 =	simm.s32 $0x2000;
	v0 =	vld [tilespmem:s29+$0xB90]  }
.LBB2_7:
0x157: {  	_ =	sdelay $0x2  }
0x158: {  	p1 =	sne.s32 s26, $0xE000  }
0x159: {  	s15 =	sadd.s32 $0x10, s15;
	[tilespmem:s16+$0x8B90] =	vst v0;
	s16 =	smov.u32 s26;
	s26 =	sadd.s32 $0x2000, s26  }
0x15a: {  	v0 =	vld [tilespmem:s15+$0x0];
	_ =	sdelay $0x4  }
0x15b: {  	v0 =	vshll.u32 v0, $0x5  }
0x15c: {  	s16 =	sshra.s32 s16, $0x2;
	v0 =	vand.u32 $0x60, v0  }
0x15d: {  	v0 =	vadd.s32 s16, v0  }
0x15e: {  	(v2sf) =	vpush v0, $0x0;
	_ =	sdelay $0xb  }
0x15f: {  	(v2sf) =	vpush v0, $0x1;
	_ =	sdelay $0x2  }
0x160: {  	s29 =	spop (v2sf)  }
0x161: {  	v1 =	vld [tilespmem:s29+$0x400];
	_ =	sdelay $0x4  }
0x162: {  	[tilespmem:s16+$0x8400] =	vst v1  }
0x163: {  	v1 =	vld [tilespmem:s29+$0x410];
	_ =	sdelay $0x1  }
0x164: {  	(v2sf) =	vpush v0, $0x2;
	_ =	sdelay $0x2  }
0x165: {  	[tilespmem:s16+$0x8410] =	vst v1;
	s29 =	spop (v2sf)  }
0x166: {  	v1 =	vld [tilespmem:s29+$0x480];
	_ =	sdelay $0x4  }
0x167: {  	[tilespmem:s16+$0x8480] =	vst v1  }
0x168: {  	v1 =	vld [tilespmem:s29+$0x490];
	_ =	sdelay $0x1  }
0x169: {  	(v2sf) =	vpush v0, $0x3;
	_ =	sdelay $0x2  }
0x16a: {  	[tilespmem:s16+$0x8490] =	vst v1;
	s29 =	spop (v2sf)  }
0x16b: {  	v1 =	vld [tilespmem:s29+$0x500];
	_ =	sdelay $0x4  }
0x16c: {  	[tilespmem:s16+$0x8500] =	vst v1  }
0x16d: {  	v1 =	vld [tilespmem:s29+$0x510];
	_ =	sdelay $0x1  }
0x16e: {  	(v2sf) =	vpush v0, $0x4;
	_ =	sdelay $0x2  }
0x16f: {  	[tilespmem:s16+$0x8510] =	vst v1;
	s29 =	spop (v2sf)  }
0x170: {  	v1 =	vld [tilespmem:s29+$0x580];
	_ =	sdelay $0x4  }
0x171: {  	[tilespmem:s16+$0x8580] =	vst v1  }
0x172: {  	v1 =	vld [tilespmem:s29+$0x590];
	_ =	sdelay $0x1  }
0x173: {  	(v2sf) =	vpush v0, $0x5;
	_ =	sdelay $0x2  }
0x174: {  	[tilespmem:s16+$0x8590] =	vst v1;
	s29 =	spop (v2sf)  }
0x175: {  	v1 =	vld [tilespmem:s29+$0x600];
	_ =	sdelay $0x4  }
0x176: {  	[tilespmem:s16+$0x8600] =	vst v1  }
0x177: {  	v1 =	vld [tilespmem:s29+$0x610];
	_ =	sdelay $0x1  }
0x178: {  	(v2sf) =	vpush v0, $0x6;
	_ =	sdelay $0x2  }
0x179: {  	[tilespmem:s16+$0x8610] =	vst v1;
	s29 =	spop (v2sf)  }
0x17a: {  	v1 =	vld [tilespmem:s29+$0x680];
	_ =	sdelay $0x4  }
0x17b: {  	[tilespmem:s16+$0x8680] =	vst v1  }
0x17c: {  	v1 =	vld [tilespmem:s29+$0x690];
	_ =	sdelay $0x1  }
0x17d: {  	(v2sf) =	vpush v0, $0x7;
	_ =	sdelay $0x2  }
0x17e: {  	[tilespmem:s16+$0x8690] =	vst v1;
	s29 =	spop (v2sf)  }
0x17f: {  	v1 =	vld [tilespmem:s29+$0x700];
	_ =	sdelay $0x4  }
0x180: {  	[tilespmem:s16+$0x8700] =	vst v1  }
0x181: {  	v1 =	vld [tilespmem:s29+$0x710];
	_ =	sdelay $0x1  }
0x182: {  	(v2sf) =	vpush v0, $0x8;
	_ =	sdelay $0x2  }
0x183: {  	[tilespmem:s16+$0x8710] =	vst v1;
	s29 =	spop (v2sf)  }
0x184: {  	v1 =	vld [tilespmem:s29+$0x780];
	_ =	sdelay $0x4  }
0x185: {  	[tilespmem:s16+$0x8780] =	vst v1  }
0x186: {  	v1 =	vld [tilespmem:s29+$0x790];
	_ =	sdelay $0x1  }
0x187: {  	(v2sf) =	vpush v0, $0x9;
	_ =	sdelay $0x2  }
0x188: {  	[tilespmem:s16+$0x8790] =	vst v1;
	s29 =	spop (v2sf)  }
0x189: {  	v1 =	vld [tilespmem:s29+$0x800];
	_ =	sdelay $0x4  }
0x18a: {  	[tilespmem:s16+$0x8800] =	vst v1  }
0x18b: {  	v1 =	vld [tilespmem:s29+$0x810];
	_ =	sdelay $0x1  }
0x18c: {  	(v2sf) =	vpush v0, $0xA;
	_ =	sdelay $0x2  }
0x18d: {  	[tilespmem:s16+$0x8810] =	vst v1;
	s29 =	spop (v2sf)  }
0x18e: {  	v1 =	vld [tilespmem:s29+$0x880];
	_ =	sdelay $0x4  }
0x18f: {  	[tilespmem:s16+$0x8880] =	vst v1  }
0x190: {  	v1 =	vld [tilespmem:s29+$0x890];
	_ =	sdelay $0x1  }
0x191: {  	(v2sf) =	vpush v0, $0xB;
	_ =	sdelay $0x2  }
0x192: {  	[tilespmem:s16+$0x8890] =	vst v1;
	s29 =	spop (v2sf)  }
0x193: {  	v1 =	vld [tilespmem:s29+$0x900];
	_ =	sdelay $0x4  }
0x194: {  	[tilespmem:s16+$0x8900] =	vst v1  }
0x195: {  	v1 =	vld [tilespmem:s29+$0x910];
	_ =	sdelay $0x1  }
0x196: {  	(v2sf) =	vpush v0, $0xC;
	_ =	sdelay $0x2  }
0x197: {  	[tilespmem:s16+$0x8910] =	vst v1;
	s29 =	spop (v2sf)  }
0x198: {  	v1 =	vld [tilespmem:s29+$0x980];
	_ =	sdelay $0x4  }
0x199: {  	[tilespmem:s16+$0x8980] =	vst v1  }
0x19a: {  	v1 =	vld [tilespmem:s29+$0x990];
	_ =	sdelay $0x1  }
0x19b: {  	(v2sf) =	vpush v0, $0xD;
	_ =	sdelay $0x2  }
0x19c: {  	[tilespmem:s16+$0x8990] =	vst v1;
	s29 =	spop (v2sf)  }
0x19d: {  	v1 =	vld [tilespmem:s29+$0xA00];
	_ =	sdelay $0x4  }
0x19e: {  	[tilespmem:s16+$0x8A00] =	vst v1  }
0x19f: {  	v1 =	vld [tilespmem:s29+$0xA10];
	_ =	sdelay $0x1  }
0x1a0: {  	(v2sf) =	vpush v0, $0xE;
	_ =	sdelay $0x2  }
0x1a1: {  	[tilespmem:s16+$0x8A10] =	vst v1;
	s29 =	spop (v2sf)  }
0x1a2: {  	v1 =	vld [tilespmem:s29+$0xA80];
	_ =	sdelay $0x4  }
0x1a3: {  	[tilespmem:s16+$0x8A80] =	vst v1  }
0x1a4: {  	v1 =	vld [tilespmem:s29+$0xA90];
	_ =	sdelay $0x1  }
0x1a5: {  	(v2sf) =	vpush v0, $0xF;
	_ =	sdelay $0x2  }
0x1a6: {  	[tilespmem:s16+$0x8A90] =	vst v1;
	s29 =	spop (v2sf)  }
0x1a7: {  	v0 =	vld [tilespmem:s29+$0xB00];
	_ =	sdelay $0x4  }
0x1a8: {  	[tilespmem:s16+$0x8B00] =	vst v0  }
0x1a9: {  	v0 =	vld [tilespmem:s29+$0xB10];
	_ =	sdelay $0x4  }
0x1aa: {  	[tilespmem:s16+$0x8B10] =	vst v0;
	s29 =	spop (v2sf)  }
0x1ab: {  	v0 =	vld [tilespmem:s29+$0xB80];
	_ =	sdelay $0x1  }
.Ltmp2:
0x1ac: {  	(pc) =	sbr.rel @p1 .LBB2_7-.Ltmp2, $3  }
0x1ad: {  	_ =	sdelay $0x1  }
0x1ae: {  	[tilespmem:s16+$0x8B80] =	vst v0  }
0x1af: {  	v0 =	vld [tilespmem:s29+$0xB90]  }
0x1b0: {  	_ = 	snop  }
0x1b1: {  	s15 =	sshll.u32 s5, $0x10  }
0x1b2: {  	s15 =	sadd.s32 s9, s15  }
0x1b3: {  	s15 =	sshrl.u32 s15, $0x3  }
0x1b4: {  	s15 =	sadd.s32 s7, s15;
	[tilespmem:s16+$0x8B90] =	vst v0  }
0x1b5: {  	[hbm4b:s15+s4] =	stream.linear.scatter [tilespmem:s18], [sflag:$0xB], $0x4000, $0x38;
	[tilespmem:$0x10400] =	vst v63  }
0x1b6: {  	_ =	swait.ge [sflag:s28], $0x80  }
0x1b7: {  	[sflag:s28] =	ssyncset.done $0x0  }
0x1b8: {  	[sflag:s28] =	ssyncadd.s32 $0xFFFFFF80  }
0x1b9: {  	s26 =	simm.s32 $0x400;
	_ =	swait.ge [sflag:s30], $0x80  }
0x1ba: {  	p1 =	seq.s32 s5, $0xC7;
	[sflag:s30] =	ssyncset.done $0x0;
	s15 =	rddreg [dreg:$0x9]  }
0x1bb: {  	s29 =	simm.s32 $0x300;
	[sflag:s30] =	ssyncadd.s32 $0xFFFFFF80;
	s15 =	sadd.s32 @!p1 s14, s15  }
0x1bc: {  	[tilespmem:s26], [sflag:$0x9] =	stream.indirect.gather [hbm4b:s3+s25], $0x80, s29, s25, $0xb8;
	[tilespmem:$0x10400] =	vst v63  }
0x1bd: {  	s16 =	simm.s32 $0x2400;
	s26 =	simm.s32 $0x340;
	s15 =	sshrl.u32 @!p1 s15, $0x3  }
0x1be: {  	[tilespmem:s16], [sflag:$0x9] =	stream.indirect.gather [hbm4b:s3+s25], $0x80, s26, s25, $0xb8;
	[tilespmem:$0x10400] =	vst v63  }
0x1bf: {  	s16 =	sadd.s32 @!p1 s1, s15;
	s26 =	simm.s32 @!p1 $0x0  }
0x1c0: {  	[tilespmem:s26], [sflag:$0x1] =	stream.linear.gather @!p1 [hbm4b:s16+s26], $0x80, $0x38;
	[tilespmem:$0x10400] =	vst v63  }
0x1c1: {  	s15 =	sadd.s32 @!p1 s6, s15;
	s16 =	simm.s32 @!p1 $0x200  }
0x1c2: {  	[tilespmem:s16], [sflag:$0x5] =	stream.linear.gather @!p1 [hbm4b:s15+s26], $0x80, $0x38;
	[tilespmem:$0x10400] =	vst v63  }
0x1c3: {  	_ =	swait.ge [sflag:s11], $0x2000  }
0x1c4: {  	[sflag:s11] =	ssyncset.done $0x0  }
0x1c5: {  	[sflag:s11] =	ssyncadd.s32 $0xFFFFE000  }
0x1c6: {  	_ =	swait.ge [sflag:s11], $0x2000  }
0x1c7: {  	[sflag:s11] =	ssyncset.done $0x0  }
0x1c8: {  	s15 =	simm.s32 @!p0 $0xC;
	[sflag:s11] =	ssyncadd.s32 $0xFFFFE000  }
0x1c9: {  	_ =	swait.ge @!p0 [sflag:s15], $0x4000  }
0x1ca: {  	[sflag:s15] =	ssyncset.done @!p0 $0x0  }
0x1cb: {  	[sflag:s15] =	ssyncadd.s32 @!p0 $0xFFFFC000;
	s15 =	simm.s32 $0x80  }
0x1cc: {  	v0 =	vld [tilespmem:s15+$0x0];
	_ =	sdelay $0x4  }
0x1cd: {  	v0 =	vshll.u32 v0, $0x5  }
0x1ce: {  	s16 =	simm.s32 $0x0;
	v0 =	vand.u32 $0x60, v0  }
0x1cf: {  	v0 =	vadd.s32 s16, v0  }
0x1d0: {  	(v2sf) =	vpush v0, $0x0;
	_ =	sdelay $0xb  }
0x1d1: {  	(v2sf) =	vpush v0, $0x1;
	_ =	sdelay $0x2  }
0x1d2: {  	s29 =	spop (v2sf)  }
0x1d3: {  	v1 =	vld [tilespmem:s29+$0x4400];
	_ =	sdelay $0x4  }
0x1d4: {  	[tilespmem:s16+$0xC400] =	vst v1  }
0x1d5: {  	v1 =	vld [tilespmem:s29+$0x4410];
	_ =	sdelay $0x1  }
0x1d6: {  	(v2sf) =	vpush v0, $0x2;
	_ =	sdelay $0x2  }
0x1d7: {  	s29 =	spop (v2sf);
	[tilespmem:s16+$0xC410] =	vst v1  }
0x1d8: {  	v1 =	vld [tilespmem:s29+$0x4480];
	_ =	sdelay $0x4  }
0x1d9: {  	[tilespmem:s16+$0xC480] =	vst v1  }
0x1da: {  	v1 =	vld [tilespmem:s29+$0x4490];
	_ =	sdelay $0x1  }
0x1db: {  	(v2sf) =	vpush v0, $0x3;
	_ =	sdelay $0x2  }
0x1dc: {  	s29 =	spop (v2sf);
	[tilespmem:s16+$0xC490] =	vst v1  }
0x1dd: {  	v1 =	vld [tilespmem:s29+$0x4500];
	_ =	sdelay $0x4  }
0x1de: {  	[tilespmem:s16+$0xC500] =	vst v1  }
0x1df: {  	v1 =	vld [tilespmem:s29+$0x4510];
	_ =	sdelay $0x1  }
0x1e0: {  	(v2sf) =	vpush v0, $0x4;
	_ =	sdelay $0x2  }
0x1e1: {  	s29 =	spop (v2sf);
	[tilespmem:s16+$0xC510] =	vst v1  }
0x1e2: {  	v1 =	vld [tilespmem:s29+$0x4580];
	_ =	sdelay $0x4  }
0x1e3: {  	[tilespmem:s16+$0xC580] =	vst v1  }
0x1e4: {  	v1 =	vld [tilespmem:s29+$0x4590];
	_ =	sdelay $0x1  }
0x1e5: {  	(v2sf) =	vpush v0, $0x5;
	_ =	sdelay $0x2  }
0x1e6: {  	s29 =	spop (v2sf);
	[tilespmem:s16+$0xC590] =	vst v1  }
0x1e7: {  	v1 =	vld [tilespmem:s29+$0x4600];
	_ =	sdelay $0x4  }
0x1e8: {  	[tilespmem:s16+$0xC600] =	vst v1  }
0x1e9: {  	v1 =	vld [tilespmem:s29+$0x4610];
	_ =	sdelay $0x1  }
0x1ea: {  	(v2sf) =	vpush v0, $0x6;
	_ =	sdelay $0x2  }
0x1eb: {  	s29 =	spop (v2sf);
	[tilespmem:s16+$0xC610] =	vst v1  }
0x1ec: {  	v1 =	vld [tilespmem:s29+$0x4680];
	_ =	sdelay $0x4  }
0x1ed: {  	[tilespmem:s16+$0xC680] =	vst v1  }
0x1ee: {  	v1 =	vld [tilespmem:s29+$0x4690];
	_ =	sdelay $0x1  }
0x1ef: {  	(v2sf) =	vpush v0, $0x7;
	_ =	sdelay $0x2  }
0x1f0: {  	s29 =	spop (v2sf);
	[tilespmem:s16+$0xC690] =	vst v1  }
0x1f1: {  	v1 =	vld [tilespmem:s29+$0x4700];
	_ =	sdelay $0x4  }
0x1f2: {  	[tilespmem:s16+$0xC700] =	vst v1  }
0x1f3: {  	v1 =	vld [tilespmem:s29+$0x4710];
	_ =	sdelay $0x1  }
0x1f4: {  	(v2sf) =	vpush v0, $0x8;
	_ =	sdelay $0x2  }
0x1f5: {  	s29 =	spop (v2sf);
	[tilespmem:s16+$0xC710] =	vst v1  }
0x1f6: {  	v1 =	vld [tilespmem:s29+$0x4780];
	_ =	sdelay $0x4  }
0x1f7: {  	[tilespmem:s16+$0xC780] =	vst v1  }
0x1f8: {  	v1 =	vld [tilespmem:s29+$0x4790];
	_ =	sdelay $0x1  }
0x1f9: {  	(v2sf) =	vpush v0, $0x9;
	_ =	sdelay $0x2  }
0x1fa: {  	s29 =	spop (v2sf);
	[tilespmem:s16+$0xC790] =	vst v1  }
0x1fb: {  	v1 =	vld [tilespmem:s29+$0x4800];
	_ =	sdelay $0x4  }
0x1fc: {  	[tilespmem:s16+$0xC800] =	vst v1  }
0x1fd: {  	v1 =	vld [tilespmem:s29+$0x4810];
	_ =	sdelay $0x1  }
0x1fe: {  	(v2sf) =	vpush v0, $0xA;
	_ =	sdelay $0x2  }
0x1ff: {  	s29 =	spop (v2sf);
	[tilespmem:s16+$0xC810] =	vst v1  }
0x200: {  	v1 =	vld [tilespmem:s29+$0x4880];
	_ =	sdelay $0x4  }
0x201: {  	[tilespmem:s16+$0xC880] =	vst v1  }
0x202: {  	v1 =	vld [tilespmem:s29+$0x4890];
	_ =	sdelay $0x1  }
0x203: {  	(v2sf) =	vpush v0, $0xB;
	_ =	sdelay $0x2  }
0x204: {  	s29 =	spop (v2sf);
	[tilespmem:s16+$0xC890] =	vst v1  }
0x205: {  	v1 =	vld [tilespmem:s29+$0x4900];
	_ =	sdelay $0x4  }
0x206: {  	[tilespmem:s16+$0xC900] =	vst v1  }
0x207: {  	v1 =	vld [tilespmem:s29+$0x4910];
	_ =	sdelay $0x1  }
0x208: {  	(v2sf) =	vpush v0, $0xC;
	_ =	sdelay $0x2  }
0x209: {  	s29 =	spop (v2sf);
	[tilespmem:s16+$0xC910] =	vst v1  }
0x20a: {  	v1 =	vld [tilespmem:s29+$0x4980];
	_ =	sdelay $0x4  }
0x20b: {  	[tilespmem:s16+$0xC980] =	vst v1  }
0x20c: {  	v1 =	vld [tilespmem:s29+$0x4990];
	_ =	sdelay $0x1  }
0x20d: {  	(v2sf) =	vpush v0, $0xD;
	_ =	sdelay $0x2  }
0x20e: {  	s29 =	spop (v2sf);
	[tilespmem:s16+$0xC990] =	vst v1  }
0x20f: {  	v1 =	vld [tilespmem:s29+$0x4A00];
	_ =	sdelay $0x4  }
0x210: {  	[tilespmem:s16+$0xCA00] =	vst v1  }
0x211: {  	v1 =	vld [tilespmem:s29+$0x4A10];
	_ =	sdelay $0x1  }
0x212: {  	(v2sf) =	vpush v0, $0xE;
	_ =	sdelay $0x2  }
0x213: {  	s29 =	spop (v2sf);
	[tilespmem:s16+$0xCA10] =	vst v1  }
0x214: {  	v1 =	vld [tilespmem:s29+$0x4A80];
	_ =	sdelay $0x4  }
0x215: {  	[tilespmem:s16+$0xCA80] =	vst v1  }
0x216: {  	v1 =	vld [tilespmem:s29+$0x4A90];
	_ =	sdelay $0x1  }
0x217: {  	(v2sf) =	vpush v0, $0xF;
	_ =	sdelay $0x2  }
0x218: {  	s29 =	spop (v2sf);
	[tilespmem:s16+$0xCA90] =	vst v1  }
0x219: {  	v0 =	vld [tilespmem:s29+$0x4B00];
	_ =	sdelay $0x4  }
0x21a: {  	[tilespmem:s16+$0xCB00] =	vst v0  }
0x21b: {  	v0 =	vld [tilespmem:s29+$0x4B10];
	_ =	sdelay $0x4  }
0x21c: {  	s29 =	spop (v2sf);
	[tilespmem:s16+$0xCB10] =	vst v0  }
0x21d: {  	v0 =	vld [tilespmem:s29+$0x4B80];
	_ =	sdelay $0x4  }
0x21e: {  	[tilespmem:s16+$0xCB80] =	vst v0  }
0x21f: {  	s26 =	simm.s32 $0x2000;
	v0 =	vld [tilespmem:s29+$0x4B90]  }
.LBB2_9:
0x220: {  	_ =	sdelay $0x2  }
0x221: {  	p0 =	sne.s32 s26, $0xE000  }
0x222: {  	s15 =	sadd.s32 $0x10, s15;
	[tilespmem:s16+$0xCB90] =	vst v0;
	s16 =	smov.u32 s26;
	s26 =	sadd.s32 $0x2000, s26  }
0x223: {  	v0 =	vld [tilespmem:s15+$0x0];
	_ =	sdelay $0x4  }
0x224: {  	v0 =	vshll.u32 v0, $0x5  }
0x225: {  	s16 =	sshra.s32 s16, $0x2;
	v0 =	vand.u32 $0x60, v0  }
0x226: {  	v0 =	vadd.s32 s16, v0  }
0x227: {  	(v2sf) =	vpush v0, $0x0;
	_ =	sdelay $0xb  }
0x228: {  	(v2sf) =	vpush v0, $0x1;
	_ =	sdelay $0x2  }
0x229: {  	s29 =	spop (v2sf)  }
0x22a: {  	v1 =	vld [tilespmem:s29+$0x4400];
	_ =	sdelay $0x4  }
0x22b: {  	[tilespmem:s16+$0xC400] =	vst v1  }
0x22c: {  	v1 =	vld [tilespmem:s29+$0x4410];
	_ =	sdelay $0x1  }
0x22d: {  	(v2sf) =	vpush v0, $0x2;
	_ =	sdelay $0x2  }
0x22e: {  	[tilespmem:s16+$0xC410] =	vst v1;
	s29 =	spop (v2sf)  }
0x22f: {  	v1 =	vld [tilespmem:s29+$0x4480];
	_ =	sdelay $0x4  }
0x230: {  	[tilespmem:s16+$0xC480] =	vst v1  }
0x231: {  	v1 =	vld [tilespmem:s29+$0x4490];
	_ =	sdelay $0x1  }
0x232: {  	(v2sf) =	vpush v0, $0x3;
	_ =	sdelay $0x2  }
0x233: {  	[tilespmem:s16+$0xC490] =	vst v1;
	s29 =	spop (v2sf)  }
0x234: {  	v1 =	vld [tilespmem:s29+$0x4500];
	_ =	sdelay $0x4  }
0x235: {  	[tilespmem:s16+$0xC500] =	vst v1  }
0x236: {  	v1 =	vld [tilespmem:s29+$0x4510];
	_ =	sdelay $0x1  }
0x237: {  	(v2sf) =	vpush v0, $0x4;
	_ =	sdelay $0x2  }
0x238: {  	[tilespmem:s16+$0xC510] =	vst v1;
	s29 =	spop (v2sf)  }
0x239: {  	v1 =	vld [tilespmem:s29+$0x4580];
	_ =	sdelay $0x4  }
0x23a: {  	[tilespmem:s16+$0xC580] =	vst v1  }
0x23b: {  	v1 =	vld [tilespmem:s29+$0x4590];
	_ =	sdelay $0x1  }
0x23c: {  	(v2sf) =	vpush v0, $0x5;
	_ =	sdelay $0x2  }
0x23d: {  	[tilespmem:s16+$0xC590] =	vst v1;
	s29 =	spop (v2sf)  }
0x23e: {  	v1 =	vld [tilespmem:s29+$0x4600];
	_ =	sdelay $0x4  }
0x23f: {  	[tilespmem:s16+$0xC600] =	vst v1  }
0x240: {  	v1 =	vld [tilespmem:s29+$0x4610];
	_ =	sdelay $0x1  }
0x241: {  	(v2sf) =	vpush v0, $0x6;
	_ =	sdelay $0x2  }
0x242: {  	[tilespmem:s16+$0xC610] =	vst v1;
	s29 =	spop (v2sf)  }
0x243: {  	v1 =	vld [tilespmem:s29+$0x4680];
	_ =	sdelay $0x4  }
0x244: {  	[tilespmem:s16+$0xC680] =	vst v1  }
0x245: {  	v1 =	vld [tilespmem:s29+$0x4690];
	_ =	sdelay $0x1  }
0x246: {  	(v2sf) =	vpush v0, $0x7;
	_ =	sdelay $0x2  }
0x247: {  	[tilespmem:s16+$0xC690] =	vst v1;
	s29 =	spop (v2sf)  }
0x248: {  	v1 =	vld [tilespmem:s29+$0x4700];
	_ =	sdelay $0x4  }
0x249: {  	[tilespmem:s16+$0xC700] =	vst v1  }
0x24a: {  	v1 =	vld [tilespmem:s29+$0x4710];
	_ =	sdelay $0x1  }
0x24b: {  	(v2sf) =	vpush v0, $0x8;
	_ =	sdelay $0x2  }
0x24c: {  	[tilespmem:s16+$0xC710] =	vst v1;
	s29 =	spop (v2sf)  }
0x24d: {  	v1 =	vld [tilespmem:s29+$0x4780];
	_ =	sdelay $0x4  }
0x24e: {  	[tilespmem:s16+$0xC780] =	vst v1  }
0x24f: {  	v1 =	vld [tilespmem:s29+$0x4790];
	_ =	sdelay $0x1  }
0x250: {  	(v2sf) =	vpush v0, $0x9;
	_ =	sdelay $0x2  }
0x251: {  	[tilespmem:s16+$0xC790] =	vst v1;
	s29 =	spop (v2sf)  }
0x252: {  	v1 =	vld [tilespmem:s29+$0x4800];
	_ =	sdelay $0x4  }
0x253: {  	[tilespmem:s16+$0xC800] =	vst v1  }
0x254: {  	v1 =	vld [tilespmem:s29+$0x4810];
	_ =	sdelay $0x1  }
0x255: {  	(v2sf) =	vpush v0, $0xA;
	_ =	sdelay $0x2  }
0x256: {  	[tilespmem:s16+$0xC810] =	vst v1;
	s29 =	spop (v2sf)  }
0x257: {  	v1 =	vld [tilespmem:s29+$0x4880];
	_ =	sdelay $0x4  }
0x258: {  	[tilespmem:s16+$0xC880] =	vst v1  }
0x259: {  	v1 =	vld [tilespmem:s29+$0x4890];
	_ =	sdelay $0x1  }
0x25a: {  	(v2sf) =	vpush v0, $0xB;
	_ =	sdelay $0x2  }
0x25b: {  	[tilespmem:s16+$0xC890] =	vst v1;
	s29 =	spop (v2sf)  }
0x25c: {  	v1 =	vld [tilespmem:s29+$0x4900];
	_ =	sdelay $0x4  }
0x25d: {  	[tilespmem:s16+$0xC900] =	vst v1  }
0x25e: {  	v1 =	vld [tilespmem:s29+$0x4910];
	_ =	sdelay $0x1  }
0x25f: {  	(v2sf) =	vpush v0, $0xC;
	_ =	sdelay $0x2  }
0x260: {  	[tilespmem:s16+$0xC910] =	vst v1;
	s29 =	spop (v2sf)  }
0x261: {  	v1 =	vld [tilespmem:s29+$0x4980];
	_ =	sdelay $0x4  }
0x262: {  	[tilespmem:s16+$0xC980] =	vst v1  }
0x263: {  	v1 =	vld [tilespmem:s29+$0x4990];
	_ =	sdelay $0x1  }
0x264: {  	(v2sf) =	vpush v0, $0xD;
	_ =	sdelay $0x2  }
0x265: {  	[tilespmem:s16+$0xC990] =	vst v1;
	s29 =	spop (v2sf)  }
0x266: {  	v1 =	vld [tilespmem:s29+$0x4A00];
	_ =	sdelay $0x4  }
0x267: {  	[tilespmem:s16+$0xCA00] =	vst v1  }
0x268: {  	v1 =	vld [tilespmem:s29+$0x4A10];
	_ =	sdelay $0x1  }
0x269: {  	(v2sf) =	vpush v0, $0xE;
	_ =	sdelay $0x2  }
0x26a: {  	[tilespmem:s16+$0xCA10] =	vst v1;
	s29 =	spop (v2sf)  }
0x26b: {  	v1 =	vld [tilespmem:s29+$0x4A80];
	_ =	sdelay $0x4  }
0x26c: {  	[tilespmem:s16+$0xCA80] =	vst v1  }
0x26d: {  	v1 =	vld [tilespmem:s29+$0x4A90];
	_ =	sdelay $0x1  }
0x26e: {  	(v2sf) =	vpush v0, $0xF;
	_ =	sdelay $0x2  }
0x26f: {  	[tilespmem:s16+$0xCA90] =	vst v1;
	s29 =	spop (v2sf)  }
0x270: {  	v0 =	vld [tilespmem:s29+$0x4B00];
	_ =	sdelay $0x4  }
0x271: {  	[tilespmem:s16+$0xCB00] =	vst v0  }
0x272: {  	v0 =	vld [tilespmem:s29+$0x4B10];
	_ =	sdelay $0x4  }
0x273: {  	[tilespmem:s16+$0xCB10] =	vst v0;
	s29 =	spop (v2sf)  }
0x274: {  	v0 =	vld [tilespmem:s29+$0x4B80];
	_ =	sdelay $0x1  }
.Ltmp3:
0x275: {  	(pc) =	sbr.rel @p0 .LBB2_9-.Ltmp3, $3  }
0x276: {  	_ =	sdelay $0x1  }
0x277: {  	[tilespmem:s16+$0xCB80] =	vst v0  }
0x278: {  	v0 =	vld [tilespmem:s29+$0x4B90]  }
0x279: {  	_ = 	snop  }
0x27a: {  	s15 =	rddreg [dreg:$0xa]  }
0x27b: {  	s15 =	sadd.s32 s14, s15  }
0x27c: {  	s15 =	sshll.u32 s15, $0x4  }
0x27d: {  	s29 =	simm.s32 $0xC400;
	s15 =	sadd.s32 s7, s15;
	[tilespmem:s16+$0xCB90] =	vst v0  }
0x27e: {  	[hbm4b:s15+s4] =	stream.linear.scatter [tilespmem:s29], [sflag:$0xC], $0x4000, $0x38;
	[tilespmem:$0x10400] =	vst v63  }
0x27f: {  	_ =	swait.ge [sflag:s20], $0x80  }
0x280: {  	[sflag:s20] =	ssyncset.done $0x0  }
0x281: {  	[sflag:s20] =	ssyncadd.s32 $0xFFFFFF80  }
0x282: {  	_ =	swait.ge [sflag:s22], $0x80  }
0x283: {  	[sflag:s22] =	ssyncset.done $0x0;
	s15 =	rddreg [dreg:$0xb]  }
0x284: {  	[sflag:s22] =	ssyncadd.s32 $0xFFFFFF80;
	s14 =	sadd.s32 @!p1 s14, s15  }
0x285: {  	[tilespmem:s21], [sflag:$0xA] =	stream.indirect.gather [hbm4b:s3+s25], $0x80, s12, s25, $0xb8;
	[tilespmem:$0x10400] =	vst v63  }
0x286: {  	s16 =	simm.s32 $0x3C0;
	s14 =	sshrl.u32 @!p1 s14, $0x3  }
0x287: {  	[tilespmem:s10], [sflag:$0xA] =	stream.indirect.gather [hbm4b:s3+s25], $0x80, s16, s25, $0xb8;
	[tilespmem:$0x10400] =	vst v63  }
0x288: {  	s26 =	simm.s32 @!p1 $0x80;
	s15 =	sadd.s32 @!p1 s1, s14;
	s16 =	simm.s32 @!p1 $0x0  }
0x289: {  	[tilespmem:s26], [sflag:$0x2] =	stream.linear.gather @!p1 [hbm4b:s15+s16], $0x80, $0x38;
	[tilespmem:$0x10400] =	vst v63  }
0x28a: {  	s14 =	sadd.s32 @!p1 s6, s14;
	s15 =	simm.s32 @!p1 $0x280  }
0x28b: {  	[tilespmem:s15], [sflag:$0x6] =	stream.linear.gather @!p1 [hbm4b:s14+s16], $0x80, $0x38;
	[tilespmem:$0x10400] =	vst v63  }
0x28c: {  	_ =	swait.ge [sflag:s17], $0x2000  }
0x28d: {  	[sflag:s17] =	ssyncset.done $0x0  }
0x28e: {  	[sflag:s17] =	ssyncadd.s32 $0xFFFFE000  }
0x28f: {  	_ =	swait.ge [sflag:s17], $0x2000  }
0x290: {  	[sflag:s17] =	ssyncset.done $0x0  }
0x291: {  	[sflag:s17] =	ssyncadd.s32 $0xFFFFE000  }
0x292: {  	_ =	swait.ge [sflag:s19], $0x4000  }
0x293: {  	[sflag:s19] =	ssyncset.done $0x0  }
0x294: {  	s14 =	simm.s32 $0x100;
	[sflag:s19] =	ssyncadd.s32 $0xFFFFC000  }
0x295: {  	v0 =	vld [tilespmem:s14+$0x0];
	_ =	sdelay $0x4  }
0x296: {  	v0 =	vshll.u32 v0, $0x5  }
0x297: {  	s15 =	simm.s32 $0x0;
	v0 =	vand.u32 $0x60, v0  }
0x298: {  	v0 =	vadd.s32 s15, v0  }
0x299: {  	(v2sf) =	vpush v0, $0x0;
	_ =	sdelay $0xb  }
0x29a: {  	(v2sf) =	vpush v0, $0x1;
	_ =	sdelay $0x2  }
0x29b: {  	s26 =	spop (v2sf)  }
0x29c: {  	v1 =	vld [tilespmem:s26+$0x400];
	_ =	sdelay $0x4  }
0x29d: {  	[tilespmem:s15+$0x8400] =	vst v1  }
0x29e: {  	v1 =	vld [tilespmem:s26+$0x410];
	_ =	sdelay $0x1  }
0x29f: {  	(v2sf) =	vpush v0, $0x2;
	_ =	sdelay $0x2  }
0x2a0: {  	s29 =	spop (v2sf);
	[tilespmem:s15+$0x8410] =	vst v1  }
0x2a1: {  	v1 =	vld [tilespmem:s29+$0x480];
	_ =	sdelay $0x4  }
0x2a2: {  	[tilespmem:s15+$0x8480] =	vst v1  }
0x2a3: {  	v1 =	vld [tilespmem:s29+$0x490];
	_ =	sdelay $0x1  }
0x2a4: {  	(v2sf) =	vpush v0, $0x3;
	_ =	sdelay $0x2  }
0x2a5: {  	s26 =	spop (v2sf);
	[tilespmem:s15+$0x8490] =	vst v1  }
0x2a6: {  	v1 =	vld [tilespmem:s26+$0x500];
	_ =	sdelay $0x4  }
0x2a7: {  	[tilespmem:s15+$0x8500] =	vst v1  }
0x2a8: {  	v1 =	vld [tilespmem:s26+$0x510];
	_ =	sdelay $0x1  }
0x2a9: {  	(v2sf) =	vpush v0, $0x4;
	_ =	sdelay $0x2  }
0x2aa: {  	s29 =	spop (v2sf);
	[tilespmem:s15+$0x8510] =	vst v1  }
0x2ab: {  	v1 =	vld [tilespmem:s29+$0x580];
	_ =	sdelay $0x4  }
0x2ac: {  	[tilespmem:s15+$0x8580] =	vst v1  }
0x2ad: {  	v1 =	vld [tilespmem:s29+$0x590];
	_ =	sdelay $0x1  }
0x2ae: {  	(v2sf) =	vpush v0, $0x5;
	_ =	sdelay $0x2  }
0x2af: {  	s26 =	spop (v2sf);
	[tilespmem:s15+$0x8590] =	vst v1  }
0x2b0: {  	v1 =	vld [tilespmem:s26+$0x600];
	_ =	sdelay $0x4  }
0x2b1: {  	[tilespmem:s15+$0x8600] =	vst v1  }
0x2b2: {  	v1 =	vld [tilespmem:s26+$0x610];
	_ =	sdelay $0x1  }
0x2b3: {  	(v2sf) =	vpush v0, $0x6;
	_ =	sdelay $0x2  }
0x2b4: {  	s29 =	spop (v2sf);
	[tilespmem:s15+$0x8610] =	vst v1  }
0x2b5: {  	v1 =	vld [tilespmem:s29+$0x680];
	_ =	sdelay $0x4  }
0x2b6: {  	[tilespmem:s15+$0x8680] =	vst v1  }
0x2b7: {  	v1 =	vld [tilespmem:s29+$0x690];
	_ =	sdelay $0x1  }
0x2b8: {  	(v2sf) =	vpush v0, $0x7;
	_ =	sdelay $0x2  }
0x2b9: {  	s26 =	spop (v2sf);
	[tilespmem:s15+$0x8690] =	vst v1  }
0x2ba: {  	v1 =	vld [tilespmem:s26+$0x700];
	_ =	sdelay $0x4  }
0x2bb: {  	[tilespmem:s15+$0x8700] =	vst v1  }
0x2bc: {  	v1 =	vld [tilespmem:s26+$0x710];
	_ =	sdelay $0x1  }
0x2bd: {  	(v2sf) =	vpush v0, $0x8;
	_ =	sdelay $0x2  }
0x2be: {  	s29 =	spop (v2sf);
	[tilespmem:s15+$0x8710] =	vst v1  }
0x2bf: {  	v1 =	vld [tilespmem:s29+$0x780];
	_ =	sdelay $0x4  }
0x2c0: {  	[tilespmem:s15+$0x8780] =	vst v1  }
0x2c1: {  	v1 =	vld [tilespmem:s29+$0x790];
	_ =	sdelay $0x1  }
0x2c2: {  	(v2sf) =	vpush v0, $0x9;
	_ =	sdelay $0x2  }
0x2c3: {  	s26 =	spop (v2sf);
	[tilespmem:s15+$0x8790] =	vst v1  }
0x2c4: {  	v1 =	vld [tilespmem:s26+$0x800];
	_ =	sdelay $0x4  }
0x2c5: {  	[tilespmem:s15+$0x8800] =	vst v1  }
0x2c6: {  	v1 =	vld [tilespmem:s26+$0x810];
	_ =	sdelay $0x1  }
0x2c7: {  	(v2sf) =	vpush v0, $0xA;
	_ =	sdelay $0x2  }
0x2c8: {  	s29 =	spop (v2sf);
	[tilespmem:s15+$0x8810] =	vst v1  }
0x2c9: {  	v1 =	vld [tilespmem:s29+$0x880];
	_ =	sdelay $0x4  }
0x2ca: {  	[tilespmem:s15+$0x8880] =	vst v1  }
0x2cb: {  	v1 =	vld [tilespmem:s29+$0x890];
	_ =	sdelay $0x1  }
0x2cc: {  	(v2sf) =	vpush v0, $0xB;
	_ =	sdelay $0x2  }
0x2cd: {  	s26 =	spop (v2sf);
	[tilespmem:s15+$0x8890] =	vst v1  }
0x2ce: {  	v1 =	vld [tilespmem:s26+$0x900];
	_ =	sdelay $0x4  }
0x2cf: {  	[tilespmem:s15+$0x8900] =	vst v1  }
0x2d0: {  	v1 =	vld [tilespmem:s26+$0x910];
	_ =	sdelay $0x1  }
0x2d1: {  	(v2sf) =	vpush v0, $0xC;
	_ =	sdelay $0x2  }
0x2d2: {  	s29 =	spop (v2sf);
	[tilespmem:s15+$0x8910] =	vst v1  }
0x2d3: {  	v1 =	vld [tilespmem:s29+$0x980];
	_ =	sdelay $0x4  }
0x2d4: {  	[tilespmem:s15+$0x8980] =	vst v1  }
0x2d5: {  	v1 =	vld [tilespmem:s29+$0x990];
	_ =	sdelay $0x1  }
0x2d6: {  	(v2sf) =	vpush v0, $0xD;
	_ =	sdelay $0x2  }
0x2d7: {  	s26 =	spop (v2sf);
	[tilespmem:s15+$0x8990] =	vst v1  }
0x2d8: {  	v1 =	vld [tilespmem:s26+$0xA00];
	_ =	sdelay $0x4  }
0x2d9: {  	[tilespmem:s15+$0x8A00] =	vst v1  }
0x2da: {  	v1 =	vld [tilespmem:s26+$0xA10];
	_ =	sdelay $0x1  }
0x2db: {  	(v2sf) =	vpush v0, $0xE;
	_ =	sdelay $0x2  }
0x2dc: {  	s29 =	spop (v2sf);
	[tilespmem:s15+$0x8A10] =	vst v1  }
0x2dd: {  	v1 =	vld [tilespmem:s29+$0xA80];
	_ =	sdelay $0x4  }
0x2de: {  	[tilespmem:s15+$0x8A80] =	vst v1  }
0x2df: {  	v1 =	vld [tilespmem:s29+$0xA90];
	_ =	sdelay $0x1  }
0x2e0: {  	(v2sf) =	vpush v0, $0xF;
	_ =	sdelay $0x2  }
0x2e1: {  	s26 =	spop (v2sf);
	[tilespmem:s15+$0x8A90] =	vst v1  }
0x2e2: {  	v0 =	vld [tilespmem:s26+$0xB00];
	_ =	sdelay $0x4  }
0x2e3: {  	[tilespmem:s15+$0x8B00] =	vst v0  }
0x2e4: {  	v0 =	vld [tilespmem:s26+$0xB10];
	_ =	sdelay $0x4  }
0x2e5: {  	s29 =	spop (v2sf);
	[tilespmem:s15+$0x8B10] =	vst v0  }
0x2e6: {  	v0 =	vld [tilespmem:s29+$0xB80];
	_ =	sdelay $0x4  }
0x2e7: {  	[tilespmem:s15+$0x8B80] =	vst v0  }
0x2e8: {  	s16 =	simm.s32 $0x2000;
	v0 =	vld [tilespmem:s29+$0xB90]  }
.LBB2_11:
0x2e9: {  	_ =	sdelay $0x2  }
0x2ea: {  	p0 =	sne.s32 s16, $0xE000  }
0x2eb: {  	s14 =	sadd.s32 $0x10, s14;
	[tilespmem:s15+$0x8B90] =	vst v0;
	s15 =	smov.u32 s16;
	s16 =	sadd.s32 $0x2000, s16  }
0x2ec: {  	v0 =	vld [tilespmem:s14+$0x0];
	_ =	sdelay $0x4  }
0x2ed: {  	v0 =	vshll.u32 v0, $0x5  }
0x2ee: {  	s15 =	sshra.s32 s15, $0x2;
	v0 =	vand.u32 $0x60, v0  }
0x2ef: {  	v0 =	vadd.s32 s15, v0  }
0x2f0: {  	(v2sf) =	vpush v0, $0x0;
	_ =	sdelay $0xb  }
0x2f1: {  	(v2sf) =	vpush v0, $0x1;
	_ =	sdelay $0x2  }
0x2f2: {  	s26 =	spop (v2sf)  }
0x2f3: {  	v1 =	vld [tilespmem:s26+$0x400];
	_ =	sdelay $0x4  }
0x2f4: {  	[tilespmem:s15+$0x8400] =	vst v1  }
0x2f5: {  	v1 =	vld [tilespmem:s26+$0x410];
	_ =	sdelay $0x1  }
0x2f6: {  	(v2sf) =	vpush v0, $0x2;
	_ =	sdelay $0x2  }
0x2f7: {  	[tilespmem:s15+$0x8410] =	vst v1;
	s26 =	spop (v2sf)  }
0x2f8: {  	v1 =	vld [tilespmem:s26+$0x480];
	_ =	sdelay $0x4  }
0x2f9: {  	[tilespmem:s15+$0x8480] =	vst v1  }
0x2fa: {  	v1 =	vld [tilespmem:s26+$0x490];
	_ =	sdelay $0x1  }
0x2fb: {  	(v2sf) =	vpush v0, $0x3;
	_ =	sdelay $0x2  }
0x2fc: {  	[tilespmem:s15+$0x8490] =	vst v1;
	s26 =	spop (v2sf)  }
0x2fd: {  	v1 =	vld [tilespmem:s26+$0x500];
	_ =	sdelay $0x4  }
0x2fe: {  	[tilespmem:s15+$0x8500] =	vst v1  }
0x2ff: {  	v1 =	vld [tilespmem:s26+$0x510];
	_ =	sdelay $0x1  }
0x300: {  	(v2sf) =	vpush v0, $0x4;
	_ =	sdelay $0x2  }
0x301: {  	[tilespmem:s15+$0x8510] =	vst v1;
	s26 =	spop (v2sf)  }
0x302: {  	v1 =	vld [tilespmem:s26+$0x580];
	_ =	sdelay $0x4  }
0x303: {  	[tilespmem:s15+$0x8580] =	vst v1  }
0x304: {  	v1 =	vld [tilespmem:s26+$0x590];
	_ =	sdelay $0x1  }
0x305: {  	(v2sf) =	vpush v0, $0x5;
	_ =	sdelay $0x2  }
0x306: {  	[tilespmem:s15+$0x8590] =	vst v1;
	s26 =	spop (v2sf)  }
0x307: {  	v1 =	vld [tilespmem:s26+$0x600];
	_ =	sdelay $0x4  }
0x308: {  	[tilespmem:s15+$0x8600] =	vst v1  }
0x309: {  	v1 =	vld [tilespmem:s26+$0x610];
	_ =	sdelay $0x1  }
0x30a: {  	(v2sf) =	vpush v0, $0x6;
	_ =	sdelay $0x2  }
0x30b: {  	[tilespmem:s15+$0x8610] =	vst v1;
	s26 =	spop (v2sf)  }
0x30c: {  	v1 =	vld [tilespmem:s26+$0x680];
	_ =	sdelay $0x4  }
0x30d: {  	[tilespmem:s15+$0x8680] =	vst v1  }
0x30e: {  	v1 =	vld [tilespmem:s26+$0x690];
	_ =	sdelay $0x1  }
0x30f: {  	(v2sf) =	vpush v0, $0x7;
	_ =	sdelay $0x2  }
0x310: {  	[tilespmem:s15+$0x8690] =	vst v1;
	s26 =	spop (v2sf)  }
0x311: {  	v1 =	vld [tilespmem:s26+$0x700];
	_ =	sdelay $0x4  }
0x312: {  	[tilespmem:s15+$0x8700] =	vst v1  }
0x313: {  	v1 =	vld [tilespmem:s26+$0x710];
	_ =	sdelay $0x1  }
0x314: {  	(v2sf) =	vpush v0, $0x8;
	_ =	sdelay $0x2  }
0x315: {  	[tilespmem:s15+$0x8710] =	vst v1;
	s26 =	spop (v2sf)  }
0x316: {  	v1 =	vld [tilespmem:s26+$0x780];
	_ =	sdelay $0x4  }
0x317: {  	[tilespmem:s15+$0x8780] =	vst v1  }
0x318: {  	v1 =	vld [tilespmem:s26+$0x790];
	_ =	sdelay $0x1  }
0x319: {  	(v2sf) =	vpush v0, $0x9;
	_ =	sdelay $0x2  }
0x31a: {  	[tilespmem:s15+$0x8790] =	vst v1;
	s26 =	spop (v2sf)  }
0x31b: {  	v1 =	vld [tilespmem:s26+$0x800];
	_ =	sdelay $0x4  }
0x31c: {  	[tilespmem:s15+$0x8800] =	vst v1  }
0x31d: {  	v1 =	vld [tilespmem:s26+$0x810];
	_ =	sdelay $0x1  }
0x31e: {  	(v2sf) =	vpush v0, $0xA;
	_ =	sdelay $0x2  }
0x31f: {  	[tilespmem:s15+$0x8810] =	vst v1;
	s26 =	spop (v2sf)  }
0x320: {  	v1 =	vld [tilespmem:s26+$0x880];
	_ =	sdelay $0x4  }
0x321: {  	[tilespmem:s15+$0x8880] =	vst v1  }
0x322: {  	v1 =	vld [tilespmem:s26+$0x890];
	_ =	sdelay $0x1  }
0x323: {  	(v2sf) =	vpush v0, $0xB;
	_ =	sdelay $0x2  }
0x324: {  	[tilespmem:s15+$0x8890] =	vst v1;
	s26 =	spop (v2sf)  }
0x325: {  	v1 =	vld [tilespmem:s26+$0x900];
	_ =	sdelay $0x4  }
0x326: {  	[tilespmem:s15+$0x8900] =	vst v1  }
0x327: {  	v1 =	vld [tilespmem:s26+$0x910];
	_ =	sdelay $0x1  }
0x328: {  	(v2sf) =	vpush v0, $0xC;
	_ =	sdelay $0x2  }
0x329: {  	[tilespmem:s15+$0x8910] =	vst v1;
	s26 =	spop (v2sf)  }
0x32a: {  	v1 =	vld [tilespmem:s26+$0x980];
	_ =	sdelay $0x4  }
0x32b: {  	[tilespmem:s15+$0x8980] =	vst v1  }
0x32c: {  	v1 =	vld [tilespmem:s26+$0x990];
	_ =	sdelay $0x1  }
0x32d: {  	(v2sf) =	vpush v0, $0xD;
	_ =	sdelay $0x2  }
0x32e: {  	[tilespmem:s15+$0x8990] =	vst v1;
	s26 =	spop (v2sf)  }
0x32f: {  	v1 =	vld [tilespmem:s26+$0xA00];
	_ =	sdelay $0x4  }
0x330: {  	[tilespmem:s15+$0x8A00] =	vst v1  }
0x331: {  	v1 =	vld [tilespmem:s26+$0xA10];
	_ =	sdelay $0x1  }
0x332: {  	(v2sf) =	vpush v0, $0xE;
	_ =	sdelay $0x2  }
0x333: {  	[tilespmem:s15+$0x8A10] =	vst v1;
	s26 =	spop (v2sf)  }
0x334: {  	v1 =	vld [tilespmem:s26+$0xA80];
	_ =	sdelay $0x4  }
0x335: {  	[tilespmem:s15+$0x8A80] =	vst v1  }
0x336: {  	v1 =	vld [tilespmem:s26+$0xA90];
	_ =	sdelay $0x1  }
0x337: {  	(v2sf) =	vpush v0, $0xF;
	_ =	sdelay $0x2  }
0x338: {  	[tilespmem:s15+$0x8A90] =	vst v1;
	s26 =	spop (v2sf)  }
0x339: {  	v0 =	vld [tilespmem:s26+$0xB00];
	_ =	sdelay $0x4  }
0x33a: {  	[tilespmem:s15+$0x8B00] =	vst v0  }
0x33b: {  	v0 =	vld [tilespmem:s26+$0xB10];
	_ =	sdelay $0x4  }
0x33c: {  	[tilespmem:s15+$0x8B10] =	vst v0;
	s26 =	spop (v2sf)  }
0x33d: {  	v0 =	vld [tilespmem:s26+$0xB80];
	_ =	sdelay $0x1  }
.Ltmp4:
0x33e: {  	(pc) =	sbr.rel @p0 .LBB2_11-.Ltmp4, $3  }
0x33f: {  	_ =	sdelay $0x1  }
0x340: {  	[tilespmem:s15+$0x8B80] =	vst v0  }
0x341: {  	v0 =	vld [tilespmem:s26+$0xB90]  }
0x342: {  	s5 =	sadd.s32 $0x1, s5  }
0x343: {  	p0 =	sne.s32 s5, $0xC8  }
.Ltmp5:
0x344: {  	s13 =	sshll.u32 s13, $0xE;
	(pc) =	sbr.rel @p0 .LBB2_2-.Ltmp5, $4  }
0x345: {  	s13 =	sadd.s32 s9, s13  }
0x346: {  	s13 =	sshrl.u32 s13, $0x3  }
0x347: {  	s13 =	sadd.s32 s7, s13;
	[tilespmem:s15+$0x8B90] =	vst v0  }
0x348: {  	[hbm4b:s13+s4] =	stream.linear.scatter [tilespmem:s18], [sflag:$0xB], $0x4000, $0x38;
	[tilespmem:$0x10400] =	vst v63  }
0x349: {  	_ =	swait.ge [sflag:s11], $0x2000  }
0x34a: {  	[sflag:s11] =	ssyncset.done $0x0  }
0x34b: {  	[sflag:s11] =	ssyncadd.s32 $0xFFFFE000  }
0x34c: {  	_ =	swait.ge [sflag:s11], $0x2000  }
0x34d: {  	[sflag:s11] =	ssyncset.done $0x0  }
0x34e: {  	[sflag:s11] =	ssyncadd.s32 $0xFFFFE000  }
0x34f: {  	_ =	swait.ge [sflag:s8], $0x4000  }
0x350: {  	[sflag:s8] =	ssyncset.done $0x0  }
0x351: {  	s5 =	simm.s32 $0x180;
	[sflag:s8] =	ssyncadd.s32 $0xFFFFC000  }
0x352: {  	v0 =	vld [tilespmem:s5+$0x0];
	_ =	sdelay $0x4  }
0x353: {  	v0 =	vshll.u32 v0, $0x5  }
0x354: {  	s13 =	simm.s32 $0x0;
	v0 =	vand.u32 $0x60, v0  }
0x355: {  	v0 =	vadd.s32 s13, v0  }
0x356: {  	(v2sf) =	vpush v0, $0x0;
	_ =	sdelay $0xb  }
0x357: {  	(v2sf) =	vpush v0, $0x1;
	_ =	sdelay $0x2  }
0x358: {  	s14 =	spop (v2sf)  }
0x359: {  	v1 =	vld [tilespmem:s14+$0x4400];
	_ =	sdelay $0x4  }
0x35a: {  	[tilespmem:s13+$0xC400] =	vst v1  }
0x35b: {  	v1 =	vld [tilespmem:s14+$0x4410];
	_ =	sdelay $0x1  }
0x35c: {  	(v2sf) =	vpush v0, $0x2;
	_ =	sdelay $0x2  }
0x35d: {  	s26 =	spop (v2sf);
	[tilespmem:s13+$0xC410] =	vst v1  }
0x35e: {  	v1 =	vld [tilespmem:s26+$0x4480];
	_ =	sdelay $0x4  }
0x35f: {  	[tilespmem:s13+$0xC480] =	vst v1  }
0x360: {  	v1 =	vld [tilespmem:s26+$0x4490];
	_ =	sdelay $0x1  }
0x361: {  	(v2sf) =	vpush v0, $0x3;
	_ =	sdelay $0x2  }
0x362: {  	s29 =	spop (v2sf);
	[tilespmem:s13+$0xC490] =	vst v1  }
0x363: {  	v1 =	vld [tilespmem:s29+$0x4500];
	_ =	sdelay $0x4  }
0x364: {  	[tilespmem:s13+$0xC500] =	vst v1  }
0x365: {  	v1 =	vld [tilespmem:s29+$0x4510];
	_ =	sdelay $0x1  }
0x366: {  	(v2sf) =	vpush v0, $0x4;
	_ =	sdelay $0x2  }
0x367: {  	s15 =	spop (v2sf);
	[tilespmem:s13+$0xC510] =	vst v1  }
0x368: {  	v1 =	vld [tilespmem:s15+$0x4580];
	_ =	sdelay $0x4  }
0x369: {  	[tilespmem:s13+$0xC580] =	vst v1  }
0x36a: {  	v1 =	vld [tilespmem:s15+$0x4590];
	_ =	sdelay $0x1  }
0x36b: {  	(v2sf) =	vpush v0, $0x5;
	_ =	sdelay $0x2  }
0x36c: {  	s16 =	spop (v2sf);
	[tilespmem:s13+$0xC590] =	vst v1  }
0x36d: {  	v1 =	vld [tilespmem:s16+$0x4600];
	_ =	sdelay $0x4  }
0x36e: {  	[tilespmem:s13+$0xC600] =	vst v1  }
0x36f: {  	v1 =	vld [tilespmem:s16+$0x4610];
	_ =	sdelay $0x1  }
0x370: {  	(v2sf) =	vpush v0, $0x6;
	_ =	sdelay $0x2  }
0x371: {  	s26 =	spop (v2sf);
	[tilespmem:s13+$0xC610] =	vst v1  }
0x372: {  	v1 =	vld [tilespmem:s26+$0x4680];
	_ =	sdelay $0x4  }
0x373: {  	[tilespmem:s13+$0xC680] =	vst v1  }
0x374: {  	v1 =	vld [tilespmem:s26+$0x4690];
	_ =	sdelay $0x1  }
0x375: {  	(v2sf) =	vpush v0, $0x7;
	_ =	sdelay $0x2  }
0x376: {  	s29 =	spop (v2sf);
	[tilespmem:s13+$0xC690] =	vst v1  }
0x377: {  	v1 =	vld [tilespmem:s29+$0x4700];
	_ =	sdelay $0x4  }
0x378: {  	[tilespmem:s13+$0xC700] =	vst v1  }
0x379: {  	v1 =	vld [tilespmem:s29+$0x4710];
	_ =	sdelay $0x1  }
0x37a: {  	(v2sf) =	vpush v0, $0x8;
	_ =	sdelay $0x2  }
0x37b: {  	s15 =	spop (v2sf);
	[tilespmem:s13+$0xC710] =	vst v1  }
0x37c: {  	v1 =	vld [tilespmem:s15+$0x4780];
	_ =	sdelay $0x4  }
0x37d: {  	[tilespmem:s13+$0xC780] =	vst v1  }
0x37e: {  	v1 =	vld [tilespmem:s15+$0x4790];
	_ =	sdelay $0x1  }
0x37f: {  	(v2sf) =	vpush v0, $0x9;
	_ =	sdelay $0x2  }
0x380: {  	s16 =	spop (v2sf);
	[tilespmem:s13+$0xC790] =	vst v1  }
0x381: {  	v1 =	vld [tilespmem:s16+$0x4800];
	_ =	sdelay $0x4  }
0x382: {  	[tilespmem:s13+$0xC800] =	vst v1  }
0x383: {  	v1 =	vld [tilespmem:s16+$0x4810];
	_ =	sdelay $0x1  }
0x384: {  	(v2sf) =	vpush v0, $0xA;
	_ =	sdelay $0x2  }
0x385: {  	s26 =	spop (v2sf);
	[tilespmem:s13+$0xC810] =	vst v1  }
0x386: {  	v1 =	vld [tilespmem:s26+$0x4880];
	_ =	sdelay $0x4  }
0x387: {  	[tilespmem:s13+$0xC880] =	vst v1  }
0x388: {  	v1 =	vld [tilespmem:s26+$0x4890];
	_ =	sdelay $0x1  }
0x389: {  	(v2sf) =	vpush v0, $0xB;
	_ =	sdelay $0x2  }
0x38a: {  	s29 =	spop (v2sf);
	[tilespmem:s13+$0xC890] =	vst v1  }
0x38b: {  	v1 =	vld [tilespmem:s29+$0x4900];
	_ =	sdelay $0x4  }
0x38c: {  	[tilespmem:s13+$0xC900] =	vst v1  }
0x38d: {  	v1 =	vld [tilespmem:s29+$0x4910];
	_ =	sdelay $0x1  }
0x38e: {  	(v2sf) =	vpush v0, $0xC;
	_ =	sdelay $0x2  }
0x38f: {  	s15 =	spop (v2sf);
	[tilespmem:s13+$0xC910] =	vst v1  }
0x390: {  	v1 =	vld [tilespmem:s15+$0x4980];
	_ =	sdelay $0x4  }
0x391: {  	[tilespmem:s13+$0xC980] =	vst v1  }
0x392: {  	v1 =	vld [tilespmem:s15+$0x4990];
	_ =	sdelay $0x1  }
0x393: {  	(v2sf) =	vpush v0, $0xD;
	_ =	sdelay $0x2  }
0x394: {  	s16 =	spop (v2sf);
	[tilespmem:s13+$0xC990] =	vst v1  }
0x395: {  	v1 =	vld [tilespmem:s16+$0x4A00];
	_ =	sdelay $0x4  }
0x396: {  	[tilespmem:s13+$0xCA00] =	vst v1  }
0x397: {  	v1 =	vld [tilespmem:s16+$0x4A10];
	_ =	sdelay $0x1  }
0x398: {  	(v2sf) =	vpush v0, $0xE;
	_ =	sdelay $0x2  }
0x399: {  	s26 =	spop (v2sf);
	[tilespmem:s13+$0xCA10] =	vst v1  }
0x39a: {  	v1 =	vld [tilespmem:s26+$0x4A80];
	_ =	sdelay $0x4  }
0x39b: {  	[tilespmem:s13+$0xCA80] =	vst v1  }
0x39c: {  	v1 =	vld [tilespmem:s26+$0x4A90];
	_ =	sdelay $0x1  }
0x39d: {  	(v2sf) =	vpush v0, $0xF;
	_ =	sdelay $0x2  }
0x39e: {  	s29 =	spop (v2sf);
	[tilespmem:s13+$0xCA90] =	vst v1  }
0x39f: {  	v0 =	vld [tilespmem:s29+$0x4B00];
	_ =	sdelay $0x4  }
0x3a0: {  	[tilespmem:s13+$0xCB00] =	vst v0  }
0x3a1: {  	v0 =	vld [tilespmem:s29+$0x4B10];
	_ =	sdelay $0x4  }
0x3a2: {  	s15 =	spop (v2sf);
	[tilespmem:s13+$0xCB10] =	vst v0  }
0x3a3: {  	v0 =	vld [tilespmem:s15+$0x4B80];
	_ =	sdelay $0x4  }
0x3a4: {  	[tilespmem:s13+$0xCB80] =	vst v0  }
0x3a5: {  	s14 =	simm.s32 $0x2000;
	v0 =	vld [tilespmem:s15+$0x4B90]  }
.LBB2_14:
0x3a6: {  	_ =	sdelay $0x2  }
0x3a7: {  	p0 =	sne.s32 s14, $0xE000  }
0x3a8: {  	s5 =	sadd.s32 $0x10, s5;
	[tilespmem:s13+$0xCB90] =	vst v0;
	s13 =	smov.u32 s14;
	s14 =	sadd.s32 $0x2000, s14  }
0x3a9: {  	v0 =	vld [tilespmem:s5+$0x0];
	_ =	sdelay $0x4  }
0x3aa: {  	v0 =	vshll.u32 v0, $0x5  }
0x3ab: {  	s13 =	sshra.s32 s13, $0x2;
	v0 =	vand.u32 $0x60, v0  }
0x3ac: {  	v0 =	vadd.s32 s13, v0  }
0x3ad: {  	(v2sf) =	vpush v0, $0x0;
	_ =	sdelay $0xb  }
0x3ae: {  	(v2sf) =	vpush v0, $0x1;
	_ =	sdelay $0x2  }
0x3af: {  	s15 =	spop (v2sf)  }
0x3b0: {  	v1 =	vld [tilespmem:s15+$0x4400];
	_ =	sdelay $0x4  }
0x3b1: {  	[tilespmem:s13+$0xC400] =	vst v1  }
0x3b2: {  	v1 =	vld [tilespmem:s15+$0x4410];
	_ =	sdelay $0x1  }
0x3b3: {  	(v2sf) =	vpush v0, $0x2;
	_ =	sdelay $0x2  }
0x3b4: {  	[tilespmem:s13+$0xC410] =	vst v1;
	s15 =	spop (v2sf)  }
0x3b5: {  	v1 =	vld [tilespmem:s15+$0x4480];
	_ =	sdelay $0x4  }
0x3b6: {  	[tilespmem:s13+$0xC480] =	vst v1  }
0x3b7: {  	v1 =	vld [tilespmem:s15+$0x4490];
	_ =	sdelay $0x1  }
0x3b8: {  	(v2sf) =	vpush v0, $0x3;
	_ =	sdelay $0x2  }
0x3b9: {  	[tilespmem:s13+$0xC490] =	vst v1;
	s15 =	spop (v2sf)  }
0x3ba: {  	v1 =	vld [tilespmem:s15+$0x4500];
	_ =	sdelay $0x4  }
0x3bb: {  	[tilespmem:s13+$0xC500] =	vst v1  }
0x3bc: {  	v1 =	vld [tilespmem:s15+$0x4510];
	_ =	sdelay $0x1  }
0x3bd: {  	(v2sf) =	vpush v0, $0x4;
	_ =	sdelay $0x2  }
0x3be: {  	[tilespmem:s13+$0xC510] =	vst v1;
	s15 =	spop (v2sf)  }
0x3bf: {  	v1 =	vld [tilespmem:s15+$0x4580];
	_ =	sdelay $0x4  }
0x3c0: {  	[tilespmem:s13+$0xC580] =	vst v1  }
0x3c1: {  	v1 =	vld [tilespmem:s15+$0x4590];
	_ =	sdelay $0x1  }
0x3c2: {  	(v2sf) =	vpush v0, $0x5;
	_ =	sdelay $0x2  }
0x3c3: {  	[tilespmem:s13+$0xC590] =	vst v1;
	s15 =	spop (v2sf)  }
0x3c4: {  	v1 =	vld [tilespmem:s15+$0x4600];
	_ =	sdelay $0x4  }
0x3c5: {  	[tilespmem:s13+$0xC600] =	vst v1  }
0x3c6: {  	v1 =	vld [tilespmem:s15+$0x4610];
	_ =	sdelay $0x1  }
0x3c7: {  	(v2sf) =	vpush v0, $0x6;
	_ =	sdelay $0x2  }
0x3c8: {  	[tilespmem:s13+$0xC610] =	vst v1;
	s15 =	spop (v2sf)  }
0x3c9: {  	v1 =	vld [tilespmem:s15+$0x4680];
	_ =	sdelay $0x4  }
0x3ca: {  	[tilespmem:s13+$0xC680] =	vst v1  }
0x3cb: {  	v1 =	vld [tilespmem:s15+$0x4690];
	_ =	sdelay $0x1  }
0x3cc: {  	(v2sf) =	vpush v0, $0x7;
	_ =	sdelay $0x2  }
0x3cd: {  	[tilespmem:s13+$0xC690] =	vst v1;
	s15 =	spop (v2sf)  }
0x3ce: {  	v1 =	vld [tilespmem:s15+$0x4700];
	_ =	sdelay $0x4  }
0x3cf: {  	[tilespmem:s13+$0xC700] =	vst v1  }
0x3d0: {  	v1 =	vld [tilespmem:s15+$0x4710];
	_ =	sdelay $0x1  }
0x3d1: {  	(v2sf) =	vpush v0, $0x8;
	_ =	sdelay $0x2  }
0x3d2: {  	[tilespmem:s13+$0xC710] =	vst v1;
	s15 =	spop (v2sf)  }
0x3d3: {  	v1 =	vld [tilespmem:s15+$0x4780];
	_ =	sdelay $0x4  }
0x3d4: {  	[tilespmem:s13+$0xC780] =	vst v1  }
0x3d5: {  	v1 =	vld [tilespmem:s15+$0x4790];
	_ =	sdelay $0x1  }
0x3d6: {  	(v2sf) =	vpush v0, $0x9;
	_ =	sdelay $0x2  }
0x3d7: {  	[tilespmem:s13+$0xC790] =	vst v1;
	s15 =	spop (v2sf)  }
0x3d8: {  	v1 =	vld [tilespmem:s15+$0x4800];
	_ =	sdelay $0x4  }
0x3d9: {  	[tilespmem:s13+$0xC800] =	vst v1  }
0x3da: {  	v1 =	vld [tilespmem:s15+$0x4810];
	_ =	sdelay $0x1  }
0x3db: {  	(v2sf) =	vpush v0, $0xA;
	_ =	sdelay $0x2  }
0x3dc: {  	[tilespmem:s13+$0xC810] =	vst v1;
	s15 =	spop (v2sf)  }
0x3dd: {  	v1 =	vld [tilespmem:s15+$0x4880];
	_ =	sdelay $0x4  }
0x3de: {  	[tilespmem:s13+$0xC880] =	vst v1  }
0x3df: {  	v1 =	vld [tilespmem:s15+$0x4890];
	_ =	sdelay $0x1  }
0x3e0: {  	(v2sf) =	vpush v0, $0xB;
	_ =	sdelay $0x2  }
0x3e1: {  	[tilespmem:s13+$0xC890] =	vst v1;
	s15 =	spop (v2sf)  }
0x3e2: {  	v1 =	vld [tilespmem:s15+$0x4900];
	_ =	sdelay $0x4  }
0x3e3: {  	[tilespmem:s13+$0xC900] =	vst v1  }
0x3e4: {  	v1 =	vld [tilespmem:s15+$0x4910];
	_ =	sdelay $0x1  }
0x3e5: {  	(v2sf) =	vpush v0, $0xC;
	_ =	sdelay $0x2  }
0x3e6: {  	[tilespmem:s13+$0xC910] =	vst v1;
	s15 =	spop (v2sf)  }
0x3e7: {  	v1 =	vld [tilespmem:s15+$0x4980];
	_ =	sdelay $0x4  }
0x3e8: {  	[tilespmem:s13+$0xC980] =	vst v1  }
0x3e9: {  	v1 =	vld [tilespmem:s15+$0x4990];
	_ =	sdelay $0x1  }
0x3ea: {  	(v2sf) =	vpush v0, $0xD;
	_ =	sdelay $0x2  }
0x3eb: {  	[tilespmem:s13+$0xC990] =	vst v1;
	s15 =	spop (v2sf)  }
0x3ec: {  	v1 =	vld [tilespmem:s15+$0x4A00];
	_ =	sdelay $0x4  }
0x3ed: {  	[tilespmem:s13+$0xCA00] =	vst v1  }
0x3ee: {  	v1 =	vld [tilespmem:s15+$0x4A10];
	_ =	sdelay $0x1  }
0x3ef: {  	(v2sf) =	vpush v0, $0xE;
	_ =	sdelay $0x2  }
0x3f0: {  	[tilespmem:s13+$0xCA10] =	vst v1;
	s15 =	spop (v2sf)  }
0x3f1: {  	v1 =	vld [tilespmem:s15+$0x4A80];
	_ =	sdelay $0x4  }
0x3f2: {  	[tilespmem:s13+$0xCA80] =	vst v1  }
0x3f3: {  	v1 =	vld [tilespmem:s15+$0x4A90];
	_ =	sdelay $0x1  }
0x3f4: {  	(v2sf) =	vpush v0, $0xF;
	_ =	sdelay $0x2  }
0x3f5: {  	[tilespmem:s13+$0xCA90] =	vst v1;
	s15 =	spop (v2sf)  }
0x3f6: {  	v0 =	vld [tilespmem:s15+$0x4B00];
	_ =	sdelay $0x4  }
0x3f7: {  	[tilespmem:s13+$0xCB00] =	vst v0  }
0x3f8: {  	v0 =	vld [tilespmem:s15+$0x4B10];
	_ =	sdelay $0x4  }
0x3f9: {  	[tilespmem:s13+$0xCB10] =	vst v0;
	s15 =	spop (v2sf)  }
0x3fa: {  	v0 =	vld [tilespmem:s15+$0x4B80];
	_ =	sdelay $0x1  }
.Ltmp6:
0x3fb: {  	(pc) =	sbr.rel @p0 .LBB2_14-.Ltmp6, $3  }
0x3fc: {  	_ =	sdelay $0x1  }
0x3fd: {  	[tilespmem:s13+$0xCB80] =	vst v0  }
0x3fe: {  	v0 =	vld [tilespmem:s15+$0x4B90]  }
0x3ff: {  	_ =	sdelay $0x3  }
0x400: {  	s5 =	rddreg [dreg:$0xc];
	s16 =	simm.s32 $0xC400;
	[tilespmem:s13+$0xCB90] =	vst v0  }
0x401: {  	[hbm4b:s5+s4] =	stream.linear.scatter [tilespmem:s16], [sflag:$0xC], $0x4000, $0x38;
	[tilespmem:$0x10400] =	vst v63  }
0x402: {  	_ =	swait.ge [sflag:s19], $0x4000  }
0x403: {  	[sflag:s19] =	ssyncset.done $0x0  }
0x404: {  	[sflag:s19] =	ssyncadd.s32 $0xFFFFC000  }
0x405: {  	_ =	swait.ge [sflag:s8], $0x4000  }
0x406: {  	s26 =	rddreg [dreg:$0xf]  }
0x407: {  	s29 =	rddreg [dreg:$0xd];
	s13 =	sadd.s32 $0x1, s26  }
0x408: {  	p0 =	sne.s32 s13, s29  }
.Ltmp7:
0x409: {  	_ = 	snop;
	(pc) =	sbr.rel @p0 .LBB2_1-.Ltmp7, $3  }
0x40a: {  	_ =	sdelay $0x1  }
0x40b: {  	[sflag:s8] =	ssyncset.done $0x0  }
0x40c: {  	[sflag:s8] =	ssyncadd.s32 $0xFFFFC000  }
0x40d: {  	_ =	sfence.sel $0x180000  }
0x40e: {  	[bflag:$0x0] =	sbarrier.arrive $0xFFFF  }
0x40f: {  	_ =	strace $0x90000047  }
0x410: {  	s0 =	stileid.u32;
	[bflag:$0x2] =	sbarrier.arrive $0xFFFF  }
0x411: {  	p0 =	sne.s32 s0, $0x0;
	s0 =	rddreg [dreg:$0x3]  }
0x412: {  	s0 =	sadd.s32 @!p0 $0x100000, s0  }
0x413: {  	[sflag:s0] =	ssyncadd.tile.s32 @!p0 $0x1;
	_ =	shalt  }
.Lfunc_end2:
_tile_overlayer_lowered:
.L_overlay_start_2:
0x414: {  	(tag) =	ssettag $0x2  }
0x415: {  	s0 =	rddreg [dreg:$0x0];
	s2 =	stileid.u32  }
0x416: {  	s1 =	rddreg [dreg:$0x1];
	p0 =	sne.s32 s2, $0x0  }
0x417: {  	s3 =	rddreg [dreg:$0x2];
	[bflag:$0x3] =	sbarrier.arrive $0xFFFF;
	s2 =	simm.s32 @!p0 $0x1C0D  }
0x418: {  	[timem:s3], [sflag:s2] =	dma.local @!p0 [hbm:s0], s1  }
0x419: {  	s0 =	simm.s32 @!p0 $0xD  }
0x41a: {  	_ =	swait.ge @!p0 [sflag:s0], s1  }
0x41b: {  	s1 =	ssub.s32 @!p0 $0x0, s1;
	[sflag:s0] =	ssyncset.done @!p0 $0x0  }
0x41c: {  	[sflag:s0] =	ssyncadd.s32 @!p0 s1  }
0x41d: {  	[bflag:$0x3] =	sbarrier.arrive $0xFFFF  }
0x41e: {  	_ =	shalt  }

</sc_bundles>
